<compile_context>
chip_gen: v7x
topology: tpu7x:2x2x1
jax: 0.10.2.dev20260603
libtpu: 0.0.44.dev20260713+nightly
codegen_flags: <defaults>
</compile_context>

<pallas_src>
import jax
import jax.numpy as jnp
from jax import lax
from jax.experimental import pallas as pl
from jax.experimental.pallas import tpu as pltpu
from jax.experimental.pallas import tpu_sc as plsc

N = 10000
E = 320000
F = 128
T = 12
NC = 2
NS = 16
L = 16

E_TOT = E + N
EB = 64
ROWS_PER_TILE = 336
ROWS_ALL = ROWS_PER_TILE * NS
E_PAD = ROWS_ALL * EB
PART = 48
NPARTS = ROWS_PER_TILE // PART
TRIPLES = PART // 3
N_PAD = 10240
NODE_RPT = N_PAD // NS
T_PER_SC = T // NC
NBLK = 2000


def _rsqrt_newton(x):
    i = lax.bitcast_convert_type(x, jnp.int32)
    i = jnp.int32(0x5F3759DF) - lax.shift_right_logical(i, 1)
    y = lax.bitcast_convert_type(i, jnp.float32)
    xh = x * 0.5
    for _ in range(3):
        y = y * (1.5 - xh * y * y)
    return y


def _matmul_body(x_ref, w_ref, y_ref):
    y_ref[0] = jnp.dot(x_ref[0], w_ref[...],
                       preferred_element_type=jnp.float32)


def _run_matmul(x_t, w):
    return pl.pallas_call(
        _matmul_body,
        grid=(T, N // NBLK),
        in_specs=[
            pl.BlockSpec((1, NBLK, F), lambda t, nb: (t, nb, 0)),
            pl.BlockSpec((F, F), lambda t, nb: (0, 0)),
        ],
        out_specs=pl.BlockSpec((1, NBLK, F), lambda t, nb: (t, nb, 0)),
        out_shape=jax.ShapeDtypeStruct((T, N, F), jnp.float32),
    )(x_t, w)


def _norm_body(src_hbm, dst_hbm, ew_hbm, norm_hbm,
               deg_sh, src_v, dst_v, ew_v, norm_v, dinv_v, dvec, zvec):
    c = lax.axis_index("c")
    s = lax.axis_index("s")

    for m in range(256 // L):
        zvec[pl.ds(m * L, L)] = jnp.zeros((L,), jnp.float32)
    pltpu.sync_copy(zvec, deg_sh.at[pl.ds(s * NODE_RPT, 256)])
    pltpu.sync_copy(zvec, deg_sh.at[pl.ds(s * NODE_RPT + 256, 256)])
    pltpu.sync_copy(zvec.at[pl.ds(0, 128)],
                    deg_sh.at[pl.ds(s * NODE_RPT + 512, 128)])
    plsc.subcore_barrier()

    @pl.when(c == 0)
    def _deg_scatter():
        row0 = s * ROWS_PER_TILE
        for h in range(NPARTS):
            hoff = row0 + h * PART
            pltpu.sync_copy(dst_hbm.at[pl.ds(hoff, PART)], dst_v)
            pltpu.sync_copy(ew_hbm.at[pl.ds(hoff, PART)], ew_v)

            def scat(j, carry):
                pltpu.sync_copy(ew_v.at[j], deg_sh.at[dst_v.at[j]], add=True)
                return carry
            lax.fori_loop(0, PART, scat, 0)

    plsc.subcore_barrier()

    off = s * NODE_RPT
    pltpu.sync_copy(deg_sh.at[pl.ds(off, NODE_RPT)], dvec)
    for m in range(NODE_RPT // L):
        d = dvec[pl.ds(m * L, L)]
        dvec[pl.ds(m * L, L)] = _rsqrt_newton(jnp.maximum(d, 1e-12))
    pltpu.sync_copy(dvec, deg_sh.at[pl.ds(off, NODE_RPT)])
    plsc.subcore_barrier()

    @pl.when(c == 0)
    def _norms():
        pltpu.sync_copy(deg_sh, dinv_v)
        row0 = s * ROWS_PER_TILE
        for h in range(NPARTS):
            hoff = row0 + h * PART
            pltpu.sync_copy(src_hbm.at[pl.ds(hoff, PART)], src_v)
            pltpu.sync_copy(dst_hbm.at[pl.ds(hoff, PART)], dst_v)
            pltpu.sync_copy(ew_hbm.at[pl.ds(hoff, PART)], ew_v)

            def nrm(j, carry):
                for k in range(EB // L):
                    sl = pl.ds(k * L, L)
                    si = src_v[j, sl]
                    di = dst_v[j, sl]
                    nv = (plsc.load_gather(dinv_v, [si]) * ew_v[j, sl]
                          * plsc.load_gather(dinv_v, [di]))
                    norm_v[j, sl] = nv
                return carry
            lax.fori_loop(0, PART, nrm, 0)
            pltpu.sync_copy(norm_v, norm_hbm.at[pl.ds(hoff, PART)])


def _run_norm(src2d, dst2d, ew2d):
    mesh = plsc.VectorSubcoreMesh(core_axis_name="c", subcore_axis_name="s")
    f = pl.kernel(
        _norm_body,
        out_type=jax.ShapeDtypeStruct((ROWS_ALL, EB), jnp.float32),
        mesh=mesh,
        compiler_params=pltpu.CompilerParams(needs_layout_passes=False),
        scratch_types=[
            pltpu.VMEM_SHARED((N_PAD,), jnp.float32),
            pltpu.VMEM((PART, EB), jnp.int32),
            pltpu.VMEM((PART, EB), jnp.int32),
            pltpu.VMEM((PART, EB), jnp.float32),
            pltpu.VMEM((PART, EB), jnp.float32),
            pltpu.VMEM((N_PAD,), jnp.float32),
            pltpu.VMEM((NODE_RPT,), jnp.float32),
            pltpu.VMEM((256,), jnp.float32),
        ],
    )
    return f(src2d, dst2d, ew2d)


def _agg_body(yflat_hbm, src_hbm, dst_hbm, norm_hbm, bias_hbm, out_hbm,
              acc_sh, src_v, dst_v, norm_v,
              rows0, rows1, rows2, gidx0, gidx1, gidx2,
              gsem0, gsem1, gsem2, ssem0, ssem1, ssem2):
    c = lax.axis_index("c")
    s = lax.axis_index("s")
    row0 = s * ROWS_PER_TILE
    rows = (rows0, rows1, rows2)
    gidx = (gidx0, gidx1, gidx2)
    gsem = (gsem0, gsem1, gsem2)
    ssem = (ssem0, ssem1, ssem2)

    def fill_gidx(q, jj, tbase):
        for k in range(EB // L):
            sl = pl.ds(k * L, L)
            gidx[q][sl] = src_v[jj, sl] + tbase

    def fire_gather(q):
        pltpu.async_copy(yflat_hbm.at[gidx[q]], rows[q], gsem[q])

    def wait_gather(p):
        pltpu.make_async_copy(yflat_hbm.at[gidx[p]], rows[p], gsem[p]).wait()

    def fire_scatter(p, jj):
        pltpu.async_copy(rows[p], acc_sh.at[dst_v.at[jj]], ssem[p], add=True)

    def wait_scatter(p):
        pltpu.make_async_copy(rows[p], acc_sh.at[dst_v.at[0]], ssem[p]).wait()

    def scale(p, jj):
        def body(i, carry):
            nsp = plsc.load_gather(
                norm_v, [jnp.full((L,), jj, jnp.int32),
                         jnp.full((L,), i, jnp.int32)])
            for k in range(F // L):
                sl = pl.ds(k * L, L)
                rows[p][i, sl] = rows[p][i, sl] * nsp
            return carry
        lax.fori_loop(0, EB, body, 0)

    def per_chunk(tt, carry):
        t = c * T_PER_SC + tt
        tbase = t * N
        obase = t * N_PAD
        noff = s * NODE_RPT
        pltpu.sync_copy(bias_hbm.at[pl.ds(noff, NODE_RPT)],
                        acc_sh.at[pl.ds(noff, NODE_RPT)])
        plsc.subcore_barrier()

        def per_part(h, carry1):
            hoff = row0 + h * PART
            pltpu.sync_copy(src_hbm.at[pl.ds(hoff, PART)], src_v)
            pltpu.sync_copy(dst_hbm.at[pl.ds(hoff, PART)], dst_v)
            pltpu.sync_copy(norm_hbm.at[pl.ds(hoff, PART)], norm_v)

            for p in range(2):
                fill_gidx(p, p, tbase)
                fire_gather(p)

            def triple(g, carry2):
                for p in range(3):
                    jj = 3 * g + p
                    q = (p + 2) % 3
                    if p == 0:
                        @pl.when(g >= 1)
                        def _pre0():
                            fill_gidx(q, jj + 2, tbase)
                            wait_scatter(q)
                            fire_gather(q)

                        @pl.when(g < 1)
                        def _pre0first():
                            fill_gidx(q, jj + 2, tbase)
                            fire_gather(q)
                    else:
                        @pl.when(g < TRIPLES - 1)
                        def _pre():
                            fill_gidx(q, jj + 2, tbase)
                            wait_scatter(q)
                            fire_gather(q)
                    wait_gather(p)
                    scale(p, jj)
                    fire_scatter(p, jj)
                return carry2
            lax.fori_loop(0, TRIPLES, triple, 0)
            for p in range(3):
                wait_scatter(p)
            return carry1
        lax.fori_loop(0, NPARTS, per_part, 0)
        plsc.subcore_barrier()

        pltpu.sync_copy(acc_sh.at[pl.ds(noff, NODE_RPT)],
                        out_hbm.at[pl.ds(obase + noff, NODE_RPT)])
        plsc.subcore_barrier()
        return carry

    lax.fori_loop(0, T_PER_SC, per_chunk, 0)


def _run_agg(yflat, src2d, dst2d, norm2d, bias2d):
    mesh = plsc.VectorSubcoreMesh(core_axis_name="c", subcore_axis_name="s")
    f = pl.kernel(
        _agg_body,
        out_type=jax.ShapeDtypeStruct((T * N_PAD, F), jnp.float32),
        mesh=mesh,
        compiler_params=pltpu.CompilerParams(needs_layout_passes=False),
        scratch_types=[
            pltpu.VMEM_SHARED((N_PAD, F), jnp.float32),
            pltpu.VMEM((PART, EB), jnp.int32),
            pltpu.VMEM((PART, EB), jnp.int32),
            pltpu.VMEM((PART, EB), jnp.float32),
            pltpu.VMEM((EB, F), jnp.float32),
            pltpu.VMEM((EB, F), jnp.float32),
            pltpu.VMEM((EB, F), jnp.float32),
            pltpu.VMEM((EB,), jnp.int32),
            pltpu.VMEM((EB,), jnp.int32),
            pltpu.VMEM((EB,), jnp.int32),
            pltpu.SemaphoreType.DMA,
            pltpu.SemaphoreType.DMA,
            pltpu.SemaphoreType.DMA,
            pltpu.SemaphoreType.DMA,
            pltpu.SemaphoreType.DMA,
            pltpu.SemaphoreType.DMA,
        ],
    )
    return f(yflat, src2d, dst2d, norm2d, bias2d)


def kernel(x, edge_index, edge_weight, W, b):
    src, dst = edge_index[0], edge_index[1]
    loop = jnp.arange(N, dtype=jnp.int32)
    pad = E_PAD - E_TOT
    padi = jnp.arange(pad, dtype=jnp.int32) % N
    src_f = jnp.concatenate([src, loop, padi]).reshape(ROWS_ALL, EB)
    dst_f = jnp.concatenate([dst, loop, padi]).reshape(ROWS_ALL, EB)
    ew_f = jnp.concatenate([
        edge_weight, jnp.ones((N,), jnp.float32), jnp.zeros((pad,), jnp.float32)
    ]).reshape(ROWS_ALL, EB)
    bias2d = jnp.broadcast_to(b[None, :], (N_PAD, F))

    x_t = jnp.transpose(x, (2, 0, 1))
    y = _run_matmul(x_t, W)
    norm2d = _run_norm(src_f, dst_f, ew_f)
    out_flat = _run_agg(y.reshape(T * N, F), src_f, dst_f, norm2d, bias2d)
    out = out_flat.reshape(T, N_PAD, F)[:, :N, :]
    return jnp.transpose(out, (1, 2, 0))

# --- scband reference (transcript-rebuilt; emitter-appended) ---
"""Pipeline reference for scband-graph-conv-6219112645310 (READ-ONLY COPY).

The authoritative reference and input builder live on the scoring server;
editing this copy changes nothing except your own understanding.
"""

import jax, jax.numpy as jnp
import numpy as np

N = 10000
E = 320000
IN_F = 128
OUT_F = 128
T = 12


def setup_inputs(seed: int = 0) -> dict:
    key = jax.random.key(seed)
    k1, k2, k3, k4 = jax.random.split(key, 4)
    x = jax.random.normal(k1, (N, IN_F, T), dtype=jnp.float32)
    edge_index = jax.random.randint(k2, (2, E), 0, N, dtype=jnp.int32)
    edge_weight = jax.random.uniform(k3, (E,), dtype=jnp.float32)
    # GCNConv learned params (glorot-style linear weight + zero bias)
    W = jax.random.normal(k4, (IN_F, OUT_F), dtype=jnp.float32) * (1.0 / np.sqrt(IN_F))
    b = jnp.zeros((OUT_F,), dtype=jnp.float32)
    return {"x": x, "edge_index": edge_index, "edge_weight": edge_weight, "W": W, "b": b}


def reference(x, edge_index, edge_weight, W, b):
    # Faithful GCNConv (torch_geometric defaults: add self-loops with weight 1,
    # symmetric normalization D^-1/2 A D^-1/2), applied independently per timestep,
    # as in the original python loop over seq_len. Dropout is identity in eval mode.
    n = x.shape[0]
    src, dst = edge_index[0], edge_index[1]
    loop = jnp.arange(n, dtype=src.dtype)
    src_f = jnp.concatenate([src, loop])
    dst_f = jnp.concatenate([dst, loop])
    ew_f = jnp.concatenate([edge_weight, jnp.ones((n,), dtype=x.dtype)])
    deg = jax.ops.segment_sum(ew_f, dst_f, num_segments=n)
    dinv = jnp.where(deg > 0, deg ** -0.5, 0.0)
    norm = dinv[src_f] * ew_f * dinv[dst_f]
    outs = []
    for t in range(x.shape[2]):
        xt = x[:, :, t] @ W                       # [N, OUT_F]
        msg = xt[src_f] * norm[:, None]           # gather + scale per edge
        out_t = jax.ops.segment_sum(msg, dst_f, num_segments=n) + b[None, :]
        outs.append(out_t)
    return jnp.stack(outs, axis=2)                # [N, OUT_F, T]

if __name__ == "__main__":
    import jax
    _d = setup_inputs()
    print(jax.jit(kernel)(*tuple(_d.values())))

</pallas_src>

<mosaic_0001>
#map = affine_map<(d0, d1) -> (0, 0)>
module attributes {stable_mosaic.version = 14 : i64} {
  func.func @_agg_body(%arg0: i32, %arg1: i32, %arg2: memref<120000x128xf32, #tpu.memory_space<hbm>>, %arg3: memref<5376x64xi32, #tpu.memory_space<hbm>>, %arg4: memref<5376x64xi32, #tpu.memory_space<hbm>>, %arg5: memref<5376x64xf32, #tpu.memory_space<hbm>>, %arg6: memref<10240x128xf32, #tpu.memory_space<hbm>>, %arg7: memref<122880x128xf32, #tpu.memory_space<hbm>>, %arg8: memref<10240x128xf32, #tpu.memory_space<vmem_shared>>, %arg9: memref<48x64xi32, #tpu.memory_space<vmem>>, %arg10: memref<48x64xi32, #tpu.memory_space<vmem>>, %arg11: memref<48x64xf32, #tpu.memory_space<vmem>>, %arg12: memref<64x128xf32, #tpu.memory_space<vmem>>, %arg13: memref<64x128xf32, #tpu.memory_space<vmem>>, %arg14: memref<64x128xf32, #tpu.memory_space<vmem>>, %arg15: memref<64xi32, #tpu.memory_space<vmem>>, %arg16: memref<64xi32, #tpu.memory_space<vmem>>, %arg17: memref<64xi32, #tpu.memory_space<vmem>>, %arg18: memref<!tpu.dma_semaphore, #tpu.memory_space<semaphore_mem>>, %arg19: memref<!tpu.dma_semaphore, #tpu.memory_space<semaphore_mem>>, %arg20: memref<!tpu.dma_semaphore, #tpu.memory_space<semaphore_mem>>, %arg21: memref<!tpu.dma_semaphore, #tpu.memory_space<semaphore_mem>>, %arg22: memref<!tpu.dma_semaphore, #tpu.memory_space<semaphore_mem>>, %arg23: memref<!tpu.dma_semaphore, #tpu.memory_space<semaphore_mem>>) attributes {dimension_semantics = [#tpu.dimension_semantics<core_parallel>, #tpu.dimension_semantics<subcore_parallel>], iteration_bounds = array<i64: 2, 16>, scalar_prefetch = 0 : i64, scratch_operands = 16 : i64, tpu.core_type = #tpu.core_type<sc_vector_subcore>, window_params = [{transform_indices = #map}, {transform_indices = #map}, {transform_indices = #map}, {transform_indices = #map}, {transform_indices = #map}, {transform_indices = #map}]} {
    %mul3A = arith.constant 336 : i32
    %mul3A_0 = arith.muli %arg1, %mul3A : i32
    %scan3A = arith.constant 0 : i32
    %scan3A_1 = arith.constant 0 : i32
    %scan3A_2 = arith.constant 6 : i32
    %scan3A_3 = arith.addi %scan3A_1, %scan3A_2 : i32
    %scan3A_4 = arith.constant 1 : i32
    scf.for %scan3A_6 = %scan3A_1 to %scan3A_3 step %scan3A_4  : i32 {
      %mul3A_7 = arith.constant 6 : i32
      %mul3A_8 = arith.muli %arg0, %mul3A_7 : i32
      %add3A = arith.addi %mul3A_8, %scan3A_6 : i32
      %mul3A_9 = arith.constant 10000 : i32
      %mul3A_10 = arith.muli %add3A, %mul3A_9 : i32
      %mul3A_11 = arith.constant 10240 : i32
      %mul3A_12 = arith.muli %add3A, %mul3A_11 : i32
      %mul3A_13 = arith.constant 640 : i32
      %mul3A_14 = arith.muli %arg1, %mul3A_13 : i32
      "tpu.region"() ({
        %run_scoped3A = tpu.sem_alloc : memref<!tpu.dma_semaphore, #tpu.memory_space<semaphore_mem>>
        %dma_start3A = arith.constant 0 : i32
        %dma_start3A_24 = tpu.memref_slice %arg8[%mul3A_14, %dma_start3A] : memref<10240x128xf32, #tpu.memory_space<vmem_shared>> -> memref<640x128xf32, #tpu.memory_space<vmem_shared>>
        %dma_start3A_25 = arith.constant 0 : i32
        %dma_start3A_26 = tpu.memref_slice %arg6[%mul3A_14, %dma_start3A_25] : memref<10240x128xf32, #tpu.memory_space<hbm>> -> memref<640x128xf32, #tpu.memory_space<hbm>>
        tpu.enqueue_dma source(%dma_start3A_26 : memref<640x128xf32, #tpu.memory_space<hbm>>) target(%dma_start3A_24 : memref<640x128xf32, #tpu.memory_space<vmem_shared>>) target_semaphore(%run_scoped3A : memref<!tpu.dma_semaphore, #tpu.memory_space<semaphore_mem>>)
        %dma_wait3A = arith.constant 0 : i32
        %dma_wait3A_27 = tpu.memref_slice %arg8[%mul3A_14, %dma_wait3A] : memref<10240x128xf32, #tpu.memory_space<vmem_shared>> -> memref<640x128xf32, #tpu.memory_space<vmem_shared>>
        %dma_wait3A_28 = arith.constant 0 : i32
        %dma_wait3A_29 = tpu.memref_slice %arg6[%mul3A_14, %dma_wait3A_28] : memref<10240x128xf32, #tpu.memory_space<hbm>> -> memref<640x128xf32, #tpu.memory_space<hbm>>
        tpu.wait_dma2 semaphore(%run_scoped3A : memref<!tpu.dma_semaphore, #tpu.memory_space<semaphore_mem>>) src(%dma_wait3A_29 : memref<640x128xf32, #tpu.memory_space<hbm>>) dst(%dma_wait3A_27 : memref<640x128xf32, #tpu.memory_space<vmem_shared>>)
        tpu.yield
      }) : () -> ()
      %barrier3A = arith.constant 0 : index
      tpu.barrier barrier_id(%barrier3A)
      %scan3A_15 = arith.constant 0 : i32
      %scan3A_16 = arith.constant 0 : i32
      %scan3A_17 = arith.constant 7 : i32
      %scan3A_18 = arith.addi %scan3A_16, %scan3A_17 : i32
      %scan3A_19 = arith.constant 1 : i32
      scf.for %scan3A_24 = %scan3A_16 to %scan3A_18 step %scan3A_19  : i32 {
        %mul3A_25 = arith.constant 48 : i32
        %mul3A_26 = arith.muli %scan3A_24, %mul3A_25 : i32
        %add3A_27 = arith.addi %mul3A_0, %mul3A_26 : i32
        "tpu.region"() ({
          %run_scoped3A = tpu.sem_alloc : memref<!tpu.dma_semaphore, #tpu.memory_space<semaphore_mem>>
          %dma_start3A_121 = arith.constant 0 : i32
          %dma_start3A_122 = tpu.memref_slice %arg3[%add3A_27, %dma_start3A_121] : memref<5376x64xi32, #tpu.memory_space<hbm>> -> memref<48x64xi32, #tpu.memory_space<hbm>>
          %dma_start3A_123 = arith.constant 0 : i32
          %dma_start3A_124 = tpu.memref_slice %arg3[%add3A_27, %dma_start3A_123] : memref<5376x64xi32, #tpu.memory_space<hbm>> -> memref<48x64xi32, #tpu.memory_space<hbm>>
          tpu.enqueue_dma source(%dma_start3A_124 : memref<48x64xi32, #tpu.memory_space<hbm>>) target(%arg9 : memref<48x64xi32, #tpu.memory_space<vmem>>) target_semaphore(%run_scoped3A : memref<!tpu.dma_semaphore, #tpu.memory_space<semaphore_mem>>)
          %dma_wait3A_125 = arith.constant 0 : i32
          %dma_wait3A_126 = tpu.memref_slice %arg3[%add3A_27, %dma_wait3A_125] : memref<5376x64xi32, #tpu.memory_space<hbm>> -> memref<48x64xi32, #tpu.memory_space<hbm>>
          %dma_wait3A_127 = arith.constant 0 : i32
          %dma_wait3A_128 = tpu.memref_slice %arg3[%add3A_27, %dma_wait3A_127] : memref<5376x64xi32, #tpu.memory_space<hbm>> -> memref<48x64xi32, #tpu.memory_space<hbm>>
          tpu.wait_dma2 semaphore(%run_scoped3A : memref<!tpu.dma_semaphore, #tpu.memory_space<semaphore_mem>>) src(%dma_wait3A_128 : memref<48x64xi32, #tpu.memory_space<hbm>>) dst(%arg9 : memref<48x64xi32, #tpu.memory_space<vmem>>)
          tpu.yield
        }) : () -> ()
        "tpu.region"() ({
          %run_scoped3A = tpu.sem_alloc : memref<!tpu.dma_semaphore, #tpu.memory_space<semaphore_mem>>
          %dma_start3A_121 = arith.constant 0 : i32
          %dma_start3A_122 = tpu.memref_slice %arg4[%add3A_27, %dma_start3A_121] : memref<5376x64xi32, #tpu.memory_space<hbm>> -> memref<48x64xi32, #tpu.memory_space<hbm>>
          %dma_start3A_123 = arith.constant 0 : i32
          %dma_start3A_124 = tpu.memref_slice %arg4[%add3A_27, %dma_start3A_123] : memref<5376x64xi32, #tpu.memory_space<hbm>> -> memref<48x64xi32, #tpu.memory_space<hbm>>
          tpu.enqueue_dma source(%dma_start3A_124 : memref<48x64xi32, #tpu.memory_space<hbm>>) target(%arg10 : memref<48x64xi32, #tpu.memory_space<vmem>>) target_semaphore(%run_scoped3A : memref<!tpu.dma_semaphore, #tpu.memory_space<semaphore_mem>>)
          %dma_wait3A_125 = arith.constant 0 : i32
          %dma_wait3A_126 = tpu.memref_slice %arg4[%add3A_27, %dma_wait3A_125] : memref<5376x64xi32, #tpu.memory_space<hbm>> -> memref<48x64xi32, #tpu.memory_space<hbm>>
          %dma_wait3A_127 = arith.constant 0 : i32
          %dma_wait3A_128 = tpu.memref_slice %arg4[%add3A_27, %dma_wait3A_127] : memref<5376x64xi32, #tpu.memory_space<hbm>> -> memref<48x64xi32, #tpu.memory_space<hbm>>
          tpu.wait_dma2 semaphore(%run_scoped3A : memref<!tpu.dma_semaphore, #tpu.memory_space<semaphore_mem>>) src(%dma_wait3A_128 : memref<48x64xi32, #tpu.memory_space<hbm>>) dst(%arg10 : memref<48x64xi32, #tpu.memory_space<vmem>>)
          tpu.yield
        }) : () -> ()
        "tpu.region"() ({
          %run_scoped3A = tpu.sem_alloc : memref<!tpu.dma_semaphore, #tpu.memory_space<semaphore_mem>>
          %dma_start3A_121 = arith.constant 0 : i32
          %dma_start3A_122 = tpu.memref_slice %arg5[%add3A_27, %dma_start3A_121] : memref<5376x64xf32, #tpu.memory_space<hbm>> -> memref<48x64xf32, #tpu.memory_space<hbm>>
          %dma_start3A_123 = arith.constant 0 : i32
          %dma_start3A_124 = tpu.memref_slice %arg5[%add3A_27, %dma_start3A_123] : memref<5376x64xf32, #tpu.memory_space<hbm>> -> memref<48x64xf32, #tpu.memory_space<hbm>>
          tpu.enqueue_dma source(%dma_start3A_124 : memref<48x64xf32, #tpu.memory_space<hbm>>) target(%arg11 : memref<48x64xf32, #tpu.memory_space<vmem>>) target_semaphore(%run_scoped3A : memref<!tpu.dma_semaphore, #tpu.memory_space<semaphore_mem>>)
          %dma_wait3A_125 = arith.constant 0 : i32
          %dma_wait3A_126 = tpu.memref_slice %arg5[%add3A_27, %dma_wait3A_125] : memref<5376x64xf32, #tpu.memory_space<hbm>> -> memref<48x64xf32, #tpu.memory_space<hbm>>
          %dma_wait3A_127 = arith.constant 0 : i32
          %dma_wait3A_128 = tpu.memref_slice %arg5[%add3A_27, %dma_wait3A_127] : memref<5376x64xf32, #tpu.memory_space<hbm>> -> memref<48x64xf32, #tpu.memory_space<hbm>>
          tpu.wait_dma2 semaphore(%run_scoped3A : memref<!tpu.dma_semaphore, #tpu.memory_space<semaphore_mem>>) src(%dma_wait3A_128 : memref<48x64xf32, #tpu.memory_space<hbm>>) dst(%arg11 : memref<48x64xf32, #tpu.memory_space<vmem>>)
          tpu.yield
        }) : () -> ()
        %get3A = arith.constant 0 : i32
        %get3A_28 = arith.index_cast %get3A : i32 to index
        %get3A_29 = arith.constant 0 : index
        %get3A_30 = tpu.vector_load %arg9[%get3A_28, %get3A_29] {strides = array<i32>} : memref<48x64xi32, #tpu.memory_space<vmem>>, vector<16xi32>,
        %add3A_31 = vector.broadcast %mul3A_10 : i32 to vector<16xi32>
        %add3A_32 = arith.addi %get3A_30, %add3A_31 : vector<16xi32>
        %swap3A = arith.constant 0 : index
        %swap3A_33 = tpu.vector_load %arg15[%swap3A] {strides = array<i32>} : memref<64xi32, #tpu.memory_space<vmem>>, vector<16xi32>,
        tpu.vector_store %arg15[%swap3A], %add3A_32 {strides = array<i32>} : memref<64xi32, #tpu.memory_space<vmem>>, vector<16xi32>,
        %get3A_34 = arith.constant 0 : i32
        %get3A_35 = arith.index_cast %get3A_34 : i32 to index
        %get3A_36 = arith.constant 16 : index
        %get3A_37 = tpu.vector_load %arg9[%get3A_35, %get3A_36] {strides = array<i32>} : memref<48x64xi32, #tpu.memory_space<vmem>>, vector<16xi32>,
        %add3A_38 = vector.broadcast %mul3A_10 : i32 to vector<16xi32>
        %add3A_39 = arith.addi %get3A_37, %add3A_38 : vector<16xi32>
        %swap3A_40 = arith.constant 16 : index
        %swap3A_41 = tpu.vector_load %arg15[%swap3A_40] {strides = array<i32>} : memref<64xi32, #tpu.memory_space<vmem>>, vector<16xi32>,
        tpu.vector_store %arg15[%swap3A_40], %add3A_39 {strides = array<i32>} : memref<64xi32, #tpu.memory_space<vmem>>, vector<16xi32>,
        %get3A_42 = arith.constant 0 : i32
        %get3A_43 = arith.index_cast %get3A_42 : i32 to index
        %get3A_44 = arith.constant 32 : index
        %get3A_45 = tpu.vector_load %arg9[%get3A_43, %get3A_44] {strides = array<i32>} : memref<48x64xi32, #tpu.memory_space<vmem>>, vector<16xi32>,
        %add3A_46 = vector.broadcast %mul3A_10 : i32 to vector<16xi32>
        %add3A_47 = arith.addi %get3A_45, %add3A_46 : vector<16xi32>
        %swap3A_48 = arith.constant 32 : index
        %swap3A_49 = tpu.vector_load %arg15[%swap3A_48] {strides = array<i32>} : memref<64xi32, #tpu.memory_space<vmem>>, vector<16xi32>,
        tpu.vector_store %arg15[%swap3A_48], %add3A_47 {strides = array<i32>} : memref<64xi32, #tpu.memory_space<vmem>>, vector<16xi32>,
        %get3A_50 = arith.constant 0 : i32
        %get3A_51 = arith.index_cast %get3A_50 : i32 to index
        %get3A_52 = arith.constant 48 : index
        %get3A_53 = tpu.vector_load %arg9[%get3A_51, %get3A_52] {strides = array<i32>} : memref<48x64xi32, #tpu.memory_space<vmem>>, vector<16xi32>,
        %add3A_54 = vector.broadcast %mul3A_10 : i32 to vector<16xi32>
        %add3A_55 = arith.addi %get3A_53, %add3A_54 : vector<16xi32>
        %swap3A_56 = arith.constant 48 : index
        %swap3A_57 = tpu.vector_load %arg15[%swap3A_56] {strides = array<i32>} : memref<64xi32, #tpu.memory_space<vmem>>, vector<16xi32>,
        tpu.vector_store %arg15[%swap3A_56], %add3A_55 {strides = array<i32>} : memref<64xi32, #tpu.memory_space<vmem>>, vector<16xi32>,
        %dma_start3A = arith.constant 0 : i32
        %dma_start3A_58 = arith.constant 0 : i32
        %dma_start3A_59 = tpu.memref_slice %arg2[%dma_start3A, %dma_start3A_58] : memref<120000x128xf32, #tpu.memory_space<hbm>> -> memref<120000x128xf32, #tpu.memory_space<hbm>>
        tpu.enqueue_indirect_dma source(%dma_start3A_59 : memref<120000x128xf32, #tpu.memory_space<hbm>>) target(%arg12 : memref<64x128xf32, #tpu.memory_space<vmem>>) offsets(%arg15 : memref<64xi32, #tpu.memory_space<vmem>>) semaphore(%arg18 : memref<!tpu.dma_semaphore, #tpu.memory_space<semaphore_mem>>)
        %get3A_60 = arith.constant 1 : i32
        %get3A_61 = arith.index_cast %get3A_60 : i32 to index
        %get3A_62 = arith.constant 0 : index
        %get3A_63 = tpu.vector_load %arg9[%get3A_61, %get3A_62] {strides = array<i32>} : memref<48x64xi32, #tpu.memory_space<vmem>>, vector<16xi32>,
        %add3A_64 = vector.broadcast %mul3A_10 : i32 to vector<16xi32>
        %add3A_65 = arith.addi %get3A_63, %add3A_64 : vector<16xi32>
        %swap3A_66 = arith.constant 0 : index
        %swap3A_67 = tpu.vector_load %arg16[%swap3A_66] {strides = array<i32>} : memref<64xi32, #tpu.memory_space<vmem>>, vector<16xi32>,
        tpu.vector_store %arg16[%swap3A_66], %add3A_65 {strides = array<i32>} : memref<64xi32, #tpu.memory_space<vmem>>, vector<16xi32>,
        %get3A_68 = arith.constant 1 : i32
        %get3A_69 = arith.index_cast %get3A_68 : i32 to index
        %get3A_70 = arith.constant 16 : index
        %get3A_71 = tpu.vector_load %arg9[%get3A_69, %get3A_70] {strides = array<i32>} : memref<48x64xi32, #tpu.memory_space<vmem>>, vector<16xi32>,
        %add3A_72 = vector.broadcast %mul3A_10 : i32 to vector<16xi32>
        %add3A_73 = arith.addi %get3A_71, %add3A_72 : vector<16xi32>
        %swap3A_74 = arith.constant 16 : index
        %swap3A_75 = tpu.vector_load %arg16[%swap3A_74] {strides = array<i32>} : memref<64xi32, #tpu.memory_space<vmem>>, vector<16xi32>,
        tpu.vector_store %arg16[%swap3A_74], %add3A_73 {strides = array<i32>} : memref<64xi32, #tpu.memory_space<vmem>>, vector<16xi32>,
        %get3A_76 = arith.constant 1 : i32
        %get3A_77 = arith.index_cast %get3A_76 : i32 to index
        %get3A_78 = arith.constant 32 : index
        %get3A_79 = tpu.vector_load %arg9[%get3A_77, %get3A_78] {strides = array<i32>} : memref<48x64xi32, #tpu.memory_space<vmem>>, vector<16xi32>,
        %add3A_80 = vector.broadcast %mul3A_10 : i32 to vector<16xi32>
        %add3A_81 = arith.addi %get3A_79, %add3A_80 : vector<16xi32>
        %swap3A_82 = arith.constant 32 : index
        %swap3A_83 = tpu.vector_load %arg16[%swap3A_82] {strides = array<i32>} : memref<64xi32, #tpu.memory_space<vmem>>, vector<16xi32>,
        tpu.vector_store %arg16[%swap3A_82], %add3A_81 {strides = array<i32>} : memref<64xi32, #tpu.memory_space<vmem>>, vector<16xi32>,
        %get3A_84 = arith.constant 1 : i32
        %get3A_85 = arith.index_cast %get3A_84 : i32 to index
        %get3A_86 = arith.constant 48 : index
        %get3A_87 = tpu.vector_load %arg9[%get3A_85, %get3A_86] {strides = array<i32>} : memref<48x64xi32, #tpu.memory_space<vmem>>, vector<16xi32>,
        %add3A_88 = vector.broadcast %mul3A_10 : i32 to vector<16xi32>
        %add3A_89 = arith.addi %get3A_87, %add3A_88 : vector<16xi32>
        %swap3A_90 = arith.constant 48 : index
        %swap3A_91 = tpu.vector_load %arg16[%swap3A_90] {strides = array<i32>} : memref<64xi32, #tpu.memory_space<vmem>>, vector<16xi32>,
        tpu.vector_store %arg16[%swap3A_90], %add3A_89 {strides = array<i32>} : memref<64xi32, #tpu.memory_space<vmem>>, vector<16xi32>,
        %dma_start3A_92 = arith.constant 0 : i32
        %dma_start3A_93 = arith.constant 0 : i32
        %dma_start3A_94 = tpu.memref_slice %arg2[%dma_start3A_92, %dma_start3A_93] : memref<120000x128xf32, #tpu.memory_space<hbm>> -> memref<120000x128xf32, #tpu.memory_space<hbm>>
        tpu.enqueue_indirect_dma source(%dma_start3A_94 : memref<120000x128xf32, #tpu.memory_space<hbm>>) target(%arg13 : memref<64x128xf32, #tpu.memory_space<vmem>>) offsets(%arg16 : memref<64xi32, #tpu.memory_space<vmem>>) semaphore(%arg19 : memref<!tpu.dma_semaphore, #tpu.memory_space<semaphore_mem>>)
        %scan3A_95 = arith.constant 0 : i32
        %scan3A_96 = arith.constant 0 : i32
        %scan3A_97 = arith.constant 16 : i32
        %scan3A_98 = arith.addi %scan3A_96, %scan3A_97 : i32
        %scan3A_99 = arith.constant 1 : i32
        scf.for %scan3A_121 = %scan3A_96 to %scan3A_98 step %scan3A_99  : i32 {
          %mul3A_122 = arith.constant 3 : i32
          %mul3A_123 = arith.muli %mul3A_122, %scan3A_121 : i32
          %add3A_124 = arith.constant 0 : i32
          %add3A_125 = arith.addi %mul3A_123, %add3A_124 : i32
          %ge3A = arith.constant 1 : i32
          %ge3A_126 = arith.cmpi sge, %scan3A_121, %ge3A : i32
          %convert_element_type3A = arith.extui %ge3A_126 : i1 to i32
          %cond3A = arith.constant 0 : i32
          %cond3A_127 = arith.cmpi ne, %convert_element_type3A, %cond3A : i32
          scf.if %cond3A_127 {
            %add3A_195 = arith.constant 2 : i32
            %add3A_196 = arith.addi %add3A_125, %add3A_195 : i32
            %get3A_197 = arith.index_cast %add3A_196 : i32 to index
            %get3A_198 = arith.constant 0 : index
            %get3A_199 = tpu.vector_load %arg9[%get3A_197, %get3A_198] {strides = array<i32>} : memref<48x64xi32, #tpu.memory_space<vmem>>, vector<16xi32>,
            %add3A_200 = vector.broadcast %mul3A_10 : i32 to vector<16xi32>
            %add3A_201 = arith.addi %get3A_199, %add3A_200 : vector<16xi32>
            %swap3A_202 = arith.constant 0 : index
            %swap3A_203 = tpu.vector_load %arg17[%swap3A_202] {strides = array<i32>} : memref<64xi32, #tpu.memory_space<vmem>>, vector<16xi32>,
            tpu.vector_store %arg17[%swap3A_202], %add3A_201 {strides = array<i32>} : memref<64xi32, #tpu.memory_space<vmem>>, vector<16xi32>,
            %get3A_204 = arith.index_cast %add3A_196 : i32 to index
            %get3A_205 = arith.constant 16 : index
            %get3A_206 = tpu.vector_load %arg9[%get3A_204, %get3A_205] {strides = array<i32>} : memref<48x64xi32, #tpu.memory_space<vmem>>, vector<16xi32>,
            %add3A_207 = vector.broadcast %mul3A_10 : i32 to vector<16xi32>
            %add3A_208 = arith.addi %get3A_206, %add3A_207 : vector<16xi32>
            %swap3A_209 = arith.constant 16 : index
            %swap3A_210 = tpu.vector_load %arg17[%swap3A_209] {strides = array<i32>} : memref<64xi32, #tpu.memory_space<vmem>>, vector<16xi32>,
            tpu.vector_store %arg17[%swap3A_209], %add3A_208 {strides = array<i32>} : memref<64xi32, #tpu.memory_space<vmem>>, vector<16xi32>,
            %get3A_211 = arith.index_cast %add3A_196 : i32 to index
            %get3A_212 = arith.constant 32 : index
            %get3A_213 = tpu.vector_load %arg9[%get3A_211, %get3A_212] {strides = array<i32>} : memref<48x64xi32, #tpu.memory_space<vmem>>, vector<16xi32>,
            %add3A_214 = vector.broadcast %mul3A_10 : i32 to vector<16xi32>
            %add3A_215 = arith.addi %get3A_213, %add3A_214 : vector<16xi32>
            %swap3A_216 = arith.constant 32 : index
            %swap3A_217 = tpu.vector_load %arg17[%swap3A_216] {strides = array<i32>} : memref<64xi32, #tpu.memory_space<vmem>>, vector<16xi32>,
            tpu.vector_store %arg17[%swap3A_216], %add3A_215 {strides = array<i32>} : memref<64xi32, #tpu.memory_space<vmem>>, vector<16xi32>,
            %get3A_218 = arith.index_cast %add3A_196 : i32 to index
            %get3A_219 = arith.constant 48 : index
            %get3A_220 = tpu.vector_load %arg9[%get3A_218, %get3A_219] {strides = array<i32>} : memref<48x64xi32, #tpu.memory_space<vmem>>, vector<16xi32>,
            %add3A_221 = vector.broadcast %mul3A_10 : i32 to vector<16xi32>
            %add3A_222 = arith.addi %get3A_220, %add3A_221 : vector<16xi32>
            %swap3A_223 = arith.constant 48 : index
            %swap3A_224 = tpu.vector_load %arg17[%swap3A_223] {strides = array<i32>} : memref<64xi32, #tpu.memory_space<vmem>>, vector<16xi32>,
            tpu.vector_store %arg17[%swap3A_223], %add3A_222 {strides = array<i32>} : memref<64xi32, #tpu.memory_space<vmem>>, vector<16xi32>,
            %dma_wait3A_225 = arith.constant 0 : i32
            %dma_wait3A_226 = arith.constant 0 : i32
            %dma_wait3A_227 = tpu.memref_slice %arg10[%dma_wait3A_225, %dma_wait3A_226] : memref<48x64xi32, #tpu.memory_space<vmem>> -> memref<1x64xi32, #tpu.memory_space<vmem>>
            %dma_wait3A_228 = tpu.memref_squeeze %dma_wait3A_227 : memref<1x64xi32, #tpu.memory_space<vmem>> -> memref<64xi32, #tpu.memory_space<vmem>>
            %dma_wait3A_229 = arith.constant 0 : i32
            %dma_wait3A_230 = arith.constant 0 : i32
            %dma_wait3A_231 = tpu.memref_slice %arg8[%dma_wait3A_229, %dma_wait3A_230] : memref<10240x128xf32, #tpu.memory_space<vmem_shared>> -> memref<10240x128xf32, #tpu.memory_space<vmem_shared>>
            tpu.wait_indirect_dma semaphore(%arg23 : memref<!tpu.dma_semaphore, #tpu.memory_space<semaphore_mem>>) src(%arg14 : memref<64x128xf32, #tpu.memory_space<vmem>>) dst(%dma_wait3A_231 : memref<10240x128xf32, #tpu.memory_space<vmem_shared>>)
            %dma_start3A_232 = arith.constant 0 : i32
            %dma_start3A_233 = arith.constant 0 : i32
            %dma_start3A_234 = tpu.memref_slice %arg2[%dma_start3A_232, %dma_start3A_233] : memref<120000x128xf32, #tpu.memory_space<hbm>> -> memref<120000x128xf32, #tpu.memory_space<hbm>>
            tpu.enqueue_indirect_dma source(%dma_start3A_234 : memref<120000x128xf32, #tpu.memory_space<hbm>>) target(%arg14 : memref<64x128xf32, #tpu.memory_space<vmem>>) offsets(%arg17 : memref<64xi32, #tpu.memory_space<vmem>>) semaphore(%arg20 : memref<!tpu.dma_semaphore, #tpu.memory_space<semaphore_mem>>)
          } else {
          }
          %lt3A = arith.constant 1 : i32
          %lt3A_128 = arith.cmpi slt, %scan3A_121, %lt3A : i32
          %convert_element_type3A_129 = arith.extui %lt3A_128 : i1 to i32
          %cond3A_130 = arith.constant 0 : i32
          %cond3A_131 = arith.cmpi ne, %convert_element_type3A_129, %cond3A_130 : i32
          scf.if %cond3A_131 {
            %add3A_195 = arith.constant 2 : i32
            %add3A_196 = arith.addi %add3A_125, %add3A_195 : i32
            %get3A_197 = arith.index_cast %add3A_196 : i32 to index
            %get3A_198 = arith.constant 0 : index
            %get3A_199 = tpu.vector_load %arg9[%get3A_197, %get3A_198] {strides = array<i32>} : memref<48x64xi32, #tpu.memory_space<vmem>>, vector<16xi32>,
            %add3A_200 = vector.broadcast %mul3A_10 : i32 to vector<16xi32>
            %add3A_201 = arith.addi %get3A_199, %add3A_200 : vector<16xi32>
            %swap3A_202 = arith.constant 0 : index
            %swap3A_203 = tpu.vector_load %arg17[%swap3A_202] {strides = array<i32>} : memref<64xi32, #tpu.memory_space<vmem>>, vector<16xi32>,
            tpu.vector_store %arg17[%swap3A_202], %add3A_201 {strides = array<i32>} : memref<64xi32, #tpu.memory_space<vmem>>, vector<16xi32>,
            %get3A_204 = arith.index_cast %add3A_196 : i32 to index
            %get3A_205 = arith.constant 16 : index
            %get3A_206 = tpu.vector_load %arg9[%get3A_204, %get3A_205] {strides = array<i32>} : memref<48x64xi32, #tpu.memory_space<vmem>>, vector<16xi32>,
            %add3A_207 = vector.broadcast %mul3A_10 : i32 to vector<16xi32>
            %add3A_208 = arith.addi %get3A_206, %add3A_207 : vector<16xi32>
            %swap3A_209 = arith.constant 16 : index
            %swap3A_210 = tpu.vector_load %arg17[%swap3A_209] {strides = array<i32>} : memref<64xi32, #tpu.memory_space<vmem>>, vector<16xi32>,
            tpu.vector_store %arg17[%swap3A_209], %add3A_208 {strides = array<i32>} : memref<64xi32, #tpu.memory_space<vmem>>, vector<16xi32>,
            %get3A_211 = arith.index_cast %add3A_196 : i32 to index
            %get3A_212 = arith.constant 32 : index
            %get3A_213 = tpu.vector_load %arg9[%get3A_211, %get3A_212] {strides = array<i32>} : memref<48x64xi32, #tpu.memory_space<vmem>>, vector<16xi32>,
            %add3A_214 = vector.broadcast %mul3A_10 : i32 to vector<16xi32>
            %add3A_215 = arith.addi %get3A_213, %add3A_214 : vector<16xi32>
            %swap3A_216 = arith.constant 32 : index
            %swap3A_217 = tpu.vector_load %arg17[%swap3A_216] {strides = array<i32>} : memref<64xi32, #tpu.memory_space<vmem>>, vector<16xi32>,
            tpu.vector_store %arg17[%swap3A_216], %add3A_215 {strides = array<i32>} : memref<64xi32, #tpu.memory_space<vmem>>, vector<16xi32>,
            %get3A_218 = arith.index_cast %add3A_196 : i32 to index
            %get3A_219 = arith.constant 48 : index
            %get3A_220 = tpu.vector_load %arg9[%get3A_218, %get3A_219] {strides = array<i32>} : memref<48x64xi32, #tpu.memory_space<vmem>>, vector<16xi32>,
            %add3A_221 = vector.broadcast %mul3A_10 : i32 to vector<16xi32>
            %add3A_222 = arith.addi %get3A_220, %add3A_221 : vector<16xi32>
            %swap3A_223 = arith.constant 48 : index
            %swap3A_224 = tpu.vector_load %arg17[%swap3A_223] {strides = array<i32>} : memref<64xi32, #tpu.memory_space<vmem>>, vector<16xi32>,
            tpu.vector_store %arg17[%swap3A_223], %add3A_222 {strides = array<i32>} : memref<64xi32, #tpu.memory_space<vmem>>, vector<16xi32>,
            %dma_start3A_225 = arith.constant 0 : i32
            %dma_start3A_226 = arith.constant 0 : i32
            %dma_start3A_227 = tpu.memref_slice %arg2[%dma_start3A_225, %dma_start3A_226] : memref<120000x128xf32, #tpu.memory_space<hbm>> -> memref<120000x128xf32, #tpu.memory_space<hbm>>
            tpu.enqueue_indirect_dma source(%dma_start3A_227 : memref<120000x128xf32, #tpu.memory_space<hbm>>) target(%arg14 : memref<64x128xf32, #tpu.memory_space<vmem>>) offsets(%arg17 : memref<64xi32, #tpu.memory_space<vmem>>) semaphore(%arg20 : memref<!tpu.dma_semaphore, #tpu.memory_space<semaphore_mem>>)
          } else {
          }
          %dma_wait3A_132 = arith.constant 0 : i32
          %dma_wait3A_133 = arith.constant 0 : i32
          %dma_wait3A_134 = tpu.memref_slice %arg2[%dma_wait3A_132, %dma_wait3A_133] : memref<120000x128xf32, #tpu.memory_space<hbm>> -> memref<120000x128xf32, #tpu.memory_space<hbm>>
          tpu.wait_indirect_dma semaphore(%arg18 : memref<!tpu.dma_semaphore, #tpu.memory_space<semaphore_mem>>) src(%dma_wait3A_134 : memref<120000x128xf32, #tpu.memory_space<hbm>>) dst(%arg12 : memref<64x128xf32, #tpu.memory_space<vmem>>)
          %scan3A_135 = arith.constant 0 : i32
          %scan3A_136 = arith.constant 0 : i32
          %scan3A_137 = arith.constant 64 : i32
          %scan3A_138 = arith.addi %scan3A_136, %scan3A_137 : i32
          %scan3A_139 = arith.constant 1 : i32
          scf.for %scan3A_195 = %scan3A_136 to %scan3A_138 step %scan3A_139  : i32 {
            %broadcast_in_dim3A = vector.broadcast %add3A_125 : i32 to vector<16xi32>
            %broadcast_in_dim3A_196 = vector.broadcast %scan3A_195 : i32 to vector<16xi32>
            %gather3A = tpu.vector_load_idx %arg11[%broadcast_in_dim3A, %broadcast_in_dim3A_196] : memref<48x64xf32, #tpu.memory_space<vmem>>[vector<16xi32>, vector<16xi32>], vector<16xf32>,
            %get3A_197 = arith.index_cast %scan3A_195 : i32 to index
            %get3A_198 = arith.constant 0 : index
            %get3A_199 = tpu.vector_load %arg12[%get3A_197, %get3A_198] {strides = array<i32>} : memref<64x128xf32, #tpu.memory_space<vmem>>, vector<16xf32>,
            %mul3A_200 = arith.mulf %get3A_199, %gather3A : vector<16xf32>
            %swap3A_201 = arith.index_cast %scan3A_195 : i32 to index
            %swap3A_202 = arith.constant 0 : index
            %swap3A_203 = tpu.vector_load %arg12[%swap3A_201, %swap3A_202] {strides = array<i32>} : memref<64x128xf32, #tpu.memory_space<vmem>>, vector<16xf32>,
            tpu.vector_store %arg12[%swap3A_201, %swap3A_202], %mul3A_200 {strides = array<i32>} : memref<64x128xf32, #tpu.memory_space<vmem>>, vector<16xf32>,
            %get3A_204 = arith.index_cast %scan3A_195 : i32 to index
            %get3A_205 = arith.constant 16 : index
            %get3A_206 = tpu.vector_load %arg12[%get3A_204, %get3A_205] {strides = array<i32>} : memref<64x128xf32, #tpu.memory_space<vmem>>, vector<16xf32>,
            %mul3A_207 = arith.mulf %get3A_206, %gather3A : vector<16xf32>
            %swap3A_208 = arith.index_cast %scan3A_195 : i32 to index
            %swap3A_209 = arith.constant 16 : index
            %swap3A_210 = tpu.vector_load %arg12[%swap3A_208, %swap3A_209] {strides = array<i32>} : memref<64x128xf32, #tpu.memory_space<vmem>>, vector<16xf32>,
            tpu.vector_store %arg12[%swap3A_208, %swap3A_209], %mul3A_207 {strides = array<i32>} : memref<64x128xf32, #tpu.memory_space<vmem>>, vector<16xf32>,
            %get3A_211 = arith.index_cast %scan3A_195 : i32 to index
            %get3A_212 = arith.constant 32 : index
            %get3A_213 = tpu.vector_load %arg12[%get3A_211, %get3A_212] {strides = array<i32>} : memref<64x128xf32, #tpu.memory_space<vmem>>, vector<16xf32>,
            %mul3A_214 = arith.mulf %get3A_213, %gather3A : vector<16xf32>
            %swap3A_215 = arith.index_cast %scan3A_195 : i32 to index
            %swap3A_216 = arith.constant 32 : index
            %swap3A_217 = tpu.vector_load %arg12[%swap3A_215, %swap3A_216] {strides = array<i32>} : memref<64x128xf32, #tpu.memory_space<vmem>>, vector<16xf32>,
            tpu.vector_store %arg12[%swap3A_215, %swap3A_216], %mul3A_214 {strides = array<i32>} : memref<64x128xf32, #tpu.memory_space<vmem>>, vector<16xf32>,
            %get3A_218 = arith.index_cast %scan3A_195 : i32 to index
            %get3A_219 = arith.constant 48 : index
            %get3A_220 = tpu.vector_load %arg12[%get3A_218, %get3A_219] {strides = array<i32>} : memref<64x128xf32, #tpu.memory_space<vmem>>, vector<16xf32>,
            %mul3A_221 = arith.mulf %get3A_220, %gather3A : vector<16xf32>
            %swap3A_222 = arith.index_cast %scan3A_195 : i32 to index
            %swap3A_223 = arith.constant 48 : index
            %swap3A_224 = tpu.vector_load %arg12[%swap3A_222, %swap3A_223] {strides = array<i32>} : memref<64x128xf32, #tpu.memory_space<vmem>>, vector<16xf32>,
            tpu.vector_store %arg12[%swap3A_222, %swap3A_223], %mul3A_221 {strides = array<i32>} : memref<64x128xf32, #tpu.memory_space<vmem>>, vector<16xf32>,
            %get3A_225 = arith.index_cast %scan3A_195 : i32 to index
            %get3A_226 = arith.constant 64 : index
            %get3A_227 = tpu.vector_load %arg12[%get3A_225, %get3A_226] {strides = array<i32>} : memref<64x128xf32, #tpu.memory_space<vmem>>, vector<16xf32>,
            %mul3A_228 = arith.mulf %get3A_227, %gather3A : vector<16xf32>
            %swap3A_229 = arith.index_cast %scan3A_195 : i32 to index
            %swap3A_230 = arith.constant 64 : index
            %swap3A_231 = tpu.vector_load %arg12[%swap3A_229, %swap3A_230] {strides = array<i32>} : memref<64x128xf32, #tpu.memory_space<vmem>>, vector<16xf32>,
            tpu.vector_store %arg12[%swap3A_229, %swap3A_230], %mul3A_228 {strides = array<i32>} : memref<64x128xf32, #tpu.memory_space<vmem>>, vector<16xf32>,
            %get3A_232 = arith.index_cast %scan3A_195 : i32 to index
            %get3A_233 = arith.constant 80 : index
            %get3A_234 = tpu.vector_load %arg12[%get3A_232, %get3A_233] {strides = array<i32>} : memref<64x128xf32, #tpu.memory_space<vmem>>, vector<16xf32>,
            %mul3A_235 = arith.mulf %get3A_234, %gather3A : vector<16xf32>
            %swap3A_236 = arith.index_cast %scan3A_195 : i32 to index
            %swap3A_237 = arith.constant 80 : index
            %swap3A_238 = tpu.vector_load %arg12[%swap3A_236, %swap3A_237] {strides = array<i32>} : memref<64x128xf32, #tpu.memory_space<vmem>>, vector<16xf32>,
            tpu.vector_store %arg12[%swap3A_236, %swap3A_237], %mul3A_235 {strides = array<i32>} : memref<64x128xf32, #tpu.memory_space<vmem>>, vector<16xf32>,
            %get3A_239 = arith.index_cast %scan3A_195 : i32 to index
            %get3A_240 = arith.constant 96 : index
            %get3A_241 = tpu.vector_load %arg12[%get3A_239, %get3A_240] {strides = array<i32>} : memref<64x128xf32, #tpu.memory_space<vmem>>, vector<16xf32>,
            %mul3A_242 = arith.mulf %get3A_241, %gather3A : vector<16xf32>
            %swap3A_243 = arith.index_cast %scan3A_195 : i32 to index
            %swap3A_244 = arith.constant 96 : index
            %swap3A_245 = tpu.vector_load %arg12[%swap3A_243, %swap3A_244] {strides = array<i32>} : memref<64x128xf32, #tpu.memory_space<vmem>>, vector<16xf32>,
            tpu.vector_store %arg12[%swap3A_243, %swap3A_244], %mul3A_242 {strides = array<i32>} : memref<64x128xf32, #tpu.memory_space<vmem>>, vector<16xf32>,
            %get3A_246 = arith.index_cast %scan3A_195 : i32 to index
            %get3A_247 = arith.constant 112 : index
            %get3A_248 = tpu.vector_load %arg12[%get3A_246, %get3A_247] {strides = array<i32>} : memref<64x128xf32, #tpu.memory_space<vmem>>, vector<16xf32>,
            %mul3A_249 = arith.mulf %get3A_248, %gather3A : vector<16xf32>
            %swap3A_250 = arith.index_cast %scan3A_195 : i32 to index
            %swap3A_251 = arith.constant 112 : index
            %swap3A_252 = tpu.vector_load %arg12[%swap3A_250, %swap3A_251] {strides = array<i32>} : memref<64x128xf32, #tpu.memory_space<vmem>>, vector<16xf32>,
            tpu.vector_store %arg12[%swap3A_250, %swap3A_251], %mul3A_249 {strides = array<i32>} : memref<64x128xf32, #tpu.memory_space<vmem>>, vector<16xf32>,
          }
          %scan3A_140 = arith.constant 64 : i32
          %dma_start3A_141 = arith.constant 0 : i32
          %dma_start3A_142 = tpu.memref_slice %arg10[%add3A_125, %dma_start3A_141] : memref<48x64xi32, #tpu.memory_space<vmem>> -> memref<1x64xi32, #tpu.memory_space<vmem>>
          %dma_start3A_143 = tpu.memref_squeeze %dma_start3A_142 : memref<1x64xi32, #tpu.memory_space<vmem>> -> memref<64xi32, #tpu.memory_space<vmem>>
          %dma_start3A_144 = arith.constant 0 : i32
          %dma_start3A_145 = arith.constant 0 : i32
          %dma_start3A_146 = tpu.memref_slice %arg8[%dma_start3A_144, %dma_start3A_145] : memref<10240x128xf32, #tpu.memory_space<vmem_shared>> -> memref<10240x128xf32, #tpu.memory_space<vmem_shared>>
          tpu.enqueue_indirect_dma source(%arg12 : memref<64x128xf32, #tpu.memory_space<vmem>>) target(%dma_start3A_146 : memref<10240x128xf32, #tpu.memory_space<vmem_shared>>) offsets(%dma_start3A_143 : memref<64xi32, #tpu.memory_space<vmem>>) semaphore(%arg21 : memref<!tpu.dma_semaphore, #tpu.memory_space<semaphore_mem>>) {add = true}
          %mul3A_147 = arith.constant 3 : i32
          %mul3A_148 = arith.muli %mul3A_147, %scan3A_121 : i32
          %add3A_149 = arith.constant 1 : i32
          %add3A_150 = arith.addi %mul3A_148, %add3A_149 : i32
          %lt3A_151 = arith.constant 15 : i32
          %lt3A_152 = arith.cmpi slt, %scan3A_121, %lt3A_151 : i32
          %convert_element_type3A_153 = arith.extui %lt3A_152 : i1 to i32
          %cond3A_154 = arith.constant 0 : i32
          %cond3A_155 = arith.cmpi ne, %convert_element_type3A_153, %cond3A_154 : i32
          scf.if %cond3A_155 {
            %add3A_195 = arith.constant 2 : i32
            %add3A_196 = arith.addi %add3A_150, %add3A_195 : i32
            %get3A_197 = arith.index_cast %add3A_196 : i32 to index
            %get3A_198 = arith.constant 0 : index
            %get3A_199 = tpu.vector_load %arg9[%get3A_197, %get3A_198] {strides = array<i32>} : memref<48x64xi32, #tpu.memory_space<vmem>>, vector<16xi32>,
            %add3A_200 = vector.broadcast %mul3A_10 : i32 to vector<16xi32>
            %add3A_201 = arith.addi %get3A_199, %add3A_200 : vector<16xi32>
            %swap3A_202 = arith.constant 0 : index
            %swap3A_203 = tpu.vector_load %arg15[%swap3A_202] {strides = array<i32>} : memref<64xi32, #tpu.memory_space<vmem>>, vector<16xi32>,
            tpu.vector_store %arg15[%swap3A_202], %add3A_201 {strides = array<i32>} : memref<64xi32, #tpu.memory_space<vmem>>, vector<16xi32>,
            %get3A_204 = arith.index_cast %add3A_196 : i32 to index
            %get3A_205 = arith.constant 16 : index
            %get3A_206 = tpu.vector_load %arg9[%get3A_204, %get3A_205] {strides = array<i32>} : memref<48x64xi32, #tpu.memory_space<vmem>>, vector<16xi32>,
            %add3A_207 = vector.broadcast %mul3A_10 : i32 to vector<16xi32>
            %add3A_208 = arith.addi %get3A_206, %add3A_207 : vector<16xi32>
            %swap3A_209 = arith.constant 16 : index
            %swap3A_210 = tpu.vector_load %arg15[%swap3A_209] {strides = array<i32>} : memref<64xi32, #tpu.memory_space<vmem>>, vector<16xi32>,
            tpu.vector_store %arg15[%swap3A_209], %add3A_208 {strides = array<i32>} : memref<64xi32, #tpu.memory_space<vmem>>, vector<16xi32>,
            %get3A_211 = arith.index_cast %add3A_196 : i32 to index
            %get3A_212 = arith.constant 32 : index
            %get3A_213 = tpu.vector_load %arg9[%get3A_211, %get3A_212] {strides = array<i32>} : memref<48x64xi32, #tpu.memory_space<vmem>>, vector<16xi32>,
            %add3A_214 = vector.broadcast %mul3A_10 : i32 to vector<16xi32>
            %add3A_215 = arith.addi %get3A_213, %add3A_214 : vector<16xi32>
            %swap3A_216 = arith.constant 32 : index
            %swap3A_217 = tpu.vector_load %arg15[%swap3A_216] {strides = array<i32>} : memref<64xi32, #tpu.memory_space<vmem>>, vector<16xi32>,
            tpu.vector_store %arg15[%swap3A_216], %add3A_215 {strides = array<i32>} : memref<64xi32, #tpu.memory_space<vmem>>, vector<16xi32>,
            %get3A_218 = arith.index_cast %add3A_196 : i32 to index
            %get3A_219 = arith.constant 48 : index
            %get3A_220 = tpu.vector_load %arg9[%get3A_218, %get3A_219] {strides = array<i32>} : memref<48x64xi32, #tpu.memory_space<vmem>>, vector<16xi32>,
            %add3A_221 = vector.broadcast %mul3A_10 : i32 to vector<16xi32>
            %add3A_222 = arith.addi %get3A_220, %add3A_221 : vector<16xi32>
            %swap3A_223 = arith.constant 48 : index
            %swap3A_224 = tpu.vector_load %arg15[%swap3A_223] {strides = array<i32>} : memref<64xi32, #tpu.memory_space<vmem>>, vector<16xi32>,
            tpu.vector_store %arg15[%swap3A_223], %add3A_222 {strides = array<i32>} : memref<64xi32, #tpu.memory_space<vmem>>, vector<16xi32>,
            %dma_wait3A_225 = arith.constant 0 : i32
            %dma_wait3A_226 = arith.constant 0 : i32
            %dma_wait3A_227 = tpu.memref_slice %arg10[%dma_wait3A_225, %dma_wait3A_226] : memref<48x64xi32, #tpu.memory_space<vmem>> -> memref<1x64xi32, #tpu.memory_space<vmem>>
            %dma_wait3A_228 = tpu.memref_squeeze %dma_wait3A_227 : memref<1x64xi32, #tpu.memory_space<vmem>> -> memref<64xi32, #tpu.memory_space<vmem>>
            %dma_wait3A_229 = arith.constant 0 : i32
            %dma_wait3A_230 = arith.constant 0 : i32
            %dma_wait3A_231 = tpu.memref_slice %arg8[%dma_wait3A_229, %dma_wait3A_230] : memref<10240x128xf32, #tpu.memory_space<vmem_shared>> -> memref<10240x128xf32, #tpu.memory_space<vmem_shared>>
            tpu.wait_indirect_dma semaphore(%arg21 : memref<!tpu.dma_semaphore, #tpu.memory_space<semaphore_mem>>) src(%arg12 : memref<64x128xf32, #tpu.memory_space<vmem>>) dst(%dma_wait3A_231 : memref<10240x128xf32, #tpu.memory_space<vmem_shared>>)
            %dma_start3A_232 = arith.constant 0 : i32
            %dma_start3A_233 = arith.constant 0 : i32
            %dma_start3A_234 = tpu.memref_slice %arg2[%dma_start3A_232, %dma_start3A_233] : memref<120000x128xf32, #tpu.memory_space<hbm>> -> memref<120000x128xf32, #tpu.memory_space<hbm>>
            tpu.enqueue_indirect_dma source(%dma_start3A_234 : memref<120000x128xf32, #tpu.memory_space<hbm>>) target(%arg12 : memref<64x128xf32, #tpu.memory_space<vmem>>) offsets(%arg15 : memref<64xi32, #tpu.memory_space<vmem>>) semaphore(%arg18 : memref<!tpu.dma_semaphore, #tpu.memory_space<semaphore_mem>>)
          } else {
          }
          %dma_wait3A_156 = arith.constant 0 : i32
          %dma_wait3A_157 = arith.constant 0 : i32
          %dma_wait3A_158 = tpu.memref_slice %arg2[%dma_wait3A_156, %dma_wait3A_157] : memref<120000x128xf32, #tpu.memory_space<hbm>> -> memref<120000x128xf32, #tpu.memory_space<hbm>>
          tpu.wait_indirect_dma semaphore(%arg19 : memref<!tpu.dma_semaphore, #tpu.memory_space<semaphore_mem>>) src(%dma_wait3A_158 : memref<120000x128xf32, #tpu.memory_space<hbm>>) dst(%arg13 : memref<64x128xf32, #tpu.memory_space<vmem>>)
          %scan3A_159 = arith.constant 0 : i32
          %scan3A_160 = arith.constant 0 : i32
          %scan3A_161 = arith.constant 64 : i32
          %scan3A_162 = arith.addi %scan3A_160, %scan3A_161 : i32
          %scan3A_163 = arith.constant 1 : i32
          scf.for %scan3A_195 = %scan3A_160 to %scan3A_162 step %scan3A_163  : i32 {
            %broadcast_in_dim3A = vector.broadcast %add3A_150 : i32 to vector<16xi32>
            %broadcast_in_dim3A_196 = vector.broadcast %scan3A_195 : i32 to vector<16xi32>
            %gather3A = tpu.vector_load_idx %arg11[%broadcast_in_dim3A, %broadcast_in_dim3A_196] : memref<48x64xf32, #tpu.memory_space<vmem>>[vector<16xi32>, vector<16xi32>], vector<16xf32>,
            %get3A_197 = arith.index_cast %scan3A_195 : i32 to index
            %get3A_198 = arith.constant 0 : index
            %get3A_199 = tpu.vector_load %arg13[%get3A_197, %get3A_198] {strides = array<i32>} : memref<64x128xf32, #tpu.memory_space<vmem>>, vector<16xf32>,
            %mul3A_200 = arith.mulf %get3A_199, %gather3A : vector<16xf32>
            %swap3A_201 = arith.index_cast %scan3A_195 : i32 to index
            %swap3A_202 = arith.constant 0 : index
            %swap3A_203 = tpu.vector_load %arg13[%swap3A_201, %swap3A_202] {strides = array<i32>} : memref<64x128xf32, #tpu.memory_space<vmem>>, vector<16xf32>,
            tpu.vector_store %arg13[%swap3A_201, %swap3A_202], %mul3A_200 {strides = array<i32>} : memref<64x128xf32, #tpu.memory_space<vmem>>, vector<16xf32>,
            %get3A_204 = arith.index_cast %scan3A_195 : i32 to index
            %get3A_205 = arith.constant 16 : index
            %get3A_206 = tpu.vector_load %arg13[%get3A_204, %get3A_205] {strides = array<i32>} : memref<64x128xf32, #tpu.memory_space<vmem>>, vector<16xf32>,
            %mul3A_207 = arith.mulf %get3A_206, %gather3A : vector<16xf32>
            %swap3A_208 = arith.index_cast %scan3A_195 : i32 to index
            %swap3A_209 = arith.constant 16 : index
            %swap3A_210 = tpu.vector_load %arg13[%swap3A_208, %swap3A_209] {strides = array<i32>} : memref<64x128xf32, #tpu.memory_space<vmem>>, vector<16xf32>,
            tpu.vector_store %arg13[%swap3A_208, %swap3A_209], %mul3A_207 {strides = array<i32>} : memref<64x128xf32, #tpu.memory_space<vmem>>, vector<16xf32>,
            %get3A_211 = arith.index_cast %scan3A_195 : i32 to index
            %get3A_212 = arith.constant 32 : index
            %get3A_213 = tpu.vector_load %arg13[%get3A_211, %get3A_212] {strides = array<i32>} : memref<64x128xf32, #tpu.memory_space<vmem>>, vector<16xf32>,
            %mul3A_214 = arith.mulf %get3A_213, %gather3A : vector<16xf32>
            %swap3A_215 = arith.index_cast %scan3A_195 : i32 to index
            %swap3A_216 = arith.constant 32 : index
            %swap3A_217 = tpu.vector_load %arg13[%swap3A_215, %swap3A_216] {strides = array<i32>} : memref<64x128xf32, #tpu.memory_space<vmem>>, vector<16xf32>,
            tpu.vector_store %arg13[%swap3A_215, %swap3A_216], %mul3A_214 {strides = array<i32>} : memref<64x128xf32, #tpu.memory_space<vmem>>, vector<16xf32>,
            %get3A_218 = arith.index_cast %scan3A_195 : i32 to index
            %get3A_219 = arith.constant 48 : index
            %get3A_220 = tpu.vector_load %arg13[%get3A_218, %get3A_219] {strides = array<i32>} : memref<64x128xf32, #tpu.memory_space<vmem>>, vector<16xf32>,
            %mul3A_221 = arith.mulf %get3A_220, %gather3A : vector<16xf32>
            %swap3A_222 = arith.index_cast %scan3A_195 : i32 to index
            %swap3A_223 = arith.constant 48 : index
            %swap3A_224 = tpu.vector_load %arg13[%swap3A_222, %swap3A_223] {strides = array<i32>} : memref<64x128xf32, #tpu.memory_space<vmem>>, vector<16xf32>,
            tpu.vector_store %arg13[%swap3A_222, %swap3A_223], %mul3A_221 {strides = array<i32>} : memref<64x128xf32, #tpu.memory_space<vmem>>, vector<16xf32>,
            %get3A_225 = arith.index_cast %scan3A_195 : i32 to index
            %get3A_226 = arith.constant 64 : index
            %get3A_227 = tpu.vector_load %arg13[%get3A_225, %get3A_226] {strides = array<i32>} : memref<64x128xf32, #tpu.memory_space<vmem>>, vector<16xf32>,
            %mul3A_228 = arith.mulf %get3A_227, %gather3A : vector<16xf32>
            %swap3A_229 = arith.index_cast %scan3A_195 : i32 to index
            %swap3A_230 = arith.constant 64 : index
            %swap3A_231 = tpu.vector_load %arg13[%swap3A_229, %swap3A_230] {strides = array<i32>} : memref<64x128xf32, #tpu.memory_space<vmem>>, vector<16xf32>,
            tpu.vector_store %arg13[%swap3A_229, %swap3A_230], %mul3A_228 {strides = array<i32>} : memref<64x128xf32, #tpu.memory_space<vmem>>, vector<16xf32>,
            %get3A_232 = arith.index_cast %scan3A_195 : i32 to index
            %get3A_233 = arith.constant 80 : index
            %get3A_234 = tpu.vector_load %arg13[%get3A_232, %get3A_233] {strides = array<i32>} : memref<64x128xf32, #tpu.memory_space<vmem>>, vector<16xf32>,
            %mul3A_235 = arith.mulf %get3A_234, %gather3A : vector<16xf32>
            %swap3A_236 = arith.index_cast %scan3A_195 : i32 to index
            %swap3A_237 = arith.constant 80 : index
            %swap3A_238 = tpu.vector_load %arg13[%swap3A_236, %swap3A_237] {strides = array<i32>} : memref<64x128xf32, #tpu.memory_space<vmem>>, vector<16xf32>,
            tpu.vector_store %arg13[%swap3A_236, %swap3A_237], %mul3A_235 {strides = array<i32>} : memref<64x128xf32, #tpu.memory_space<vmem>>, vector<16xf32>,
            %get3A_239 = arith.index_cast %scan3A_195 : i32 to index
            %get3A_240 = arith.constant 96 : index
            %get3A_241 = tpu.vector_load %arg13[%get3A_239, %get3A_240] {strides = array<i32>} : memref<64x128xf32, #tpu.memory_space<vmem>>, vector<16xf32>,
            %mul3A_242 = arith.mulf %get3A_241, %gather3A : vector<16xf32>
            %swap3A_243 = arith.index_cast %scan3A_195 : i32 to index
            %swap3A_244 = arith.constant 96 : index
            %swap3A_245 = tpu.vector_load %arg13[%swap3A_243, %swap3A_244] {strides = array<i32>} : memref<64x128xf32, #tpu.memory_space<vmem>>, vector<16xf32>,
            tpu.vector_store %arg13[%swap3A_243, %swap3A_244], %mul3A_242 {strides = array<i32>} : memref<64x128xf32, #tpu.memory_space<vmem>>, vector<16xf32>,
            %get3A_246 = arith.index_cast %scan3A_195 : i32 to index
            %get3A_247 = arith.constant 112 : index
            %get3A_248 = tpu.vector_load %arg13[%get3A_246, %get3A_247] {strides = array<i32>} : memref<64x128xf32, #tpu.memory_space<vmem>>, vector<16xf32>,
            %mul3A_249 = arith.mulf %get3A_248, %gather3A : vector<16xf32>
            %swap3A_250 = arith.index_cast %scan3A_195 : i32 to index
            %swap3A_251 = arith.constant 112 : index
            %swap3A_252 = tpu.vector_load %arg13[%swap3A_250, %swap3A_251] {strides = array<i32>} : memref<64x128xf32, #tpu.memory_space<vmem>>, vector<16xf32>,
            tpu.vector_store %arg13[%swap3A_250, %swap3A_251], %mul3A_249 {strides = array<i32>} : memref<64x128xf32, #tpu.memory_space<vmem>>, vector<16xf32>,
          }
          %scan3A_164 = arith.constant 64 : i32
          %dma_start3A_165 = arith.constant 0 : i32
          %dma_start3A_166 = tpu.memref_slice %arg10[%add3A_150, %dma_start3A_165] : memref<48x64xi32, #tpu.memory_space<vmem>> -> memref<1x64xi32, #tpu.memory_space<vmem>>
          %dma_start3A_167 = tpu.memref_squeeze %dma_start3A_166 : memref<1x64xi32, #tpu.memory_space<vmem>> -> memref<64xi32, #tpu.memory_space<vmem>>
          %dma_start3A_168 = arith.constant 0 : i32
          %dma_start3A_169 = arith.constant 0 : i32
          %dma_start3A_170 = tpu.memref_slice %arg8[%dma_start3A_168, %dma_start3A_169] : memref<10240x128xf32, #tpu.memory_space<vmem_shared>> -> memref<10240x128xf32, #tpu.memory_space<vmem_shared>>
          tpu.enqueue_indirect_dma source(%arg13 : memref<64x128xf32, #tpu.memory_space<vmem>>) target(%dma_start3A_170 : memref<10240x128xf32, #tpu.memory_space<vmem_shared>>) offsets(%dma_start3A_167 : memref<64xi32, #tpu.memory_space<vmem>>) semaphore(%arg22 : memref<!tpu.dma_semaphore, #tpu.memory_space<semaphore_mem>>) {add = true}
          %mul3A_171 = arith.constant 3 : i32
          %mul3A_172 = arith.muli %mul3A_171, %scan3A_121 : i32
          %add3A_173 = arith.constant 2 : i32
          %add3A_174 = arith.addi %mul3A_172, %add3A_173 : i32
          %lt3A_175 = arith.constant 15 : i32
          %lt3A_176 = arith.cmpi slt, %scan3A_121, %lt3A_175 : i32
          %convert_element_type3A_177 = arith.extui %lt3A_176 : i1 to i32
          %cond3A_178 = arith.constant 0 : i32
          %cond3A_179 = arith.cmpi ne, %convert_element_type3A_177, %cond3A_178 : i32
          scf.if %cond3A_179 {
            %add3A_195 = arith.constant 2 : i32
            %add3A_196 = arith.addi %add3A_174, %add3A_195 : i32
            %get3A_197 = arith.index_cast %add3A_196 : i32 to index
            %get3A_198 = arith.constant 0 : index
            %get3A_199 = tpu.vector_load %arg9[%get3A_197, %get3A_198] {strides = array<i32>} : memref<48x64xi32, #tpu.memory_space<vmem>>, vector<16xi32>,
            %add3A_200 = vector.broadcast %mul3A_10 : i32 to vector<16xi32>
            %add3A_201 = arith.addi %get3A_199, %add3A_200 : vector<16xi32>
            %swap3A_202 = arith.constant 0 : index
            %swap3A_203 = tpu.vector_load %arg16[%swap3A_202] {strides = array<i32>} : memref<64xi32, #tpu.memory_space<vmem>>, vector<16xi32>,
            tpu.vector_store %arg16[%swap3A_202], %add3A_201 {strides = array<i32>} : memref<64xi32, #tpu.memory_space<vmem>>, vector<16xi32>,
            %get3A_204 = arith.index_cast %add3A_196 : i32 to index
            %get3A_205 = arith.constant 16 : index
            %get3A_206 = tpu.vector_load %arg9[%get3A_204, %get3A_205] {strides = array<i32>} : memref<48x64xi32, #tpu.memory_space<vmem>>, vector<16xi32>,
            %add3A_207 = vector.broadcast %mul3A_10 : i32 to vector<16xi32>
            %add3A_208 = arith.addi %get3A_206, %add3A_207 : vector<16xi32>
            %swap3A_209 = arith.constant 16 : index
            %swap3A_210 = tpu.vector_load %arg16[%swap3A_209] {strides = array<i32>} : memref<64xi32, #tpu.memory_space<vmem>>, vector<16xi32>,
            tpu.vector_store %arg16[%swap3A_209], %add3A_208 {strides = array<i32>} : memref<64xi32, #tpu.memory_space<vmem>>, vector<16xi32>,
            %get3A_211 = arith.index_cast %add3A_196 : i32 to index
            %get3A_212 = arith.constant 32 : index
            %get3A_213 = tpu.vector_load %arg9[%get3A_211, %get3A_212] {strides = array<i32>} : memref<48x64xi32, #tpu.memory_space<vmem>>, vector<16xi32>,
            %add3A_214 = vector.broadcast %mul3A_10 : i32 to vector<16xi32>
            %add3A_215 = arith.addi %get3A_213, %add3A_214 : vector<16xi32>
            %swap3A_216 = arith.constant 32 : index
            %swap3A_217 = tpu.vector_load %arg16[%swap3A_216] {strides = array<i32>} : memref<64xi32, #tpu.memory_space<vmem>>, vector<16xi32>,
            tpu.vector_store %arg16[%swap3A_216], %add3A_215 {strides = array<i32>} : memref<64xi32, #tpu.memory_space<vmem>>, vector<16xi32>,
            %get3A_218 = arith.index_cast %add3A_196 : i32 to index
            %get3A_219 = arith.constant 48 : index
            %get3A_220 = tpu.vector_load %arg9[%get3A_218, %get3A_219] {strides = array<i32>} : memref<48x64xi32, #tpu.memory_space<vmem>>, vector<16xi32>,
            %add3A_221 = vector.broadcast %mul3A_10 : i32 to vector<16xi32>
            %add3A_222 = arith.addi %get3A_220, %add3A_221 : vector<16xi32>
            %swap3A_223 = arith.constant 48 : index
            %swap3A_224 = tpu.vector_load %arg16[%swap3A_223] {strides = array<i32>} : memref<64xi32, #tpu.memory_space<vmem>>, vector<16xi32>,
            tpu.vector_store %arg16[%swap3A_223], %add3A_222 {strides = array<i32>} : memref<64xi32, #tpu.memory_space<vmem>>, vector<16xi32>,
            %dma_wait3A_225 = arith.constant 0 : i32
            %dma_wait3A_226 = arith.constant 0 : i32
            %dma_wait3A_227 = tpu.memref_slice %arg10[%dma_wait3A_225, %dma_wait3A_226] : memref<48x64xi32, #tpu.memory_space<vmem>> -> memref<1x64xi32, #tpu.memory_space<vmem>>
            %dma_wait3A_228 = tpu.memref_squeeze %dma_wait3A_227 : memref<1x64xi32, #tpu.memory_space<vmem>> -> memref<64xi32, #tpu.memory_space<vmem>>
            %dma_wait3A_229 = arith.constant 0 : i32
            %dma_wait3A_230 = arith.constant 0 : i32
            %dma_wait3A_231 = tpu.memref_slice %arg8[%dma_wait3A_229, %dma_wait3A_230] : memref<10240x128xf32, #tpu.memory_space<vmem_shared>> -> memref<10240x128xf32, #tpu.memory_space<vmem_shared>>
            tpu.wait_indirect_dma semaphore(%arg22 : memref<!tpu.dma_semaphore, #tpu.memory_space<semaphore_mem>>) src(%arg13 : memref<64x128xf32, #tpu.memory_space<vmem>>) dst(%dma_wait3A_231 : memref<10240x128xf32, #tpu.memory_space<vmem_shared>>)
            %dma_start3A_232 = arith.constant 0 : i32
            %dma_start3A_233 = arith.constant 0 : i32
            %dma_start3A_234 = tpu.memref_slice %arg2[%dma_start3A_232, %dma_start3A_233] : memref<120000x128xf32, #tpu.memory_space<hbm>> -> memref<120000x128xf32, #tpu.memory_space<hbm>>
            tpu.enqueue_indirect_dma source(%dma_start3A_234 : memref<120000x128xf32, #tpu.memory_space<hbm>>) target(%arg13 : memref<64x128xf32, #tpu.memory_space<vmem>>) offsets(%arg16 : memref<64xi32, #tpu.memory_space<vmem>>) semaphore(%arg19 : memref<!tpu.dma_semaphore, #tpu.memory_space<semaphore_mem>>)
          } else {
          }
          %dma_wait3A_180 = arith.constant 0 : i32
          %dma_wait3A_181 = arith.constant 0 : i32
          %dma_wait3A_182 = tpu.memref_slice %arg2[%dma_wait3A_180, %dma_wait3A_181] : memref<120000x128xf32, #tpu.memory_space<hbm>> -> memref<120000x128xf32, #tpu.memory_space<hbm>>
          tpu.wait_indirect_dma semaphore(%arg20 : memref<!tpu.dma_semaphore, #tpu.memory_space<semaphore_mem>>) src(%dma_wait3A_182 : memref<120000x128xf32, #tpu.memory_space<hbm>>) dst(%arg14 : memref<64x128xf32, #tpu.memory_space<vmem>>)
          %scan3A_183 = arith.constant 0 : i32
          %scan3A_184 = arith.constant 0 : i32
          %scan3A_185 = arith.constant 64 : i32
          %scan3A_186 = arith.addi %scan3A_184, %scan3A_185 : i32
          %scan3A_187 = arith.constant 1 : i32
          scf.for %scan3A_195 = %scan3A_184 to %scan3A_186 step %scan3A_187  : i32 {
            %broadcast_in_dim3A = vector.broadcast %add3A_174 : i32 to vector<16xi32>
            %broadcast_in_dim3A_196 = vector.broadcast %scan3A_195 : i32 to vector<16xi32>
            %gather3A = tpu.vector_load_idx %arg11[%broadcast_in_dim3A, %broadcast_in_dim3A_196] : memref<48x64xf32, #tpu.memory_space<vmem>>[vector<16xi32>, vector<16xi32>], vector<16xf32>,
            %get3A_197 = arith.index_cast %scan3A_195 : i32 to index
            %get3A_198 = arith.constant 0 : index
            %get3A_199 = tpu.vector_load %arg14[%get3A_197, %get3A_198] {strides = array<i32>} : memref<64x128xf32, #tpu.memory_space<vmem>>, vector<16xf32>,
            %mul3A_200 = arith.mulf %get3A_199, %gather3A : vector<16xf32>
            %swap3A_201 = arith.index_cast %scan3A_195 : i32 to index
            %swap3A_202 = arith.constant 0 : index
            %swap3A_203 = tpu.vector_load %arg14[%swap3A_201, %swap3A_202] {strides = array<i32>} : memref<64x128xf32, #tpu.memory_space<vmem>>, vector<16xf32>,
            tpu.vector_store %arg14[%swap3A_201, %swap3A_202], %mul3A_200 {strides = array<i32>} : memref<64x128xf32, #tpu.memory_space<vmem>>, vector<16xf32>,
            %get3A_204 = arith.index_cast %scan3A_195 : i32 to index
            %get3A_205 = arith.constant 16 : index
            %get3A_206 = tpu.vector_load %arg14[%get3A_204, %get3A_205] {strides = array<i32>} : memref<64x128xf32, #tpu.memory_space<vmem>>, vector<16xf32>,
            %mul3A_207 = arith.mulf %get3A_206, %gather3A : vector<16xf32>
            %swap3A_208 = arith.index_cast %scan3A_195 : i32 to index
            %swap3A_209 = arith.constant 16 : index
            %swap3A_210 = tpu.vector_load %arg14[%swap3A_208, %swap3A_209] {strides = array<i32>} : memref<64x128xf32, #tpu.memory_space<vmem>>, vector<16xf32>,
            tpu.vector_store %arg14[%swap3A_208, %swap3A_209], %mul3A_207 {strides = array<i32>} : memref<64x128xf32, #tpu.memory_space<vmem>>, vector<16xf32>,
            %get3A_211 = arith.index_cast %scan3A_195 : i32 to index
            %get3A_212 = arith.constant 32 : index
            %get3A_213 = tpu.vector_load %arg14[%get3A_211, %get3A_212] {strides = array<i32>} : memref<64x128xf32, #tpu.memory_space<vmem>>, vector<16xf32>,
            %mul3A_214 = arith.mulf %get3A_213, %gather3A : vector<16xf32>
            %swap3A_215 = arith.index_cast %scan3A_195 : i32 to index
            %swap3A_216 = arith.constant 32 : index
            %swap3A_217 = tpu.vector_load %arg14[%swap3A_215, %swap3A_216] {strides = array<i32>} : memref<64x128xf32, #tpu.memory_space<vmem>>, vector<16xf32>,
            tpu.vector_store %arg14[%swap3A_215, %swap3A_216], %mul3A_214 {strides = array<i32>} : memref<64x128xf32, #tpu.memory_space<vmem>>, vector<16xf32>,
            %get3A_218 = arith.index_cast %scan3A_195 : i32 to index
            %get3A_219 = arith.constant 48 : index
            %get3A_220 = tpu.vector_load %arg14[%get3A_218, %get3A_219] {strides = array<i32>} : memref<64x128xf32, #tpu.memory_space<vmem>>, vector<16xf32>,
            %mul3A_221 = arith.mulf %get3A_220, %gather3A : vector<16xf32>
            %swap3A_222 = arith.index_cast %scan3A_195 : i32 to index
            %swap3A_223 = arith.constant 48 : index
            %swap3A_224 = tpu.vector_load %arg14[%swap3A_222, %swap3A_223] {strides = array<i32>} : memref<64x128xf32, #tpu.memory_space<vmem>>, vector<16xf32>,
            tpu.vector_store %arg14[%swap3A_222, %swap3A_223], %mul3A_221 {strides = array<i32>} : memref<64x128xf32, #tpu.memory_space<vmem>>, vector<16xf32>,
            %get3A_225 = arith.index_cast %scan3A_195 : i32 to index
            %get3A_226 = arith.constant 64 : index
            %get3A_227 = tpu.vector_load %arg14[%get3A_225, %get3A_226] {strides = array<i32>} : memref<64x128xf32, #tpu.memory_space<vmem>>, vector<16xf32>,
            %mul3A_228 = arith.mulf %get3A_227, %gather3A : vector<16xf32>
            %swap3A_229 = arith.index_cast %scan3A_195 : i32 to index
            %swap3A_230 = arith.constant 64 : index
            %swap3A_231 = tpu.vector_load %arg14[%swap3A_229, %swap3A_230] {strides = array<i32>} : memref<64x128xf32, #tpu.memory_space<vmem>>, vector<16xf32>,
            tpu.vector_store %arg14[%swap3A_229, %swap3A_230], %mul3A_228 {strides = array<i32>} : memref<64x128xf32, #tpu.memory_space<vmem>>, vector<16xf32>,
            %get3A_232 = arith.index_cast %scan3A_195 : i32 to index
            %get3A_233 = arith.constant 80 : index
            %get3A_234 = tpu.vector_load %arg14[%get3A_232, %get3A_233] {strides = array<i32>} : memref<64x128xf32, #tpu.memory_space<vmem>>, vector<16xf32>,
            %mul3A_235 = arith.mulf %get3A_234, %gather3A : vector<16xf32>
            %swap3A_236 = arith.index_cast %scan3A_195 : i32 to index
            %swap3A_237 = arith.constant 80 : index
            %swap3A_238 = tpu.vector_load %arg14[%swap3A_236, %swap3A_237] {strides = array<i32>} : memref<64x128xf32, #tpu.memory_space<vmem>>, vector<16xf32>,
            tpu.vector_store %arg14[%swap3A_236, %swap3A_237], %mul3A_235 {strides = array<i32>} : memref<64x128xf32, #tpu.memory_space<vmem>>, vector<16xf32>,
            %get3A_239 = arith.index_cast %scan3A_195 : i32 to index
            %get3A_240 = arith.constant 96 : index
            %get3A_241 = tpu.vector_load %arg14[%get3A_239, %get3A_240] {strides = array<i32>} : memref<64x128xf32, #tpu.memory_space<vmem>>, vector<16xf32>,
            %mul3A_242 = arith.mulf %get3A_241, %gather3A : vector<16xf32>
            %swap3A_243 = arith.index_cast %scan3A_195 : i32 to index
            %swap3A_244 = arith.constant 96 : index
            %swap3A_245 = tpu.vector_load %arg14[%swap3A_243, %swap3A_244] {strides = array<i32>} : memref<64x128xf32, #tpu.memory_space<vmem>>, vector<16xf32>,
            tpu.vector_store %arg14[%swap3A_243, %swap3A_244], %mul3A_242 {strides = array<i32>} : memref<64x128xf32, #tpu.memory_space<vmem>>, vector<16xf32>,
            %get3A_246 = arith.index_cast %scan3A_195 : i32 to index
            %get3A_247 = arith.constant 112 : index
            %get3A_248 = tpu.vector_load %arg14[%get3A_246, %get3A_247] {strides = array<i32>} : memref<64x128xf32, #tpu.memory_space<vmem>>, vector<16xf32>,
            %mul3A_249 = arith.mulf %get3A_248, %gather3A : vector<16xf32>
            %swap3A_250 = arith.index_cast %scan3A_195 : i32 to index
            %swap3A_251 = arith.constant 112 : index
            %swap3A_252 = tpu.vector_load %arg14[%swap3A_250, %swap3A_251] {strides = array<i32>} : memref<64x128xf32, #tpu.memory_space<vmem>>, vector<16xf32>,
            tpu.vector_store %arg14[%swap3A_250, %swap3A_251], %mul3A_249 {strides = array<i32>} : memref<64x128xf32, #tpu.memory_space<vmem>>, vector<16xf32>,
          }
          %scan3A_188 = arith.constant 64 : i32
          %dma_start3A_189 = arith.constant 0 : i32
          %dma_start3A_190 = tpu.memref_slice %arg10[%add3A_174, %dma_start3A_189] : memref<48x64xi32, #tpu.memory_space<vmem>> -> memref<1x64xi32, #tpu.memory_space<vmem>>
          %dma_start3A_191 = tpu.memref_squeeze %dma_start3A_190 : memref<1x64xi32, #tpu.memory_space<vmem>> -> memref<64xi32, #tpu.memory_space<vmem>>
          %dma_start3A_192 = arith.constant 0 : i32
          %dma_start3A_193 = arith.constant 0 : i32
          %dma_start3A_194 = tpu.memref_slice %arg8[%dma_start3A_192, %dma_start3A_193] : memref<10240x128xf32, #tpu.memory_space<vmem_shared>> -> memref<10240x128xf32, #tpu.memory_space<vmem_shared>>
          tpu.enqueue_indirect_dma source(%arg14 : memref<64x128xf32, #tpu.memory_space<vmem>>) target(%dma_start3A_194 : memref<10240x128xf32, #tpu.memory_space<vmem_shared>>) offsets(%dma_start3A_191 : memref<64xi32, #tpu.memory_space<vmem>>) semaphore(%arg23 : memref<!tpu.dma_semaphore, #tpu.memory_space<semaphore_mem>>) {add = true}
        }
        %scan3A_100 = arith.constant 16 : i32
        %dma_wait3A = arith.constant 0 : i32
        %dma_wait3A_101 = arith.constant 0 : i32
        %dma_wait3A_102 = tpu.memref_slice %arg10[%dma_wait3A, %dma_wait3A_101] : memref<48x64xi32, #tpu.memory_space<vmem>> -> memref<1x64xi32, #tpu.memory_space<vmem>>
        %dma_wait3A_103 = tpu.memref_squeeze %dma_wait3A_102 : memref<1x64xi32, #tpu.memory_space<vmem>> -> memref<64xi32, #tpu.memory_space<vmem>>
        %dma_wait3A_104 = arith.constant 0 : i32
        %dma_wait3A_105 = arith.constant 0 : i32
        %dma_wait3A_106 = tpu.memref_slice %arg8[%dma_wait3A_104, %dma_wait3A_105] : memref<10240x128xf32, #tpu.memory_space<vmem_shared>> -> memref<10240x128xf32, #tpu.memory_space<vmem_shared>>
        tpu.wait_indirect_dma semaphore(%arg21 : memref<!tpu.dma_semaphore, #tpu.memory_space<semaphore_mem>>) src(%arg12 : memref<64x128xf32, #tpu.memory_space<vmem>>) dst(%dma_wait3A_106 : memref<10240x128xf32, #tpu.memory_space<vmem_shared>>)
        %dma_wait3A_107 = arith.constant 0 : i32
        %dma_wait3A_108 = arith.constant 0 : i32
        %dma_wait3A_109 = tpu.memref_slice %arg10[%dma_wait3A_107, %dma_wait3A_108] : memref<48x64xi32, #tpu.memory_space<vmem>> -> memref<1x64xi32, #tpu.memory_space<vmem>>
        %dma_wait3A_110 = tpu.memref_squeeze %dma_wait3A_109 : memref<1x64xi32, #tpu.memory_space<vmem>> -> memref<64xi32, #tpu.memory_space<vmem>>
        %dma_wait3A_111 = arith.constant 0 : i32
        %dma_wait3A_112 = arith.constant 0 : i32
        %dma_wait3A_113 = tpu.memref_slice %arg8[%dma_wait3A_111, %dma_wait3A_112] : memref<10240x128xf32, #tpu.memory_space<vmem_shared>> -> memref<10240x128xf32, #tpu.memory_space<vmem_shared>>
        tpu.wait_indirect_dma semaphore(%arg22 : memref<!tpu.dma_semaphore, #tpu.memory_space<semaphore_mem>>) src(%arg13 : memref<64x128xf32, #tpu.memory_space<vmem>>) dst(%dma_wait3A_113 : memref<10240x128xf32, #tpu.memory_space<vmem_shared>>)
        %dma_wait3A_114 = arith.constant 0 : i32
        %dma_wait3A_115 = arith.constant 0 : i32
        %dma_wait3A_116 = tpu.memref_slice %arg10[%dma_wait3A_114, %dma_wait3A_115] : memref<48x64xi32, #tpu.memory_space<vmem>> -> memref<1x64xi32, #tpu.memory_space<vmem>>
        %dma_wait3A_117 = tpu.memref_squeeze %dma_wait3A_116 : memref<1x64xi32, #tpu.memory_space<vmem>> -> memref<64xi32, #tpu.memory_space<vmem>>
        %dma_wait3A_118 = arith.constant 0 : i32
        %dma_wait3A_119 = arith.constant 0 : i32
        %dma_wait3A_120 = tpu.memref_slice %arg8[%dma_wait3A_118, %dma_wait3A_119] : memref<10240x128xf32, #tpu.memory_space<vmem_shared>> -> memref<10240x128xf32, #tpu.memory_space<vmem_shared>>
        tpu.wait_indirect_dma semaphore(%arg23 : memref<!tpu.dma_semaphore, #tpu.memory_space<semaphore_mem>>) src(%arg14 : memref<64x128xf32, #tpu.memory_space<vmem>>) dst(%dma_wait3A_120 : memref<10240x128xf32, #tpu.memory_space<vmem_shared>>)
      }
      %scan3A_20 = arith.constant 7 : i32
      %barrier3A_21 = arith.constant 0 : index
      tpu.barrier barrier_id(%barrier3A_21)
      %add3A_22 = arith.addi %mul3A_12, %mul3A_14 : i32
      "tpu.region"() ({
        %run_scoped3A = tpu.sem_alloc : memref<!tpu.dma_semaphore, #tpu.memory_space<semaphore_mem>>
        %dma_start3A = arith.constant 0 : i32
        %dma_start3A_24 = tpu.memref_slice %arg7[%add3A_22, %dma_start3A] : memref<122880x128xf32, #tpu.memory_space<hbm>> -> memref<640x128xf32, #tpu.memory_space<hbm>>
        %dma_start3A_25 = arith.constant 0 : i32
        %dma_start3A_26 = tpu.memref_slice %arg8[%mul3A_14, %dma_start3A_25] : memref<10240x128xf32, #tpu.memory_space<vmem_shared>> -> memref<640x128xf32, #tpu.memory_space<vmem_shared>>
        tpu.enqueue_dma source(%dma_start3A_26 : memref<640x128xf32, #tpu.memory_space<vmem_shared>>) target(%dma_start3A_24 : memref<640x128xf32, #tpu.memory_space<hbm>>) target_semaphore(%run_scoped3A : memref<!tpu.dma_semaphore, #tpu.memory_space<semaphore_mem>>)
        %dma_wait3A = arith.constant 0 : i32
        %dma_wait3A_27 = tpu.memref_slice %arg7[%add3A_22, %dma_wait3A] : memref<122880x128xf32, #tpu.memory_space<hbm>> -> memref<640x128xf32, #tpu.memory_space<hbm>>
        %dma_wait3A_28 = arith.constant 0 : i32
        %dma_wait3A_29 = tpu.memref_slice %arg8[%mul3A_14, %dma_wait3A_28] : memref<10240x128xf32, #tpu.memory_space<vmem_shared>> -> memref<640x128xf32, #tpu.memory_space<vmem_shared>>
        tpu.wait_dma2 semaphore(%run_scoped3A : memref<!tpu.dma_semaphore, #tpu.memory_space<semaphore_mem>>) src(%dma_wait3A_29 : memref<640x128xf32, #tpu.memory_space<vmem_shared>>) dst(%dma_wait3A_27 : memref<640x128xf32, #tpu.memory_space<hbm>>)
        tpu.yield
      }) : () -> ()
      %barrier3A_23 = arith.constant 0 : index
      tpu.barrier barrier_id(%barrier3A_23)
    }
    %scan3A_5 = arith.constant 6 : i32
    return
  }
}

#map = affine_map<(d0, d1) -> (0, 0)>
module attributes {stable_mosaic.version = 14 : i64} {
  func.func @_norm_body(%arg0: i32, %arg1: i32, %arg2: memref<5376x64xi32, #tpu.memory_space<hbm>>, %arg3: memref<5376x64xi32, #tpu.memory_space<hbm>>, %arg4: memref<5376x64xf32, #tpu.memory_space<hbm>>, %arg5: memref<5376x64xf32, #tpu.memory_space<hbm>>, %arg6: memref<10240xf32, #tpu.memory_space<vmem_shared>>, %arg7: memref<48x64xi32, #tpu.memory_space<vmem>>, %arg8: memref<48x64xi32, #tpu.memory_space<vmem>>, %arg9: memref<48x64xf32, #tpu.memory_space<vmem>>, %arg10: memref<48x64xf32, #tpu.memory_space<vmem>>, %arg11: memref<10240xf32, #tpu.memory_space<vmem>>, %arg12: memref<640xf32, #tpu.memory_space<vmem>>, %arg13: memref<256xf32, #tpu.memory_space<vmem>>) attributes {dimension_semantics = [#tpu.dimension_semantics<core_parallel>, #tpu.dimension_semantics<subcore_parallel>], iteration_bounds = array<i64: 2, 16>, scalar_prefetch = 0 : i64, scratch_operands = 8 : i64, tpu.core_type = #tpu.core_type<sc_vector_subcore>, window_params = [{transform_indices = #map}, {transform_indices = #map}, {transform_indices = #map}, {transform_indices = #map}]} {
    %broadcast_in_dim3A = arith.constant 0.000000e+00 : f32
    %broadcast_in_dim3A_0 = vector.broadcast %broadcast_in_dim3A : f32 to vector<16xf32>
    %swap3A = arith.constant 0 : index
    %swap3A_1 = tpu.vector_load %arg13[%swap3A] {strides = array<i32>} : memref<256xf32, #tpu.memory_space<vmem>>, vector<16xf32>,
    tpu.vector_store %arg13[%swap3A], %broadcast_in_dim3A_0 {strides = array<i32>} : memref<256xf32, #tpu.memory_space<vmem>>, vector<16xf32>,
    %broadcast_in_dim3A_2 = arith.constant 0.000000e+00 : f32
    %broadcast_in_dim3A_3 = vector.broadcast %broadcast_in_dim3A_2 : f32 to vector<16xf32>
    %swap3A_4 = arith.constant 16 : index
    %swap3A_5 = tpu.vector_load %arg13[%swap3A_4] {strides = array<i32>} : memref<256xf32, #tpu.memory_space<vmem>>, vector<16xf32>,
    tpu.vector_store %arg13[%swap3A_4], %broadcast_in_dim3A_3 {strides = array<i32>} : memref<256xf32, #tpu.memory_space<vmem>>, vector<16xf32>,
    %broadcast_in_dim3A_6 = arith.constant 0.000000e+00 : f32
    %broadcast_in_dim3A_7 = vector.broadcast %broadcast_in_dim3A_6 : f32 to vector<16xf32>
    %swap3A_8 = arith.constant 32 : index
    %swap3A_9 = tpu.vector_load %arg13[%swap3A_8] {strides = array<i32>} : memref<256xf32, #tpu.memory_space<vmem>>, vector<16xf32>,
    tpu.vector_store %arg13[%swap3A_8], %broadcast_in_dim3A_7 {strides = array<i32>} : memref<256xf32, #tpu.memory_space<vmem>>, vector<16xf32>,
    %broadcast_in_dim3A_10 = arith.constant 0.000000e+00 : f32
    %broadcast_in_dim3A_11 = vector.broadcast %broadcast_in_dim3A_10 : f32 to vector<16xf32>
    %swap3A_12 = arith.constant 48 : index
    %swap3A_13 = tpu.vector_load %arg13[%swap3A_12] {strides = array<i32>} : memref<256xf32, #tpu.memory_space<vmem>>, vector<16xf32>,
    tpu.vector_store %arg13[%swap3A_12], %broadcast_in_dim3A_11 {strides = array<i32>} : memref<256xf32, #tpu.memory_space<vmem>>, vector<16xf32>,
    %broadcast_in_dim3A_14 = arith.constant 0.000000e+00 : f32
    %broadcast_in_dim3A_15 = vector.broadcast %broadcast_in_dim3A_14 : f32 to vector<16xf32>
    %swap3A_16 = arith.constant 64 : index
    %swap3A_17 = tpu.vector_load %arg13[%swap3A_16] {strides = array<i32>} : memref<256xf32, #tpu.memory_space<vmem>>, vector<16xf32>,
    tpu.vector_store %arg13[%swap3A_16], %broadcast_in_dim3A_15 {strides = array<i32>} : memref<256xf32, #tpu.memory_space<vmem>>, vector<16xf32>,
    %broadcast_in_dim3A_18 = arith.constant 0.000000e+00 : f32
    %broadcast_in_dim3A_19 = vector.broadcast %broadcast_in_dim3A_18 : f32 to vector<16xf32>
    %swap3A_20 = arith.constant 80 : index
    %swap3A_21 = tpu.vector_load %arg13[%swap3A_20] {strides = array<i32>} : memref<256xf32, #tpu.memory_space<vmem>>, vector<16xf32>,
    tpu.vector_store %arg13[%swap3A_20], %broadcast_in_dim3A_19 {strides = array<i32>} : memref<256xf32, #tpu.memory_space<vmem>>, vector<16xf32>,
    %broadcast_in_dim3A_22 = arith.constant 0.000000e+00 : f32
    %broadcast_in_dim3A_23 = vector.broadcast %broadcast_in_dim3A_22 : f32 to vector<16xf32>
    %swap3A_24 = arith.constant 96 : index
    %swap3A_25 = tpu.vector_load %arg13[%swap3A_24] {strides = array<i32>} : memref<256xf32, #tpu.memory_space<vmem>>, vector<16xf32>,
    tpu.vector_store %arg13[%swap3A_24], %broadcast_in_dim3A_23 {strides = array<i32>} : memref<256xf32, #tpu.memory_space<vmem>>, vector<16xf32>,
    %broadcast_in_dim3A_26 = arith.constant 0.000000e+00 : f32
    %broadcast_in_dim3A_27 = vector.broadcast %broadcast_in_dim3A_26 : f32 to vector<16xf32>
    %swap3A_28 = arith.constant 112 : index
    %swap3A_29 = tpu.vector_load %arg13[%swap3A_28] {strides = array<i32>} : memref<256xf32, #tpu.memory_space<vmem>>, vector<16xf32>,
    tpu.vector_store %arg13[%swap3A_28], %broadcast_in_dim3A_27 {strides = array<i32>} : memref<256xf32, #tpu.memory_space<vmem>>, vector<16xf32>,
    %broadcast_in_dim3A_30 = arith.constant 0.000000e+00 : f32
    %broadcast_in_dim3A_31 = vector.broadcast %broadcast_in_dim3A_30 : f32 to vector<16xf32>
    %swap3A_32 = arith.constant 128 : index
    %swap3A_33 = tpu.vector_load %arg13[%swap3A_32] {strides = array<i32>} : memref<256xf32, #tpu.memory_space<vmem>>, vector<16xf32>,
    tpu.vector_store %arg13[%swap3A_32], %broadcast_in_dim3A_31 {strides = array<i32>} : memref<256xf32, #tpu.memory_space<vmem>>, vector<16xf32>,
    %broadcast_in_dim3A_34 = arith.constant 0.000000e+00 : f32
    %broadcast_in_dim3A_35 = vector.broadcast %broadcast_in_dim3A_34 : f32 to vector<16xf32>
    %swap3A_36 = arith.constant 144 : index
    %swap3A_37 = tpu.vector_load %arg13[%swap3A_36] {strides = array<i32>} : memref<256xf32, #tpu.memory_space<vmem>>, vector<16xf32>,
    tpu.vector_store %arg13[%swap3A_36], %broadcast_in_dim3A_35 {strides = array<i32>} : memref<256xf32, #tpu.memory_space<vmem>>, vector<16xf32>,
    %broadcast_in_dim3A_38 = arith.constant 0.000000e+00 : f32
    %broadcast_in_dim3A_39 = vector.broadcast %broadcast_in_dim3A_38 : f32 to vector<16xf32>
    %swap3A_40 = arith.constant 160 : index
    %swap3A_41 = tpu.vector_load %arg13[%swap3A_40] {strides = array<i32>} : memref<256xf32, #tpu.memory_space<vmem>>, vector<16xf32>,
    tpu.vector_store %arg13[%swap3A_40], %broadcast_in_dim3A_39 {strides = array<i32>} : memref<256xf32, #tpu.memory_space<vmem>>, vector<16xf32>,
    %broadcast_in_dim3A_42 = arith.constant 0.000000e+00 : f32
    %broadcast_in_dim3A_43 = vector.broadcast %broadcast_in_dim3A_42 : f32 to vector<16xf32>
    %swap3A_44 = arith.constant 176 : index
    %swap3A_45 = tpu.vector_load %arg13[%swap3A_44] {strides = array<i32>} : memref<256xf32, #tpu.memory_space<vmem>>, vector<16xf32>,
    tpu.vector_store %arg13[%swap3A_44], %broadcast_in_dim3A_43 {strides = array<i32>} : memref<256xf32, #tpu.memory_space<vmem>>, vector<16xf32>,
    %broadcast_in_dim3A_46 = arith.constant 0.000000e+00 : f32
    %broadcast_in_dim3A_47 = vector.broadcast %broadcast_in_dim3A_46 : f32 to vector<16xf32>
    %swap3A_48 = arith.constant 192 : index
    %swap3A_49 = tpu.vector_load %arg13[%swap3A_48] {strides = array<i32>} : memref<256xf32, #tpu.memory_space<vmem>>, vector<16xf32>,
    tpu.vector_store %arg13[%swap3A_48], %broadcast_in_dim3A_47 {strides = array<i32>} : memref<256xf32, #tpu.memory_space<vmem>>, vector<16xf32>,
    %broadcast_in_dim3A_50 = arith.constant 0.000000e+00 : f32
    %broadcast_in_dim3A_51 = vector.broadcast %broadcast_in_dim3A_50 : f32 to vector<16xf32>
    %swap3A_52 = arith.constant 208 : index
    %swap3A_53 = tpu.vector_load %arg13[%swap3A_52] {strides = array<i32>} : memref<256xf32, #tpu.memory_space<vmem>>, vector<16xf32>,
    tpu.vector_store %arg13[%swap3A_52], %broadcast_in_dim3A_51 {strides = array<i32>} : memref<256xf32, #tpu.memory_space<vmem>>, vector<16xf32>,
    %broadcast_in_dim3A_54 = arith.constant 0.000000e+00 : f32
    %broadcast_in_dim3A_55 = vector.broadcast %broadcast_in_dim3A_54 : f32 to vector<16xf32>
    %swap3A_56 = arith.constant 224 : index
    %swap3A_57 = tpu.vector_load %arg13[%swap3A_56] {strides = array<i32>} : memref<256xf32, #tpu.memory_space<vmem>>, vector<16xf32>,
    tpu.vector_store %arg13[%swap3A_56], %broadcast_in_dim3A_55 {strides = array<i32>} : memref<256xf32, #tpu.memory_space<vmem>>, vector<16xf32>,
    %broadcast_in_dim3A_58 = arith.constant 0.000000e+00 : f32
    %broadcast_in_dim3A_59 = vector.broadcast %broadcast_in_dim3A_58 : f32 to vector<16xf32>
    %swap3A_60 = arith.constant 240 : index
    %swap3A_61 = tpu.vector_load %arg13[%swap3A_60] {strides = array<i32>} : memref<256xf32, #tpu.memory_space<vmem>>, vector<16xf32>,
    tpu.vector_store %arg13[%swap3A_60], %broadcast_in_dim3A_59 {strides = array<i32>} : memref<256xf32, #tpu.memory_space<vmem>>, vector<16xf32>,
    %mul3A = arith.constant 640 : i32
    %mul3A_62 = arith.muli %arg1, %mul3A : i32
    "tpu.region"() ({
      %run_scoped3A = tpu.sem_alloc : memref<!tpu.dma_semaphore, #tpu.memory_space<semaphore_mem>>
      %dma_start3A = tpu.memref_slice %arg6[%mul3A_62] : memref<10240xf32, #tpu.memory_space<vmem_shared>> -> memref<256xf32, #tpu.memory_space<vmem_shared>>
      %dma_start3A_1516 = tpu.memref_slice %arg6[%mul3A_62] : memref<10240xf32, #tpu.memory_space<vmem_shared>> -> memref<256xf32, #tpu.memory_space<vmem_shared>>
      tpu.enqueue_dma source(%arg13 : memref<256xf32, #tpu.memory_space<vmem>>) target(%dma_start3A_1516 : memref<256xf32, #tpu.memory_space<vmem_shared>>) target_semaphore(%run_scoped3A : memref<!tpu.dma_semaphore, #tpu.memory_space<semaphore_mem>>)
      %dma_wait3A = tpu.memref_slice %arg6[%mul3A_62] : memref<10240xf32, #tpu.memory_space<vmem_shared>> -> memref<256xf32, #tpu.memory_space<vmem_shared>>
      %dma_wait3A_1517 = tpu.memref_slice %arg6[%mul3A_62] : memref<10240xf32, #tpu.memory_space<vmem_shared>> -> memref<256xf32, #tpu.memory_space<vmem_shared>>
      tpu.wait_dma2 semaphore(%run_scoped3A : memref<!tpu.dma_semaphore, #tpu.memory_space<semaphore_mem>>) src(%arg13 : memref<256xf32, #tpu.memory_space<vmem>>) dst(%dma_wait3A_1517 : memref<256xf32, #tpu.memory_space<vmem_shared>>)
      tpu.yield
    }) : () -> ()
    %mul3A_63 = arith.constant 640 : i32
    %mul3A_64 = arith.muli %arg1, %mul3A_63 : i32
    %add3A = arith.constant 256 : i32
    %add3A_65 = arith.addi %mul3A_64, %add3A : i32
    "tpu.region"() ({
      %run_scoped3A = tpu.sem_alloc : memref<!tpu.dma_semaphore, #tpu.memory_space<semaphore_mem>>
      %dma_start3A = tpu.memref_slice %arg6[%add3A_65] : memref<10240xf32, #tpu.memory_space<vmem_shared>> -> memref<256xf32, #tpu.memory_space<vmem_shared>>
      %dma_start3A_1516 = tpu.memref_slice %arg6[%add3A_65] : memref<10240xf32, #tpu.memory_space<vmem_shared>> -> memref<256xf32, #tpu.memory_space<vmem_shared>>
      tpu.enqueue_dma source(%arg13 : memref<256xf32, #tpu.memory_space<vmem>>) target(%dma_start3A_1516 : memref<256xf32, #tpu.memory_space<vmem_shared>>) target_semaphore(%run_scoped3A : memref<!tpu.dma_semaphore, #tpu.memory_space<semaphore_mem>>)
      %dma_wait3A = tpu.memref_slice %arg6[%add3A_65] : memref<10240xf32, #tpu.memory_space<vmem_shared>> -> memref<256xf32, #tpu.memory_space<vmem_shared>>
      %dma_wait3A_1517 = tpu.memref_slice %arg6[%add3A_65] : memref<10240xf32, #tpu.memory_space<vmem_shared>> -> memref<256xf32, #tpu.memory_space<vmem_shared>>
      tpu.wait_dma2 semaphore(%run_scoped3A : memref<!tpu.dma_semaphore, #tpu.memory_space<semaphore_mem>>) src(%arg13 : memref<256xf32, #tpu.memory_space<vmem>>) dst(%dma_wait3A_1517 : memref<256xf32, #tpu.memory_space<vmem_shared>>)
      tpu.yield
    }) : () -> ()
    %mul3A_66 = arith.constant 640 : i32
    %mul3A_67 = arith.muli %arg1, %mul3A_66 : i32
    %add3A_68 = arith.constant 512 : i32
    %add3A_69 = arith.addi %mul3A_67, %add3A_68 : i32
    "tpu.region"() ({
      %run_scoped3A = tpu.sem_alloc : memref<!tpu.dma_semaphore, #tpu.memory_space<semaphore_mem>>
      %dma_start3A = arith.constant 0 : i32
      %dma_start3A_1516 = tpu.memref_slice %arg13[%dma_start3A] : memref<256xf32, #tpu.memory_space<vmem>> -> memref<128xf32, #tpu.memory_space<vmem>>
      %dma_start3A_1517 = tpu.memref_slice %arg6[%add3A_69] : memref<10240xf32, #tpu.memory_space<vmem_shared>> -> memref<128xf32, #tpu.memory_space<vmem_shared>>
      %dma_start3A_1518 = tpu.memref_slice %arg6[%add3A_69] : memref<10240xf32, #tpu.memory_space<vmem_shared>> -> memref<128xf32, #tpu.memory_space<vmem_shared>>
      %dma_start3A_1519 = arith.constant 0 : i32
      %dma_start3A_1520 = tpu.memref_slice %arg13[%dma_start3A_1519] : memref<256xf32, #tpu.memory_space<vmem>> -> memref<128xf32, #tpu.memory_space<vmem>>
      tpu.enqueue_dma source(%dma_start3A_1520 : memref<128xf32, #tpu.memory_space<vmem>>) target(%dma_start3A_1518 : memref<128xf32, #tpu.memory_space<vmem_shared>>) target_semaphore(%run_scoped3A : memref<!tpu.dma_semaphore, #tpu.memory_space<semaphore_mem>>)
      %dma_wait3A = arith.constant 0 : i32
      %dma_wait3A_1521 = tpu.memref_slice %arg13[%dma_wait3A] : memref<256xf32, #tpu.memory_space<vmem>> -> memref<128xf32, #tpu.memory_space<vmem>>
      %dma_wait3A_1522 = tpu.memref_slice %arg6[%add3A_69] : memref<10240xf32, #tpu.memory_space<vmem_shared>> -> memref<128xf32, #tpu.memory_space<vmem_shared>>
      %dma_wait3A_1523 = tpu.memref_slice %arg6[%add3A_69] : memref<10240xf32, #tpu.memory_space<vmem_shared>> -> memref<128xf32, #tpu.memory_space<vmem_shared>>
      %dma_wait3A_1524 = arith.constant 0 : i32
      %dma_wait3A_1525 = tpu.memref_slice %arg13[%dma_wait3A_1524] : memref<256xf32, #tpu.memory_space<vmem>> -> memref<128xf32, #tpu.memory_space<vmem>>
      tpu.wait_dma2 semaphore(%run_scoped3A : memref<!tpu.dma_semaphore, #tpu.memory_space<semaphore_mem>>) src(%dma_wait3A_1525 : memref<128xf32, #tpu.memory_space<vmem>>) dst(%dma_wait3A_1523 : memref<128xf32, #tpu.memory_space<vmem_shared>>)
      tpu.yield
    }) : () -> ()
    %barrier3A = arith.constant 0 : index
    tpu.barrier barrier_id(%barrier3A)
    %eq3A = arith.constant 0 : i32
    %eq3A_70 = arith.cmpi eq, %arg0, %eq3A : i32
    %convert_element_type3A = arith.extui %eq3A_70 : i1 to i32
    %cond3A = arith.constant 0 : i32
    %cond3A_71 = arith.cmpi ne, %convert_element_type3A, %cond3A : i32
    scf.if %cond3A_71 {
      %mul3A_1516 = arith.constant 336 : i32
      %mul3A_1517 = arith.muli %arg1, %mul3A_1516 : i32
      %add3A_1518 = arith.constant 0 : i32
      %add3A_1519 = arith.addi %mul3A_1517, %add3A_1518 : i32
      "tpu.region"() ({
        %run_scoped3A = tpu.sem_alloc : memref<!tpu.dma_semaphore, #tpu.memory_space<semaphore_mem>>
        %dma_start3A = arith.constant 0 : i32
        %dma_start3A_1573 = tpu.memref_slice %arg3[%add3A_1519, %dma_start3A] : memref<5376x64xi32, #tpu.memory_space<hbm>> -> memref<48x64xi32, #tpu.memory_space<hbm>>
        %dma_start3A_1574 = arith.constant 0 : i32
        %dma_start3A_1575 = tpu.memref_slice %arg3[%add3A_1519, %dma_start3A_1574] : memref<5376x64xi32, #tpu.memory_space<hbm>> -> memref<48x64xi32, #tpu.memory_space<hbm>>
        tpu.enqueue_dma source(%dma_start3A_1575 : memref<48x64xi32, #tpu.memory_space<hbm>>) target(%arg8 : memref<48x64xi32, #tpu.memory_space<vmem>>) target_semaphore(%run_scoped3A : memref<!tpu.dma_semaphore, #tpu.memory_space<semaphore_mem>>)
        %dma_wait3A = arith.constant 0 : i32
        %dma_wait3A_1576 = tpu.memref_slice %arg3[%add3A_1519, %dma_wait3A] : memref<5376x64xi32, #tpu.memory_space<hbm>> -> memref<48x64xi32, #tpu.memory_space<hbm>>
        %dma_wait3A_1577 = arith.constant 0 : i32
        %dma_wait3A_1578 = tpu.memref_slice %arg3[%add3A_1519, %dma_wait3A_1577] : memref<5376x64xi32, #tpu.memory_space<hbm>> -> memref<48x64xi32, #tpu.memory_space<hbm>>
        tpu.wait_dma2 semaphore(%run_scoped3A : memref<!tpu.dma_semaphore, #tpu.memory_space<semaphore_mem>>) src(%dma_wait3A_1578 : memref<48x64xi32, #tpu.memory_space<hbm>>) dst(%arg8 : memref<48x64xi32, #tpu.memory_space<vmem>>)
        tpu.yield
      }) : () -> ()
      "tpu.region"() ({
        %run_scoped3A = tpu.sem_alloc : memref<!tpu.dma_semaphore, #tpu.memory_space<semaphore_mem>>
        %dma_start3A = arith.constant 0 : i32
        %dma_start3A_1573 = tpu.memref_slice %arg4[%add3A_1519, %dma_start3A] : memref<5376x64xf32, #tpu.memory_space<hbm>> -> memref<48x64xf32, #tpu.memory_space<hbm>>
        %dma_start3A_1574 = arith.constant 0 : i32
        %dma_start3A_1575 = tpu.memref_slice %arg4[%add3A_1519, %dma_start3A_1574] : memref<5376x64xf32, #tpu.memory_space<hbm>> -> memref<48x64xf32, #tpu.memory_space<hbm>>
        tpu.enqueue_dma source(%dma_start3A_1575 : memref<48x64xf32, #tpu.memory_space<hbm>>) target(%arg9 : memref<48x64xf32, #tpu.memory_space<vmem>>) target_semaphore(%run_scoped3A : memref<!tpu.dma_semaphore, #tpu.memory_space<semaphore_mem>>)
        %dma_wait3A = arith.constant 0 : i32
        %dma_wait3A_1576 = tpu.memref_slice %arg4[%add3A_1519, %dma_wait3A] : memref<5376x64xf32, #tpu.memory_space<hbm>> -> memref<48x64xf32, #tpu.memory_space<hbm>>
        %dma_wait3A_1577 = arith.constant 0 : i32
        %dma_wait3A_1578 = tpu.memref_slice %arg4[%add3A_1519, %dma_wait3A_1577] : memref<5376x64xf32, #tpu.memory_space<hbm>> -> memref<48x64xf32, #tpu.memory_space<hbm>>
        tpu.wait_dma2 semaphore(%run_scoped3A : memref<!tpu.dma_semaphore, #tpu.memory_space<semaphore_mem>>) src(%dma_wait3A_1578 : memref<48x64xf32, #tpu.memory_space<hbm>>) dst(%arg9 : memref<48x64xf32, #tpu.memory_space<vmem>>)
        tpu.yield
      }) : () -> ()
      %scan3A = arith.constant 0 : i32
      %scan3A_1520 = arith.constant 0 : i32
      %scan3A_1521 = arith.constant 48 : i32
      %scan3A_1522 = arith.addi %scan3A_1520, %scan3A_1521 : i32
      %scan3A_1523 = arith.constant 1 : i32
      scf.for %scan3A_1573 = %scan3A_1520 to %scan3A_1522 step %scan3A_1523  : i32 {
        "tpu.region"() ({
          %run_scoped3A = tpu.sem_alloc : memref<!tpu.dma_semaphore, #tpu.memory_space<semaphore_mem>>
          %dma_start3A = arith.constant 0 : i32
          %dma_start3A_1574 = tpu.memref_slice %arg9[%scan3A_1573, %dma_start3A] : memref<48x64xf32, #tpu.memory_space<vmem>> -> memref<1x64xf32, #tpu.memory_space<vmem>>
          %dma_start3A_1575 = tpu.memref_squeeze %dma_start3A_1574 : memref<1x64xf32, #tpu.memory_space<vmem>> -> memref<64xf32, #tpu.memory_space<vmem>>
          %dma_start3A_1576 = arith.constant 0 : i32
          %dma_start3A_1577 = tpu.memref_slice %arg8[%scan3A_1573, %dma_start3A_1576] : memref<48x64xi32, #tpu.memory_space<vmem>> -> memref<1x64xi32, #tpu.memory_space<vmem>>
          %dma_start3A_1578 = tpu.memref_squeeze %dma_start3A_1577 : memref<1x64xi32, #tpu.memory_space<vmem>> -> memref<64xi32, #tpu.memory_space<vmem>>
          %dma_start3A_1579 = arith.constant 0 : i32
          %dma_start3A_1580 = tpu.memref_slice %arg6[%dma_start3A_1579] : memref<10240xf32, #tpu.memory_space<vmem_shared>> -> memref<10240xf32, #tpu.memory_space<vmem_shared>>
          tpu.enqueue_indirect_dma source(%dma_start3A_1575 : memref<64xf32, #tpu.memory_space<vmem>>) target(%dma_start3A_1580 : memref<10240xf32, #tpu.memory_space<vmem_shared>>) offsets(%dma_start3A_1578 : memref<64xi32, #tpu.memory_space<vmem>>) semaphore(%run_scoped3A : memref<!tpu.dma_semaphore, #tpu.memory_space<semaphore_mem>>) {add = true}
          %dma_wait3A = arith.constant 0 : i32
          %dma_wait3A_1581 = tpu.memref_slice %arg9[%scan3A_1573, %dma_wait3A] : memref<48x64xf32, #tpu.memory_space<vmem>> -> memref<1x64xf32, #tpu.memory_space<vmem>>
          %dma_wait3A_1582 = tpu.memref_squeeze %dma_wait3A_1581 : memref<1x64xf32, #tpu.memory_space<vmem>> -> memref<64xf32, #tpu.memory_space<vmem>>
          %dma_wait3A_1583 = arith.constant 0 : i32
          %dma_wait3A_1584 = tpu.memref_slice %arg8[%scan3A_1573, %dma_wait3A_1583] : memref<48x64xi32, #tpu.memory_space<vmem>> -> memref<1x64xi32, #tpu.memory_space<vmem>>
          %dma_wait3A_1585 = tpu.memref_squeeze %dma_wait3A_1584 : memref<1x64xi32, #tpu.memory_space<vmem>> -> memref<64xi32, #tpu.memory_space<vmem>>
          %dma_wait3A_1586 = arith.constant 0 : i32
          %dma_wait3A_1587 = tpu.memref_slice %arg6[%dma_wait3A_1586] : memref<10240xf32, #tpu.memory_space<vmem_shared>> -> memref<10240xf32, #tpu.memory_space<vmem_shared>>
          tpu.wait_indirect_dma semaphore(%run_scoped3A : memref<!tpu.dma_semaphore, #tpu.memory_space<semaphore_mem>>) src(%dma_wait3A_1582 : memref<64xf32, #tpu.memory_space<vmem>>) dst(%dma_wait3A_1587 : memref<10240xf32, #tpu.memory_space<vmem_shared>>)
          tpu.yield
        }) : () -> ()
      }
      %scan3A_1524 = arith.constant 48 : i32
      %add3A_1525 = arith.constant 48 : i32
      %add3A_1526 = arith.addi %mul3A_1517, %add3A_1525 : i32
      "tpu.region"() ({
        %run_scoped3A = tpu.sem_alloc : memref<!tpu.dma_semaphore, #tpu.memory_space<semaphore_mem>>
        %dma_start3A = arith.constant 0 : i32
        %dma_start3A_1573 = tpu.memref_slice %arg3[%add3A_1526, %dma_start3A] : memref<5376x64xi32, #tpu.memory_space<hbm>> -> memref<48x64xi32, #tpu.memory_space<hbm>>
        %dma_start3A_1574 = arith.constant 0 : i32
        %dma_start3A_1575 = tpu.memref_slice %arg3[%add3A_1526, %dma_start3A_1574] : memref<5376x64xi32, #tpu.memory_space<hbm>> -> memref<48x64xi32, #tpu.memory_space<hbm>>
        tpu.enqueue_dma source(%dma_start3A_1575 : memref<48x64xi32, #tpu.memory_space<hbm>>) target(%arg8 : memref<48x64xi32, #tpu.memory_space<vmem>>) target_semaphore(%run_scoped3A : memref<!tpu.dma_semaphore, #tpu.memory_space<semaphore_mem>>)
        %dma_wait3A = arith.constant 0 : i32
        %dma_wait3A_1576 = tpu.memref_slice %arg3[%add3A_1526, %dma_wait3A] : memref<5376x64xi32, #tpu.memory_space<hbm>> -> memref<48x64xi32, #tpu.memory_space<hbm>>
        %dma_wait3A_1577 = arith.constant 0 : i32
        %dma_wait3A_1578 = tpu.memref_slice %arg3[%add3A_1526, %dma_wait3A_1577] : memref<5376x64xi32, #tpu.memory_space<hbm>> -> memref<48x64xi32, #tpu.memory_space<hbm>>
        tpu.wait_dma2 semaphore(%run_scoped3A : memref<!tpu.dma_semaphore, #tpu.memory_space<semaphore_mem>>) src(%dma_wait3A_1578 : memref<48x64xi32, #tpu.memory_space<hbm>>) dst(%arg8 : memref<48x64xi32, #tpu.memory_space<vmem>>)
        tpu.yield
      }) : () -> ()
      "tpu.region"() ({
        %run_scoped3A = tpu.sem_alloc : memref<!tpu.dma_semaphore, #tpu.memory_space<semaphore_mem>>
        %dma_start3A = arith.constant 0 : i32
        %dma_start3A_1573 = tpu.memref_slice %arg4[%add3A_1526, %dma_start3A] : memref<5376x64xf32, #tpu.memory_space<hbm>> -> memref<48x64xf32, #tpu.memory_space<hbm>>
        %dma_start3A_1574 = arith.constant 0 : i32
        %dma_start3A_1575 = tpu.memref_slice %arg4[%add3A_1526, %dma_start3A_1574] : memref<5376x64xf32, #tpu.memory_space<hbm>> -> memref<48x64xf32, #tpu.memory_space<hbm>>
        tpu.enqueue_dma source(%dma_start3A_1575 : memref<48x64xf32, #tpu.memory_space<hbm>>) target(%arg9 : memref<48x64xf32, #tpu.memory_space<vmem>>) target_semaphore(%run_scoped3A : memref<!tpu.dma_semaphore, #tpu.memory_space<semaphore_mem>>)
        %dma_wait3A = arith.constant 0 : i32
        %dma_wait3A_1576 = tpu.memref_slice %arg4[%add3A_1526, %dma_wait3A] : memref<5376x64xf32, #tpu.memory_space<hbm>> -> memref<48x64xf32, #tpu.memory_space<hbm>>
        %dma_wait3A_1577 = arith.constant 0 : i32
        %dma_wait3A_1578 = tpu.memref_slice %arg4[%add3A_1526, %dma_wait3A_1577] : memref<5376x64xf32, #tpu.memory_space<hbm>> -> memref<48x64xf32, #tpu.memory_space<hbm>>
        tpu.wait_dma2 semaphore(%run_scoped3A : memref<!tpu.dma_semaphore, #tpu.memory_space<semaphore_mem>>) src(%dma_wait3A_1578 : memref<48x64xf32, #tpu.memory_space<hbm>>) dst(%arg9 : memref<48x64xf32, #tpu.memory_space<vmem>>)
        tpu.yield
      }) : () -> ()
      %scan3A_1527 = arith.constant 0 : i32
      %scan3A_1528 = arith.constant 0 : i32
      %scan3A_1529 = arith.constant 48 : i32
      %scan3A_1530 = arith.addi %scan3A_1528, %scan3A_1529 : i32
      %scan3A_1531 = arith.constant 1 : i32
      scf.for %scan3A_1573 = %scan3A_1528 to %scan3A_1530 step %scan3A_1531  : i32 {
        "tpu.region"() ({
          %run_scoped3A = tpu.sem_alloc : memref<!tpu.dma_semaphore, #tpu.memory_space<semaphore_mem>>
          %dma_start3A = arith.constant 0 : i32
          %dma_start3A_1574 = tpu.memref_slice %arg9[%scan3A_1573, %dma_start3A] : memref<48x64xf32, #tpu.memory_space<vmem>> -> memref<1x64xf32, #tpu.memory_space<vmem>>
          %dma_start3A_1575 = tpu.memref_squeeze %dma_start3A_1574 : memref<1x64xf32, #tpu.memory_space<vmem>> -> memref<64xf32, #tpu.memory_space<vmem>>
          %dma_start3A_1576 = arith.constant 0 : i32
          %dma_start3A_1577 = tpu.memref_slice %arg8[%scan3A_1573, %dma_start3A_1576] : memref<48x64xi32, #tpu.memory_space<vmem>> -> memref<1x64xi32, #tpu.memory_space<vmem>>
          %dma_start3A_1578 = tpu.memref_squeeze %dma_start3A_1577 : memref<1x64xi32, #tpu.memory_space<vmem>> -> memref<64xi32, #tpu.memory_space<vmem>>
          %dma_start3A_1579 = arith.constant 0 : i32
          %dma_start3A_1580 = tpu.memref_slice %arg6[%dma_start3A_1579] : memref<10240xf32, #tpu.memory_space<vmem_shared>> -> memref<10240xf32, #tpu.memory_space<vmem_shared>>
          tpu.enqueue_indirect_dma source(%dma_start3A_1575 : memref<64xf32, #tpu.memory_space<vmem>>) target(%dma_start3A_1580 : memref<10240xf32, #tpu.memory_space<vmem_shared>>) offsets(%dma_start3A_1578 : memref<64xi32, #tpu.memory_space<vmem>>) semaphore(%run_scoped3A : memref<!tpu.dma_semaphore, #tpu.memory_space<semaphore_mem>>) {add = true}
          %dma_wait3A = arith.constant 0 : i32
          %dma_wait3A_1581 = tpu.memref_slice %arg9[%scan3A_1573, %dma_wait3A] : memref<48x64xf32, #tpu.memory_space<vmem>> -> memref<1x64xf32, #tpu.memory_space<vmem>>
          %dma_wait3A_1582 = tpu.memref_squeeze %dma_wait3A_1581 : memref<1x64xf32, #tpu.memory_space<vmem>> -> memref<64xf32, #tpu.memory_space<vmem>>
          %dma_wait3A_1583 = arith.constant 0 : i32
          %dma_wait3A_1584 = tpu.memref_slice %arg8[%scan3A_1573, %dma_wait3A_1583] : memref<48x64xi32, #tpu.memory_space<vmem>> -> memref<1x64xi32, #tpu.memory_space<vmem>>
          %dma_wait3A_1585 = tpu.memref_squeeze %dma_wait3A_1584 : memref<1x64xi32, #tpu.memory_space<vmem>> -> memref<64xi32, #tpu.memory_space<vmem>>
          %dma_wait3A_1586 = arith.constant 0 : i32
          %dma_wait3A_1587 = tpu.memref_slice %arg6[%dma_wait3A_1586] : memref<10240xf32, #tpu.memory_space<vmem_shared>> -> memref<10240xf32, #tpu.memory_space<vmem_shared>>
          tpu.wait_indirect_dma semaphore(%run_scoped3A : memref<!tpu.dma_semaphore, #tpu.memory_space<semaphore_mem>>) src(%dma_wait3A_1582 : memref<64xf32, #tpu.memory_space<vmem>>) dst(%dma_wait3A_1587 : memref<10240xf32, #tpu.memory_space<vmem_shared>>)
          tpu.yield
        }) : () -> ()
      }
      %scan3A_1532 = arith.constant 48 : i32
      %add3A_1533 = arith.constant 96 : i32
      %add3A_1534 = arith.addi %mul3A_1517, %add3A_1533 : i32
      "tpu.region"() ({
        %run_scoped3A = tpu.sem_alloc : memref<!tpu.dma_semaphore, #tpu.memory_space<semaphore_mem>>
        %dma_start3A = arith.constant 0 : i32
        %dma_start3A_1573 = tpu.memref_slice %arg3[%add3A_1534, %dma_start3A] : memref<5376x64xi32, #tpu.memory_space<hbm>> -> memref<48x64xi32, #tpu.memory_space<hbm>>
        %dma_start3A_1574 = arith.constant 0 : i32
        %dma_start3A_1575 = tpu.memref_slice %arg3[%add3A_1534, %dma_start3A_1574] : memref<5376x64xi32, #tpu.memory_space<hbm>> -> memref<48x64xi32, #tpu.memory_space<hbm>>
        tpu.enqueue_dma source(%dma_start3A_1575 : memref<48x64xi32, #tpu.memory_space<hbm>>) target(%arg8 : memref<48x64xi32, #tpu.memory_space<vmem>>) target_semaphore(%run_scoped3A : memref<!tpu.dma_semaphore, #tpu.memory_space<semaphore_mem>>)
        %dma_wait3A = arith.constant 0 : i32
        %dma_wait3A_1576 = tpu.memref_slice %arg3[%add3A_1534, %dma_wait3A] : memref<5376x64xi32, #tpu.memory_space<hbm>> -> memref<48x64xi32, #tpu.memory_space<hbm>>
        %dma_wait3A_1577 = arith.constant 0 : i32
        %dma_wait3A_1578 = tpu.memref_slice %arg3[%add3A_1534, %dma_wait3A_1577] : memref<5376x64xi32, #tpu.memory_space<hbm>> -> memref<48x64xi32, #tpu.memory_space<hbm>>
        tpu.wait_dma2 semaphore(%run_scoped3A : memref<!tpu.dma_semaphore, #tpu.memory_space<semaphore_mem>>) src(%dma_wait3A_1578 : memref<48x64xi32, #tpu.memory_space<hbm>>) dst(%arg8 : memref<48x64xi32, #tpu.memory_space<vmem>>)
        tpu.yield
      }) : () -> ()
      "tpu.region"() ({
        %run_scoped3A = tpu.sem_alloc : memref<!tpu.dma_semaphore, #tpu.memory_space<semaphore_mem>>
        %dma_start3A = arith.constant 0 : i32
        %dma_start3A_1573 = tpu.memref_slice %arg4[%add3A_1534, %dma_start3A] : memref<5376x64xf32, #tpu.memory_space<hbm>> -> memref<48x64xf32, #tpu.memory_space<hbm>>
        %dma_start3A_1574 = arith.constant 0 : i32
        %dma_start3A_1575 = tpu.memref_slice %arg4[%add3A_1534, %dma_start3A_1574] : memref<5376x64xf32, #tpu.memory_space<hbm>> -> memref<48x64xf32, #tpu.memory_space<hbm>>
        tpu.enqueue_dma source(%dma_start3A_1575 : memref<48x64xf32, #tpu.memory_space<hbm>>) target(%arg9 : memref<48x64xf32, #tpu.memory_space<vmem>>) target_semaphore(%run_scoped3A : memref<!tpu.dma_semaphore, #tpu.memory_space<semaphore_mem>>)
        %dma_wait3A = arith.constant 0 : i32
        %dma_wait3A_1576 = tpu.memref_slice %arg4[%add3A_1534, %dma_wait3A] : memref<5376x64xf32, #tpu.memory_space<hbm>> -> memref<48x64xf32, #tpu.memory_space<hbm>>
        %dma_wait3A_1577 = arith.constant 0 : i32
        %dma_wait3A_1578 = tpu.memref_slice %arg4[%add3A_1534, %dma_wait3A_1577] : memref<5376x64xf32, #tpu.memory_space<hbm>> -> memref<48x64xf32, #tpu.memory_space<hbm>>
        tpu.wait_dma2 semaphore(%run_scoped3A : memref<!tpu.dma_semaphore, #tpu.memory_space<semaphore_mem>>) src(%dma_wait3A_1578 : memref<48x64xf32, #tpu.memory_space<hbm>>) dst(%arg9 : memref<48x64xf32, #tpu.memory_space<vmem>>)
        tpu.yield
      }) : () -> ()
      %scan3A_1535 = arith.constant 0 : i32
      %scan3A_1536 = arith.constant 0 : i32
      %scan3A_1537 = arith.constant 48 : i32
      %scan3A_1538 = arith.addi %scan3A_1536, %scan3A_1537 : i32
      %scan3A_1539 = arith.constant 1 : i32
      scf.for %scan3A_1573 = %scan3A_1536 to %scan3A_1538 step %scan3A_1539  : i32 {
        "tpu.region"() ({
          %run_scoped3A = tpu.sem_alloc : memref<!tpu.dma_semaphore, #tpu.memory_space<semaphore_mem>>
          %dma_start3A = arith.constant 0 : i32
          %dma_start3A_1574 = tpu.memref_slice %arg9[%scan3A_1573, %dma_start3A] : memref<48x64xf32, #tpu.memory_space<vmem>> -> memref<1x64xf32, #tpu.memory_space<vmem>>
          %dma_start3A_1575 = tpu.memref_squeeze %dma_start3A_1574 : memref<1x64xf32, #tpu.memory_space<vmem>> -> memref<64xf32, #tpu.memory_space<vmem>>
          %dma_start3A_1576 = arith.constant 0 : i32
          %dma_start3A_1577 = tpu.memref_slice %arg8[%scan3A_1573, %dma_start3A_1576] : memref<48x64xi32, #tpu.memory_space<vmem>> -> memref<1x64xi32, #tpu.memory_space<vmem>>
          %dma_start3A_1578 = tpu.memref_squeeze %dma_start3A_1577 : memref<1x64xi32, #tpu.memory_space<vmem>> -> memref<64xi32, #tpu.memory_space<vmem>>
          %dma_start3A_1579 = arith.constant 0 : i32
          %dma_start3A_1580 = tpu.memref_slice %arg6[%dma_start3A_1579] : memref<10240xf32, #tpu.memory_space<vmem_shared>> -> memref<10240xf32, #tpu.memory_space<vmem_shared>>
          tpu.enqueue_indirect_dma source(%dma_start3A_1575 : memref<64xf32, #tpu.memory_space<vmem>>) target(%dma_start3A_1580 : memref<10240xf32, #tpu.memory_space<vmem_shared>>) offsets(%dma_start3A_1578 : memref<64xi32, #tpu.memory_space<vmem>>) semaphore(%run_scoped3A : memref<!tpu.dma_semaphore, #tpu.memory_space<semaphore_mem>>) {add = true}
          %dma_wait3A = arith.constant 0 : i32
          %dma_wait3A_1581 = tpu.memref_slice %arg9[%scan3A_1573, %dma_wait3A] : memref<48x64xf32, #tpu.memory_space<vmem>> -> memref<1x64xf32, #tpu.memory_space<vmem>>
          %dma_wait3A_1582 = tpu.memref_squeeze %dma_wait3A_1581 : memref<1x64xf32, #tpu.memory_space<vmem>> -> memref<64xf32, #tpu.memory_space<vmem>>
          %dma_wait3A_1583 = arith.constant 0 : i32
          %dma_wait3A_1584 = tpu.memref_slice %arg8[%scan3A_1573, %dma_wait3A_1583] : memref<48x64xi32, #tpu.memory_space<vmem>> -> memref<1x64xi32, #tpu.memory_space<vmem>>
          %dma_wait3A_1585 = tpu.memref_squeeze %dma_wait3A_1584 : memref<1x64xi32, #tpu.memory_space<vmem>> -> memref<64xi32, #tpu.memory_space<vmem>>
          %dma_wait3A_1586 = arith.constant 0 : i32
          %dma_wait3A_1587 = tpu.memref_slice %arg6[%dma_wait3A_1586] : memref<10240xf32, #tpu.memory_space<vmem_shared>> -> memref<10240xf32, #tpu.memory_space<vmem_shared>>
          tpu.wait_indirect_dma semaphore(%run_scoped3A : memref<!tpu.dma_semaphore, #tpu.memory_space<semaphore_mem>>) src(%dma_wait3A_1582 : memref<64xf32, #tpu.memory_space<vmem>>) dst(%dma_wait3A_1587 : memref<10240xf32, #tpu.memory_space<vmem_shared>>)
          tpu.yield
        }) : () -> ()
      }
      %scan3A_1540 = arith.constant 48 : i32
      %add3A_1541 = arith.constant 144 : i32
      %add3A_1542 = arith.addi %mul3A_1517, %add3A_1541 : i32
      "tpu.region"() ({
        %run_scoped3A = tpu.sem_alloc : memref<!tpu.dma_semaphore, #tpu.memory_space<semaphore_mem>>
        %dma_start3A = arith.constant 0 : i32
        %dma_start3A_1573 = tpu.memref_slice %arg3[%add3A_1542, %dma_start3A] : memref<5376x64xi32, #tpu.memory_space<hbm>> -> memref<48x64xi32, #tpu.memory_space<hbm>>
        %dma_start3A_1574 = arith.constant 0 : i32
        %dma_start3A_1575 = tpu.memref_slice %arg3[%add3A_1542, %dma_start3A_1574] : memref<5376x64xi32, #tpu.memory_space<hbm>> -> memref<48x64xi32, #tpu.memory_space<hbm>>
        tpu.enqueue_dma source(%dma_start3A_1575 : memref<48x64xi32, #tpu.memory_space<hbm>>) target(%arg8 : memref<48x64xi32, #tpu.memory_space<vmem>>) target_semaphore(%run_scoped3A : memref<!tpu.dma_semaphore, #tpu.memory_space<semaphore_mem>>)
        %dma_wait3A = arith.constant 0 : i32
        %dma_wait3A_1576 = tpu.memref_slice %arg3[%add3A_1542, %dma_wait3A] : memref<5376x64xi32, #tpu.memory_space<hbm>> -> memref<48x64xi32, #tpu.memory_space<hbm>>
        %dma_wait3A_1577 = arith.constant 0 : i32
        %dma_wait3A_1578 = tpu.memref_slice %arg3[%add3A_1542, %dma_wait3A_1577] : memref<5376x64xi32, #tpu.memory_space<hbm>> -> memref<48x64xi32, #tpu.memory_space<hbm>>
        tpu.wait_dma2 semaphore(%run_scoped3A : memref<!tpu.dma_semaphore, #tpu.memory_space<semaphore_mem>>) src(%dma_wait3A_1578 : memref<48x64xi32, #tpu.memory_space<hbm>>) dst(%arg8 : memref<48x64xi32, #tpu.memory_space<vmem>>)
        tpu.yield
      }) : () -> ()
      "tpu.region"() ({
        %run_scoped3A = tpu.sem_alloc : memref<!tpu.dma_semaphore, #tpu.memory_space<semaphore_mem>>
        %dma_start3A = arith.constant 0 : i32
        %dma_start3A_1573 = tpu.memref_slice %arg4[%add3A_1542, %dma_start3A] : memref<5376x64xf32, #tpu.memory_space<hbm>> -> memref<48x64xf32, #tpu.memory_space<hbm>>
        %dma_start3A_1574 = arith.constant 0 : i32
        %dma_start3A_1575 = tpu.memref_slice %arg4[%add3A_1542, %dma_start3A_1574] : memref<5376x64xf32, #tpu.memory_space<hbm>> -> memref<48x64xf32, #tpu.memory_space<hbm>>
        tpu.enqueue_dma source(%dma_start3A_1575 : memref<48x64xf32, #tpu.memory_space<hbm>>) target(%arg9 : memref<48x64xf32, #tpu.memory_space<vmem>>) target_semaphore(%run_scoped3A : memref<!tpu.dma_semaphore, #tpu.memory_space<semaphore_mem>>)
        %dma_wait3A = arith.constant 0 : i32
        %dma_wait3A_1576 = tpu.memref_slice %arg4[%add3A_1542, %dma_wait3A] : memref<5376x64xf32, #tpu.memory_space<hbm>> -> memref<48x64xf32, #tpu.memory_space<hbm>>
        %dma_wait3A_1577 = arith.constant 0 : i32
        %dma_wait3A_1578 = tpu.memref_slice %arg4[%add3A_1542, %dma_wait3A_1577] : memref<5376x64xf32, #tpu.memory_space<hbm>> -> memref<48x64xf32, #tpu.memory_space<hbm>>
        tpu.wait_dma2 semaphore(%run_scoped3A : memref<!tpu.dma_semaphore, #tpu.memory_space<semaphore_mem>>) src(%dma_wait3A_1578 : memref<48x64xf32, #tpu.memory_space<hbm>>) dst(%arg9 : memref<48x64xf32, #tpu.memory_space<vmem>>)
        tpu.yield
      }) : () -> ()
      %scan3A_1543 = arith.constant 0 : i32
      %scan3A_1544 = arith.constant 0 : i32
      %scan3A_1545 = arith.constant 48 : i32
      %scan3A_1546 = arith.addi %scan3A_1544, %scan3A_1545 : i32
      %scan3A_1547 = arith.constant 1 : i32
      scf.for %scan3A_1573 = %scan3A_1544 to %scan3A_1546 step %scan3A_1547  : i32 {
        "tpu.region"() ({
          %run_scoped3A = tpu.sem_alloc : memref<!tpu.dma_semaphore, #tpu.memory_space<semaphore_mem>>
          %dma_start3A = arith.constant 0 : i32
          %dma_start3A_1574 = tpu.memref_slice %arg9[%scan3A_1573, %dma_start3A] : memref<48x64xf32, #tpu.memory_space<vmem>> -> memref<1x64xf32, #tpu.memory_space<vmem>>
          %dma_start3A_1575 = tpu.memref_squeeze %dma_start3A_1574 : memref<1x64xf32, #tpu.memory_space<vmem>> -> memref<64xf32, #tpu.memory_space<vmem>>
          %dma_start3A_1576 = arith.constant 0 : i32
          %dma_start3A_1577 = tpu.memref_slice %arg8[%scan3A_1573, %dma_start3A_1576] : memref<48x64xi32, #tpu.memory_space<vmem>> -> memref<1x64xi32, #tpu.memory_space<vmem>>
          %dma_start3A_1578 = tpu.memref_squeeze %dma_start3A_1577 : memref<1x64xi32, #tpu.memory_space<vmem>> -> memref<64xi32, #tpu.memory_space<vmem>>
          %dma_start3A_1579 = arith.constant 0 : i32
          %dma_start3A_1580 = tpu.memref_slice %arg6[%dma_start3A_1579] : memref<10240xf32, #tpu.memory_space<vmem_shared>> -> memref<10240xf32, #tpu.memory_space<vmem_shared>>
          tpu.enqueue_indirect_dma source(%dma_start3A_1575 : memref<64xf32, #tpu.memory_space<vmem>>) target(%dma_start3A_1580 : memref<10240xf32, #tpu.memory_space<vmem_shared>>) offsets(%dma_start3A_1578 : memref<64xi32, #tpu.memory_space<vmem>>) semaphore(%run_scoped3A : memref<!tpu.dma_semaphore, #tpu.memory_space<semaphore_mem>>) {add = true}
          %dma_wait3A = arith.constant 0 : i32
          %dma_wait3A_1581 = tpu.memref_slice %arg9[%scan3A_1573, %dma_wait3A] : memref<48x64xf32, #tpu.memory_space<vmem>> -> memref<1x64xf32, #tpu.memory_space<vmem>>
          %dma_wait3A_1582 = tpu.memref_squeeze %dma_wait3A_1581 : memref<1x64xf32, #tpu.memory_space<vmem>> -> memref<64xf32, #tpu.memory_space<vmem>>
          %dma_wait3A_1583 = arith.constant 0 : i32
          %dma_wait3A_1584 = tpu.memref_slice %arg8[%scan3A_1573, %dma_wait3A_1583] : memref<48x64xi32, #tpu.memory_space<vmem>> -> memref<1x64xi32, #tpu.memory_space<vmem>>
          %dma_wait3A_1585 = tpu.memref_squeeze %dma_wait3A_1584 : memref<1x64xi32, #tpu.memory_space<vmem>> -> memref<64xi32, #tpu.memory_space<vmem>>
          %dma_wait3A_1586 = arith.constant 0 : i32
          %dma_wait3A_1587 = tpu.memref_slice %arg6[%dma_wait3A_1586] : memref<10240xf32, #tpu.memory_space<vmem_shared>> -> memref<10240xf32, #tpu.memory_space<vmem_shared>>
          tpu.wait_indirect_dma semaphore(%run_scoped3A : memref<!tpu.dma_semaphore, #tpu.memory_space<semaphore_mem>>) src(%dma_wait3A_1582 : memref<64xf32, #tpu.memory_space<vmem>>) dst(%dma_wait3A_1587 : memref<10240xf32, #tpu.memory_space<vmem_shared>>)
          tpu.yield
        }) : () -> ()
      }
      %scan3A_1548 = arith.constant 48 : i32
      %add3A_1549 = arith.constant 192 : i32
      %add3A_1550 = arith.addi %mul3A_1517, %add3A_1549 : i32
      "tpu.region"() ({
        %run_scoped3A = tpu.sem_alloc : memref<!tpu.dma_semaphore, #tpu.memory_space<semaphore_mem>>
        %dma_start3A = arith.constant 0 : i32
        %dma_start3A_1573 = tpu.memref_slice %arg3[%add3A_1550, %dma_start3A] : memref<5376x64xi32, #tpu.memory_space<hbm>> -> memref<48x64xi32, #tpu.memory_space<hbm>>
        %dma_start3A_1574 = arith.constant 0 : i32
        %dma_start3A_1575 = tpu.memref_slice %arg3[%add3A_1550, %dma_start3A_1574] : memref<5376x64xi32, #tpu.memory_space<hbm>> -> memref<48x64xi32, #tpu.memory_space<hbm>>
        tpu.enqueue_dma source(%dma_start3A_1575 : memref<48x64xi32, #tpu.memory_space<hbm>>) target(%arg8 : memref<48x64xi32, #tpu.memory_space<vmem>>) target_semaphore(%run_scoped3A : memref<!tpu.dma_semaphore, #tpu.memory_space<semaphore_mem>>)
        %dma_wait3A = arith.constant 0 : i32
        %dma_wait3A_1576 = tpu.memref_slice %arg3[%add3A_1550, %dma_wait3A] : memref<5376x64xi32, #tpu.memory_space<hbm>> -> memref<48x64xi32, #tpu.memory_space<hbm>>
        %dma_wait3A_1577 = arith.constant 0 : i32
        %dma_wait3A_1578 = tpu.memref_slice %arg3[%add3A_1550, %dma_wait3A_1577] : memref<5376x64xi32, #tpu.memory_space<hbm>> -> memref<48x64xi32, #tpu.memory_space<hbm>>
        tpu.wait_dma2 semaphore(%run_scoped3A : memref<!tpu.dma_semaphore, #tpu.memory_space<semaphore_mem>>) src(%dma_wait3A_1578 : memref<48x64xi32, #tpu.memory_space<hbm>>) dst(%arg8 : memref<48x64xi32, #tpu.memory_space<vmem>>)
        tpu.yield
      }) : () -> ()
      "tpu.region"() ({
        %run_scoped3A = tpu.sem_alloc : memref<!tpu.dma_semaphore, #tpu.memory_space<semaphore_mem>>
        %dma_start3A = arith.constant 0 : i32
        %dma_start3A_1573 = tpu.memref_slice %arg4[%add3A_1550, %dma_start3A] : memref<5376x64xf32, #tpu.memory_space<hbm>> -> memref<48x64xf32, #tpu.memory_space<hbm>>
        %dma_start3A_1574 = arith.constant 0 : i32
        %dma_start3A_1575 = tpu.memref_slice %arg4[%add3A_1550, %dma_start3A_1574] : memref<5376x64xf32, #tpu.memory_space<hbm>> -> memref<48x64xf32, #tpu.memory_space<hbm>>
        tpu.enqueue_dma source(%dma_start3A_1575 : memref<48x64xf32, #tpu.memory_space<hbm>>) target(%arg9 : memref<48x64xf32, #tpu.memory_space<vmem>>) target_semaphore(%run_scoped3A : memref<!tpu.dma_semaphore, #tpu.memory_space<semaphore_mem>>)
        %dma_wait3A = arith.constant 0 : i32
        %dma_wait3A_1576 = tpu.memref_slice %arg4[%add3A_1550, %dma_wait3A] : memref<5376x64xf32, #tpu.memory_space<hbm>> -> memref<48x64xf32, #tpu.memory_space<hbm>>
        %dma_wait3A_1577 = arith.constant 0 : i32
        %dma_wait3A_1578 = tpu.memref_slice %arg4[%add3A_1550, %dma_wait3A_1577] : memref<5376x64xf32, #tpu.memory_space<hbm>> -> memref<48x64xf32, #tpu.memory_space<hbm>>
        tpu.wait_dma2 semaphore(%run_scoped3A : memref<!tpu.dma_semaphore, #tpu.memory_space<semaphore_mem>>) src(%dma_wait3A_1578 : memref<48x64xf32, #tpu.memory_space<hbm>>) dst(%arg9 : memref<48x64xf32, #tpu.memory_space<vmem>>)
        tpu.yield
      }) : () -> ()
      %scan3A_1551 = arith.constant 0 : i32
      %scan3A_1552 = arith.constant 0 : i32
      %scan3A_1553 = arith.constant 48 : i32
      %scan3A_1554 = arith.addi %scan3A_1552, %scan3A_1553 : i32
      %scan3A_1555 = arith.constant 1 : i32
      scf.for %scan3A_1573 = %scan3A_1552 to %scan3A_1554 step %scan3A_1555  : i32 {
        "tpu.region"() ({
          %run_scoped3A = tpu.sem_alloc : memref<!tpu.dma_semaphore, #tpu.memory_space<semaphore_mem>>
          %dma_start3A = arith.constant 0 : i32
          %dma_start3A_1574 = tpu.memref_slice %arg9[%scan3A_1573, %dma_start3A] : memref<48x64xf32, #tpu.memory_space<vmem>> -> memref<1x64xf32, #tpu.memory_space<vmem>>
          %dma_start3A_1575 = tpu.memref_squeeze %dma_start3A_1574 : memref<1x64xf32, #tpu.memory_space<vmem>> -> memref<64xf32, #tpu.memory_space<vmem>>
          %dma_start3A_1576 = arith.constant 0 : i32
          %dma_start3A_1577 = tpu.memref_slice %arg8[%scan3A_1573, %dma_start3A_1576] : memref<48x64xi32, #tpu.memory_space<vmem>> -> memref<1x64xi32, #tpu.memory_space<vmem>>
          %dma_start3A_1578 = tpu.memref_squeeze %dma_start3A_1577 : memref<1x64xi32, #tpu.memory_space<vmem>> -> memref<64xi32, #tpu.memory_space<vmem>>
          %dma_start3A_1579 = arith.constant 0 : i32
          %dma_start3A_1580 = tpu.memref_slice %arg6[%dma_start3A_1579] : memref<10240xf32, #tpu.memory_space<vmem_shared>> -> memref<10240xf32, #tpu.memory_space<vmem_shared>>
          tpu.enqueue_indirect_dma source(%dma_start3A_1575 : memref<64xf32, #tpu.memory_space<vmem>>) target(%dma_start3A_1580 : memref<10240xf32, #tpu.memory_space<vmem_shared>>) offsets(%dma_start3A_1578 : memref<64xi32, #tpu.memory_space<vmem>>) semaphore(%run_scoped3A : memref<!tpu.dma_semaphore, #tpu.memory_space<semaphore_mem>>) {add = true}
          %dma_wait3A = arith.constant 0 : i32
          %dma_wait3A_1581 = tpu.memref_slice %arg9[%scan3A_1573, %dma_wait3A] : memref<48x64xf32, #tpu.memory_space<vmem>> -> memref<1x64xf32, #tpu.memory_space<vmem>>
          %dma_wait3A_1582 = tpu.memref_squeeze %dma_wait3A_1581 : memref<1x64xf32, #tpu.memory_space<vmem>> -> memref<64xf32, #tpu.memory_space<vmem>>
          %dma_wait3A_1583 = arith.constant 0 : i32
          %dma_wait3A_1584 = tpu.memref_slice %arg8[%scan3A_1573, %dma_wait3A_1583] : memref<48x64xi32, #tpu.memory_space<vmem>> -> memref<1x64xi32, #tpu.memory_space<vmem>>
          %dma_wait3A_1585 = tpu.memref_squeeze %dma_wait3A_1584 : memref<1x64xi32, #tpu.memory_space<vmem>> -> memref<64xi32, #tpu.memory_space<vmem>>
          %dma_wait3A_1586 = arith.constant 0 : i32
          %dma_wait3A_1587 = tpu.memref_slice %arg6[%dma_wait3A_1586] : memref<10240xf32, #tpu.memory_space<vmem_shared>> -> memref<10240xf32, #tpu.memory_space<vmem_shared>>
          tpu.wait_indirect_dma semaphore(%run_scoped3A : memref<!tpu.dma_semaphore, #tpu.memory_space<semaphore_mem>>) src(%dma_wait3A_1582 : memref<64xf32, #tpu.memory_space<vmem>>) dst(%dma_wait3A_1587 : memref<10240xf32, #tpu.memory_space<vmem_shared>>)
          tpu.yield
        }) : () -> ()
      }
      %scan3A_1556 = arith.constant 48 : i32
      %add3A_1557 = arith.constant 240 : i32
      %add3A_1558 = arith.addi %mul3A_1517, %add3A_1557 : i32
      "tpu.region"() ({
        %run_scoped3A = tpu.sem_alloc : memref<!tpu.dma_semaphore, #tpu.memory_space<semaphore_mem>>
        %dma_start3A = arith.constant 0 : i32
        %dma_start3A_1573 = tpu.memref_slice %arg3[%add3A_1558, %dma_start3A] : memref<5376x64xi32, #tpu.memory_space<hbm>> -> memref<48x64xi32, #tpu.memory_space<hbm>>
        %dma_start3A_1574 = arith.constant 0 : i32
        %dma_start3A_1575 = tpu.memref_slice %arg3[%add3A_1558, %dma_start3A_1574] : memref<5376x64xi32, #tpu.memory_space<hbm>> -> memref<48x64xi32, #tpu.memory_space<hbm>>
        tpu.enqueue_dma source(%dma_start3A_1575 : memref<48x64xi32, #tpu.memory_space<hbm>>) target(%arg8 : memref<48x64xi32, #tpu.memory_space<vmem>>) target_semaphore(%run_scoped3A : memref<!tpu.dma_semaphore, #tpu.memory_space<semaphore_mem>>)
        %dma_wait3A = arith.constant 0 : i32
        %dma_wait3A_1576 = tpu.memref_slice %arg3[%add3A_1558, %dma_wait3A] : memref<5376x64xi32, #tpu.memory_space<hbm>> -> memref<48x64xi32, #tpu.memory_space<hbm>>
        %dma_wait3A_1577 = arith.constant 0 : i32
        %dma_wait3A_1578 = tpu.memref_slice %arg3[%add3A_1558, %dma_wait3A_1577] : memref<5376x64xi32, #tpu.memory_space<hbm>> -> memref<48x64xi32, #tpu.memory_space<hbm>>
        tpu.wait_dma2 semaphore(%run_scoped3A : memref<!tpu.dma_semaphore, #tpu.memory_space<semaphore_mem>>) src(%dma_wait3A_1578 : memref<48x64xi32, #tpu.memory_space<hbm>>) dst(%arg8 : memref<48x64xi32, #tpu.memory_space<vmem>>)
        tpu.yield
      }) : () -> ()
      "tpu.region"() ({
        %run_scoped3A = tpu.sem_alloc : memref<!tpu.dma_semaphore, #tpu.memory_space<semaphore_mem>>
        %dma_start3A = arith.constant 0 : i32
        %dma_start3A_1573 = tpu.memref_slice %arg4[%add3A_1558, %dma_start3A] : memref<5376x64xf32, #tpu.memory_space<hbm>> -> memref<48x64xf32, #tpu.memory_space<hbm>>
        %dma_start3A_1574 = arith.constant 0 : i32
        %dma_start3A_1575 = tpu.memref_slice %arg4[%add3A_1558, %dma_start3A_1574] : memref<5376x64xf32, #tpu.memory_space<hbm>> -> memref<48x64xf32, #tpu.memory_space<hbm>>
        tpu.enqueue_dma source(%dma_start3A_1575 : memref<48x64xf32, #tpu.memory_space<hbm>>) target(%arg9 : memref<48x64xf32, #tpu.memory_space<vmem>>) target_semaphore(%run_scoped3A : memref<!tpu.dma_semaphore, #tpu.memory_space<semaphore_mem>>)
        %dma_wait3A = arith.constant 0 : i32
        %dma_wait3A_1576 = tpu.memref_slice %arg4[%add3A_1558, %dma_wait3A] : memref<5376x64xf32, #tpu.memory_space<hbm>> -> memref<48x64xf32, #tpu.memory_space<hbm>>
        %dma_wait3A_1577 = arith.constant 0 : i32
        %dma_wait3A_1578 = tpu.memref_slice %arg4[%add3A_1558, %dma_wait3A_1577] : memref<5376x64xf32, #tpu.memory_space<hbm>> -> memref<48x64xf32, #tpu.memory_space<hbm>>
        tpu.wait_dma2 semaphore(%run_scoped3A : memref<!tpu.dma_semaphore, #tpu.memory_space<semaphore_mem>>) src(%dma_wait3A_1578 : memref<48x64xf32, #tpu.memory_space<hbm>>) dst(%arg9 : memref<48x64xf32, #tpu.memory_space<vmem>>)
        tpu.yield
      }) : () -> ()
      %scan3A_1559 = arith.constant 0 : i32
      %scan3A_1560 = arith.constant 0 : i32
      %scan3A_1561 = arith.constant 48 : i32
      %scan3A_1562 = arith.addi %scan3A_1560, %scan3A_1561 : i32
      %scan3A_1563 = arith.constant 1 : i32
      scf.for %scan3A_1573 = %scan3A_1560 to %scan3A_1562 step %scan3A_1563  : i32 {
        "tpu.region"() ({
          %run_scoped3A = tpu.sem_alloc : memref<!tpu.dma_semaphore, #tpu.memory_space<semaphore_mem>>
          %dma_start3A = arith.constant 0 : i32
          %dma_start3A_1574 = tpu.memref_slice %arg9[%scan3A_1573, %dma_start3A] : memref<48x64xf32, #tpu.memory_space<vmem>> -> memref<1x64xf32, #tpu.memory_space<vmem>>
          %dma_start3A_1575 = tpu.memref_squeeze %dma_start3A_1574 : memref<1x64xf32, #tpu.memory_space<vmem>> -> memref<64xf32, #tpu.memory_space<vmem>>
          %dma_start3A_1576 = arith.constant 0 : i32
          %dma_start3A_1577 = tpu.memref_slice %arg8[%scan3A_1573, %dma_start3A_1576] : memref<48x64xi32, #tpu.memory_space<vmem>> -> memref<1x64xi32, #tpu.memory_space<vmem>>
          %dma_start3A_1578 = tpu.memref_squeeze %dma_start3A_1577 : memref<1x64xi32, #tpu.memory_space<vmem>> -> memref<64xi32, #tpu.memory_space<vmem>>
          %dma_start3A_1579 = arith.constant 0 : i32
          %dma_start3A_1580 = tpu.memref_slice %arg6[%dma_start3A_1579] : memref<10240xf32, #tpu.memory_space<vmem_shared>> -> memref<10240xf32, #tpu.memory_space<vmem_shared>>
          tpu.enqueue_indirect_dma source(%dma_start3A_1575 : memref<64xf32, #tpu.memory_space<vmem>>) target(%dma_start3A_1580 : memref<10240xf32, #tpu.memory_space<vmem_shared>>) offsets(%dma_start3A_1578 : memref<64xi32, #tpu.memory_space<vmem>>) semaphore(%run_scoped3A : memref<!tpu.dma_semaphore, #tpu.memory_space<semaphore_mem>>) {add = true}
          %dma_wait3A = arith.constant 0 : i32
          %dma_wait3A_1581 = tpu.memref_slice %arg9[%scan3A_1573, %dma_wait3A] : memref<48x64xf32, #tpu.memory_space<vmem>> -> memref<1x64xf32, #tpu.memory_space<vmem>>
          %dma_wait3A_1582 = tpu.memref_squeeze %dma_wait3A_1581 : memref<1x64xf32, #tpu.memory_space<vmem>> -> memref<64xf32, #tpu.memory_space<vmem>>
          %dma_wait3A_1583 = arith.constant 0 : i32
          %dma_wait3A_1584 = tpu.memref_slice %arg8[%scan3A_1573, %dma_wait3A_1583] : memref<48x64xi32, #tpu.memory_space<vmem>> -> memref<1x64xi32, #tpu.memory_space<vmem>>
          %dma_wait3A_1585 = tpu.memref_squeeze %dma_wait3A_1584 : memref<1x64xi32, #tpu.memory_space<vmem>> -> memref<64xi32, #tpu.memory_space<vmem>>
          %dma_wait3A_1586 = arith.constant 0 : i32
          %dma_wait3A_1587 = tpu.memref_slice %arg6[%dma_wait3A_1586] : memref<10240xf32, #tpu.memory_space<vmem_shared>> -> memref<10240xf32, #tpu.memory_space<vmem_shared>>
          tpu.wait_indirect_dma semaphore(%run_scoped3A : memref<!tpu.dma_semaphore, #tpu.memory_space<semaphore_mem>>) src(%dma_wait3A_1582 : memref<64xf32, #tpu.memory_space<vmem>>) dst(%dma_wait3A_1587 : memref<10240xf32, #tpu.memory_space<vmem_shared>>)
          tpu.yield
        }) : () -> ()
      }
      %scan3A_1564 = arith.constant 48 : i32
      %add3A_1565 = arith.constant 288 : i32
      %add3A_1566 = arith.addi %mul3A_1517, %add3A_1565 : i32
      "tpu.region"() ({
        %run_scoped3A = tpu.sem_alloc : memref<!tpu.dma_semaphore, #tpu.memory_space<semaphore_mem>>
        %dma_start3A = arith.constant 0 : i32
        %dma_start3A_1573 = tpu.memref_slice %arg3[%add3A_1566, %dma_start3A] : memref<5376x64xi32, #tpu.memory_space<hbm>> -> memref<48x64xi32, #tpu.memory_space<hbm>>
        %dma_start3A_1574 = arith.constant 0 : i32
        %dma_start3A_1575 = tpu.memref_slice %arg3[%add3A_1566, %dma_start3A_1574] : memref<5376x64xi32, #tpu.memory_space<hbm>> -> memref<48x64xi32, #tpu.memory_space<hbm>>
        tpu.enqueue_dma source(%dma_start3A_1575 : memref<48x64xi32, #tpu.memory_space<hbm>>) target(%arg8 : memref<48x64xi32, #tpu.memory_space<vmem>>) target_semaphore(%run_scoped3A : memref<!tpu.dma_semaphore, #tpu.memory_space<semaphore_mem>>)
        %dma_wait3A = arith.constant 0 : i32
        %dma_wait3A_1576 = tpu.memref_slice %arg3[%add3A_1566, %dma_wait3A] : memref<5376x64xi32, #tpu.memory_space<hbm>> -> memref<48x64xi32, #tpu.memory_space<hbm>>
        %dma_wait3A_1577 = arith.constant 0 : i32
        %dma_wait3A_1578 = tpu.memref_slice %arg3[%add3A_1566, %dma_wait3A_1577] : memref<5376x64xi32, #tpu.memory_space<hbm>> -> memref<48x64xi32, #tpu.memory_space<hbm>>
        tpu.wait_dma2 semaphore(%run_scoped3A : memref<!tpu.dma_semaphore, #tpu.memory_space<semaphore_mem>>) src(%dma_wait3A_1578 : memref<48x64xi32, #tpu.memory_space<hbm>>) dst(%arg8 : memref<48x64xi32, #tpu.memory_space<vmem>>)
        tpu.yield
      }) : () -> ()
      "tpu.region"() ({
        %run_scoped3A = tpu.sem_alloc : memref<!tpu.dma_semaphore, #tpu.memory_space<semaphore_mem>>
        %dma_start3A = arith.constant 0 : i32
        %dma_start3A_1573 = tpu.memref_slice %arg4[%add3A_1566, %dma_start3A] : memref<5376x64xf32, #tpu.memory_space<hbm>> -> memref<48x64xf32, #tpu.memory_space<hbm>>
        %dma_start3A_1574 = arith.constant 0 : i32
        %dma_start3A_1575 = tpu.memref_slice %arg4[%add3A_1566, %dma_start3A_1574] : memref<5376x64xf32, #tpu.memory_space<hbm>> -> memref<48x64xf32, #tpu.memory_space<hbm>>
        tpu.enqueue_dma source(%dma_start3A_1575 : memref<48x64xf32, #tpu.memory_space<hbm>>) target(%arg9 : memref<48x64xf32, #tpu.memory_space<vmem>>) target_semaphore(%run_scoped3A : memref<!tpu.dma_semaphore, #tpu.memory_space<semaphore_mem>>)
        %dma_wait3A = arith.constant 0 : i32
        %dma_wait3A_1576 = tpu.memref_slice %arg4[%add3A_1566, %dma_wait3A] : memref<5376x64xf32, #tpu.memory_space<hbm>> -> memref<48x64xf32, #tpu.memory_space<hbm>>
        %dma_wait3A_1577 = arith.constant 0 : i32
        %dma_wait3A_1578 = tpu.memref_slice %arg4[%add3A_1566, %dma_wait3A_1577] : memref<5376x64xf32, #tpu.memory_space<hbm>> -> memref<48x64xf32, #tpu.memory_space<hbm>>
        tpu.wait_dma2 semaphore(%run_scoped3A : memref<!tpu.dma_semaphore, #tpu.memory_space<semaphore_mem>>) src(%dma_wait3A_1578 : memref<48x64xf32, #tpu.memory_space<hbm>>) dst(%arg9 : memref<48x64xf32, #tpu.memory_space<vmem>>)
        tpu.yield
      }) : () -> ()
      %scan3A_1567 = arith.constant 0 : i32
      %scan3A_1568 = arith.constant 0 : i32
      %scan3A_1569 = arith.constant 48 : i32
      %scan3A_1570 = arith.addi %scan3A_1568, %scan3A_1569 : i32
      %scan3A_1571 = arith.constant 1 : i32
      scf.for %scan3A_1573 = %scan3A_1568 to %scan3A_1570 step %scan3A_1571  : i32 {
        "tpu.region"() ({
          %run_scoped3A = tpu.sem_alloc : memref<!tpu.dma_semaphore, #tpu.memory_space<semaphore_mem>>
          %dma_start3A = arith.constant 0 : i32
          %dma_start3A_1574 = tpu.memref_slice %arg9[%scan3A_1573, %dma_start3A] : memref<48x64xf32, #tpu.memory_space<vmem>> -> memref<1x64xf32, #tpu.memory_space<vmem>>
          %dma_start3A_1575 = tpu.memref_squeeze %dma_start3A_1574 : memref<1x64xf32, #tpu.memory_space<vmem>> -> memref<64xf32, #tpu.memory_space<vmem>>
          %dma_start3A_1576 = arith.constant 0 : i32
          %dma_start3A_1577 = tpu.memref_slice %arg8[%scan3A_1573, %dma_start3A_1576] : memref<48x64xi32, #tpu.memory_space<vmem>> -> memref<1x64xi32, #tpu.memory_space<vmem>>
          %dma_start3A_1578 = tpu.memref_squeeze %dma_start3A_1577 : memref<1x64xi32, #tpu.memory_space<vmem>> -> memref<64xi32, #tpu.memory_space<vmem>>
          %dma_start3A_1579 = arith.constant 0 : i32
          %dma_start3A_1580 = tpu.memref_slice %arg6[%dma_start3A_1579] : memref<10240xf32, #tpu.memory_space<vmem_shared>> -> memref<10240xf32, #tpu.memory_space<vmem_shared>>
          tpu.enqueue_indirect_dma source(%dma_start3A_1575 : memref<64xf32, #tpu.memory_space<vmem>>) target(%dma_start3A_1580 : memref<10240xf32, #tpu.memory_space<vmem_shared>>) offsets(%dma_start3A_1578 : memref<64xi32, #tpu.memory_space<vmem>>) semaphore(%run_scoped3A : memref<!tpu.dma_semaphore, #tpu.memory_space<semaphore_mem>>) {add = true}
          %dma_wait3A = arith.constant 0 : i32
          %dma_wait3A_1581 = tpu.memref_slice %arg9[%scan3A_1573, %dma_wait3A] : memref<48x64xf32, #tpu.memory_space<vmem>> -> memref<1x64xf32, #tpu.memory_space<vmem>>
          %dma_wait3A_1582 = tpu.memref_squeeze %dma_wait3A_1581 : memref<1x64xf32, #tpu.memory_space<vmem>> -> memref<64xf32, #tpu.memory_space<vmem>>
          %dma_wait3A_1583 = arith.constant 0 : i32
          %dma_wait3A_1584 = tpu.memref_slice %arg8[%scan3A_1573, %dma_wait3A_1583] : memref<48x64xi32, #tpu.memory_space<vmem>> -> memref<1x64xi32, #tpu.memory_space<vmem>>
          %dma_wait3A_1585 = tpu.memref_squeeze %dma_wait3A_1584 : memref<1x64xi32, #tpu.memory_space<vmem>> -> memref<64xi32, #tpu.memory_space<vmem>>
          %dma_wait3A_1586 = arith.constant 0 : i32
          %dma_wait3A_1587 = tpu.memref_slice %arg6[%dma_wait3A_1586] : memref<10240xf32, #tpu.memory_space<vmem_shared>> -> memref<10240xf32, #tpu.memory_space<vmem_shared>>
          tpu.wait_indirect_dma semaphore(%run_scoped3A : memref<!tpu.dma_semaphore, #tpu.memory_space<semaphore_mem>>) src(%dma_wait3A_1582 : memref<64xf32, #tpu.memory_space<vmem>>) dst(%dma_wait3A_1587 : memref<10240xf32, #tpu.memory_space<vmem_shared>>)
          tpu.yield
        }) : () -> ()
      }
      %scan3A_1572 = arith.constant 48 : i32
    } else {
    }
    %barrier3A_72 = arith.constant 0 : index
    tpu.barrier barrier_id(%barrier3A_72)
    %mul3A_73 = arith.constant 640 : i32
    %mul3A_74 = arith.muli %arg1, %mul3A_73 : i32
    "tpu.region"() ({
      %run_scoped3A = tpu.sem_alloc : memref<!tpu.dma_semaphore, #tpu.memory_space<semaphore_mem>>
      %dma_start3A = tpu.memref_slice %arg6[%mul3A_74] : memref<10240xf32, #tpu.memory_space<vmem_shared>> -> memref<640xf32, #tpu.memory_space<vmem_shared>>
      %dma_start3A_1516 = tpu.memref_slice %arg6[%mul3A_74] : memref<10240xf32, #tpu.memory_space<vmem_shared>> -> memref<640xf32, #tpu.memory_space<vmem_shared>>
      tpu.enqueue_dma source(%dma_start3A_1516 : memref<640xf32, #tpu.memory_space<vmem_shared>>) target(%arg12 : memref<640xf32, #tpu.memory_space<vmem>>) target_semaphore(%run_scoped3A : memref<!tpu.dma_semaphore, #tpu.memory_space<semaphore_mem>>)
      %dma_wait3A = tpu.memref_slice %arg6[%mul3A_74] : memref<10240xf32, #tpu.memory_space<vmem_shared>> -> memref<640xf32, #tpu.memory_space<vmem_shared>>
      %dma_wait3A_1517 = tpu.memref_slice %arg6[%mul3A_74] : memref<10240xf32, #tpu.memory_space<vmem_shared>> -> memref<640xf32, #tpu.memory_space<vmem_shared>>
      tpu.wait_dma2 semaphore(%run_scoped3A : memref<!tpu.dma_semaphore, #tpu.memory_space<semaphore_mem>>) src(%dma_wait3A_1517 : memref<640xf32, #tpu.memory_space<vmem_shared>>) dst(%arg12 : memref<640xf32, #tpu.memory_space<vmem>>)
      tpu.yield
    }) : () -> ()
    %get3A = arith.constant 0 : index
    %get3A_75 = tpu.vector_load %arg12[%get3A] {strides = array<i32>} : memref<640xf32, #tpu.memory_space<vmem>>, vector<16xf32>,
    %max3A = arith.constant 9.99999996E-13 : f32
    %max3A_76 = vector.broadcast %max3A : f32 to vector<16xf32>
    %max3A_77 = arith.maximumf %get3A_75, %max3A_76 : vector<16xf32>
    %bitcast_convert_type3A = tpu.bitcast %max3A_77 : vector<16xf32> -> vector<16xi32>
    %shift_right_logical3A = arith.constant 1 : i32
    %shift_right_logical3A_78 = vector.broadcast %shift_right_logical3A : i32 to vector<16xi32>
    %shift_right_logical3A_79 = arith.shrui %bitcast_convert_type3A, %shift_right_logical3A_78 : vector<16xi32>
    %sub3A = arith.constant 1597463007 : i32
    %sub3A_80 = vector.broadcast %sub3A : i32 to vector<16xi32>
    %sub3A_81 = arith.subi %sub3A_80, %shift_right_logical3A_79 : vector<16xi32>
    %bitcast_convert_type3A_82 = tpu.bitcast %sub3A_81 : vector<16xi32> -> vector<16xf32>
    %mul3A_83 = arith.constant 5.000000e-01 : f32
    %mul3A_84 = vector.broadcast %mul3A_83 : f32 to vector<16xf32>
    %mul3A_85 = arith.mulf %max3A_77, %mul3A_84 : vector<16xf32>
    %mul3A_86 = arith.mulf %mul3A_85, %bitcast_convert_type3A_82 : vector<16xf32>
    %mul3A_87 = arith.mulf %mul3A_86, %bitcast_convert_type3A_82 : vector<16xf32>
    %sub3A_88 = arith.constant 1.500000e+00 : f32
    %sub3A_89 = vector.broadcast %sub3A_88 : f32 to vector<16xf32>
    %sub3A_90 = arith.subf %sub3A_89, %mul3A_87 : vector<16xf32>
    %mul3A_91 = arith.mulf %bitcast_convert_type3A_82, %sub3A_90 : vector<16xf32>
    %mul3A_92 = arith.mulf %mul3A_85, %mul3A_91 : vector<16xf32>
    %mul3A_93 = arith.mulf %mul3A_92, %mul3A_91 : vector<16xf32>
    %sub3A_94 = arith.constant 1.500000e+00 : f32
    %sub3A_95 = vector.broadcast %sub3A_94 : f32 to vector<16xf32>
    %sub3A_96 = arith.subf %sub3A_95, %mul3A_93 : vector<16xf32>
    %mul3A_97 = arith.mulf %mul3A_91, %sub3A_96 : vector<16xf32>
    %mul3A_98 = arith.mulf %mul3A_85, %mul3A_97 : vector<16xf32>
    %mul3A_99 = arith.mulf %mul3A_98, %mul3A_97 : vector<16xf32>
    %sub3A_100 = arith.constant 1.500000e+00 : f32
    %sub3A_101 = vector.broadcast %sub3A_100 : f32 to vector<16xf32>
    %sub3A_102 = arith.subf %sub3A_101, %mul3A_99 : vector<16xf32>
    %mul3A_103 = arith.mulf %mul3A_97, %sub3A_102 : vector<16xf32>
    %swap3A_104 = arith.constant 0 : index
    %swap3A_105 = tpu.vector_load %arg12[%swap3A_104] {strides = array<i32>} : memref<640xf32, #tpu.memory_space<vmem>>, vector<16xf32>,
    tpu.vector_store %arg12[%swap3A_104], %mul3A_103 {strides = array<i32>} : memref<640xf32, #tpu.memory_space<vmem>>, vector<16xf32>,
    %get3A_106 = arith.constant 16 : index
    %get3A_107 = tpu.vector_load %arg12[%get3A_106] {strides = array<i32>} : memref<640xf32, #tpu.memory_space<vmem>>, vector<16xf32>,
    %max3A_108 = arith.constant 9.99999996E-13 : f32
    %max3A_109 = vector.broadcast %max3A_108 : f32 to vector<16xf32>
    %max3A_110 = arith.maximumf %get3A_107, %max3A_109 : vector<16xf32>
    %bitcast_convert_type3A_111 = tpu.bitcast %max3A_110 : vector<16xf32> -> vector<16xi32>
    %shift_right_logical3A_112 = arith.constant 1 : i32
    %shift_right_logical3A_113 = vector.broadcast %shift_right_logical3A_112 : i32 to vector<16xi32>
    %shift_right_logical3A_114 = arith.shrui %bitcast_convert_type3A_111, %shift_right_logical3A_113 : vector<16xi32>
    %sub3A_115 = arith.constant 1597463007 : i32
    %sub3A_116 = vector.broadcast %sub3A_115 : i32 to vector<16xi32>
    %sub3A_117 = arith.subi %sub3A_116, %shift_right_logical3A_114 : vector<16xi32>
    %bitcast_convert_type3A_118 = tpu.bitcast %sub3A_117 : vector<16xi32> -> vector<16xf32>
    %mul3A_119 = arith.constant 5.000000e-01 : f32
    %mul3A_120 = vector.broadcast %mul3A_119 : f32 to vector<16xf32>
    %mul3A_121 = arith.mulf %max3A_110, %mul3A_120 : vector<16xf32>
    %mul3A_122 = arith.mulf %mul3A_121, %bitcast_convert_type3A_118 : vector<16xf32>
    %mul3A_123 = arith.mulf %mul3A_122, %bitcast_convert_type3A_118 : vector<16xf32>
    %sub3A_124 = arith.constant 1.500000e+00 : f32
    %sub3A_125 = vector.broadcast %sub3A_124 : f32 to vector<16xf32>
    %sub3A_126 = arith.subf %sub3A_125, %mul3A_123 : vector<16xf32>
    %mul3A_127 = arith.mulf %bitcast_convert_type3A_118, %sub3A_126 : vector<16xf32>
    %mul3A_128 = arith.mulf %mul3A_121, %mul3A_127 : vector<16xf32>
    %mul3A_129 = arith.mulf %mul3A_128, %mul3A_127 : vector<16xf32>
    %sub3A_130 = arith.constant 1.500000e+00 : f32
    %sub3A_131 = vector.broadcast %sub3A_130 : f32 to vector<16xf32>
    %sub3A_132 = arith.subf %sub3A_131, %mul3A_129 : vector<16xf32>
    %mul3A_133 = arith.mulf %mul3A_127, %sub3A_132 : vector<16xf32>
    %mul3A_134 = arith.mulf %mul3A_121, %mul3A_133 : vector<16xf32>
    %mul3A_135 = arith.mulf %mul3A_134, %mul3A_133 : vector<16xf32>
    %sub3A_136 = arith.constant 1.500000e+00 : f32
    %sub3A_137 = vector.broadcast %sub3A_136 : f32 to vector<16xf32>
    %sub3A_138 = arith.subf %sub3A_137, %mul3A_135 : vector<16xf32>
    %mul3A_139 = arith.mulf %mul3A_133, %sub3A_138 : vector<16xf32>
    %swap3A_140 = arith.constant 16 : index
    %swap3A_141 = tpu.vector_load %arg12[%swap3A_140] {strides = array<i32>} : memref<640xf32, #tpu.memory_space<vmem>>, vector<16xf32>,
    tpu.vector_store %arg12[%swap3A_140], %mul3A_139 {strides = array<i32>} : memref<640xf32, #tpu.memory_space<vmem>>, vector<16xf32>,
    %get3A_142 = arith.constant 32 : index
    %get3A_143 = tpu.vector_load %arg12[%get3A_142] {strides = array<i32>} : memref<640xf32, #tpu.memory_space<vmem>>, vector<16xf32>,
    %max3A_144 = arith.constant 9.99999996E-13 : f32
    %max3A_145 = vector.broadcast %max3A_144 : f32 to vector<16xf32>
    %max3A_146 = arith.maximumf %get3A_143, %max3A_145 : vector<16xf32>
    %bitcast_convert_type3A_147 = tpu.bitcast %max3A_146 : vector<16xf32> -> vector<16xi32>
    %shift_right_logical3A_148 = arith.constant 1 : i32
    %shift_right_logical3A_149 = vector.broadcast %shift_right_logical3A_148 : i32 to vector<16xi32>
    %shift_right_logical3A_150 = arith.shrui %bitcast_convert_type3A_147, %shift_right_logical3A_149 : vector<16xi32>
    %sub3A_151 = arith.constant 1597463007 : i32
    %sub3A_152 = vector.broadcast %sub3A_151 : i32 to vector<16xi32>
    %sub3A_153 = arith.subi %sub3A_152, %shift_right_logical3A_150 : vector<16xi32>
    %bitcast_convert_type3A_154 = tpu.bitcast %sub3A_153 : vector<16xi32> -> vector<16xf32>
    %mul3A_155 = arith.constant 5.000000e-01 : f32
    %mul3A_156 = vector.broadcast %mul3A_155 : f32 to vector<16xf32>
    %mul3A_157 = arith.mulf %max3A_146, %mul3A_156 : vector<16xf32>
    %mul3A_158 = arith.mulf %mul3A_157, %bitcast_convert_type3A_154 : vector<16xf32>
    %mul3A_159 = arith.mulf %mul3A_158, %bitcast_convert_type3A_154 : vector<16xf32>
    %sub3A_160 = arith.constant 1.500000e+00 : f32
    %sub3A_161 = vector.broadcast %sub3A_160 : f32 to vector<16xf32>
    %sub3A_162 = arith.subf %sub3A_161, %mul3A_159 : vector<16xf32>
    %mul3A_163 = arith.mulf %bitcast_convert_type3A_154, %sub3A_162 : vector<16xf32>
    %mul3A_164 = arith.mulf %mul3A_157, %mul3A_163 : vector<16xf32>
    %mul3A_165 = arith.mulf %mul3A_164, %mul3A_163 : vector<16xf32>
    %sub3A_166 = arith.constant 1.500000e+00 : f32
    %sub3A_167 = vector.broadcast %sub3A_166 : f32 to vector<16xf32>
    %sub3A_168 = arith.subf %sub3A_167, %mul3A_165 : vector<16xf32>
    %mul3A_169 = arith.mulf %mul3A_163, %sub3A_168 : vector<16xf32>
    %mul3A_170 = arith.mulf %mul3A_157, %mul3A_169 : vector<16xf32>
    %mul3A_171 = arith.mulf %mul3A_170, %mul3A_169 : vector<16xf32>
    %sub3A_172 = arith.constant 1.500000e+00 : f32
    %sub3A_173 = vector.broadcast %sub3A_172 : f32 to vector<16xf32>
    %sub3A_174 = arith.subf %sub3A_173, %mul3A_171 : vector<16xf32>
    %mul3A_175 = arith.mulf %mul3A_169, %sub3A_174 : vector<16xf32>
    %swap3A_176 = arith.constant 32 : index
    %swap3A_177 = tpu.vector_load %arg12[%swap3A_176] {strides = array<i32>} : memref<640xf32, #tpu.memory_space<vmem>>, vector<16xf32>,
    tpu.vector_store %arg12[%swap3A_176], %mul3A_175 {strides = array<i32>} : memref<640xf32, #tpu.memory_space<vmem>>, vector<16xf32>,
    %get3A_178 = arith.constant 48 : index
    %get3A_179 = tpu.vector_load %arg12[%get3A_178] {strides = array<i32>} : memref<640xf32, #tpu.memory_space<vmem>>, vector<16xf32>,
    %max3A_180 = arith.constant 9.99999996E-13 : f32
    %max3A_181 = vector.broadcast %max3A_180 : f32 to vector<16xf32>
    %max3A_182 = arith.maximumf %get3A_179, %max3A_181 : vector<16xf32>
    %bitcast_convert_type3A_183 = tpu.bitcast %max3A_182 : vector<16xf32> -> vector<16xi32>
    %shift_right_logical3A_184 = arith.constant 1 : i32
    %shift_right_logical3A_185 = vector.broadcast %shift_right_logical3A_184 : i32 to vector<16xi32>
    %shift_right_logical3A_186 = arith.shrui %bitcast_convert_type3A_183, %shift_right_logical3A_185 : vector<16xi32>
    %sub3A_187 = arith.constant 1597463007 : i32
    %sub3A_188 = vector.broadcast %sub3A_187 : i32 to vector<16xi32>
    %sub3A_189 = arith.subi %sub3A_188, %shift_right_logical3A_186 : vector<16xi32>
    %bitcast_convert_type3A_190 = tpu.bitcast %sub3A_189 : vector<16xi32> -> vector<16xf32>
    %mul3A_191 = arith.constant 5.000000e-01 : f32
    %mul3A_192 = vector.broadcast %mul3A_191 : f32 to vector<16xf32>
    %mul3A_193 = arith.mulf %max3A_182, %mul3A_192 : vector<16xf32>
    %mul3A_194 = arith.mulf %mul3A_193, %bitcast_convert_type3A_190 : vector<16xf32>
    %mul3A_195 = arith.mulf %mul3A_194, %bitcast_convert_type3A_190 : vector<16xf32>
    %sub3A_196 = arith.constant 1.500000e+00 : f32
    %sub3A_197 = vector.broadcast %sub3A_196 : f32 to vector<16xf32>
    %sub3A_198 = arith.subf %sub3A_197, %mul3A_195 : vector<16xf32>
    %mul3A_199 = arith.mulf %bitcast_convert_type3A_190, %sub3A_198 : vector<16xf32>
    %mul3A_200 = arith.mulf %mul3A_193, %mul3A_199 : vector<16xf32>
    %mul3A_201 = arith.mulf %mul3A_200, %mul3A_199 : vector<16xf32>
    %sub3A_202 = arith.constant 1.500000e+00 : f32
    %sub3A_203 = vector.broadcast %sub3A_202 : f32 to vector<16xf32>
    %sub3A_204 = arith.subf %sub3A_203, %mul3A_201 : vector<16xf32>
    %mul3A_205 = arith.mulf %mul3A_199, %sub3A_204 : vector<16xf32>
    %mul3A_206 = arith.mulf %mul3A_193, %mul3A_205 : vector<16xf32>
    %mul3A_207 = arith.mulf %mul3A_206, %mul3A_205 : vector<16xf32>
    %sub3A_208 = arith.constant 1.500000e+00 : f32
    %sub3A_209 = vector.broadcast %sub3A_208 : f32 to vector<16xf32>
    %sub3A_210 = arith.subf %sub3A_209, %mul3A_207 : vector<16xf32>
    %mul3A_211 = arith.mulf %mul3A_205, %sub3A_210 : vector<16xf32>
    %swap3A_212 = arith.constant 48 : index
    %swap3A_213 = tpu.vector_load %arg12[%swap3A_212] {strides = array<i32>} : memref<640xf32, #tpu.memory_space<vmem>>, vector<16xf32>,
    tpu.vector_store %arg12[%swap3A_212], %mul3A_211 {strides = array<i32>} : memref<640xf32, #tpu.memory_space<vmem>>, vector<16xf32>,
    %get3A_214 = arith.constant 64 : index
    %get3A_215 = tpu.vector_load %arg12[%get3A_214] {strides = array<i32>} : memref<640xf32, #tpu.memory_space<vmem>>, vector<16xf32>,
    %max3A_216 = arith.constant 9.99999996E-13 : f32
    %max3A_217 = vector.broadcast %max3A_216 : f32 to vector<16xf32>
    %max3A_218 = arith.maximumf %get3A_215, %max3A_217 : vector<16xf32>
    %bitcast_convert_type3A_219 = tpu.bitcast %max3A_218 : vector<16xf32> -> vector<16xi32>
    %shift_right_logical3A_220 = arith.constant 1 : i32
    %shift_right_logical3A_221 = vector.broadcast %shift_right_logical3A_220 : i32 to vector<16xi32>
    %shift_right_logical3A_222 = arith.shrui %bitcast_convert_type3A_219, %shift_right_logical3A_221 : vector<16xi32>
    %sub3A_223 = arith.constant 1597463007 : i32
    %sub3A_224 = vector.broadcast %sub3A_223 : i32 to vector<16xi32>
    %sub3A_225 = arith.subi %sub3A_224, %shift_right_logical3A_222 : vector<16xi32>
    %bitcast_convert_type3A_226 = tpu.bitcast %sub3A_225 : vector<16xi32> -> vector<16xf32>
    %mul3A_227 = arith.constant 5.000000e-01 : f32
    %mul3A_228 = vector.broadcast %mul3A_227 : f32 to vector<16xf32>
    %mul3A_229 = arith.mulf %max3A_218, %mul3A_228 : vector<16xf32>
    %mul3A_230 = arith.mulf %mul3A_229, %bitcast_convert_type3A_226 : vector<16xf32>
    %mul3A_231 = arith.mulf %mul3A_230, %bitcast_convert_type3A_226 : vector<16xf32>
    %sub3A_232 = arith.constant 1.500000e+00 : f32
    %sub3A_233 = vector.broadcast %sub3A_232 : f32 to vector<16xf32>
    %sub3A_234 = arith.subf %sub3A_233, %mul3A_231 : vector<16xf32>
    %mul3A_235 = arith.mulf %bitcast_convert_type3A_226, %sub3A_234 : vector<16xf32>
    %mul3A_236 = arith.mulf %mul3A_229, %mul3A_235 : vector<16xf32>
    %mul3A_237 = arith.mulf %mul3A_236, %mul3A_235 : vector<16xf32>
    %sub3A_238 = arith.constant 1.500000e+00 : f32
    %sub3A_239 = vector.broadcast %sub3A_238 : f32 to vector<16xf32>
    %sub3A_240 = arith.subf %sub3A_239, %mul3A_237 : vector<16xf32>
    %mul3A_241 = arith.mulf %mul3A_235, %sub3A_240 : vector<16xf32>
    %mul3A_242 = arith.mulf %mul3A_229, %mul3A_241 : vector<16xf32>
    %mul3A_243 = arith.mulf %mul3A_242, %mul3A_241 : vector<16xf32>
    %sub3A_244 = arith.constant 1.500000e+00 : f32
    %sub3A_245 = vector.broadcast %sub3A_244 : f32 to vector<16xf32>
    %sub3A_246 = arith.subf %sub3A_245, %mul3A_243 : vector<16xf32>
    %mul3A_247 = arith.mulf %mul3A_241, %sub3A_246 : vector<16xf32>
    %swap3A_248 = arith.constant 64 : index
    %swap3A_249 = tpu.vector_load %arg12[%swap3A_248] {strides = array<i32>} : memref<640xf32, #tpu.memory_space<vmem>>, vector<16xf32>,
    tpu.vector_store %arg12[%swap3A_248], %mul3A_247 {strides = array<i32>} : memref<640xf32, #tpu.memory_space<vmem>>, vector<16xf32>,
    %get3A_250 = arith.constant 80 : index
    %get3A_251 = tpu.vector_load %arg12[%get3A_250] {strides = array<i32>} : memref<640xf32, #tpu.memory_space<vmem>>, vector<16xf32>,
    %max3A_252 = arith.constant 9.99999996E-13 : f32
    %max3A_253 = vector.broadcast %max3A_252 : f32 to vector<16xf32>
    %max3A_254 = arith.maximumf %get3A_251, %max3A_253 : vector<16xf32>
    %bitcast_convert_type3A_255 = tpu.bitcast %max3A_254 : vector<16xf32> -> vector<16xi32>
    %shift_right_logical3A_256 = arith.constant 1 : i32
    %shift_right_logical3A_257 = vector.broadcast %shift_right_logical3A_256 : i32 to vector<16xi32>
    %shift_right_logical3A_258 = arith.shrui %bitcast_convert_type3A_255, %shift_right_logical3A_257 : vector<16xi32>
    %sub3A_259 = arith.constant 1597463007 : i32
    %sub3A_260 = vector.broadcast %sub3A_259 : i32 to vector<16xi32>
    %sub3A_261 = arith.subi %sub3A_260, %shift_right_logical3A_258 : vector<16xi32>
    %bitcast_convert_type3A_262 = tpu.bitcast %sub3A_261 : vector<16xi32> -> vector<16xf32>
    %mul3A_263 = arith.constant 5.000000e-01 : f32
    %mul3A_264 = vector.broadcast %mul3A_263 : f32 to vector<16xf32>
    %mul3A_265 = arith.mulf %max3A_254, %mul3A_264 : vector<16xf32>
    %mul3A_266 = arith.mulf %mul3A_265, %bitcast_convert_type3A_262 : vector<16xf32>
    %mul3A_267 = arith.mulf %mul3A_266, %bitcast_convert_type3A_262 : vector<16xf32>
    %sub3A_268 = arith.constant 1.500000e+00 : f32
    %sub3A_269 = vector.broadcast %sub3A_268 : f32 to vector<16xf32>
    %sub3A_270 = arith.subf %sub3A_269, %mul3A_267 : vector<16xf32>
    %mul3A_271 = arith.mulf %bitcast_convert_type3A_262, %sub3A_270 : vector<16xf32>
    %mul3A_272 = arith.mulf %mul3A_265, %mul3A_271 : vector<16xf32>
    %mul3A_273 = arith.mulf %mul3A_272, %mul3A_271 : vector<16xf32>
    %sub3A_274 = arith.constant 1.500000e+00 : f32
    %sub3A_275 = vector.broadcast %sub3A_274 : f32 to vector<16xf32>
    %sub3A_276 = arith.subf %sub3A_275, %mul3A_273 : vector<16xf32>
    %mul3A_277 = arith.mulf %mul3A_271, %sub3A_276 : vector<16xf32>
    %mul3A_278 = arith.mulf %mul3A_265, %mul3A_277 : vector<16xf32>
    %mul3A_279 = arith.mulf %mul3A_278, %mul3A_277 : vector<16xf32>
    %sub3A_280 = arith.constant 1.500000e+00 : f32
    %sub3A_281 = vector.broadcast %sub3A_280 : f32 to vector<16xf32>
    %sub3A_282 = arith.subf %sub3A_281, %mul3A_279 : vector<16xf32>
    %mul3A_283 = arith.mulf %mul3A_277, %sub3A_282 : vector<16xf32>
    %swap3A_284 = arith.constant 80 : index
    %swap3A_285 = tpu.vector_load %arg12[%swap3A_284] {strides = array<i32>} : memref<640xf32, #tpu.memory_space<vmem>>, vector<16xf32>,
    tpu.vector_store %arg12[%swap3A_284], %mul3A_283 {strides = array<i32>} : memref<640xf32, #tpu.memory_space<vmem>>, vector<16xf32>,
    %get3A_286 = arith.constant 96 : index
    %get3A_287 = tpu.vector_load %arg12[%get3A_286] {strides = array<i32>} : memref<640xf32, #tpu.memory_space<vmem>>, vector<16xf32>,
    %max3A_288 = arith.constant 9.99999996E-13 : f32
    %max3A_289 = vector.broadcast %max3A_288 : f32 to vector<16xf32>
    %max3A_290 = arith.maximumf %get3A_287, %max3A_289 : vector<16xf32>
    %bitcast_convert_type3A_291 = tpu.bitcast %max3A_290 : vector<16xf32> -> vector<16xi32>
    %shift_right_logical3A_292 = arith.constant 1 : i32
    %shift_right_logical3A_293 = vector.broadcast %shift_right_logical3A_292 : i32 to vector<16xi32>
    %shift_right_logical3A_294 = arith.shrui %bitcast_convert_type3A_291, %shift_right_logical3A_293 : vector<16xi32>
    %sub3A_295 = arith.constant 1597463007 : i32
    %sub3A_296 = vector.broadcast %sub3A_295 : i32 to vector<16xi32>
    %sub3A_297 = arith.subi %sub3A_296, %shift_right_logical3A_294 : vector<16xi32>
    %bitcast_convert_type3A_298 = tpu.bitcast %sub3A_297 : vector<16xi32> -> vector<16xf32>
    %mul3A_299 = arith.constant 5.000000e-01 : f32
    %mul3A_300 = vector.broadcast %mul3A_299 : f32 to vector<16xf32>
    %mul3A_301 = arith.mulf %max3A_290, %mul3A_300 : vector<16xf32>
    %mul3A_302 = arith.mulf %mul3A_301, %bitcast_convert_type3A_298 : vector<16xf32>
    %mul3A_303 = arith.mulf %mul3A_302, %bitcast_convert_type3A_298 : vector<16xf32>
    %sub3A_304 = arith.constant 1.500000e+00 : f32
    %sub3A_305 = vector.broadcast %sub3A_304 : f32 to vector<16xf32>
    %sub3A_306 = arith.subf %sub3A_305, %mul3A_303 : vector<16xf32>
    %mul3A_307 = arith.mulf %bitcast_convert_type3A_298, %sub3A_306 : vector<16xf32>
    %mul3A_308 = arith.mulf %mul3A_301, %mul3A_307 : vector<16xf32>
    %mul3A_309 = arith.mulf %mul3A_308, %mul3A_307 : vector<16xf32>
    %sub3A_310 = arith.constant 1.500000e+00 : f32
    %sub3A_311 = vector.broadcast %sub3A_310 : f32 to vector<16xf32>
    %sub3A_312 = arith.subf %sub3A_311, %mul3A_309 : vector<16xf32>
    %mul3A_313 = arith.mulf %mul3A_307, %sub3A_312 : vector<16xf32>
    %mul3A_314 = arith.mulf %mul3A_301, %mul3A_313 : vector<16xf32>
    %mul3A_315 = arith.mulf %mul3A_314, %mul3A_313 : vector<16xf32>
    %sub3A_316 = arith.constant 1.500000e+00 : f32
    %sub3A_317 = vector.broadcast %sub3A_316 : f32 to vector<16xf32>
    %sub3A_318 = arith.subf %sub3A_317, %mul3A_315 : vector<16xf32>
    %mul3A_319 = arith.mulf %mul3A_313, %sub3A_318 : vector<16xf32>
    %swap3A_320 = arith.constant 96 : index
    %swap3A_321 = tpu.vector_load %arg12[%swap3A_320] {strides = array<i32>} : memref<640xf32, #tpu.memory_space<vmem>>, vector<16xf32>,
    tpu.vector_store %arg12[%swap3A_320], %mul3A_319 {strides = array<i32>} : memref<640xf32, #tpu.memory_space<vmem>>, vector<16xf32>,
    %get3A_322 = arith.constant 112 : index
    %get3A_323 = tpu.vector_load %arg12[%get3A_322] {strides = array<i32>} : memref<640xf32, #tpu.memory_space<vmem>>, vector<16xf32>,
    %max3A_324 = arith.constant 9.99999996E-13 : f32
    %max3A_325 = vector.broadcast %max3A_324 : f32 to vector<16xf32>
    %max3A_326 = arith.maximumf %get3A_323, %max3A_325 : vector<16xf32>
    %bitcast_convert_type3A_327 = tpu.bitcast %max3A_326 : vector<16xf32> -> vector<16xi32>
    %shift_right_logical3A_328 = arith.constant 1 : i32
    %shift_right_logical3A_329 = vector.broadcast %shift_right_logical3A_328 : i32 to vector<16xi32>
    %shift_right_logical3A_330 = arith.shrui %bitcast_convert_type3A_327, %shift_right_logical3A_329 : vector<16xi32>
    %sub3A_331 = arith.constant 1597463007 : i32
    %sub3A_332 = vector.broadcast %sub3A_331 : i32 to vector<16xi32>
    %sub3A_333 = arith.subi %sub3A_332, %shift_right_logical3A_330 : vector<16xi32>
    %bitcast_convert_type3A_334 = tpu.bitcast %sub3A_333 : vector<16xi32> -> vector<16xf32>
    %mul3A_335 = arith.constant 5.000000e-01 : f32
    %mul3A_336 = vector.broadcast %mul3A_335 : f32 to vector<16xf32>
    %mul3A_337 = arith.mulf %max3A_326, %mul3A_336 : vector<16xf32>
    %mul3A_338 = arith.mulf %mul3A_337, %bitcast_convert_type3A_334 : vector<16xf32>
    %mul3A_339 = arith.mulf %mul3A_338, %bitcast_convert_type3A_334 : vector<16xf32>
    %sub3A_340 = arith.constant 1.500000e+00 : f32
    %sub3A_341 = vector.broadcast %sub3A_340 : f32 to vector<16xf32>
    %sub3A_342 = arith.subf %sub3A_341, %mul3A_339 : vector<16xf32>
    %mul3A_343 = arith.mulf %bitcast_convert_type3A_334, %sub3A_342 : vector<16xf32>
    %mul3A_344 = arith.mulf %mul3A_337, %mul3A_343 : vector<16xf32>
    %mul3A_345 = arith.mulf %mul3A_344, %mul3A_343 : vector<16xf32>
    %sub3A_346 = arith.constant 1.500000e+00 : f32
    %sub3A_347 = vector.broadcast %sub3A_346 : f32 to vector<16xf32>
    %sub3A_348 = arith.subf %sub3A_347, %mul3A_345 : vector<16xf32>
    %mul3A_349 = arith.mulf %mul3A_343, %sub3A_348 : vector<16xf32>
    %mul3A_350 = arith.mulf %mul3A_337, %mul3A_349 : vector<16xf32>
    %mul3A_351 = arith.mulf %mul3A_350, %mul3A_349 : vector<16xf32>
    %sub3A_352 = arith.constant 1.500000e+00 : f32
    %sub3A_353 = vector.broadcast %sub3A_352 : f32 to vector<16xf32>
    %sub3A_354 = arith.subf %sub3A_353, %mul3A_351 : vector<16xf32>
    %mul3A_355 = arith.mulf %mul3A_349, %sub3A_354 : vector<16xf32>
    %swap3A_356 = arith.constant 112 : index
    %swap3A_357 = tpu.vector_load %arg12[%swap3A_356] {strides = array<i32>} : memref<640xf32, #tpu.memory_space<vmem>>, vector<16xf32>,
    tpu.vector_store %arg12[%swap3A_356], %mul3A_355 {strides = array<i32>} : memref<640xf32, #tpu.memory_space<vmem>>, vector<16xf32>,
    %get3A_358 = arith.constant 128 : index
    %get3A_359 = tpu.vector_load %arg12[%get3A_358] {strides = array<i32>} : memref<640xf32, #tpu.memory_space<vmem>>, vector<16xf32>,
    %max3A_360 = arith.constant 9.99999996E-13 : f32
    %max3A_361 = vector.broadcast %max3A_360 : f32 to vector<16xf32>
    %max3A_362 = arith.maximumf %get3A_359, %max3A_361 : vector<16xf32>
    %bitcast_convert_type3A_363 = tpu.bitcast %max3A_362 : vector<16xf32> -> vector<16xi32>
    %shift_right_logical3A_364 = arith.constant 1 : i32
    %shift_right_logical3A_365 = vector.broadcast %shift_right_logical3A_364 : i32 to vector<16xi32>
    %shift_right_logical3A_366 = arith.shrui %bitcast_convert_type3A_363, %shift_right_logical3A_365 : vector<16xi32>
    %sub3A_367 = arith.constant 1597463007 : i32
    %sub3A_368 = vector.broadcast %sub3A_367 : i32 to vector<16xi32>
    %sub3A_369 = arith.subi %sub3A_368, %shift_right_logical3A_366 : vector<16xi32>
    %bitcast_convert_type3A_370 = tpu.bitcast %sub3A_369 : vector<16xi32> -> vector<16xf32>
    %mul3A_371 = arith.constant 5.000000e-01 : f32
    %mul3A_372 = vector.broadcast %mul3A_371 : f32 to vector<16xf32>
    %mul3A_373 = arith.mulf %max3A_362, %mul3A_372 : vector<16xf32>
    %mul3A_374 = arith.mulf %mul3A_373, %bitcast_convert_type3A_370 : vector<16xf32>
    %mul3A_375 = arith.mulf %mul3A_374, %bitcast_convert_type3A_370 : vector<16xf32>
    %sub3A_376 = arith.constant 1.500000e+00 : f32
    %sub3A_377 = vector.broadcast %sub3A_376 : f32 to vector<16xf32>
    %sub3A_378 = arith.subf %sub3A_377, %mul3A_375 : vector<16xf32>
    %mul3A_379 = arith.mulf %bitcast_convert_type3A_370, %sub3A_378 : vector<16xf32>
    %mul3A_380 = arith.mulf %mul3A_373, %mul3A_379 : vector<16xf32>
    %mul3A_381 = arith.mulf %mul3A_380, %mul3A_379 : vector<16xf32>
    %sub3A_382 = arith.constant 1.500000e+00 : f32
    %sub3A_383 = vector.broadcast %sub3A_382 : f32 to vector<16xf32>
    %sub3A_384 = arith.subf %sub3A_383, %mul3A_381 : vector<16xf32>
    %mul3A_385 = arith.mulf %mul3A_379, %sub3A_384 : vector<16xf32>
    %mul3A_386 = arith.mulf %mul3A_373, %mul3A_385 : vector<16xf32>
    %mul3A_387 = arith.mulf %mul3A_386, %mul3A_385 : vector<16xf32>
    %sub3A_388 = arith.constant 1.500000e+00 : f32
    %sub3A_389 = vector.broadcast %sub3A_388 : f32 to vector<16xf32>
    %sub3A_390 = arith.subf %sub3A_389, %mul3A_387 : vector<16xf32>
    %mul3A_391 = arith.mulf %mul3A_385, %sub3A_390 : vector<16xf32>
    %swap3A_392 = arith.constant 128 : index
    %swap3A_393 = tpu.vector_load %arg12[%swap3A_392] {strides = array<i32>} : memref<640xf32, #tpu.memory_space<vmem>>, vector<16xf32>,
    tpu.vector_store %arg12[%swap3A_392], %mul3A_391 {strides = array<i32>} : memref<640xf32, #tpu.memory_space<vmem>>, vector<16xf32>,
    %get3A_394 = arith.constant 144 : index
    %get3A_395 = tpu.vector_load %arg12[%get3A_394] {strides = array<i32>} : memref<640xf32, #tpu.memory_space<vmem>>, vector<16xf32>,
    %max3A_396 = arith.constant 9.99999996E-13 : f32
    %max3A_397 = vector.broadcast %max3A_396 : f32 to vector<16xf32>
    %max3A_398 = arith.maximumf %get3A_395, %max3A_397 : vector<16xf32>
    %bitcast_convert_type3A_399 = tpu.bitcast %max3A_398 : vector<16xf32> -> vector<16xi32>
    %shift_right_logical3A_400 = arith.constant 1 : i32
    %shift_right_logical3A_401 = vector.broadcast %shift_right_logical3A_400 : i32 to vector<16xi32>
    %shift_right_logical3A_402 = arith.shrui %bitcast_convert_type3A_399, %shift_right_logical3A_401 : vector<16xi32>
    %sub3A_403 = arith.constant 1597463007 : i32
    %sub3A_404 = vector.broadcast %sub3A_403 : i32 to vector<16xi32>
    %sub3A_405 = arith.subi %sub3A_404, %shift_right_logical3A_402 : vector<16xi32>
    %bitcast_convert_type3A_406 = tpu.bitcast %sub3A_405 : vector<16xi32> -> vector<16xf32>
    %mul3A_407 = arith.constant 5.000000e-01 : f32
    %mul3A_408 = vector.broadcast %mul3A_407 : f32 to vector<16xf32>
    %mul3A_409 = arith.mulf %max3A_398, %mul3A_408 : vector<16xf32>
    %mul3A_410 = arith.mulf %mul3A_409, %bitcast_convert_type3A_406 : vector<16xf32>
    %mul3A_411 = arith.mulf %mul3A_410, %bitcast_convert_type3A_406 : vector<16xf32>
    %sub3A_412 = arith.constant 1.500000e+00 : f32
    %sub3A_413 = vector.broadcast %sub3A_412 : f32 to vector<16xf32>
    %sub3A_414 = arith.subf %sub3A_413, %mul3A_411 : vector<16xf32>
    %mul3A_415 = arith.mulf %bitcast_convert_type3A_406, %sub3A_414 : vector<16xf32>
    %mul3A_416 = arith.mulf %mul3A_409, %mul3A_415 : vector<16xf32>
    %mul3A_417 = arith.mulf %mul3A_416, %mul3A_415 : vector<16xf32>
    %sub3A_418 = arith.constant 1.500000e+00 : f32
    %sub3A_419 = vector.broadcast %sub3A_418 : f32 to vector<16xf32>
    %sub3A_420 = arith.subf %sub3A_419, %mul3A_417 : vector<16xf32>
    %mul3A_421 = arith.mulf %mul3A_415, %sub3A_420 : vector<16xf32>
    %mul3A_422 = arith.mulf %mul3A_409, %mul3A_421 : vector<16xf32>
    %mul3A_423 = arith.mulf %mul3A_422, %mul3A_421 : vector<16xf32>
    %sub3A_424 = arith.constant 1.500000e+00 : f32
    %sub3A_425 = vector.broadcast %sub3A_424 : f32 to vector<16xf32>
    %sub3A_426 = arith.subf %sub3A_425, %mul3A_423 : vector<16xf32>
    %mul3A_427 = arith.mulf %mul3A_421, %sub3A_426 : vector<16xf32>
    %swap3A_428 = arith.constant 144 : index
    %swap3A_429 = tpu.vector_load %arg12[%swap3A_428] {strides = array<i32>} : memref<640xf32, #tpu.memory_space<vmem>>, vector<16xf32>,
    tpu.vector_store %arg12[%swap3A_428], %mul3A_427 {strides = array<i32>} : memref<640xf32, #tpu.memory_space<vmem>>, vector<16xf32>,
    %get3A_430 = arith.constant 160 : index
    %get3A_431 = tpu.vector_load %arg12[%get3A_430] {strides = array<i32>} : memref<640xf32, #tpu.memory_space<vmem>>, vector<16xf32>,
    %max3A_432 = arith.constant 9.99999996E-13 : f32
    %max3A_433 = vector.broadcast %max3A_432 : f32 to vector<16xf32>
    %max3A_434 = arith.maximumf %get3A_431, %max3A_433 : vector<16xf32>
    %bitcast_convert_type3A_435 = tpu.bitcast %max3A_434 : vector<16xf32> -> vector<16xi32>
    %shift_right_logical3A_436 = arith.constant 1 : i32
    %shift_right_logical3A_437 = vector.broadcast %shift_right_logical3A_436 : i32 to vector<16xi32>
    %shift_right_logical3A_438 = arith.shrui %bitcast_convert_type3A_435, %shift_right_logical3A_437 : vector<16xi32>
    %sub3A_439 = arith.constant 1597463007 : i32
    %sub3A_440 = vector.broadcast %sub3A_439 : i32 to vector<16xi32>
    %sub3A_441 = arith.subi %sub3A_440, %shift_right_logical3A_438 : vector<16xi32>
    %bitcast_convert_type3A_442 = tpu.bitcast %sub3A_441 : vector<16xi32> -> vector<16xf32>
    %mul3A_443 = arith.constant 5.000000e-01 : f32
    %mul3A_444 = vector.broadcast %mul3A_443 : f32 to vector<16xf32>
    %mul3A_445 = arith.mulf %max3A_434, %mul3A_444 : vector<16xf32>
    %mul3A_446 = arith.mulf %mul3A_445, %bitcast_convert_type3A_442 : vector<16xf32>
    %mul3A_447 = arith.mulf %mul3A_446, %bitcast_convert_type3A_442 : vector<16xf32>
    %sub3A_448 = arith.constant 1.500000e+00 : f32
    %sub3A_449 = vector.broadcast %sub3A_448 : f32 to vector<16xf32>
    %sub3A_450 = arith.subf %sub3A_449, %mul3A_447 : vector<16xf32>
    %mul3A_451 = arith.mulf %bitcast_convert_type3A_442, %sub3A_450 : vector<16xf32>
    %mul3A_452 = arith.mulf %mul3A_445, %mul3A_451 : vector<16xf32>
    %mul3A_453 = arith.mulf %mul3A_452, %mul3A_451 : vector<16xf32>
    %sub3A_454 = arith.constant 1.500000e+00 : f32
    %sub3A_455 = vector.broadcast %sub3A_454 : f32 to vector<16xf32>
    %sub3A_456 = arith.subf %sub3A_455, %mul3A_453 : vector<16xf32>
    %mul3A_457 = arith.mulf %mul3A_451, %sub3A_456 : vector<16xf32>
    %mul3A_458 = arith.mulf %mul3A_445, %mul3A_457 : vector<16xf32>
    %mul3A_459 = arith.mulf %mul3A_458, %mul3A_457 : vector<16xf32>
    %sub3A_460 = arith.constant 1.500000e+00 : f32
    %sub3A_461 = vector.broadcast %sub3A_460 : f32 to vector<16xf32>
    %sub3A_462 = arith.subf %sub3A_461, %mul3A_459 : vector<16xf32>
    %mul3A_463 = arith.mulf %mul3A_457, %sub3A_462 : vector<16xf32>
    %swap3A_464 = arith.constant 160 : index
    %swap3A_465 = tpu.vector_load %arg12[%swap3A_464] {strides = array<i32>} : memref<640xf32, #tpu.memory_space<vmem>>, vector<16xf32>,
    tpu.vector_store %arg12[%swap3A_464], %mul3A_463 {strides = array<i32>} : memref<640xf32, #tpu.memory_space<vmem>>, vector<16xf32>,
    %get3A_466 = arith.constant 176 : index
    %get3A_467 = tpu.vector_load %arg12[%get3A_466] {strides = array<i32>} : memref<640xf32, #tpu.memory_space<vmem>>, vector<16xf32>,
    %max3A_468 = arith.constant 9.99999996E-13 : f32
    %max3A_469 = vector.broadcast %max3A_468 : f32 to vector<16xf32>
    %max3A_470 = arith.maximumf %get3A_467, %max3A_469 : vector<16xf32>
    %bitcast_convert_type3A_471 = tpu.bitcast %max3A_470 : vector<16xf32> -> vector<16xi32>
    %shift_right_logical3A_472 = arith.constant 1 : i32
    %shift_right_logical3A_473 = vector.broadcast %shift_right_logical3A_472 : i32 to vector<16xi32>
    %shift_right_logical3A_474 = arith.shrui %bitcast_convert_type3A_471, %shift_right_logical3A_473 : vector<16xi32>
    %sub3A_475 = arith.constant 1597463007 : i32
    %sub3A_476 = vector.broadcast %sub3A_475 : i32 to vector<16xi32>
    %sub3A_477 = arith.subi %sub3A_476, %shift_right_logical3A_474 : vector<16xi32>
    %bitcast_convert_type3A_478 = tpu.bitcast %sub3A_477 : vector<16xi32> -> vector<16xf32>
    %mul3A_479 = arith.constant 5.000000e-01 : f32
    %mul3A_480 = vector.broadcast %mul3A_479 : f32 to vector<16xf32>
    %mul3A_481 = arith.mulf %max3A_470, %mul3A_480 : vector<16xf32>
    %mul3A_482 = arith.mulf %mul3A_481, %bitcast_convert_type3A_478 : vector<16xf32>
    %mul3A_483 = arith.mulf %mul3A_482, %bitcast_convert_type3A_478 : vector<16xf32>
    %sub3A_484 = arith.constant 1.500000e+00 : f32
    %sub3A_485 = vector.broadcast %sub3A_484 : f32 to vector<16xf32>
    %sub3A_486 = arith.subf %sub3A_485, %mul3A_483 : vector<16xf32>
    %mul3A_487 = arith.mulf %bitcast_convert_type3A_478, %sub3A_486 : vector<16xf32>
    %mul3A_488 = arith.mulf %mul3A_481, %mul3A_487 : vector<16xf32>
    %mul3A_489 = arith.mulf %mul3A_488, %mul3A_487 : vector<16xf32>
    %sub3A_490 = arith.constant 1.500000e+00 : f32
    %sub3A_491 = vector.broadcast %sub3A_490 : f32 to vector<16xf32>
    %sub3A_492 = arith.subf %sub3A_491, %mul3A_489 : vector<16xf32>
    %mul3A_493 = arith.mulf %mul3A_487, %sub3A_492 : vector<16xf32>
    %mul3A_494 = arith.mulf %mul3A_481, %mul3A_493 : vector<16xf32>
    %mul3A_495 = arith.mulf %mul3A_494, %mul3A_493 : vector<16xf32>
    %sub3A_496 = arith.constant 1.500000e+00 : f32
    %sub3A_497 = vector.broadcast %sub3A_496 : f32 to vector<16xf32>
    %sub3A_498 = arith.subf %sub3A_497, %mul3A_495 : vector<16xf32>
    %mul3A_499 = arith.mulf %mul3A_493, %sub3A_498 : vector<16xf32>
    %swap3A_500 = arith.constant 176 : index
    %swap3A_501 = tpu.vector_load %arg12[%swap3A_500] {strides = array<i32>} : memref<640xf32, #tpu.memory_space<vmem>>, vector<16xf32>,
    tpu.vector_store %arg12[%swap3A_500], %mul3A_499 {strides = array<i32>} : memref<640xf32, #tpu.memory_space<vmem>>, vector<16xf32>,
    %get3A_502 = arith.constant 192 : index
    %get3A_503 = tpu.vector_load %arg12[%get3A_502] {strides = array<i32>} : memref<640xf32, #tpu.memory_space<vmem>>, vector<16xf32>,
    %max3A_504 = arith.constant 9.99999996E-13 : f32
    %max3A_505 = vector.broadcast %max3A_504 : f32 to vector<16xf32>
    %max3A_506 = arith.maximumf %get3A_503, %max3A_505 : vector<16xf32>
    %bitcast_convert_type3A_507 = tpu.bitcast %max3A_506 : vector<16xf32> -> vector<16xi32>
    %shift_right_logical3A_508 = arith.constant 1 : i32
    %shift_right_logical3A_509 = vector.broadcast %shift_right_logical3A_508 : i32 to vector<16xi32>
    %shift_right_logical3A_510 = arith.shrui %bitcast_convert_type3A_507, %shift_right_logical3A_509 : vector<16xi32>
    %sub3A_511 = arith.constant 1597463007 : i32
    %sub3A_512 = vector.broadcast %sub3A_511 : i32 to vector<16xi32>
    %sub3A_513 = arith.subi %sub3A_512, %shift_right_logical3A_510 : vector<16xi32>
    %bitcast_convert_type3A_514 = tpu.bitcast %sub3A_513 : vector<16xi32> -> vector<16xf32>
    %mul3A_515 = arith.constant 5.000000e-01 : f32
    %mul3A_516 = vector.broadcast %mul3A_515 : f32 to vector<16xf32>
    %mul3A_517 = arith.mulf %max3A_506, %mul3A_516 : vector<16xf32>
    %mul3A_518 = arith.mulf %mul3A_517, %bitcast_convert_type3A_514 : vector<16xf32>
    %mul3A_519 = arith.mulf %mul3A_518, %bitcast_convert_type3A_514 : vector<16xf32>
    %sub3A_520 = arith.constant 1.500000e+00 : f32
    %sub3A_521 = vector.broadcast %sub3A_520 : f32 to vector<16xf32>
    %sub3A_522 = arith.subf %sub3A_521, %mul3A_519 : vector<16xf32>
    %mul3A_523 = arith.mulf %bitcast_convert_type3A_514, %sub3A_522 : vector<16xf32>
    %mul3A_524 = arith.mulf %mul3A_517, %mul3A_523 : vector<16xf32>
    %mul3A_525 = arith.mulf %mul3A_524, %mul3A_523 : vector<16xf32>
    %sub3A_526 = arith.constant 1.500000e+00 : f32
    %sub3A_527 = vector.broadcast %sub3A_526 : f32 to vector<16xf32>
    %sub3A_528 = arith.subf %sub3A_527, %mul3A_525 : vector<16xf32>
    %mul3A_529 = arith.mulf %mul3A_523, %sub3A_528 : vector<16xf32>
    %mul3A_530 = arith.mulf %mul3A_517, %mul3A_529 : vector<16xf32>
    %mul3A_531 = arith.mulf %mul3A_530, %mul3A_529 : vector<16xf32>
    %sub3A_532 = arith.constant 1.500000e+00 : f32
    %sub3A_533 = vector.broadcast %sub3A_532 : f32 to vector<16xf32>
    %sub3A_534 = arith.subf %sub3A_533, %mul3A_531 : vector<16xf32>
    %mul3A_535 = arith.mulf %mul3A_529, %sub3A_534 : vector<16xf32>
    %swap3A_536 = arith.constant 192 : index
    %swap3A_537 = tpu.vector_load %arg12[%swap3A_536] {strides = array<i32>} : memref<640xf32, #tpu.memory_space<vmem>>, vector<16xf32>,
    tpu.vector_store %arg12[%swap3A_536], %mul3A_535 {strides = array<i32>} : memref<640xf32, #tpu.memory_space<vmem>>, vector<16xf32>,
    %get3A_538 = arith.constant 208 : index
    %get3A_539 = tpu.vector_load %arg12[%get3A_538] {strides = array<i32>} : memref<640xf32, #tpu.memory_space<vmem>>, vector<16xf32>,
    %max3A_540 = arith.constant 9.99999996E-13 : f32
    %max3A_541 = vector.broadcast %max3A_540 : f32 to vector<16xf32>
    %max3A_542 = arith.maximumf %get3A_539, %max3A_541 : vector<16xf32>
    %bitcast_convert_type3A_543 = tpu.bitcast %max3A_542 : vector<16xf32> -> vector<16xi32>
    %shift_right_logical3A_544 = arith.constant 1 : i32
    %shift_right_logical3A_545 = vector.broadcast %shift_right_logical3A_544 : i32 to vector<16xi32>
    %shift_right_logical3A_546 = arith.shrui %bitcast_convert_type3A_543, %shift_right_logical3A_545 : vector<16xi32>
    %sub3A_547 = arith.constant 1597463007 : i32
    %sub3A_548 = vector.broadcast %sub3A_547 : i32 to vector<16xi32>
    %sub3A_549 = arith.subi %sub3A_548, %shift_right_logical3A_546 : vector<16xi32>
    %bitcast_convert_type3A_550 = tpu.bitcast %sub3A_549 : vector<16xi32> -> vector<16xf32>
    %mul3A_551 = arith.constant 5.000000e-01 : f32
    %mul3A_552 = vector.broadcast %mul3A_551 : f32 to vector<16xf32>
    %mul3A_553 = arith.mulf %max3A_542, %mul3A_552 : vector<16xf32>
    %mul3A_554 = arith.mulf %mul3A_553, %bitcast_convert_type3A_550 : vector<16xf32>
    %mul3A_555 = arith.mulf %mul3A_554, %bitcast_convert_type3A_550 : vector<16xf32>
    %sub3A_556 = arith.constant 1.500000e+00 : f32
    %sub3A_557 = vector.broadcast %sub3A_556 : f32 to vector<16xf32>
    %sub3A_558 = arith.subf %sub3A_557, %mul3A_555 : vector<16xf32>
    %mul3A_559 = arith.mulf %bitcast_convert_type3A_550, %sub3A_558 : vector<16xf32>
    %mul3A_560 = arith.mulf %mul3A_553, %mul3A_559 : vector<16xf32>
    %mul3A_561 = arith.mulf %mul3A_560, %mul3A_559 : vector<16xf32>
    %sub3A_562 = arith.constant 1.500000e+00 : f32
    %sub3A_563 = vector.broadcast %sub3A_562 : f32 to vector<16xf32>
    %sub3A_564 = arith.subf %sub3A_563, %mul3A_561 : vector<16xf32>
    %mul3A_565 = arith.mulf %mul3A_559, %sub3A_564 : vector<16xf32>
    %mul3A_566 = arith.mulf %mul3A_553, %mul3A_565 : vector<16xf32>
    %mul3A_567 = arith.mulf %mul3A_566, %mul3A_565 : vector<16xf32>
    %sub3A_568 = arith.constant 1.500000e+00 : f32
    %sub3A_569 = vector.broadcast %sub3A_568 : f32 to vector<16xf32>
    %sub3A_570 = arith.subf %sub3A_569, %mul3A_567 : vector<16xf32>
    %mul3A_571 = arith.mulf %mul3A_565, %sub3A_570 : vector<16xf32>
    %swap3A_572 = arith.constant 208 : index
    %swap3A_573 = tpu.vector_load %arg12[%swap3A_572] {strides = array<i32>} : memref<640xf32, #tpu.memory_space<vmem>>, vector<16xf32>,
    tpu.vector_store %arg12[%swap3A_572], %mul3A_571 {strides = array<i32>} : memref<640xf32, #tpu.memory_space<vmem>>, vector<16xf32>,
    %get3A_574 = arith.constant 224 : index
    %get3A_575 = tpu.vector_load %arg12[%get3A_574] {strides = array<i32>} : memref<640xf32, #tpu.memory_space<vmem>>, vector<16xf32>,
    %max3A_576 = arith.constant 9.99999996E-13 : f32
    %max3A_577 = vector.broadcast %max3A_576 : f32 to vector<16xf32>
    %max3A_578 = arith.maximumf %get3A_575, %max3A_577 : vector<16xf32>
    %bitcast_convert_type3A_579 = tpu.bitcast %max3A_578 : vector<16xf32> -> vector<16xi32>
    %shift_right_logical3A_580 = arith.constant 1 : i32
    %shift_right_logical3A_581 = vector.broadcast %shift_right_logical3A_580 : i32 to vector<16xi32>
    %shift_right_logical3A_582 = arith.shrui %bitcast_convert_type3A_579, %shift_right_logical3A_581 : vector<16xi32>
    %sub3A_583 = arith.constant 1597463007 : i32
    %sub3A_584 = vector.broadcast %sub3A_583 : i32 to vector<16xi32>
    %sub3A_585 = arith.subi %sub3A_584, %shift_right_logical3A_582 : vector<16xi32>
    %bitcast_convert_type3A_586 = tpu.bitcast %sub3A_585 : vector<16xi32> -> vector<16xf32>
    %mul3A_587 = arith.constant 5.000000e-01 : f32
    %mul3A_588 = vector.broadcast %mul3A_587 : f32 to vector<16xf32>
    %mul3A_589 = arith.mulf %max3A_578, %mul3A_588 : vector<16xf32>
    %mul3A_590 = arith.mulf %mul3A_589, %bitcast_convert_type3A_586 : vector<16xf32>
    %mul3A_591 = arith.mulf %mul3A_590, %bitcast_convert_type3A_586 : vector<16xf32>
    %sub3A_592 = arith.constant 1.500000e+00 : f32
    %sub3A_593 = vector.broadcast %sub3A_592 : f32 to vector<16xf32>
    %sub3A_594 = arith.subf %sub3A_593, %mul3A_591 : vector<16xf32>
    %mul3A_595 = arith.mulf %bitcast_convert_type3A_586, %sub3A_594 : vector<16xf32>
    %mul3A_596 = arith.mulf %mul3A_589, %mul3A_595 : vector<16xf32>
    %mul3A_597 = arith.mulf %mul3A_596, %mul3A_595 : vector<16xf32>
    %sub3A_598 = arith.constant 1.500000e+00 : f32
    %sub3A_599 = vector.broadcast %sub3A_598 : f32 to vector<16xf32>
    %sub3A_600 = arith.subf %sub3A_599, %mul3A_597 : vector<16xf32>
    %mul3A_601 = arith.mulf %mul3A_595, %sub3A_600 : vector<16xf32>
    %mul3A_602 = arith.mulf %mul3A_589, %mul3A_601 : vector<16xf32>
    %mul3A_603 = arith.mulf %mul3A_602, %mul3A_601 : vector<16xf32>
    %sub3A_604 = arith.constant 1.500000e+00 : f32
    %sub3A_605 = vector.broadcast %sub3A_604 : f32 to vector<16xf32>
    %sub3A_606 = arith.subf %sub3A_605, %mul3A_603 : vector<16xf32>
    %mul3A_607 = arith.mulf %mul3A_601, %sub3A_606 : vector<16xf32>
    %swap3A_608 = arith.constant 224 : index
    %swap3A_609 = tpu.vector_load %arg12[%swap3A_608] {strides = array<i32>} : memref<640xf32, #tpu.memory_space<vmem>>, vector<16xf32>,
    tpu.vector_store %arg12[%swap3A_608], %mul3A_607 {strides = array<i32>} : memref<640xf32, #tpu.memory_space<vmem>>, vector<16xf32>,
    %get3A_610 = arith.constant 240 : index
    %get3A_611 = tpu.vector_load %arg12[%get3A_610] {strides = array<i32>} : memref<640xf32, #tpu.memory_space<vmem>>, vector<16xf32>,
    %max3A_612 = arith.constant 9.99999996E-13 : f32
    %max3A_613 = vector.broadcast %max3A_612 : f32 to vector<16xf32>
    %max3A_614 = arith.maximumf %get3A_611, %max3A_613 : vector<16xf32>
    %bitcast_convert_type3A_615 = tpu.bitcast %max3A_614 : vector<16xf32> -> vector<16xi32>
    %shift_right_logical3A_616 = arith.constant 1 : i32
    %shift_right_logical3A_617 = vector.broadcast %shift_right_logical3A_616 : i32 to vector<16xi32>
    %shift_right_logical3A_618 = arith.shrui %bitcast_convert_type3A_615, %shift_right_logical3A_617 : vector<16xi32>
    %sub3A_619 = arith.constant 1597463007 : i32
    %sub3A_620 = vector.broadcast %sub3A_619 : i32 to vector<16xi32>
    %sub3A_621 = arith.subi %sub3A_620, %shift_right_logical3A_618 : vector<16xi32>
    %bitcast_convert_type3A_622 = tpu.bitcast %sub3A_621 : vector<16xi32> -> vector<16xf32>
    %mul3A_623 = arith.constant 5.000000e-01 : f32
    %mul3A_624 = vector.broadcast %mul3A_623 : f32 to vector<16xf32>
    %mul3A_625 = arith.mulf %max3A_614, %mul3A_624 : vector<16xf32>
    %mul3A_626 = arith.mulf %mul3A_625, %bitcast_convert_type3A_622 : vector<16xf32>
    %mul3A_627 = arith.mulf %mul3A_626, %bitcast_convert_type3A_622 : vector<16xf32>
    %sub3A_628 = arith.constant 1.500000e+00 : f32
    %sub3A_629 = vector.broadcast %sub3A_628 : f32 to vector<16xf32>
    %sub3A_630 = arith.subf %sub3A_629, %mul3A_627 : vector<16xf32>
    %mul3A_631 = arith.mulf %bitcast_convert_type3A_622, %sub3A_630 : vector<16xf32>
    %mul3A_632 = arith.mulf %mul3A_625, %mul3A_631 : vector<16xf32>
    %mul3A_633 = arith.mulf %mul3A_632, %mul3A_631 : vector<16xf32>
    %sub3A_634 = arith.constant 1.500000e+00 : f32
    %sub3A_635 = vector.broadcast %sub3A_634 : f32 to vector<16xf32>
    %sub3A_636 = arith.subf %sub3A_635, %mul3A_633 : vector<16xf32>
    %mul3A_637 = arith.mulf %mul3A_631, %sub3A_636 : vector<16xf32>
    %mul3A_638 = arith.mulf %mul3A_625, %mul3A_637 : vector<16xf32>
    %mul3A_639 = arith.mulf %mul3A_638, %mul3A_637 : vector<16xf32>
    %sub3A_640 = arith.constant 1.500000e+00 : f32
    %sub3A_641 = vector.broadcast %sub3A_640 : f32 to vector<16xf32>
    %sub3A_642 = arith.subf %sub3A_641, %mul3A_639 : vector<16xf32>
    %mul3A_643 = arith.mulf %mul3A_637, %sub3A_642 : vector<16xf32>
    %swap3A_644 = arith.constant 240 : index
    %swap3A_645 = tpu.vector_load %arg12[%swap3A_644] {strides = array<i32>} : memref<640xf32, #tpu.memory_space<vmem>>, vector<16xf32>,
    tpu.vector_store %arg12[%swap3A_644], %mul3A_643 {strides = array<i32>} : memref<640xf32, #tpu.memory_space<vmem>>, vector<16xf32>,
    %get3A_646 = arith.constant 256 : index
    %get3A_647 = tpu.vector_load %arg12[%get3A_646] {strides = array<i32>} : memref<640xf32, #tpu.memory_space<vmem>>, vector<16xf32>,
    %max3A_648 = arith.constant 9.99999996E-13 : f32
    %max3A_649 = vector.broadcast %max3A_648 : f32 to vector<16xf32>
    %max3A_650 = arith.maximumf %get3A_647, %max3A_649 : vector<16xf32>
    %bitcast_convert_type3A_651 = tpu.bitcast %max3A_650 : vector<16xf32> -> vector<16xi32>
    %shift_right_logical3A_652 = arith.constant 1 : i32
    %shift_right_logical3A_653 = vector.broadcast %shift_right_logical3A_652 : i32 to vector<16xi32>
    %shift_right_logical3A_654 = arith.shrui %bitcast_convert_type3A_651, %shift_right_logical3A_653 : vector<16xi32>
    %sub3A_655 = arith.constant 1597463007 : i32
    %sub3A_656 = vector.broadcast %sub3A_655 : i32 to vector<16xi32>
    %sub3A_657 = arith.subi %sub3A_656, %shift_right_logical3A_654 : vector<16xi32>
    %bitcast_convert_type3A_658 = tpu.bitcast %sub3A_657 : vector<16xi32> -> vector<16xf32>
    %mul3A_659 = arith.constant 5.000000e-01 : f32
    %mul3A_660 = vector.broadcast %mul3A_659 : f32 to vector<16xf32>
    %mul3A_661 = arith.mulf %max3A_650, %mul3A_660 : vector<16xf32>
    %mul3A_662 = arith.mulf %mul3A_661, %bitcast_convert_type3A_658 : vector<16xf32>
    %mul3A_663 = arith.mulf %mul3A_662, %bitcast_convert_type3A_658 : vector<16xf32>
    %sub3A_664 = arith.constant 1.500000e+00 : f32
    %sub3A_665 = vector.broadcast %sub3A_664 : f32 to vector<16xf32>
    %sub3A_666 = arith.subf %sub3A_665, %mul3A_663 : vector<16xf32>
    %mul3A_667 = arith.mulf %bitcast_convert_type3A_658, %sub3A_666 : vector<16xf32>
    %mul3A_668 = arith.mulf %mul3A_661, %mul3A_667 : vector<16xf32>
    %mul3A_669 = arith.mulf %mul3A_668, %mul3A_667 : vector<16xf32>
    %sub3A_670 = arith.constant 1.500000e+00 : f32
    %sub3A_671 = vector.broadcast %sub3A_670 : f32 to vector<16xf32>
    %sub3A_672 = arith.subf %sub3A_671, %mul3A_669 : vector<16xf32>
    %mul3A_673 = arith.mulf %mul3A_667, %sub3A_672 : vector<16xf32>
    %mul3A_674 = arith.mulf %mul3A_661, %mul3A_673 : vector<16xf32>
    %mul3A_675 = arith.mulf %mul3A_674, %mul3A_673 : vector<16xf32>
    %sub3A_676 = arith.constant 1.500000e+00 : f32
    %sub3A_677 = vector.broadcast %sub3A_676 : f32 to vector<16xf32>
    %sub3A_678 = arith.subf %sub3A_677, %mul3A_675 : vector<16xf32>
    %mul3A_679 = arith.mulf %mul3A_673, %sub3A_678 : vector<16xf32>
    %swap3A_680 = arith.constant 256 : index
    %swap3A_681 = tpu.vector_load %arg12[%swap3A_680] {strides = array<i32>} : memref<640xf32, #tpu.memory_space<vmem>>, vector<16xf32>,
    tpu.vector_store %arg12[%swap3A_680], %mul3A_679 {strides = array<i32>} : memref<640xf32, #tpu.memory_space<vmem>>, vector<16xf32>,
    %get3A_682 = arith.constant 272 : index
    %get3A_683 = tpu.vector_load %arg12[%get3A_682] {strides = array<i32>} : memref<640xf32, #tpu.memory_space<vmem>>, vector<16xf32>,
    %max3A_684 = arith.constant 9.99999996E-13 : f32
    %max3A_685 = vector.broadcast %max3A_684 : f32 to vector<16xf32>
    %max3A_686 = arith.maximumf %get3A_683, %max3A_685 : vector<16xf32>
    %bitcast_convert_type3A_687 = tpu.bitcast %max3A_686 : vector<16xf32> -> vector<16xi32>
    %shift_right_logical3A_688 = arith.constant 1 : i32
    %shift_right_logical3A_689 = vector.broadcast %shift_right_logical3A_688 : i32 to vector<16xi32>
    %shift_right_logical3A_690 = arith.shrui %bitcast_convert_type3A_687, %shift_right_logical3A_689 : vector<16xi32>
    %sub3A_691 = arith.constant 1597463007 : i32
    %sub3A_692 = vector.broadcast %sub3A_691 : i32 to vector<16xi32>
    %sub3A_693 = arith.subi %sub3A_692, %shift_right_logical3A_690 : vector<16xi32>
    %bitcast_convert_type3A_694 = tpu.bitcast %sub3A_693 : vector<16xi32> -> vector<16xf32>
    %mul3A_695 = arith.constant 5.000000e-01 : f32
    %mul3A_696 = vector.broadcast %mul3A_695 : f32 to vector<16xf32>
    %mul3A_697 = arith.mulf %max3A_686, %mul3A_696 : vector<16xf32>
    %mul3A_698 = arith.mulf %mul3A_697, %bitcast_convert_type3A_694 : vector<16xf32>
    %mul3A_699 = arith.mulf %mul3A_698, %bitcast_convert_type3A_694 : vector<16xf32>
    %sub3A_700 = arith.constant 1.500000e+00 : f32
    %sub3A_701 = vector.broadcast %sub3A_700 : f32 to vector<16xf32>
    %sub3A_702 = arith.subf %sub3A_701, %mul3A_699 : vector<16xf32>
    %mul3A_703 = arith.mulf %bitcast_convert_type3A_694, %sub3A_702 : vector<16xf32>
    %mul3A_704 = arith.mulf %mul3A_697, %mul3A_703 : vector<16xf32>
    %mul3A_705 = arith.mulf %mul3A_704, %mul3A_703 : vector<16xf32>
    %sub3A_706 = arith.constant 1.500000e+00 : f32
    %sub3A_707 = vector.broadcast %sub3A_706 : f32 to vector<16xf32>
    %sub3A_708 = arith.subf %sub3A_707, %mul3A_705 : vector<16xf32>
    %mul3A_709 = arith.mulf %mul3A_703, %sub3A_708 : vector<16xf32>
    %mul3A_710 = arith.mulf %mul3A_697, %mul3A_709 : vector<16xf32>
    %mul3A_711 = arith.mulf %mul3A_710, %mul3A_709 : vector<16xf32>
    %sub3A_712 = arith.constant 1.500000e+00 : f32
    %sub3A_713 = vector.broadcast %sub3A_712 : f32 to vector<16xf32>
    %sub3A_714 = arith.subf %sub3A_713, %mul3A_711 : vector<16xf32>
    %mul3A_715 = arith.mulf %mul3A_709, %sub3A_714 : vector<16xf32>
    %swap3A_716 = arith.constant 272 : index
    %swap3A_717 = tpu.vector_load %arg12[%swap3A_716] {strides = array<i32>} : memref<640xf32, #tpu.memory_space<vmem>>, vector<16xf32>,
    tpu.vector_store %arg12[%swap3A_716], %mul3A_715 {strides = array<i32>} : memref<640xf32, #tpu.memory_space<vmem>>, vector<16xf32>,
    %get3A_718 = arith.constant 288 : index
    %get3A_719 = tpu.vector_load %arg12[%get3A_718] {strides = array<i32>} : memref<640xf32, #tpu.memory_space<vmem>>, vector<16xf32>,
    %max3A_720 = arith.constant 9.99999996E-13 : f32
    %max3A_721 = vector.broadcast %max3A_720 : f32 to vector<16xf32>
    %max3A_722 = arith.maximumf %get3A_719, %max3A_721 : vector<16xf32>
    %bitcast_convert_type3A_723 = tpu.bitcast %max3A_722 : vector<16xf32> -> vector<16xi32>
    %shift_right_logical3A_724 = arith.constant 1 : i32
    %shift_right_logical3A_725 = vector.broadcast %shift_right_logical3A_724 : i32 to vector<16xi32>
    %shift_right_logical3A_726 = arith.shrui %bitcast_convert_type3A_723, %shift_right_logical3A_725 : vector<16xi32>
    %sub3A_727 = arith.constant 1597463007 : i32
    %sub3A_728 = vector.broadcast %sub3A_727 : i32 to vector<16xi32>
    %sub3A_729 = arith.subi %sub3A_728, %shift_right_logical3A_726 : vector<16xi32>
    %bitcast_convert_type3A_730 = tpu.bitcast %sub3A_729 : vector<16xi32> -> vector<16xf32>
    %mul3A_731 = arith.constant 5.000000e-01 : f32
    %mul3A_732 = vector.broadcast %mul3A_731 : f32 to vector<16xf32>
    %mul3A_733 = arith.mulf %max3A_722, %mul3A_732 : vector<16xf32>
    %mul3A_734 = arith.mulf %mul3A_733, %bitcast_convert_type3A_730 : vector<16xf32>
    %mul3A_735 = arith.mulf %mul3A_734, %bitcast_convert_type3A_730 : vector<16xf32>
    %sub3A_736 = arith.constant 1.500000e+00 : f32
    %sub3A_737 = vector.broadcast %sub3A_736 : f32 to vector<16xf32>
    %sub3A_738 = arith.subf %sub3A_737, %mul3A_735 : vector<16xf32>
    %mul3A_739 = arith.mulf %bitcast_convert_type3A_730, %sub3A_738 : vector<16xf32>
    %mul3A_740 = arith.mulf %mul3A_733, %mul3A_739 : vector<16xf32>
    %mul3A_741 = arith.mulf %mul3A_740, %mul3A_739 : vector<16xf32>
    %sub3A_742 = arith.constant 1.500000e+00 : f32
    %sub3A_743 = vector.broadcast %sub3A_742 : f32 to vector<16xf32>
    %sub3A_744 = arith.subf %sub3A_743, %mul3A_741 : vector<16xf32>
    %mul3A_745 = arith.mulf %mul3A_739, %sub3A_744 : vector<16xf32>
    %mul3A_746 = arith.mulf %mul3A_733, %mul3A_745 : vector<16xf32>
    %mul3A_747 = arith.mulf %mul3A_746, %mul3A_745 : vector<16xf32>
    %sub3A_748 = arith.constant 1.500000e+00 : f32
    %sub3A_749 = vector.broadcast %sub3A_748 : f32 to vector<16xf32>
    %sub3A_750 = arith.subf %sub3A_749, %mul3A_747 : vector<16xf32>
    %mul3A_751 = arith.mulf %mul3A_745, %sub3A_750 : vector<16xf32>
    %swap3A_752 = arith.constant 288 : index
    %swap3A_753 = tpu.vector_load %arg12[%swap3A_752] {strides = array<i32>} : memref<640xf32, #tpu.memory_space<vmem>>, vector<16xf32>,
    tpu.vector_store %arg12[%swap3A_752], %mul3A_751 {strides = array<i32>} : memref<640xf32, #tpu.memory_space<vmem>>, vector<16xf32>,
    %get3A_754 = arith.constant 304 : index
    %get3A_755 = tpu.vector_load %arg12[%get3A_754] {strides = array<i32>} : memref<640xf32, #tpu.memory_space<vmem>>, vector<16xf32>,
    %max3A_756 = arith.constant 9.99999996E-13 : f32
    %max3A_757 = vector.broadcast %max3A_756 : f32 to vector<16xf32>
    %max3A_758 = arith.maximumf %get3A_755, %max3A_757 : vector<16xf32>
    %bitcast_convert_type3A_759 = tpu.bitcast %max3A_758 : vector<16xf32> -> vector<16xi32>
    %shift_right_logical3A_760 = arith.constant 1 : i32
    %shift_right_logical3A_761 = vector.broadcast %shift_right_logical3A_760 : i32 to vector<16xi32>
    %shift_right_logical3A_762 = arith.shrui %bitcast_convert_type3A_759, %shift_right_logical3A_761 : vector<16xi32>
    %sub3A_763 = arith.constant 1597463007 : i32
    %sub3A_764 = vector.broadcast %sub3A_763 : i32 to vector<16xi32>
    %sub3A_765 = arith.subi %sub3A_764, %shift_right_logical3A_762 : vector<16xi32>
    %bitcast_convert_type3A_766 = tpu.bitcast %sub3A_765 : vector<16xi32> -> vector<16xf32>
    %mul3A_767 = arith.constant 5.000000e-01 : f32
    %mul3A_768 = vector.broadcast %mul3A_767 : f32 to vector<16xf32>
    %mul3A_769 = arith.mulf %max3A_758, %mul3A_768 : vector<16xf32>
    %mul3A_770 = arith.mulf %mul3A_769, %bitcast_convert_type3A_766 : vector<16xf32>
    %mul3A_771 = arith.mulf %mul3A_770, %bitcast_convert_type3A_766 : vector<16xf32>
    %sub3A_772 = arith.constant 1.500000e+00 : f32
    %sub3A_773 = vector.broadcast %sub3A_772 : f32 to vector<16xf32>
    %sub3A_774 = arith.subf %sub3A_773, %mul3A_771 : vector<16xf32>
    %mul3A_775 = arith.mulf %bitcast_convert_type3A_766, %sub3A_774 : vector<16xf32>
    %mul3A_776 = arith.mulf %mul3A_769, %mul3A_775 : vector<16xf32>
    %mul3A_777 = arith.mulf %mul3A_776, %mul3A_775 : vector<16xf32>
    %sub3A_778 = arith.constant 1.500000e+00 : f32
    %sub3A_779 = vector.broadcast %sub3A_778 : f32 to vector<16xf32>
    %sub3A_780 = arith.subf %sub3A_779, %mul3A_777 : vector<16xf32>
    %mul3A_781 = arith.mulf %mul3A_775, %sub3A_780 : vector<16xf32>
    %mul3A_782 = arith.mulf %mul3A_769, %mul3A_781 : vector<16xf32>
    %mul3A_783 = arith.mulf %mul3A_782, %mul3A_781 : vector<16xf32>
    %sub3A_784 = arith.constant 1.500000e+00 : f32
    %sub3A_785 = vector.broadcast %sub3A_784 : f32 to vector<16xf32>
    %sub3A_786 = arith.subf %sub3A_785, %mul3A_783 : vector<16xf32>
    %mul3A_787 = arith.mulf %mul3A_781, %sub3A_786 : vector<16xf32>
    %swap3A_788 = arith.constant 304 : index
    %swap3A_789 = tpu.vector_load %arg12[%swap3A_788] {strides = array<i32>} : memref<640xf32, #tpu.memory_space<vmem>>, vector<16xf32>,
    tpu.vector_store %arg12[%swap3A_788], %mul3A_787 {strides = array<i32>} : memref<640xf32, #tpu.memory_space<vmem>>, vector<16xf32>,
    %get3A_790 = arith.constant 320 : index
    %get3A_791 = tpu.vector_load %arg12[%get3A_790] {strides = array<i32>} : memref<640xf32, #tpu.memory_space<vmem>>, vector<16xf32>,
    %max3A_792 = arith.constant 9.99999996E-13 : f32
    %max3A_793 = vector.broadcast %max3A_792 : f32 to vector<16xf32>
    %max3A_794 = arith.maximumf %get3A_791, %max3A_793 : vector<16xf32>
    %bitcast_convert_type3A_795 = tpu.bitcast %max3A_794 : vector<16xf32> -> vector<16xi32>
    %shift_right_logical3A_796 = arith.constant 1 : i32
    %shift_right_logical3A_797 = vector.broadcast %shift_right_logical3A_796 : i32 to vector<16xi32>
    %shift_right_logical3A_798 = arith.shrui %bitcast_convert_type3A_795, %shift_right_logical3A_797 : vector<16xi32>
    %sub3A_799 = arith.constant 1597463007 : i32
    %sub3A_800 = vector.broadcast %sub3A_799 : i32 to vector<16xi32>
    %sub3A_801 = arith.subi %sub3A_800, %shift_right_logical3A_798 : vector<16xi32>
    %bitcast_convert_type3A_802 = tpu.bitcast %sub3A_801 : vector<16xi32> -> vector<16xf32>
    %mul3A_803 = arith.constant 5.000000e-01 : f32
    %mul3A_804 = vector.broadcast %mul3A_803 : f32 to vector<16xf32>
    %mul3A_805 = arith.mulf %max3A_794, %mul3A_804 : vector<16xf32>
    %mul3A_806 = arith.mulf %mul3A_805, %bitcast_convert_type3A_802 : vector<16xf32>
    %mul3A_807 = arith.mulf %mul3A_806, %bitcast_convert_type3A_802 : vector<16xf32>
    %sub3A_808 = arith.constant 1.500000e+00 : f32
    %sub3A_809 = vector.broadcast %sub3A_808 : f32 to vector<16xf32>
    %sub3A_810 = arith.subf %sub3A_809, %mul3A_807 : vector<16xf32>
    %mul3A_811 = arith.mulf %bitcast_convert_type3A_802, %sub3A_810 : vector<16xf32>
    %mul3A_812 = arith.mulf %mul3A_805, %mul3A_811 : vector<16xf32>
    %mul3A_813 = arith.mulf %mul3A_812, %mul3A_811 : vector<16xf32>
    %sub3A_814 = arith.constant 1.500000e+00 : f32
    %sub3A_815 = vector.broadcast %sub3A_814 : f32 to vector<16xf32>
    %sub3A_816 = arith.subf %sub3A_815, %mul3A_813 : vector<16xf32>
    %mul3A_817 = arith.mulf %mul3A_811, %sub3A_816 : vector<16xf32>
    %mul3A_818 = arith.mulf %mul3A_805, %mul3A_817 : vector<16xf32>
    %mul3A_819 = arith.mulf %mul3A_818, %mul3A_817 : vector<16xf32>
    %sub3A_820 = arith.constant 1.500000e+00 : f32
    %sub3A_821 = vector.broadcast %sub3A_820 : f32 to vector<16xf32>
    %sub3A_822 = arith.subf %sub3A_821, %mul3A_819 : vector<16xf32>
    %mul3A_823 = arith.mulf %mul3A_817, %sub3A_822 : vector<16xf32>
    %swap3A_824 = arith.constant 320 : index
    %swap3A_825 = tpu.vector_load %arg12[%swap3A_824] {strides = array<i32>} : memref<640xf32, #tpu.memory_space<vmem>>, vector<16xf32>,
    tpu.vector_store %arg12[%swap3A_824], %mul3A_823 {strides = array<i32>} : memref<640xf32, #tpu.memory_space<vmem>>, vector<16xf32>,
    %get3A_826 = arith.constant 336 : index
    %get3A_827 = tpu.vector_load %arg12[%get3A_826] {strides = array<i32>} : memref<640xf32, #tpu.memory_space<vmem>>, vector<16xf32>,
    %max3A_828 = arith.constant 9.99999996E-13 : f32
    %max3A_829 = vector.broadcast %max3A_828 : f32 to vector<16xf32>
    %max3A_830 = arith.maximumf %get3A_827, %max3A_829 : vector<16xf32>
    %bitcast_convert_type3A_831 = tpu.bitcast %max3A_830 : vector<16xf32> -> vector<16xi32>
    %shift_right_logical3A_832 = arith.constant 1 : i32
    %shift_right_logical3A_833 = vector.broadcast %shift_right_logical3A_832 : i32 to vector<16xi32>
    %shift_right_logical3A_834 = arith.shrui %bitcast_convert_type3A_831, %shift_right_logical3A_833 : vector<16xi32>
    %sub3A_835 = arith.constant 1597463007 : i32
    %sub3A_836 = vector.broadcast %sub3A_835 : i32 to vector<16xi32>
    %sub3A_837 = arith.subi %sub3A_836, %shift_right_logical3A_834 : vector<16xi32>
    %bitcast_convert_type3A_838 = tpu.bitcast %sub3A_837 : vector<16xi32> -> vector<16xf32>
    %mul3A_839 = arith.constant 5.000000e-01 : f32
    %mul3A_840 = vector.broadcast %mul3A_839 : f32 to vector<16xf32>
    %mul3A_841 = arith.mulf %max3A_830, %mul3A_840 : vector<16xf32>
    %mul3A_842 = arith.mulf %mul3A_841, %bitcast_convert_type3A_838 : vector<16xf32>
    %mul3A_843 = arith.mulf %mul3A_842, %bitcast_convert_type3A_838 : vector<16xf32>
    %sub3A_844 = arith.constant 1.500000e+00 : f32
    %sub3A_845 = vector.broadcast %sub3A_844 : f32 to vector<16xf32>
    %sub3A_846 = arith.subf %sub3A_845, %mul3A_843 : vector<16xf32>
    %mul3A_847 = arith.mulf %bitcast_convert_type3A_838, %sub3A_846 : vector<16xf32>
    %mul3A_848 = arith.mulf %mul3A_841, %mul3A_847 : vector<16xf32>
    %mul3A_849 = arith.mulf %mul3A_848, %mul3A_847 : vector<16xf32>
    %sub3A_850 = arith.constant 1.500000e+00 : f32
    %sub3A_851 = vector.broadcast %sub3A_850 : f32 to vector<16xf32>
    %sub3A_852 = arith.subf %sub3A_851, %mul3A_849 : vector<16xf32>
    %mul3A_853 = arith.mulf %mul3A_847, %sub3A_852 : vector<16xf32>
    %mul3A_854 = arith.mulf %mul3A_841, %mul3A_853 : vector<16xf32>
    %mul3A_855 = arith.mulf %mul3A_854, %mul3A_853 : vector<16xf32>
    %sub3A_856 = arith.constant 1.500000e+00 : f32
    %sub3A_857 = vector.broadcast %sub3A_856 : f32 to vector<16xf32>
    %sub3A_858 = arith.subf %sub3A_857, %mul3A_855 : vector<16xf32>
    %mul3A_859 = arith.mulf %mul3A_853, %sub3A_858 : vector<16xf32>
    %swap3A_860 = arith.constant 336 : index
    %swap3A_861 = tpu.vector_load %arg12[%swap3A_860] {strides = array<i32>} : memref<640xf32, #tpu.memory_space<vmem>>, vector<16xf32>,
    tpu.vector_store %arg12[%swap3A_860], %mul3A_859 {strides = array<i32>} : memref<640xf32, #tpu.memory_space<vmem>>, vector<16xf32>,
    %get3A_862 = arith.constant 352 : index
    %get3A_863 = tpu.vector_load %arg12[%get3A_862] {strides = array<i32>} : memref<640xf32, #tpu.memory_space<vmem>>, vector<16xf32>,
    %max3A_864 = arith.constant 9.99999996E-13 : f32
    %max3A_865 = vector.broadcast %max3A_864 : f32 to vector<16xf32>
    %max3A_866 = arith.maximumf %get3A_863, %max3A_865 : vector<16xf32>
    %bitcast_convert_type3A_867 = tpu.bitcast %max3A_866 : vector<16xf32> -> vector<16xi32>
    %shift_right_logical3A_868 = arith.constant 1 : i32
    %shift_right_logical3A_869 = vector.broadcast %shift_right_logical3A_868 : i32 to vector<16xi32>
    %shift_right_logical3A_870 = arith.shrui %bitcast_convert_type3A_867, %shift_right_logical3A_869 : vector<16xi32>
    %sub3A_871 = arith.constant 1597463007 : i32
    %sub3A_872 = vector.broadcast %sub3A_871 : i32 to vector<16xi32>
    %sub3A_873 = arith.subi %sub3A_872, %shift_right_logical3A_870 : vector<16xi32>
    %bitcast_convert_type3A_874 = tpu.bitcast %sub3A_873 : vector<16xi32> -> vector<16xf32>
    %mul3A_875 = arith.constant 5.000000e-01 : f32
    %mul3A_876 = vector.broadcast %mul3A_875 : f32 to vector<16xf32>
    %mul3A_877 = arith.mulf %max3A_866, %mul3A_876 : vector<16xf32>
    %mul3A_878 = arith.mulf %mul3A_877, %bitcast_convert_type3A_874 : vector<16xf32>
    %mul3A_879 = arith.mulf %mul3A_878, %bitcast_convert_type3A_874 : vector<16xf32>
    %sub3A_880 = arith.constant 1.500000e+00 : f32
    %sub3A_881 = vector.broadcast %sub3A_880 : f32 to vector<16xf32>
    %sub3A_882 = arith.subf %sub3A_881, %mul3A_879 : vector<16xf32>
    %mul3A_883 = arith.mulf %bitcast_convert_type3A_874, %sub3A_882 : vector<16xf32>
    %mul3A_884 = arith.mulf %mul3A_877, %mul3A_883 : vector<16xf32>
    %mul3A_885 = arith.mulf %mul3A_884, %mul3A_883 : vector<16xf32>
    %sub3A_886 = arith.constant 1.500000e+00 : f32
    %sub3A_887 = vector.broadcast %sub3A_886 : f32 to vector<16xf32>
    %sub3A_888 = arith.subf %sub3A_887, %mul3A_885 : vector<16xf32>
    %mul3A_889 = arith.mulf %mul3A_883, %sub3A_888 : vector<16xf32>
    %mul3A_890 = arith.mulf %mul3A_877, %mul3A_889 : vector<16xf32>
    %mul3A_891 = arith.mulf %mul3A_890, %mul3A_889 : vector<16xf32>
    %sub3A_892 = arith.constant 1.500000e+00 : f32
    %sub3A_893 = vector.broadcast %sub3A_892 : f32 to vector<16xf32>
    %sub3A_894 = arith.subf %sub3A_893, %mul3A_891 : vector<16xf32>
    %mul3A_895 = arith.mulf %mul3A_889, %sub3A_894 : vector<16xf32>
    %swap3A_896 = arith.constant 352 : index
    %swap3A_897 = tpu.vector_load %arg12[%swap3A_896] {strides = array<i32>} : memref<640xf32, #tpu.memory_space<vmem>>, vector<16xf32>,
    tpu.vector_store %arg12[%swap3A_896], %mul3A_895 {strides = array<i32>} : memref<640xf32, #tpu.memory_space<vmem>>, vector<16xf32>,
    %get3A_898 = arith.constant 368 : index
    %get3A_899 = tpu.vector_load %arg12[%get3A_898] {strides = array<i32>} : memref<640xf32, #tpu.memory_space<vmem>>, vector<16xf32>,
    %max3A_900 = arith.constant 9.99999996E-13 : f32
    %max3A_901 = vector.broadcast %max3A_900 : f32 to vector<16xf32>
    %max3A_902 = arith.maximumf %get3A_899, %max3A_901 : vector<16xf32>
    %bitcast_convert_type3A_903 = tpu.bitcast %max3A_902 : vector<16xf32> -> vector<16xi32>
    %shift_right_logical3A_904 = arith.constant 1 : i32
    %shift_right_logical3A_905 = vector.broadcast %shift_right_logical3A_904 : i32 to vector<16xi32>
    %shift_right_logical3A_906 = arith.shrui %bitcast_convert_type3A_903, %shift_right_logical3A_905 : vector<16xi32>
    %sub3A_907 = arith.constant 1597463007 : i32
    %sub3A_908 = vector.broadcast %sub3A_907 : i32 to vector<16xi32>
    %sub3A_909 = arith.subi %sub3A_908, %shift_right_logical3A_906 : vector<16xi32>
    %bitcast_convert_type3A_910 = tpu.bitcast %sub3A_909 : vector<16xi32> -> vector<16xf32>
    %mul3A_911 = arith.constant 5.000000e-01 : f32
    %mul3A_912 = vector.broadcast %mul3A_911 : f32 to vector<16xf32>
    %mul3A_913 = arith.mulf %max3A_902, %mul3A_912 : vector<16xf32>
    %mul3A_914 = arith.mulf %mul3A_913, %bitcast_convert_type3A_910 : vector<16xf32>
    %mul3A_915 = arith.mulf %mul3A_914, %bitcast_convert_type3A_910 : vector<16xf32>
    %sub3A_916 = arith.constant 1.500000e+00 : f32
    %sub3A_917 = vector.broadcast %sub3A_916 : f32 to vector<16xf32>
    %sub3A_918 = arith.subf %sub3A_917, %mul3A_915 : vector<16xf32>
    %mul3A_919 = arith.mulf %bitcast_convert_type3A_910, %sub3A_918 : vector<16xf32>
    %mul3A_920 = arith.mulf %mul3A_913, %mul3A_919 : vector<16xf32>
    %mul3A_921 = arith.mulf %mul3A_920, %mul3A_919 : vector<16xf32>
    %sub3A_922 = arith.constant 1.500000e+00 : f32
    %sub3A_923 = vector.broadcast %sub3A_922 : f32 to vector<16xf32>
    %sub3A_924 = arith.subf %sub3A_923, %mul3A_921 : vector<16xf32>
    %mul3A_925 = arith.mulf %mul3A_919, %sub3A_924 : vector<16xf32>
    %mul3A_926 = arith.mulf %mul3A_913, %mul3A_925 : vector<16xf32>
    %mul3A_927 = arith.mulf %mul3A_926, %mul3A_925 : vector<16xf32>
    %sub3A_928 = arith.constant 1.500000e+00 : f32
    %sub3A_929 = vector.broadcast %sub3A_928 : f32 to vector<16xf32>
    %sub3A_930 = arith.subf %sub3A_929, %mul3A_927 : vector<16xf32>
    %mul3A_931 = arith.mulf %mul3A_925, %sub3A_930 : vector<16xf32>
    %swap3A_932 = arith.constant 368 : index
    %swap3A_933 = tpu.vector_load %arg12[%swap3A_932] {strides = array<i32>} : memref<640xf32, #tpu.memory_space<vmem>>, vector<16xf32>,
    tpu.vector_store %arg12[%swap3A_932], %mul3A_931 {strides = array<i32>} : memref<640xf32, #tpu.memory_space<vmem>>, vector<16xf32>,
    %get3A_934 = arith.constant 384 : index
    %get3A_935 = tpu.vector_load %arg12[%get3A_934] {strides = array<i32>} : memref<640xf32, #tpu.memory_space<vmem>>, vector<16xf32>,
    %max3A_936 = arith.constant 9.99999996E-13 : f32
    %max3A_937 = vector.broadcast %max3A_936 : f32 to vector<16xf32>
    %max3A_938 = arith.maximumf %get3A_935, %max3A_937 : vector<16xf32>
    %bitcast_convert_type3A_939 = tpu.bitcast %max3A_938 : vector<16xf32> -> vector<16xi32>
    %shift_right_logical3A_940 = arith.constant 1 : i32
    %shift_right_logical3A_941 = vector.broadcast %shift_right_logical3A_940 : i32 to vector<16xi32>
    %shift_right_logical3A_942 = arith.shrui %bitcast_convert_type3A_939, %shift_right_logical3A_941 : vector<16xi32>
    %sub3A_943 = arith.constant 1597463007 : i32
    %sub3A_944 = vector.broadcast %sub3A_943 : i32 to vector<16xi32>
    %sub3A_945 = arith.subi %sub3A_944, %shift_right_logical3A_942 : vector<16xi32>
    %bitcast_convert_type3A_946 = tpu.bitcast %sub3A_945 : vector<16xi32> -> vector<16xf32>
    %mul3A_947 = arith.constant 5.000000e-01 : f32
    %mul3A_948 = vector.broadcast %mul3A_947 : f32 to vector<16xf32>
    %mul3A_949 = arith.mulf %max3A_938, %mul3A_948 : vector<16xf32>
    %mul3A_950 = arith.mulf %mul3A_949, %bitcast_convert_type3A_946 : vector<16xf32>
    %mul3A_951 = arith.mulf %mul3A_950, %bitcast_convert_type3A_946 : vector<16xf32>
    %sub3A_952 = arith.constant 1.500000e+00 : f32
    %sub3A_953 = vector.broadcast %sub3A_952 : f32 to vector<16xf32>
    %sub3A_954 = arith.subf %sub3A_953, %mul3A_951 : vector<16xf32>
    %mul3A_955 = arith.mulf %bitcast_convert_type3A_946, %sub3A_954 : vector<16xf32>
    %mul3A_956 = arith.mulf %mul3A_949, %mul3A_955 : vector<16xf32>
    %mul3A_957 = arith.mulf %mul3A_956, %mul3A_955 : vector<16xf32>
    %sub3A_958 = arith.constant 1.500000e+00 : f32
    %sub3A_959 = vector.broadcast %sub3A_958 : f32 to vector<16xf32>
    %sub3A_960 = arith.subf %sub3A_959, %mul3A_957 : vector<16xf32>
    %mul3A_961 = arith.mulf %mul3A_955, %sub3A_960 : vector<16xf32>
    %mul3A_962 = arith.mulf %mul3A_949, %mul3A_961 : vector<16xf32>
    %mul3A_963 = arith.mulf %mul3A_962, %mul3A_961 : vector<16xf32>
    %sub3A_964 = arith.constant 1.500000e+00 : f32
    %sub3A_965 = vector.broadcast %sub3A_964 : f32 to vector<16xf32>
    %sub3A_966 = arith.subf %sub3A_965, %mul3A_963 : vector<16xf32>
    %mul3A_967 = arith.mulf %mul3A_961, %sub3A_966 : vector<16xf32>
    %swap3A_968 = arith.constant 384 : index
    %swap3A_969 = tpu.vector_load %arg12[%swap3A_968] {strides = array<i32>} : memref<640xf32, #tpu.memory_space<vmem>>, vector<16xf32>,
    tpu.vector_store %arg12[%swap3A_968], %mul3A_967 {strides = array<i32>} : memref<640xf32, #tpu.memory_space<vmem>>, vector<16xf32>,
    %get3A_970 = arith.constant 400 : index
    %get3A_971 = tpu.vector_load %arg12[%get3A_970] {strides = array<i32>} : memref<640xf32, #tpu.memory_space<vmem>>, vector<16xf32>,
    %max3A_972 = arith.constant 9.99999996E-13 : f32
    %max3A_973 = vector.broadcast %max3A_972 : f32 to vector<16xf32>
    %max3A_974 = arith.maximumf %get3A_971, %max3A_973 : vector<16xf32>
    %bitcast_convert_type3A_975 = tpu.bitcast %max3A_974 : vector<16xf32> -> vector<16xi32>
    %shift_right_logical3A_976 = arith.constant 1 : i32
    %shift_right_logical3A_977 = vector.broadcast %shift_right_logical3A_976 : i32 to vector<16xi32>
    %shift_right_logical3A_978 = arith.shrui %bitcast_convert_type3A_975, %shift_right_logical3A_977 : vector<16xi32>
    %sub3A_979 = arith.constant 1597463007 : i32
    %sub3A_980 = vector.broadcast %sub3A_979 : i32 to vector<16xi32>
    %sub3A_981 = arith.subi %sub3A_980, %shift_right_logical3A_978 : vector<16xi32>
    %bitcast_convert_type3A_982 = tpu.bitcast %sub3A_981 : vector<16xi32> -> vector<16xf32>
    %mul3A_983 = arith.constant 5.000000e-01 : f32
    %mul3A_984 = vector.broadcast %mul3A_983 : f32 to vector<16xf32>
    %mul3A_985 = arith.mulf %max3A_974, %mul3A_984 : vector<16xf32>
    %mul3A_986 = arith.mulf %mul3A_985, %bitcast_convert_type3A_982 : vector<16xf32>
    %mul3A_987 = arith.mulf %mul3A_986, %bitcast_convert_type3A_982 : vector<16xf32>
    %sub3A_988 = arith.constant 1.500000e+00 : f32
    %sub3A_989 = vector.broadcast %sub3A_988 : f32 to vector<16xf32>
    %sub3A_990 = arith.subf %sub3A_989, %mul3A_987 : vector<16xf32>
    %mul3A_991 = arith.mulf %bitcast_convert_type3A_982, %sub3A_990 : vector<16xf32>
    %mul3A_992 = arith.mulf %mul3A_985, %mul3A_991 : vector<16xf32>
    %mul3A_993 = arith.mulf %mul3A_992, %mul3A_991 : vector<16xf32>
    %sub3A_994 = arith.constant 1.500000e+00 : f32
    %sub3A_995 = vector.broadcast %sub3A_994 : f32 to vector<16xf32>
    %sub3A_996 = arith.subf %sub3A_995, %mul3A_993 : vector<16xf32>
    %mul3A_997 = arith.mulf %mul3A_991, %sub3A_996 : vector<16xf32>
    %mul3A_998 = arith.mulf %mul3A_985, %mul3A_997 : vector<16xf32>
    %mul3A_999 = arith.mulf %mul3A_998, %mul3A_997 : vector<16xf32>
    %sub3A_1000 = arith.constant 1.500000e+00 : f32
    %sub3A_1001 = vector.broadcast %sub3A_1000 : f32 to vector<16xf32>
    %sub3A_1002 = arith.subf %sub3A_1001, %mul3A_999 : vector<16xf32>
    %mul3A_1003 = arith.mulf %mul3A_997, %sub3A_1002 : vector<16xf32>
    %swap3A_1004 = arith.constant 400 : index
    %swap3A_1005 = tpu.vector_load %arg12[%swap3A_1004] {strides = array<i32>} : memref<640xf32, #tpu.memory_space<vmem>>, vector<16xf32>,
    tpu.vector_store %arg12[%swap3A_1004], %mul3A_1003 {strides = array<i32>} : memref<640xf32, #tpu.memory_space<vmem>>, vector<16xf32>,
    %get3A_1006 = arith.constant 416 : index
    %get3A_1007 = tpu.vector_load %arg12[%get3A_1006] {strides = array<i32>} : memref<640xf32, #tpu.memory_space<vmem>>, vector<16xf32>,
    %max3A_1008 = arith.constant 9.99999996E-13 : f32
    %max3A_1009 = vector.broadcast %max3A_1008 : f32 to vector<16xf32>
    %max3A_1010 = arith.maximumf %get3A_1007, %max3A_1009 : vector<16xf32>
    %bitcast_convert_type3A_1011 = tpu.bitcast %max3A_1010 : vector<16xf32> -> vector<16xi32>
    %shift_right_logical3A_1012 = arith.constant 1 : i32
    %shift_right_logical3A_1013 = vector.broadcast %shift_right_logical3A_1012 : i32 to vector<16xi32>
    %shift_right_logical3A_1014 = arith.shrui %bitcast_convert_type3A_1011, %shift_right_logical3A_1013 : vector<16xi32>
    %sub3A_1015 = arith.constant 1597463007 : i32
    %sub3A_1016 = vector.broadcast %sub3A_1015 : i32 to vector<16xi32>
    %sub3A_1017 = arith.subi %sub3A_1016, %shift_right_logical3A_1014 : vector<16xi32>
    %bitcast_convert_type3A_1018 = tpu.bitcast %sub3A_1017 : vector<16xi32> -> vector<16xf32>
    %mul3A_1019 = arith.constant 5.000000e-01 : f32
    %mul3A_1020 = vector.broadcast %mul3A_1019 : f32 to vector<16xf32>
    %mul3A_1021 = arith.mulf %max3A_1010, %mul3A_1020 : vector<16xf32>
    %mul3A_1022 = arith.mulf %mul3A_1021, %bitcast_convert_type3A_1018 : vector<16xf32>
    %mul3A_1023 = arith.mulf %mul3A_1022, %bitcast_convert_type3A_1018 : vector<16xf32>
    %sub3A_1024 = arith.constant 1.500000e+00 : f32
    %sub3A_1025 = vector.broadcast %sub3A_1024 : f32 to vector<16xf32>
    %sub3A_1026 = arith.subf %sub3A_1025, %mul3A_1023 : vector<16xf32>
    %mul3A_1027 = arith.mulf %bitcast_convert_type3A_1018, %sub3A_1026 : vector<16xf32>
    %mul3A_1028 = arith.mulf %mul3A_1021, %mul3A_1027 : vector<16xf32>
    %mul3A_1029 = arith.mulf %mul3A_1028, %mul3A_1027 : vector<16xf32>
    %sub3A_1030 = arith.constant 1.500000e+00 : f32
    %sub3A_1031 = vector.broadcast %sub3A_1030 : f32 to vector<16xf32>
    %sub3A_1032 = arith.subf %sub3A_1031, %mul3A_1029 : vector<16xf32>
    %mul3A_1033 = arith.mulf %mul3A_1027, %sub3A_1032 : vector<16xf32>
    %mul3A_1034 = arith.mulf %mul3A_1021, %mul3A_1033 : vector<16xf32>
    %mul3A_1035 = arith.mulf %mul3A_1034, %mul3A_1033 : vector<16xf32>
    %sub3A_1036 = arith.constant 1.500000e+00 : f32
    %sub3A_1037 = vector.broadcast %sub3A_1036 : f32 to vector<16xf32>
    %sub3A_1038 = arith.subf %sub3A_1037, %mul3A_1035 : vector<16xf32>
    %mul3A_1039 = arith.mulf %mul3A_1033, %sub3A_1038 : vector<16xf32>
    %swap3A_1040 = arith.constant 416 : index
    %swap3A_1041 = tpu.vector_load %arg12[%swap3A_1040] {strides = array<i32>} : memref<640xf32, #tpu.memory_space<vmem>>, vector<16xf32>,
    tpu.vector_store %arg12[%swap3A_1040], %mul3A_1039 {strides = array<i32>} : memref<640xf32, #tpu.memory_space<vmem>>, vector<16xf32>,
    %get3A_1042 = arith.constant 432 : index
    %get3A_1043 = tpu.vector_load %arg12[%get3A_1042] {strides = array<i32>} : memref<640xf32, #tpu.memory_space<vmem>>, vector<16xf32>,
    %max3A_1044 = arith.constant 9.99999996E-13 : f32
    %max3A_1045 = vector.broadcast %max3A_1044 : f32 to vector<16xf32>
    %max3A_1046 = arith.maximumf %get3A_1043, %max3A_1045 : vector<16xf32>
    %bitcast_convert_type3A_1047 = tpu.bitcast %max3A_1046 : vector<16xf32> -> vector<16xi32>
    %shift_right_logical3A_1048 = arith.constant 1 : i32
    %shift_right_logical3A_1049 = vector.broadcast %shift_right_logical3A_1048 : i32 to vector<16xi32>
    %shift_right_logical3A_1050 = arith.shrui %bitcast_convert_type3A_1047, %shift_right_logical3A_1049 : vector<16xi32>
    %sub3A_1051 = arith.constant 1597463007 : i32
    %sub3A_1052 = vector.broadcast %sub3A_1051 : i32 to vector<16xi32>
    %sub3A_1053 = arith.subi %sub3A_1052, %shift_right_logical3A_1050 : vector<16xi32>
    %bitcast_convert_type3A_1054 = tpu.bitcast %sub3A_1053 : vector<16xi32> -> vector<16xf32>
    %mul3A_1055 = arith.constant 5.000000e-01 : f32
    %mul3A_1056 = vector.broadcast %mul3A_1055 : f32 to vector<16xf32>
    %mul3A_1057 = arith.mulf %max3A_1046, %mul3A_1056 : vector<16xf32>
    %mul3A_1058 = arith.mulf %mul3A_1057, %bitcast_convert_type3A_1054 : vector<16xf32>
    %mul3A_1059 = arith.mulf %mul3A_1058, %bitcast_convert_type3A_1054 : vector<16xf32>
    %sub3A_1060 = arith.constant 1.500000e+00 : f32
    %sub3A_1061 = vector.broadcast %sub3A_1060 : f32 to vector<16xf32>
    %sub3A_1062 = arith.subf %sub3A_1061, %mul3A_1059 : vector<16xf32>
    %mul3A_1063 = arith.mulf %bitcast_convert_type3A_1054, %sub3A_1062 : vector<16xf32>
    %mul3A_1064 = arith.mulf %mul3A_1057, %mul3A_1063 : vector<16xf32>
    %mul3A_1065 = arith.mulf %mul3A_1064, %mul3A_1063 : vector<16xf32>
    %sub3A_1066 = arith.constant 1.500000e+00 : f32
    %sub3A_1067 = vector.broadcast %sub3A_1066 : f32 to vector<16xf32>
    %sub3A_1068 = arith.subf %sub3A_1067, %mul3A_1065 : vector<16xf32>
    %mul3A_1069 = arith.mulf %mul3A_1063, %sub3A_1068 : vector<16xf32>
    %mul3A_1070 = arith.mulf %mul3A_1057, %mul3A_1069 : vector<16xf32>
    %mul3A_1071 = arith.mulf %mul3A_1070, %mul3A_1069 : vector<16xf32>
    %sub3A_1072 = arith.constant 1.500000e+00 : f32
    %sub3A_1073 = vector.broadcast %sub3A_1072 : f32 to vector<16xf32>
    %sub3A_1074 = arith.subf %sub3A_1073, %mul3A_1071 : vector<16xf32>
    %mul3A_1075 = arith.mulf %mul3A_1069, %sub3A_1074 : vector<16xf32>
    %swap3A_1076 = arith.constant 432 : index
    %swap3A_1077 = tpu.vector_load %arg12[%swap3A_1076] {strides = array<i32>} : memref<640xf32, #tpu.memory_space<vmem>>, vector<16xf32>,
    tpu.vector_store %arg12[%swap3A_1076], %mul3A_1075 {strides = array<i32>} : memref<640xf32, #tpu.memory_space<vmem>>, vector<16xf32>,
    %get3A_1078 = arith.constant 448 : index
    %get3A_1079 = tpu.vector_load %arg12[%get3A_1078] {strides = array<i32>} : memref<640xf32, #tpu.memory_space<vmem>>, vector<16xf32>,
    %max3A_1080 = arith.constant 9.99999996E-13 : f32
    %max3A_1081 = vector.broadcast %max3A_1080 : f32 to vector<16xf32>
    %max3A_1082 = arith.maximumf %get3A_1079, %max3A_1081 : vector<16xf32>
    %bitcast_convert_type3A_1083 = tpu.bitcast %max3A_1082 : vector<16xf32> -> vector<16xi32>
    %shift_right_logical3A_1084 = arith.constant 1 : i32
    %shift_right_logical3A_1085 = vector.broadcast %shift_right_logical3A_1084 : i32 to vector<16xi32>
    %shift_right_logical3A_1086 = arith.shrui %bitcast_convert_type3A_1083, %shift_right_logical3A_1085 : vector<16xi32>
    %sub3A_1087 = arith.constant 1597463007 : i32
    %sub3A_1088 = vector.broadcast %sub3A_1087 : i32 to vector<16xi32>
    %sub3A_1089 = arith.subi %sub3A_1088, %shift_right_logical3A_1086 : vector<16xi32>
    %bitcast_convert_type3A_1090 = tpu.bitcast %sub3A_1089 : vector<16xi32> -> vector<16xf32>
    %mul3A_1091 = arith.constant 5.000000e-01 : f32
    %mul3A_1092 = vector.broadcast %mul3A_1091 : f32 to vector<16xf32>
    %mul3A_1093 = arith.mulf %max3A_1082, %mul3A_1092 : vector<16xf32>
    %mul3A_1094 = arith.mulf %mul3A_1093, %bitcast_convert_type3A_1090 : vector<16xf32>
    %mul3A_1095 = arith.mulf %mul3A_1094, %bitcast_convert_type3A_1090 : vector<16xf32>
    %sub3A_1096 = arith.constant 1.500000e+00 : f32
    %sub3A_1097 = vector.broadcast %sub3A_1096 : f32 to vector<16xf32>
    %sub3A_1098 = arith.subf %sub3A_1097, %mul3A_1095 : vector<16xf32>
    %mul3A_1099 = arith.mulf %bitcast_convert_type3A_1090, %sub3A_1098 : vector<16xf32>
    %mul3A_1100 = arith.mulf %mul3A_1093, %mul3A_1099 : vector<16xf32>
    %mul3A_1101 = arith.mulf %mul3A_1100, %mul3A_1099 : vector<16xf32>
    %sub3A_1102 = arith.constant 1.500000e+00 : f32
    %sub3A_1103 = vector.broadcast %sub3A_1102 : f32 to vector<16xf32>
    %sub3A_1104 = arith.subf %sub3A_1103, %mul3A_1101 : vector<16xf32>
    %mul3A_1105 = arith.mulf %mul3A_1099, %sub3A_1104 : vector<16xf32>
    %mul3A_1106 = arith.mulf %mul3A_1093, %mul3A_1105 : vector<16xf32>
    %mul3A_1107 = arith.mulf %mul3A_1106, %mul3A_1105 : vector<16xf32>
    %sub3A_1108 = arith.constant 1.500000e+00 : f32
    %sub3A_1109 = vector.broadcast %sub3A_1108 : f32 to vector<16xf32>
    %sub3A_1110 = arith.subf %sub3A_1109, %mul3A_1107 : vector<16xf32>
    %mul3A_1111 = arith.mulf %mul3A_1105, %sub3A_1110 : vector<16xf32>
    %swap3A_1112 = arith.constant 448 : index
    %swap3A_1113 = tpu.vector_load %arg12[%swap3A_1112] {strides = array<i32>} : memref<640xf32, #tpu.memory_space<vmem>>, vector<16xf32>,
    tpu.vector_store %arg12[%swap3A_1112], %mul3A_1111 {strides = array<i32>} : memref<640xf32, #tpu.memory_space<vmem>>, vector<16xf32>,
    %get3A_1114 = arith.constant 464 : index
    %get3A_1115 = tpu.vector_load %arg12[%get3A_1114] {strides = array<i32>} : memref<640xf32, #tpu.memory_space<vmem>>, vector<16xf32>,
    %max3A_1116 = arith.constant 9.99999996E-13 : f32
    %max3A_1117 = vector.broadcast %max3A_1116 : f32 to vector<16xf32>
    %max3A_1118 = arith.maximumf %get3A_1115, %max3A_1117 : vector<16xf32>
    %bitcast_convert_type3A_1119 = tpu.bitcast %max3A_1118 : vector<16xf32> -> vector<16xi32>
    %shift_right_logical3A_1120 = arith.constant 1 : i32
    %shift_right_logical3A_1121 = vector.broadcast %shift_right_logical3A_1120 : i32 to vector<16xi32>
    %shift_right_logical3A_1122 = arith.shrui %bitcast_convert_type3A_1119, %shift_right_logical3A_1121 : vector<16xi32>
    %sub3A_1123 = arith.constant 1597463007 : i32
    %sub3A_1124 = vector.broadcast %sub3A_1123 : i32 to vector<16xi32>
    %sub3A_1125 = arith.subi %sub3A_1124, %shift_right_logical3A_1122 : vector<16xi32>
    %bitcast_convert_type3A_1126 = tpu.bitcast %sub3A_1125 : vector<16xi32> -> vector<16xf32>
    %mul3A_1127 = arith.constant 5.000000e-01 : f32
    %mul3A_1128 = vector.broadcast %mul3A_1127 : f32 to vector<16xf32>
    %mul3A_1129 = arith.mulf %max3A_1118, %mul3A_1128 : vector<16xf32>
    %mul3A_1130 = arith.mulf %mul3A_1129, %bitcast_convert_type3A_1126 : vector<16xf32>
    %mul3A_1131 = arith.mulf %mul3A_1130, %bitcast_convert_type3A_1126 : vector<16xf32>
    %sub3A_1132 = arith.constant 1.500000e+00 : f32
    %sub3A_1133 = vector.broadcast %sub3A_1132 : f32 to vector<16xf32>
    %sub3A_1134 = arith.subf %sub3A_1133, %mul3A_1131 : vector<16xf32>
    %mul3A_1135 = arith.mulf %bitcast_convert_type3A_1126, %sub3A_1134 : vector<16xf32>
    %mul3A_1136 = arith.mulf %mul3A_1129, %mul3A_1135 : vector<16xf32>
    %mul3A_1137 = arith.mulf %mul3A_1136, %mul3A_1135 : vector<16xf32>
    %sub3A_1138 = arith.constant 1.500000e+00 : f32
    %sub3A_1139 = vector.broadcast %sub3A_1138 : f32 to vector<16xf32>
    %sub3A_1140 = arith.subf %sub3A_1139, %mul3A_1137 : vector<16xf32>
    %mul3A_1141 = arith.mulf %mul3A_1135, %sub3A_1140 : vector<16xf32>
    %mul3A_1142 = arith.mulf %mul3A_1129, %mul3A_1141 : vector<16xf32>
    %mul3A_1143 = arith.mulf %mul3A_1142, %mul3A_1141 : vector<16xf32>
    %sub3A_1144 = arith.constant 1.500000e+00 : f32
    %sub3A_1145 = vector.broadcast %sub3A_1144 : f32 to vector<16xf32>
    %sub3A_1146 = arith.subf %sub3A_1145, %mul3A_1143 : vector<16xf32>
    %mul3A_1147 = arith.mulf %mul3A_1141, %sub3A_1146 : vector<16xf32>
    %swap3A_1148 = arith.constant 464 : index
    %swap3A_1149 = tpu.vector_load %arg12[%swap3A_1148] {strides = array<i32>} : memref<640xf32, #tpu.memory_space<vmem>>, vector<16xf32>,
    tpu.vector_store %arg12[%swap3A_1148], %mul3A_1147 {strides = array<i32>} : memref<640xf32, #tpu.memory_space<vmem>>, vector<16xf32>,
    %get3A_1150 = arith.constant 480 : index
    %get3A_1151 = tpu.vector_load %arg12[%get3A_1150] {strides = array<i32>} : memref<640xf32, #tpu.memory_space<vmem>>, vector<16xf32>,
    %max3A_1152 = arith.constant 9.99999996E-13 : f32
    %max3A_1153 = vector.broadcast %max3A_1152 : f32 to vector<16xf32>
    %max3A_1154 = arith.maximumf %get3A_1151, %max3A_1153 : vector<16xf32>
    %bitcast_convert_type3A_1155 = tpu.bitcast %max3A_1154 : vector<16xf32> -> vector<16xi32>
    %shift_right_logical3A_1156 = arith.constant 1 : i32
    %shift_right_logical3A_1157 = vector.broadcast %shift_right_logical3A_1156 : i32 to vector<16xi32>
    %shift_right_logical3A_1158 = arith.shrui %bitcast_convert_type3A_1155, %shift_right_logical3A_1157 : vector<16xi32>
    %sub3A_1159 = arith.constant 1597463007 : i32
    %sub3A_1160 = vector.broadcast %sub3A_1159 : i32 to vector<16xi32>
    %sub3A_1161 = arith.subi %sub3A_1160, %shift_right_logical3A_1158 : vector<16xi32>
    %bitcast_convert_type3A_1162 = tpu.bitcast %sub3A_1161 : vector<16xi32> -> vector<16xf32>
    %mul3A_1163 = arith.constant 5.000000e-01 : f32
    %mul3A_1164 = vector.broadcast %mul3A_1163 : f32 to vector<16xf32>
    %mul3A_1165 = arith.mulf %max3A_1154, %mul3A_1164 : vector<16xf32>
    %mul3A_1166 = arith.mulf %mul3A_1165, %bitcast_convert_type3A_1162 : vector<16xf32>
    %mul3A_1167 = arith.mulf %mul3A_1166, %bitcast_convert_type3A_1162 : vector<16xf32>
    %sub3A_1168 = arith.constant 1.500000e+00 : f32
    %sub3A_1169 = vector.broadcast %sub3A_1168 : f32 to vector<16xf32>
    %sub3A_1170 = arith.subf %sub3A_1169, %mul3A_1167 : vector<16xf32>
    %mul3A_1171 = arith.mulf %bitcast_convert_type3A_1162, %sub3A_1170 : vector<16xf32>
    %mul3A_1172 = arith.mulf %mul3A_1165, %mul3A_1171 : vector<16xf32>
    %mul3A_1173 = arith.mulf %mul3A_1172, %mul3A_1171 : vector<16xf32>
    %sub3A_1174 = arith.constant 1.500000e+00 : f32
    %sub3A_1175 = vector.broadcast %sub3A_1174 : f32 to vector<16xf32>
    %sub3A_1176 = arith.subf %sub3A_1175, %mul3A_1173 : vector<16xf32>
    %mul3A_1177 = arith.mulf %mul3A_1171, %sub3A_1176 : vector<16xf32>
    %mul3A_1178 = arith.mulf %mul3A_1165, %mul3A_1177 : vector<16xf32>
    %mul3A_1179 = arith.mulf %mul3A_1178, %mul3A_1177 : vector<16xf32>
    %sub3A_1180 = arith.constant 1.500000e+00 : f32
    %sub3A_1181 = vector.broadcast %sub3A_1180 : f32 to vector<16xf32>
    %sub3A_1182 = arith.subf %sub3A_1181, %mul3A_1179 : vector<16xf32>
    %mul3A_1183 = arith.mulf %mul3A_1177, %sub3A_1182 : vector<16xf32>
    %swap3A_1184 = arith.constant 480 : index
    %swap3A_1185 = tpu.vector_load %arg12[%swap3A_1184] {strides = array<i32>} : memref<640xf32, #tpu.memory_space<vmem>>, vector<16xf32>,
    tpu.vector_store %arg12[%swap3A_1184], %mul3A_1183 {strides = array<i32>} : memref<640xf32, #tpu.memory_space<vmem>>, vector<16xf32>,
    %get3A_1186 = arith.constant 496 : index
    %get3A_1187 = tpu.vector_load %arg12[%get3A_1186] {strides = array<i32>} : memref<640xf32, #tpu.memory_space<vmem>>, vector<16xf32>,
    %max3A_1188 = arith.constant 9.99999996E-13 : f32
    %max3A_1189 = vector.broadcast %max3A_1188 : f32 to vector<16xf32>
    %max3A_1190 = arith.maximumf %get3A_1187, %max3A_1189 : vector<16xf32>
    %bitcast_convert_type3A_1191 = tpu.bitcast %max3A_1190 : vector<16xf32> -> vector<16xi32>
    %shift_right_logical3A_1192 = arith.constant 1 : i32
    %shift_right_logical3A_1193 = vector.broadcast %shift_right_logical3A_1192 : i32 to vector<16xi32>
    %shift_right_logical3A_1194 = arith.shrui %bitcast_convert_type3A_1191, %shift_right_logical3A_1193 : vector<16xi32>
    %sub3A_1195 = arith.constant 1597463007 : i32
    %sub3A_1196 = vector.broadcast %sub3A_1195 : i32 to vector<16xi32>
    %sub3A_1197 = arith.subi %sub3A_1196, %shift_right_logical3A_1194 : vector<16xi32>
    %bitcast_convert_type3A_1198 = tpu.bitcast %sub3A_1197 : vector<16xi32> -> vector<16xf32>
    %mul3A_1199 = arith.constant 5.000000e-01 : f32
    %mul3A_1200 = vector.broadcast %mul3A_1199 : f32 to vector<16xf32>
    %mul3A_1201 = arith.mulf %max3A_1190, %mul3A_1200 : vector<16xf32>
    %mul3A_1202 = arith.mulf %mul3A_1201, %bitcast_convert_type3A_1198 : vector<16xf32>
    %mul3A_1203 = arith.mulf %mul3A_1202, %bitcast_convert_type3A_1198 : vector<16xf32>
    %sub3A_1204 = arith.constant 1.500000e+00 : f32
    %sub3A_1205 = vector.broadcast %sub3A_1204 : f32 to vector<16xf32>
    %sub3A_1206 = arith.subf %sub3A_1205, %mul3A_1203 : vector<16xf32>
    %mul3A_1207 = arith.mulf %bitcast_convert_type3A_1198, %sub3A_1206 : vector<16xf32>
    %mul3A_1208 = arith.mulf %mul3A_1201, %mul3A_1207 : vector<16xf32>
    %mul3A_1209 = arith.mulf %mul3A_1208, %mul3A_1207 : vector<16xf32>
    %sub3A_1210 = arith.constant 1.500000e+00 : f32
    %sub3A_1211 = vector.broadcast %sub3A_1210 : f32 to vector<16xf32>
    %sub3A_1212 = arith.subf %sub3A_1211, %mul3A_1209 : vector<16xf32>
    %mul3A_1213 = arith.mulf %mul3A_1207, %sub3A_1212 : vector<16xf32>
    %mul3A_1214 = arith.mulf %mul3A_1201, %mul3A_1213 : vector<16xf32>
    %mul3A_1215 = arith.mulf %mul3A_1214, %mul3A_1213 : vector<16xf32>
    %sub3A_1216 = arith.constant 1.500000e+00 : f32
    %sub3A_1217 = vector.broadcast %sub3A_1216 : f32 to vector<16xf32>
    %sub3A_1218 = arith.subf %sub3A_1217, %mul3A_1215 : vector<16xf32>
    %mul3A_1219 = arith.mulf %mul3A_1213, %sub3A_1218 : vector<16xf32>
    %swap3A_1220 = arith.constant 496 : index
    %swap3A_1221 = tpu.vector_load %arg12[%swap3A_1220] {strides = array<i32>} : memref<640xf32, #tpu.memory_space<vmem>>, vector<16xf32>,
    tpu.vector_store %arg12[%swap3A_1220], %mul3A_1219 {strides = array<i32>} : memref<640xf32, #tpu.memory_space<vmem>>, vector<16xf32>,
    %get3A_1222 = arith.constant 512 : index
    %get3A_1223 = tpu.vector_load %arg12[%get3A_1222] {strides = array<i32>} : memref<640xf32, #tpu.memory_space<vmem>>, vector<16xf32>,
    %max3A_1224 = arith.constant 9.99999996E-13 : f32
    %max3A_1225 = vector.broadcast %max3A_1224 : f32 to vector<16xf32>
    %max3A_1226 = arith.maximumf %get3A_1223, %max3A_1225 : vector<16xf32>
    %bitcast_convert_type3A_1227 = tpu.bitcast %max3A_1226 : vector<16xf32> -> vector<16xi32>
    %shift_right_logical3A_1228 = arith.constant 1 : i32
    %shift_right_logical3A_1229 = vector.broadcast %shift_right_logical3A_1228 : i32 to vector<16xi32>
    %shift_right_logical3A_1230 = arith.shrui %bitcast_convert_type3A_1227, %shift_right_logical3A_1229 : vector<16xi32>
    %sub3A_1231 = arith.constant 1597463007 : i32
    %sub3A_1232 = vector.broadcast %sub3A_1231 : i32 to vector<16xi32>
    %sub3A_1233 = arith.subi %sub3A_1232, %shift_right_logical3A_1230 : vector<16xi32>
    %bitcast_convert_type3A_1234 = tpu.bitcast %sub3A_1233 : vector<16xi32> -> vector<16xf32>
    %mul3A_1235 = arith.constant 5.000000e-01 : f32
    %mul3A_1236 = vector.broadcast %mul3A_1235 : f32 to vector<16xf32>
    %mul3A_1237 = arith.mulf %max3A_1226, %mul3A_1236 : vector<16xf32>
    %mul3A_1238 = arith.mulf %mul3A_1237, %bitcast_convert_type3A_1234 : vector<16xf32>
    %mul3A_1239 = arith.mulf %mul3A_1238, %bitcast_convert_type3A_1234 : vector<16xf32>
    %sub3A_1240 = arith.constant 1.500000e+00 : f32
    %sub3A_1241 = vector.broadcast %sub3A_1240 : f32 to vector<16xf32>
    %sub3A_1242 = arith.subf %sub3A_1241, %mul3A_1239 : vector<16xf32>
    %mul3A_1243 = arith.mulf %bitcast_convert_type3A_1234, %sub3A_1242 : vector<16xf32>
    %mul3A_1244 = arith.mulf %mul3A_1237, %mul3A_1243 : vector<16xf32>
    %mul3A_1245 = arith.mulf %mul3A_1244, %mul3A_1243 : vector<16xf32>
    %sub3A_1246 = arith.constant 1.500000e+00 : f32
    %sub3A_1247 = vector.broadcast %sub3A_1246 : f32 to vector<16xf32>
    %sub3A_1248 = arith.subf %sub3A_1247, %mul3A_1245 : vector<16xf32>
    %mul3A_1249 = arith.mulf %mul3A_1243, %sub3A_1248 : vector<16xf32>
    %mul3A_1250 = arith.mulf %mul3A_1237, %mul3A_1249 : vector<16xf32>
    %mul3A_1251 = arith.mulf %mul3A_1250, %mul3A_1249 : vector<16xf32>
    %sub3A_1252 = arith.constant 1.500000e+00 : f32
    %sub3A_1253 = vector.broadcast %sub3A_1252 : f32 to vector<16xf32>
    %sub3A_1254 = arith.subf %sub3A_1253, %mul3A_1251 : vector<16xf32>
    %mul3A_1255 = arith.mulf %mul3A_1249, %sub3A_1254 : vector<16xf32>
    %swap3A_1256 = arith.constant 512 : index
    %swap3A_1257 = tpu.vector_load %arg12[%swap3A_1256] {strides = array<i32>} : memref<640xf32, #tpu.memory_space<vmem>>, vector<16xf32>,
    tpu.vector_store %arg12[%swap3A_1256], %mul3A_1255 {strides = array<i32>} : memref<640xf32, #tpu.memory_space<vmem>>, vector<16xf32>,
    %get3A_1258 = arith.constant 528 : index
    %get3A_1259 = tpu.vector_load %arg12[%get3A_1258] {strides = array<i32>} : memref<640xf32, #tpu.memory_space<vmem>>, vector<16xf32>,
    %max3A_1260 = arith.constant 9.99999996E-13 : f32
    %max3A_1261 = vector.broadcast %max3A_1260 : f32 to vector<16xf32>
    %max3A_1262 = arith.maximumf %get3A_1259, %max3A_1261 : vector<16xf32>
    %bitcast_convert_type3A_1263 = tpu.bitcast %max3A_1262 : vector<16xf32> -> vector<16xi32>
    %shift_right_logical3A_1264 = arith.constant 1 : i32
    %shift_right_logical3A_1265 = vector.broadcast %shift_right_logical3A_1264 : i32 to vector<16xi32>
    %shift_right_logical3A_1266 = arith.shrui %bitcast_convert_type3A_1263, %shift_right_logical3A_1265 : vector<16xi32>
    %sub3A_1267 = arith.constant 1597463007 : i32
    %sub3A_1268 = vector.broadcast %sub3A_1267 : i32 to vector<16xi32>
    %sub3A_1269 = arith.subi %sub3A_1268, %shift_right_logical3A_1266 : vector<16xi32>
    %bitcast_convert_type3A_1270 = tpu.bitcast %sub3A_1269 : vector<16xi32> -> vector<16xf32>
    %mul3A_1271 = arith.constant 5.000000e-01 : f32
    %mul3A_1272 = vector.broadcast %mul3A_1271 : f32 to vector<16xf32>
    %mul3A_1273 = arith.mulf %max3A_1262, %mul3A_1272 : vector<16xf32>
    %mul3A_1274 = arith.mulf %mul3A_1273, %bitcast_convert_type3A_1270 : vector<16xf32>
    %mul3A_1275 = arith.mulf %mul3A_1274, %bitcast_convert_type3A_1270 : vector<16xf32>
    %sub3A_1276 = arith.constant 1.500000e+00 : f32
    %sub3A_1277 = vector.broadcast %sub3A_1276 : f32 to vector<16xf32>
    %sub3A_1278 = arith.subf %sub3A_1277, %mul3A_1275 : vector<16xf32>
    %mul3A_1279 = arith.mulf %bitcast_convert_type3A_1270, %sub3A_1278 : vector<16xf32>
    %mul3A_1280 = arith.mulf %mul3A_1273, %mul3A_1279 : vector<16xf32>
    %mul3A_1281 = arith.mulf %mul3A_1280, %mul3A_1279 : vector<16xf32>
    %sub3A_1282 = arith.constant 1.500000e+00 : f32
    %sub3A_1283 = vector.broadcast %sub3A_1282 : f32 to vector<16xf32>
    %sub3A_1284 = arith.subf %sub3A_1283, %mul3A_1281 : vector<16xf32>
    %mul3A_1285 = arith.mulf %mul3A_1279, %sub3A_1284 : vector<16xf32>
    %mul3A_1286 = arith.mulf %mul3A_1273, %mul3A_1285 : vector<16xf32>
    %mul3A_1287 = arith.mulf %mul3A_1286, %mul3A_1285 : vector<16xf32>
    %sub3A_1288 = arith.constant 1.500000e+00 : f32
    %sub3A_1289 = vector.broadcast %sub3A_1288 : f32 to vector<16xf32>
    %sub3A_1290 = arith.subf %sub3A_1289, %mul3A_1287 : vector<16xf32>
    %mul3A_1291 = arith.mulf %mul3A_1285, %sub3A_1290 : vector<16xf32>
    %swap3A_1292 = arith.constant 528 : index
    %swap3A_1293 = tpu.vector_load %arg12[%swap3A_1292] {strides = array<i32>} : memref<640xf32, #tpu.memory_space<vmem>>, vector<16xf32>,
    tpu.vector_store %arg12[%swap3A_1292], %mul3A_1291 {strides = array<i32>} : memref<640xf32, #tpu.memory_space<vmem>>, vector<16xf32>,
    %get3A_1294 = arith.constant 544 : index
    %get3A_1295 = tpu.vector_load %arg12[%get3A_1294] {strides = array<i32>} : memref<640xf32, #tpu.memory_space<vmem>>, vector<16xf32>,
    %max3A_1296 = arith.constant 9.99999996E-13 : f32
    %max3A_1297 = vector.broadcast %max3A_1296 : f32 to vector<16xf32>
    %max3A_1298 = arith.maximumf %get3A_1295, %max3A_1297 : vector<16xf32>
    %bitcast_convert_type3A_1299 = tpu.bitcast %max3A_1298 : vector<16xf32> -> vector<16xi32>
    %shift_right_logical3A_1300 = arith.constant 1 : i32
    %shift_right_logical3A_1301 = vector.broadcast %shift_right_logical3A_1300 : i32 to vector<16xi32>
    %shift_right_logical3A_1302 = arith.shrui %bitcast_convert_type3A_1299, %shift_right_logical3A_1301 : vector<16xi32>
    %sub3A_1303 = arith.constant 1597463007 : i32
    %sub3A_1304 = vector.broadcast %sub3A_1303 : i32 to vector<16xi32>
    %sub3A_1305 = arith.subi %sub3A_1304, %shift_right_logical3A_1302 : vector<16xi32>
    %bitcast_convert_type3A_1306 = tpu.bitcast %sub3A_1305 : vector<16xi32> -> vector<16xf32>
    %mul3A_1307 = arith.constant 5.000000e-01 : f32
    %mul3A_1308 = vector.broadcast %mul3A_1307 : f32 to vector<16xf32>
    %mul3A_1309 = arith.mulf %max3A_1298, %mul3A_1308 : vector<16xf32>
    %mul3A_1310 = arith.mulf %mul3A_1309, %bitcast_convert_type3A_1306 : vector<16xf32>
    %mul3A_1311 = arith.mulf %mul3A_1310, %bitcast_convert_type3A_1306 : vector<16xf32>
    %sub3A_1312 = arith.constant 1.500000e+00 : f32
    %sub3A_1313 = vector.broadcast %sub3A_1312 : f32 to vector<16xf32>
    %sub3A_1314 = arith.subf %sub3A_1313, %mul3A_1311 : vector<16xf32>
    %mul3A_1315 = arith.mulf %bitcast_convert_type3A_1306, %sub3A_1314 : vector<16xf32>
    %mul3A_1316 = arith.mulf %mul3A_1309, %mul3A_1315 : vector<16xf32>
    %mul3A_1317 = arith.mulf %mul3A_1316, %mul3A_1315 : vector<16xf32>
    %sub3A_1318 = arith.constant 1.500000e+00 : f32
    %sub3A_1319 = vector.broadcast %sub3A_1318 : f32 to vector<16xf32>
    %sub3A_1320 = arith.subf %sub3A_1319, %mul3A_1317 : vector<16xf32>
    %mul3A_1321 = arith.mulf %mul3A_1315, %sub3A_1320 : vector<16xf32>
    %mul3A_1322 = arith.mulf %mul3A_1309, %mul3A_1321 : vector<16xf32>
    %mul3A_1323 = arith.mulf %mul3A_1322, %mul3A_1321 : vector<16xf32>
    %sub3A_1324 = arith.constant 1.500000e+00 : f32
    %sub3A_1325 = vector.broadcast %sub3A_1324 : f32 to vector<16xf32>
    %sub3A_1326 = arith.subf %sub3A_1325, %mul3A_1323 : vector<16xf32>
    %mul3A_1327 = arith.mulf %mul3A_1321, %sub3A_1326 : vector<16xf32>
    %swap3A_1328 = arith.constant 544 : index
    %swap3A_1329 = tpu.vector_load %arg12[%swap3A_1328] {strides = array<i32>} : memref<640xf32, #tpu.memory_space<vmem>>, vector<16xf32>,
    tpu.vector_store %arg12[%swap3A_1328], %mul3A_1327 {strides = array<i32>} : memref<640xf32, #tpu.memory_space<vmem>>, vector<16xf32>,
    %get3A_1330 = arith.constant 560 : index
    %get3A_1331 = tpu.vector_load %arg12[%get3A_1330] {strides = array<i32>} : memref<640xf32, #tpu.memory_space<vmem>>, vector<16xf32>,
    %max3A_1332 = arith.constant 9.99999996E-13 : f32
    %max3A_1333 = vector.broadcast %max3A_1332 : f32 to vector<16xf32>
    %max3A_1334 = arith.maximumf %get3A_1331, %max3A_1333 : vector<16xf32>
    %bitcast_convert_type3A_1335 = tpu.bitcast %max3A_1334 : vector<16xf32> -> vector<16xi32>
    %shift_right_logical3A_1336 = arith.constant 1 : i32
    %shift_right_logical3A_1337 = vector.broadcast %shift_right_logical3A_1336 : i32 to vector<16xi32>
    %shift_right_logical3A_1338 = arith.shrui %bitcast_convert_type3A_1335, %shift_right_logical3A_1337 : vector<16xi32>
    %sub3A_1339 = arith.constant 1597463007 : i32
    %sub3A_1340 = vector.broadcast %sub3A_1339 : i32 to vector<16xi32>
    %sub3A_1341 = arith.subi %sub3A_1340, %shift_right_logical3A_1338 : vector<16xi32>
    %bitcast_convert_type3A_1342 = tpu.bitcast %sub3A_1341 : vector<16xi32> -> vector<16xf32>
    %mul3A_1343 = arith.constant 5.000000e-01 : f32
    %mul3A_1344 = vector.broadcast %mul3A_1343 : f32 to vector<16xf32>
    %mul3A_1345 = arith.mulf %max3A_1334, %mul3A_1344 : vector<16xf32>
    %mul3A_1346 = arith.mulf %mul3A_1345, %bitcast_convert_type3A_1342 : vector<16xf32>
    %mul3A_1347 = arith.mulf %mul3A_1346, %bitcast_convert_type3A_1342 : vector<16xf32>
    %sub3A_1348 = arith.constant 1.500000e+00 : f32
    %sub3A_1349 = vector.broadcast %sub3A_1348 : f32 to vector<16xf32>
    %sub3A_1350 = arith.subf %sub3A_1349, %mul3A_1347 : vector<16xf32>
    %mul3A_1351 = arith.mulf %bitcast_convert_type3A_1342, %sub3A_1350 : vector<16xf32>
    %mul3A_1352 = arith.mulf %mul3A_1345, %mul3A_1351 : vector<16xf32>
    %mul3A_1353 = arith.mulf %mul3A_1352, %mul3A_1351 : vector<16xf32>
    %sub3A_1354 = arith.constant 1.500000e+00 : f32
    %sub3A_1355 = vector.broadcast %sub3A_1354 : f32 to vector<16xf32>
    %sub3A_1356 = arith.subf %sub3A_1355, %mul3A_1353 : vector<16xf32>
    %mul3A_1357 = arith.mulf %mul3A_1351, %sub3A_1356 : vector<16xf32>
    %mul3A_1358 = arith.mulf %mul3A_1345, %mul3A_1357 : vector<16xf32>
    %mul3A_1359 = arith.mulf %mul3A_1358, %mul3A_1357 : vector<16xf32>
    %sub3A_1360 = arith.constant 1.500000e+00 : f32
    %sub3A_1361 = vector.broadcast %sub3A_1360 : f32 to vector<16xf32>
    %sub3A_1362 = arith.subf %sub3A_1361, %mul3A_1359 : vector<16xf32>
    %mul3A_1363 = arith.mulf %mul3A_1357, %sub3A_1362 : vector<16xf32>
    %swap3A_1364 = arith.constant 560 : index
    %swap3A_1365 = tpu.vector_load %arg12[%swap3A_1364] {strides = array<i32>} : memref<640xf32, #tpu.memory_space<vmem>>, vector<16xf32>,
    tpu.vector_store %arg12[%swap3A_1364], %mul3A_1363 {strides = array<i32>} : memref<640xf32, #tpu.memory_space<vmem>>, vector<16xf32>,
    %get3A_1366 = arith.constant 576 : index
    %get3A_1367 = tpu.vector_load %arg12[%get3A_1366] {strides = array<i32>} : memref<640xf32, #tpu.memory_space<vmem>>, vector<16xf32>,
    %max3A_1368 = arith.constant 9.99999996E-13 : f32
    %max3A_1369 = vector.broadcast %max3A_1368 : f32 to vector<16xf32>
    %max3A_1370 = arith.maximumf %get3A_1367, %max3A_1369 : vector<16xf32>
    %bitcast_convert_type3A_1371 = tpu.bitcast %max3A_1370 : vector<16xf32> -> vector<16xi32>
    %shift_right_logical3A_1372 = arith.constant 1 : i32
    %shift_right_logical3A_1373 = vector.broadcast %shift_right_logical3A_1372 : i32 to vector<16xi32>
    %shift_right_logical3A_1374 = arith.shrui %bitcast_convert_type3A_1371, %shift_right_logical3A_1373 : vector<16xi32>
    %sub3A_1375 = arith.constant 1597463007 : i32
    %sub3A_1376 = vector.broadcast %sub3A_1375 : i32 to vector<16xi32>
    %sub3A_1377 = arith.subi %sub3A_1376, %shift_right_logical3A_1374 : vector<16xi32>
    %bitcast_convert_type3A_1378 = tpu.bitcast %sub3A_1377 : vector<16xi32> -> vector<16xf32>
    %mul3A_1379 = arith.constant 5.000000e-01 : f32
    %mul3A_1380 = vector.broadcast %mul3A_1379 : f32 to vector<16xf32>
    %mul3A_1381 = arith.mulf %max3A_1370, %mul3A_1380 : vector<16xf32>
    %mul3A_1382 = arith.mulf %mul3A_1381, %bitcast_convert_type3A_1378 : vector<16xf32>
    %mul3A_1383 = arith.mulf %mul3A_1382, %bitcast_convert_type3A_1378 : vector<16xf32>
    %sub3A_1384 = arith.constant 1.500000e+00 : f32
    %sub3A_1385 = vector.broadcast %sub3A_1384 : f32 to vector<16xf32>
    %sub3A_1386 = arith.subf %sub3A_1385, %mul3A_1383 : vector<16xf32>
    %mul3A_1387 = arith.mulf %bitcast_convert_type3A_1378, %sub3A_1386 : vector<16xf32>
    %mul3A_1388 = arith.mulf %mul3A_1381, %mul3A_1387 : vector<16xf32>
    %mul3A_1389 = arith.mulf %mul3A_1388, %mul3A_1387 : vector<16xf32>
    %sub3A_1390 = arith.constant 1.500000e+00 : f32
    %sub3A_1391 = vector.broadcast %sub3A_1390 : f32 to vector<16xf32>
    %sub3A_1392 = arith.subf %sub3A_1391, %mul3A_1389 : vector<16xf32>
    %mul3A_1393 = arith.mulf %mul3A_1387, %sub3A_1392 : vector<16xf32>
    %mul3A_1394 = arith.mulf %mul3A_1381, %mul3A_1393 : vector<16xf32>
    %mul3A_1395 = arith.mulf %mul3A_1394, %mul3A_1393 : vector<16xf32>
    %sub3A_1396 = arith.constant 1.500000e+00 : f32
    %sub3A_1397 = vector.broadcast %sub3A_1396 : f32 to vector<16xf32>
    %sub3A_1398 = arith.subf %sub3A_1397, %mul3A_1395 : vector<16xf32>
    %mul3A_1399 = arith.mulf %mul3A_1393, %sub3A_1398 : vector<16xf32>
    %swap3A_1400 = arith.constant 576 : index
    %swap3A_1401 = tpu.vector_load %arg12[%swap3A_1400] {strides = array<i32>} : memref<640xf32, #tpu.memory_space<vmem>>, vector<16xf32>,
    tpu.vector_store %arg12[%swap3A_1400], %mul3A_1399 {strides = array<i32>} : memref<640xf32, #tpu.memory_space<vmem>>, vector<16xf32>,
    %get3A_1402 = arith.constant 592 : index
    %get3A_1403 = tpu.vector_load %arg12[%get3A_1402] {strides = array<i32>} : memref<640xf32, #tpu.memory_space<vmem>>, vector<16xf32>,
    %max3A_1404 = arith.constant 9.99999996E-13 : f32
    %max3A_1405 = vector.broadcast %max3A_1404 : f32 to vector<16xf32>
    %max3A_1406 = arith.maximumf %get3A_1403, %max3A_1405 : vector<16xf32>
    %bitcast_convert_type3A_1407 = tpu.bitcast %max3A_1406 : vector<16xf32> -> vector<16xi32>
    %shift_right_logical3A_1408 = arith.constant 1 : i32
    %shift_right_logical3A_1409 = vector.broadcast %shift_right_logical3A_1408 : i32 to vector<16xi32>
    %shift_right_logical3A_1410 = arith.shrui %bitcast_convert_type3A_1407, %shift_right_logical3A_1409 : vector<16xi32>
    %sub3A_1411 = arith.constant 1597463007 : i32
    %sub3A_1412 = vector.broadcast %sub3A_1411 : i32 to vector<16xi32>
    %sub3A_1413 = arith.subi %sub3A_1412, %shift_right_logical3A_1410 : vector<16xi32>
    %bitcast_convert_type3A_1414 = tpu.bitcast %sub3A_1413 : vector<16xi32> -> vector<16xf32>
    %mul3A_1415 = arith.constant 5.000000e-01 : f32
    %mul3A_1416 = vector.broadcast %mul3A_1415 : f32 to vector<16xf32>
    %mul3A_1417 = arith.mulf %max3A_1406, %mul3A_1416 : vector<16xf32>
    %mul3A_1418 = arith.mulf %mul3A_1417, %bitcast_convert_type3A_1414 : vector<16xf32>
    %mul3A_1419 = arith.mulf %mul3A_1418, %bitcast_convert_type3A_1414 : vector<16xf32>
    %sub3A_1420 = arith.constant 1.500000e+00 : f32
    %sub3A_1421 = vector.broadcast %sub3A_1420 : f32 to vector<16xf32>
    %sub3A_1422 = arith.subf %sub3A_1421, %mul3A_1419 : vector<16xf32>
    %mul3A_1423 = arith.mulf %bitcast_convert_type3A_1414, %sub3A_1422 : vector<16xf32>
    %mul3A_1424 = arith.mulf %mul3A_1417, %mul3A_1423 : vector<16xf32>
    %mul3A_1425 = arith.mulf %mul3A_1424, %mul3A_1423 : vector<16xf32>
    %sub3A_1426 = arith.constant 1.500000e+00 : f32
    %sub3A_1427 = vector.broadcast %sub3A_1426 : f32 to vector<16xf32>
    %sub3A_1428 = arith.subf %sub3A_1427, %mul3A_1425 : vector<16xf32>
    %mul3A_1429 = arith.mulf %mul3A_1423, %sub3A_1428 : vector<16xf32>
    %mul3A_1430 = arith.mulf %mul3A_1417, %mul3A_1429 : vector<16xf32>
    %mul3A_1431 = arith.mulf %mul3A_1430, %mul3A_1429 : vector<16xf32>
    %sub3A_1432 = arith.constant 1.500000e+00 : f32
    %sub3A_1433 = vector.broadcast %sub3A_1432 : f32 to vector<16xf32>
    %sub3A_1434 = arith.subf %sub3A_1433, %mul3A_1431 : vector<16xf32>
    %mul3A_1435 = arith.mulf %mul3A_1429, %sub3A_1434 : vector<16xf32>
    %swap3A_1436 = arith.constant 592 : index
    %swap3A_1437 = tpu.vector_load %arg12[%swap3A_1436] {strides = array<i32>} : memref<640xf32, #tpu.memory_space<vmem>>, vector<16xf32>,
    tpu.vector_store %arg12[%swap3A_1436], %mul3A_1435 {strides = array<i32>} : memref<640xf32, #tpu.memory_space<vmem>>, vector<16xf32>,
    %get3A_1438 = arith.constant 608 : index
    %get3A_1439 = tpu.vector_load %arg12[%get3A_1438] {strides = array<i32>} : memref<640xf32, #tpu.memory_space<vmem>>, vector<16xf32>,
    %max3A_1440 = arith.constant 9.99999996E-13 : f32
    %max3A_1441 = vector.broadcast %max3A_1440 : f32 to vector<16xf32>
    %max3A_1442 = arith.maximumf %get3A_1439, %max3A_1441 : vector<16xf32>
    %bitcast_convert_type3A_1443 = tpu.bitcast %max3A_1442 : vector<16xf32> -> vector<16xi32>
    %shift_right_logical3A_1444 = arith.constant 1 : i32
    %shift_right_logical3A_1445 = vector.broadcast %shift_right_logical3A_1444 : i32 to vector<16xi32>
    %shift_right_logical3A_1446 = arith.shrui %bitcast_convert_type3A_1443, %shift_right_logical3A_1445 : vector<16xi32>
    %sub3A_1447 = arith.constant 1597463007 : i32
    %sub3A_1448 = vector.broadcast %sub3A_1447 : i32 to vector<16xi32>
    %sub3A_1449 = arith.subi %sub3A_1448, %shift_right_logical3A_1446 : vector<16xi32>
    %bitcast_convert_type3A_1450 = tpu.bitcast %sub3A_1449 : vector<16xi32> -> vector<16xf32>
    %mul3A_1451 = arith.constant 5.000000e-01 : f32
    %mul3A_1452 = vector.broadcast %mul3A_1451 : f32 to vector<16xf32>
    %mul3A_1453 = arith.mulf %max3A_1442, %mul3A_1452 : vector<16xf32>
    %mul3A_1454 = arith.mulf %mul3A_1453, %bitcast_convert_type3A_1450 : vector<16xf32>
    %mul3A_1455 = arith.mulf %mul3A_1454, %bitcast_convert_type3A_1450 : vector<16xf32>
    %sub3A_1456 = arith.constant 1.500000e+00 : f32
    %sub3A_1457 = vector.broadcast %sub3A_1456 : f32 to vector<16xf32>
    %sub3A_1458 = arith.subf %sub3A_1457, %mul3A_1455 : vector<16xf32>
    %mul3A_1459 = arith.mulf %bitcast_convert_type3A_1450, %sub3A_1458 : vector<16xf32>
    %mul3A_1460 = arith.mulf %mul3A_1453, %mul3A_1459 : vector<16xf32>
    %mul3A_1461 = arith.mulf %mul3A_1460, %mul3A_1459 : vector<16xf32>
    %sub3A_1462 = arith.constant 1.500000e+00 : f32
    %sub3A_1463 = vector.broadcast %sub3A_1462 : f32 to vector<16xf32>
    %sub3A_1464 = arith.subf %sub3A_1463, %mul3A_1461 : vector<16xf32>
    %mul3A_1465 = arith.mulf %mul3A_1459, %sub3A_1464 : vector<16xf32>
    %mul3A_1466 = arith.mulf %mul3A_1453, %mul3A_1465 : vector<16xf32>
    %mul3A_1467 = arith.mulf %mul3A_1466, %mul3A_1465 : vector<16xf32>
    %sub3A_1468 = arith.constant 1.500000e+00 : f32
    %sub3A_1469 = vector.broadcast %sub3A_1468 : f32 to vector<16xf32>
    %sub3A_1470 = arith.subf %sub3A_1469, %mul3A_1467 : vector<16xf32>
    %mul3A_1471 = arith.mulf %mul3A_1465, %sub3A_1470 : vector<16xf32>
    %swap3A_1472 = arith.constant 608 : index
    %swap3A_1473 = tpu.vector_load %arg12[%swap3A_1472] {strides = array<i32>} : memref<640xf32, #tpu.memory_space<vmem>>, vector<16xf32>,
    tpu.vector_store %arg12[%swap3A_1472], %mul3A_1471 {strides = array<i32>} : memref<640xf32, #tpu.memory_space<vmem>>, vector<16xf32>,
    %get3A_1474 = arith.constant 624 : index
    %get3A_1475 = tpu.vector_load %arg12[%get3A_1474] {strides = array<i32>} : memref<640xf32, #tpu.memory_space<vmem>>, vector<16xf32>,
    %max3A_1476 = arith.constant 9.99999996E-13 : f32
    %max3A_1477 = vector.broadcast %max3A_1476 : f32 to vector<16xf32>
    %max3A_1478 = arith.maximumf %get3A_1475, %max3A_1477 : vector<16xf32>
    %bitcast_convert_type3A_1479 = tpu.bitcast %max3A_1478 : vector<16xf32> -> vector<16xi32>
    %shift_right_logical3A_1480 = arith.constant 1 : i32
    %shift_right_logical3A_1481 = vector.broadcast %shift_right_logical3A_1480 : i32 to vector<16xi32>
    %shift_right_logical3A_1482 = arith.shrui %bitcast_convert_type3A_1479, %shift_right_logical3A_1481 : vector<16xi32>
    %sub3A_1483 = arith.constant 1597463007 : i32
    %sub3A_1484 = vector.broadcast %sub3A_1483 : i32 to vector<16xi32>
    %sub3A_1485 = arith.subi %sub3A_1484, %shift_right_logical3A_1482 : vector<16xi32>
    %bitcast_convert_type3A_1486 = tpu.bitcast %sub3A_1485 : vector<16xi32> -> vector<16xf32>
    %mul3A_1487 = arith.constant 5.000000e-01 : f32
    %mul3A_1488 = vector.broadcast %mul3A_1487 : f32 to vector<16xf32>
    %mul3A_1489 = arith.mulf %max3A_1478, %mul3A_1488 : vector<16xf32>
    %mul3A_1490 = arith.mulf %mul3A_1489, %bitcast_convert_type3A_1486 : vector<16xf32>
    %mul3A_1491 = arith.mulf %mul3A_1490, %bitcast_convert_type3A_1486 : vector<16xf32>
    %sub3A_1492 = arith.constant 1.500000e+00 : f32
    %sub3A_1493 = vector.broadcast %sub3A_1492 : f32 to vector<16xf32>
    %sub3A_1494 = arith.subf %sub3A_1493, %mul3A_1491 : vector<16xf32>
    %mul3A_1495 = arith.mulf %bitcast_convert_type3A_1486, %sub3A_1494 : vector<16xf32>
    %mul3A_1496 = arith.mulf %mul3A_1489, %mul3A_1495 : vector<16xf32>
    %mul3A_1497 = arith.mulf %mul3A_1496, %mul3A_1495 : vector<16xf32>
    %sub3A_1498 = arith.constant 1.500000e+00 : f32
    %sub3A_1499 = vector.broadcast %sub3A_1498 : f32 to vector<16xf32>
    %sub3A_1500 = arith.subf %sub3A_1499, %mul3A_1497 : vector<16xf32>
    %mul3A_1501 = arith.mulf %mul3A_1495, %sub3A_1500 : vector<16xf32>
    %mul3A_1502 = arith.mulf %mul3A_1489, %mul3A_1501 : vector<16xf32>
    %mul3A_1503 = arith.mulf %mul3A_1502, %mul3A_1501 : vector<16xf32>
    %sub3A_1504 = arith.constant 1.500000e+00 : f32
    %sub3A_1505 = vector.broadcast %sub3A_1504 : f32 to vector<16xf32>
    %sub3A_1506 = arith.subf %sub3A_1505, %mul3A_1503 : vector<16xf32>
    %mul3A_1507 = arith.mulf %mul3A_1501, %sub3A_1506 : vector<16xf32>
    %swap3A_1508 = arith.constant 624 : index
    %swap3A_1509 = tpu.vector_load %arg12[%swap3A_1508] {strides = array<i32>} : memref<640xf32, #tpu.memory_space<vmem>>, vector<16xf32>,
    tpu.vector_store %arg12[%swap3A_1508], %mul3A_1507 {strides = array<i32>} : memref<640xf32, #tpu.memory_space<vmem>>, vector<16xf32>,
    "tpu.region"() ({
      %run_scoped3A = tpu.sem_alloc : memref<!tpu.dma_semaphore, #tpu.memory_space<semaphore_mem>>
      %dma_start3A = tpu.memref_slice %arg6[%mul3A_74] : memref<10240xf32, #tpu.memory_space<vmem_shared>> -> memref<640xf32, #tpu.memory_space<vmem_shared>>
      %dma_start3A_1516 = tpu.memref_slice %arg6[%mul3A_74] : memref<10240xf32, #tpu.memory_space<vmem_shared>> -> memref<640xf32, #tpu.memory_space<vmem_shared>>
      tpu.enqueue_dma source(%arg12 : memref<640xf32, #tpu.memory_space<vmem>>) target(%dma_start3A_1516 : memref<640xf32, #tpu.memory_space<vmem_shared>>) target_semaphore(%run_scoped3A : memref<!tpu.dma_semaphore, #tpu.memory_space<semaphore_mem>>)
      %dma_wait3A = tpu.memref_slice %arg6[%mul3A_74] : memref<10240xf32, #tpu.memory_space<vmem_shared>> -> memref<640xf32, #tpu.memory_space<vmem_shared>>
      %dma_wait3A_1517 = tpu.memref_slice %arg6[%mul3A_74] : memref<10240xf32, #tpu.memory_space<vmem_shared>> -> memref<640xf32, #tpu.memory_space<vmem_shared>>
      tpu.wait_dma2 semaphore(%run_scoped3A : memref<!tpu.dma_semaphore, #tpu.memory_space<semaphore_mem>>) src(%arg12 : memref<640xf32, #tpu.memory_space<vmem>>) dst(%dma_wait3A_1517 : memref<640xf32, #tpu.memory_space<vmem_shared>>)
      tpu.yield
    }) : () -> ()
    %barrier3A_1510 = arith.constant 0 : index
    tpu.barrier barrier_id(%barrier3A_1510)
    %eq3A_1511 = arith.constant 0 : i32
    %eq3A_1512 = arith.cmpi eq, %arg0, %eq3A_1511 : i32
    %convert_element_type3A_1513 = arith.extui %eq3A_1512 : i1 to i32
    %cond3A_1514 = arith.constant 0 : i32
    %cond3A_1515 = arith.cmpi ne, %convert_element_type3A_1513, %cond3A_1514 : i32
    scf.if %cond3A_1515 {
      "tpu.region"() ({
        %run_scoped3A = tpu.sem_alloc : memref<!tpu.dma_semaphore, #tpu.memory_space<semaphore_mem>>
        tpu.enqueue_dma source(%arg6 : memref<10240xf32, #tpu.memory_space<vmem_shared>>) target(%arg11 : memref<10240xf32, #tpu.memory_space<vmem>>) target_semaphore(%run_scoped3A : memref<!tpu.dma_semaphore, #tpu.memory_space<semaphore_mem>>)
        tpu.wait_dma2 semaphore(%run_scoped3A : memref<!tpu.dma_semaphore, #tpu.memory_space<semaphore_mem>>) src(%arg6 : memref<10240xf32, #tpu.memory_space<vmem_shared>>) dst(%arg11 : memref<10240xf32, #tpu.memory_space<vmem>>)
        tpu.yield
      }) : () -> ()
      %mul3A_1516 = arith.constant 336 : i32
      %mul3A_1517 = arith.muli %arg1, %mul3A_1516 : i32
      %add3A_1518 = arith.constant 0 : i32
      %add3A_1519 = arith.addi %mul3A_1517, %add3A_1518 : i32
      "tpu.region"() ({
        %run_scoped3A = tpu.sem_alloc : memref<!tpu.dma_semaphore, #tpu.memory_space<semaphore_mem>>
        %dma_start3A = arith.constant 0 : i32
        %dma_start3A_1573 = tpu.memref_slice %arg2[%add3A_1519, %dma_start3A] : memref<5376x64xi32, #tpu.memory_space<hbm>> -> memref<48x64xi32, #tpu.memory_space<hbm>>
        %dma_start3A_1574 = arith.constant 0 : i32
        %dma_start3A_1575 = tpu.memref_slice %arg2[%add3A_1519, %dma_start3A_1574] : memref<5376x64xi32, #tpu.memory_space<hbm>> -> memref<48x64xi32, #tpu.memory_space<hbm>>
        tpu.enqueue_dma source(%dma_start3A_1575 : memref<48x64xi32, #tpu.memory_space<hbm>>) target(%arg7 : memref<48x64xi32, #tpu.memory_space<vmem>>) target_semaphore(%run_scoped3A : memref<!tpu.dma_semaphore, #tpu.memory_space<semaphore_mem>>)
        %dma_wait3A = arith.constant 0 : i32
        %dma_wait3A_1576 = tpu.memref_slice %arg2[%add3A_1519, %dma_wait3A] : memref<5376x64xi32, #tpu.memory_space<hbm>> -> memref<48x64xi32, #tpu.memory_space<hbm>>
        %dma_wait3A_1577 = arith.constant 0 : i32
        %dma_wait3A_1578 = tpu.memref_slice %arg2[%add3A_1519, %dma_wait3A_1577] : memref<5376x64xi32, #tpu.memory_space<hbm>> -> memref<48x64xi32, #tpu.memory_space<hbm>>
        tpu.wait_dma2 semaphore(%run_scoped3A : memref<!tpu.dma_semaphore, #tpu.memory_space<semaphore_mem>>) src(%dma_wait3A_1578 : memref<48x64xi32, #tpu.memory_space<hbm>>) dst(%arg7 : memref<48x64xi32, #tpu.memory_space<vmem>>)
        tpu.yield
      }) : () -> ()
      "tpu.region"() ({
        %run_scoped3A = tpu.sem_alloc : memref<!tpu.dma_semaphore, #tpu.memory_space<semaphore_mem>>
        %dma_start3A = arith.constant 0 : i32
        %dma_start3A_1573 = tpu.memref_slice %arg3[%add3A_1519, %dma_start3A] : memref<5376x64xi32, #tpu.memory_space<hbm>> -> memref<48x64xi32, #tpu.memory_space<hbm>>
        %dma_start3A_1574 = arith.constant 0 : i32
        %dma_start3A_1575 = tpu.memref_slice %arg3[%add3A_1519, %dma_start3A_1574] : memref<5376x64xi32, #tpu.memory_space<hbm>> -> memref<48x64xi32, #tpu.memory_space<hbm>>
        tpu.enqueue_dma source(%dma_start3A_1575 : memref<48x64xi32, #tpu.memory_space<hbm>>) target(%arg8 : memref<48x64xi32, #tpu.memory_space<vmem>>) target_semaphore(%run_scoped3A : memref<!tpu.dma_semaphore, #tpu.memory_space<semaphore_mem>>)
        %dma_wait3A = arith.constant 0 : i32
        %dma_wait3A_1576 = tpu.memref_slice %arg3[%add3A_1519, %dma_wait3A] : memref<5376x64xi32, #tpu.memory_space<hbm>> -> memref<48x64xi32, #tpu.memory_space<hbm>>
        %dma_wait3A_1577 = arith.constant 0 : i32
        %dma_wait3A_1578 = tpu.memref_slice %arg3[%add3A_1519, %dma_wait3A_1577] : memref<5376x64xi32, #tpu.memory_space<hbm>> -> memref<48x64xi32, #tpu.memory_space<hbm>>
        tpu.wait_dma2 semaphore(%run_scoped3A : memref<!tpu.dma_semaphore, #tpu.memory_space<semaphore_mem>>) src(%dma_wait3A_1578 : memref<48x64xi32, #tpu.memory_space<hbm>>) dst(%arg8 : memref<48x64xi32, #tpu.memory_space<vmem>>)
        tpu.yield
      }) : () -> ()
      "tpu.region"() ({
        %run_scoped3A = tpu.sem_alloc : memref<!tpu.dma_semaphore, #tpu.memory_space<semaphore_mem>>
        %dma_start3A = arith.constant 0 : i32
        %dma_start3A_1573 = tpu.memref_slice %arg4[%add3A_1519, %dma_start3A] : memref<5376x64xf32, #tpu.memory_space<hbm>> -> memref<48x64xf32, #tpu.memory_space<hbm>>
        %dma_start3A_1574 = arith.constant 0 : i32
        %dma_start3A_1575 = tpu.memref_slice %arg4[%add3A_1519, %dma_start3A_1574] : memref<5376x64xf32, #tpu.memory_space<hbm>> -> memref<48x64xf32, #tpu.memory_space<hbm>>
        tpu.enqueue_dma source(%dma_start3A_1575 : memref<48x64xf32, #tpu.memory_space<hbm>>) target(%arg9 : memref<48x64xf32, #tpu.memory_space<vmem>>) target_semaphore(%run_scoped3A : memref<!tpu.dma_semaphore, #tpu.memory_space<semaphore_mem>>)
        %dma_wait3A = arith.constant 0 : i32
        %dma_wait3A_1576 = tpu.memref_slice %arg4[%add3A_1519, %dma_wait3A] : memref<5376x64xf32, #tpu.memory_space<hbm>> -> memref<48x64xf32, #tpu.memory_space<hbm>>
        %dma_wait3A_1577 = arith.constant 0 : i32
        %dma_wait3A_1578 = tpu.memref_slice %arg4[%add3A_1519, %dma_wait3A_1577] : memref<5376x64xf32, #tpu.memory_space<hbm>> -> memref<48x64xf32, #tpu.memory_space<hbm>>
        tpu.wait_dma2 semaphore(%run_scoped3A : memref<!tpu.dma_semaphore, #tpu.memory_space<semaphore_mem>>) src(%dma_wait3A_1578 : memref<48x64xf32, #tpu.memory_space<hbm>>) dst(%arg9 : memref<48x64xf32, #tpu.memory_space<vmem>>)
        tpu.yield
      }) : () -> ()
      %scan3A = arith.constant 0 : i32
      %scan3A_1520 = arith.constant 0 : i32
      %scan3A_1521 = arith.constant 48 : i32
      %scan3A_1522 = arith.addi %scan3A_1520, %scan3A_1521 : i32
      %scan3A_1523 = arith.constant 1 : i32
      scf.for %scan3A_1573 = %scan3A_1520 to %scan3A_1522 step %scan3A_1523  : i32 {
        %get3A_1574 = arith.index_cast %scan3A_1573 : i32 to index
        %get3A_1575 = arith.constant 0 : index
        %get3A_1576 = tpu.vector_load %arg7[%get3A_1574, %get3A_1575] {strides = array<i32>} : memref<48x64xi32, #tpu.memory_space<vmem>>, vector<16xi32>,
        %get3A_1577 = arith.index_cast %scan3A_1573 : i32 to index
        %get3A_1578 = arith.constant 0 : index
        %get3A_1579 = tpu.vector_load %arg8[%get3A_1577, %get3A_1578] {strides = array<i32>} : memref<48x64xi32, #tpu.memory_space<vmem>>, vector<16xi32>,
        %gather3A = tpu.vector_load_idx %arg11[%get3A_1576] : memref<10240xf32, #tpu.memory_space<vmem>>[vector<16xi32>], vector<16xf32>,
        %get3A_1580 = arith.index_cast %scan3A_1573 : i32 to index
        %get3A_1581 = arith.constant 0 : index
        %get3A_1582 = tpu.vector_load %arg9[%get3A_1580, %get3A_1581] {strides = array<i32>} : memref<48x64xf32, #tpu.memory_space<vmem>>, vector<16xf32>,
        %mul3A_1583 = arith.mulf %gather3A, %get3A_1582 : vector<16xf32>
        %gather3A_1584 = tpu.vector_load_idx %arg11[%get3A_1579] : memref<10240xf32, #tpu.memory_space<vmem>>[vector<16xi32>], vector<16xf32>,
        %mul3A_1585 = arith.mulf %mul3A_1583, %gather3A_1584 : vector<16xf32>
        %swap3A_1586 = arith.index_cast %scan3A_1573 : i32 to index
        %swap3A_1587 = arith.constant 0 : index
        %swap3A_1588 = tpu.vector_load %arg10[%swap3A_1586, %swap3A_1587] {strides = array<i32>} : memref<48x64xf32, #tpu.memory_space<vmem>>, vector<16xf32>,
        tpu.vector_store %arg10[%swap3A_1586, %swap3A_1587], %mul3A_1585 {strides = array<i32>} : memref<48x64xf32, #tpu.memory_space<vmem>>, vector<16xf32>,
        %get3A_1589 = arith.index_cast %scan3A_1573 : i32 to index
        %get3A_1590 = arith.constant 16 : index
        %get3A_1591 = tpu.vector_load %arg7[%get3A_1589, %get3A_1590] {strides = array<i32>} : memref<48x64xi32, #tpu.memory_space<vmem>>, vector<16xi32>,
        %get3A_1592 = arith.index_cast %scan3A_1573 : i32 to index
        %get3A_1593 = arith.constant 16 : index
        %get3A_1594 = tpu.vector_load %arg8[%get3A_1592, %get3A_1593] {strides = array<i32>} : memref<48x64xi32, #tpu.memory_space<vmem>>, vector<16xi32>,
        %gather3A_1595 = tpu.vector_load_idx %arg11[%get3A_1591] : memref<10240xf32, #tpu.memory_space<vmem>>[vector<16xi32>], vector<16xf32>,
        %get3A_1596 = arith.index_cast %scan3A_1573 : i32 to index
        %get3A_1597 = arith.constant 16 : index
        %get3A_1598 = tpu.vector_load %arg9[%get3A_1596, %get3A_1597] {strides = array<i32>} : memref<48x64xf32, #tpu.memory_space<vmem>>, vector<16xf32>,
        %mul3A_1599 = arith.mulf %gather3A_1595, %get3A_1598 : vector<16xf32>
        %gather3A_1600 = tpu.vector_load_idx %arg11[%get3A_1594] : memref<10240xf32, #tpu.memory_space<vmem>>[vector<16xi32>], vector<16xf32>,
        %mul3A_1601 = arith.mulf %mul3A_1599, %gather3A_1600 : vector<16xf32>
        %swap3A_1602 = arith.index_cast %scan3A_1573 : i32 to index
        %swap3A_1603 = arith.constant 16 : index
        %swap3A_1604 = tpu.vector_load %arg10[%swap3A_1602, %swap3A_1603] {strides = array<i32>} : memref<48x64xf32, #tpu.memory_space<vmem>>, vector<16xf32>,
        tpu.vector_store %arg10[%swap3A_1602, %swap3A_1603], %mul3A_1601 {strides = array<i32>} : memref<48x64xf32, #tpu.memory_space<vmem>>, vector<16xf32>,
        %get3A_1605 = arith.index_cast %scan3A_1573 : i32 to index
        %get3A_1606 = arith.constant 32 : index
        %get3A_1607 = tpu.vector_load %arg7[%get3A_1605, %get3A_1606] {strides = array<i32>} : memref<48x64xi32, #tpu.memory_space<vmem>>, vector<16xi32>,
        %get3A_1608 = arith.index_cast %scan3A_1573 : i32 to index
        %get3A_1609 = arith.constant 32 : index
        %get3A_1610 = tpu.vector_load %arg8[%get3A_1608, %get3A_1609] {strides = array<i32>} : memref<48x64xi32, #tpu.memory_space<vmem>>, vector<16xi32>,
        %gather3A_1611 = tpu.vector_load_idx %arg11[%get3A_1607] : memref<10240xf32, #tpu.memory_space<vmem>>[vector<16xi32>], vector<16xf32>,
        %get3A_1612 = arith.index_cast %scan3A_1573 : i32 to index
        %get3A_1613 = arith.constant 32 : index
        %get3A_1614 = tpu.vector_load %arg9[%get3A_1612, %get3A_1613] {strides = array<i32>} : memref<48x64xf32, #tpu.memory_space<vmem>>, vector<16xf32>,
        %mul3A_1615 = arith.mulf %gather3A_1611, %get3A_1614 : vector<16xf32>
        %gather3A_1616 = tpu.vector_load_idx %arg11[%get3A_1610] : memref<10240xf32, #tpu.memory_space<vmem>>[vector<16xi32>], vector<16xf32>,
        %mul3A_1617 = arith.mulf %mul3A_1615, %gather3A_1616 : vector<16xf32>
        %swap3A_1618 = arith.index_cast %scan3A_1573 : i32 to index
        %swap3A_1619 = arith.constant 32 : index
        %swap3A_1620 = tpu.vector_load %arg10[%swap3A_1618, %swap3A_1619] {strides = array<i32>} : memref<48x64xf32, #tpu.memory_space<vmem>>, vector<16xf32>,
        tpu.vector_store %arg10[%swap3A_1618, %swap3A_1619], %mul3A_1617 {strides = array<i32>} : memref<48x64xf32, #tpu.memory_space<vmem>>, vector<16xf32>,
        %get3A_1621 = arith.index_cast %scan3A_1573 : i32 to index
        %get3A_1622 = arith.constant 48 : index
        %get3A_1623 = tpu.vector_load %arg7[%get3A_1621, %get3A_1622] {strides = array<i32>} : memref<48x64xi32, #tpu.memory_space<vmem>>, vector<16xi32>,
        %get3A_1624 = arith.index_cast %scan3A_1573 : i32 to index
        %get3A_1625 = arith.constant 48 : index
        %get3A_1626 = tpu.vector_load %arg8[%get3A_1624, %get3A_1625] {strides = array<i32>} : memref<48x64xi32, #tpu.memory_space<vmem>>, vector<16xi32>,
        %gather3A_1627 = tpu.vector_load_idx %arg11[%get3A_1623] : memref<10240xf32, #tpu.memory_space<vmem>>[vector<16xi32>], vector<16xf32>,
        %get3A_1628 = arith.index_cast %scan3A_1573 : i32 to index
        %get3A_1629 = arith.constant 48 : index
        %get3A_1630 = tpu.vector_load %arg9[%get3A_1628, %get3A_1629] {strides = array<i32>} : memref<48x64xf32, #tpu.memory_space<vmem>>, vector<16xf32>,
        %mul3A_1631 = arith.mulf %gather3A_1627, %get3A_1630 : vector<16xf32>
        %gather3A_1632 = tpu.vector_load_idx %arg11[%get3A_1626] : memref<10240xf32, #tpu.memory_space<vmem>>[vector<16xi32>], vector<16xf32>,
        %mul3A_1633 = arith.mulf %mul3A_1631, %gather3A_1632 : vector<16xf32>
        %swap3A_1634 = arith.index_cast %scan3A_1573 : i32 to index
        %swap3A_1635 = arith.constant 48 : index
        %swap3A_1636 = tpu.vector_load %arg10[%swap3A_1634, %swap3A_1635] {strides = array<i32>} : memref<48x64xf32, #tpu.memory_space<vmem>>, vector<16xf32>,
        tpu.vector_store %arg10[%swap3A_1634, %swap3A_1635], %mul3A_1633 {strides = array<i32>} : memref<48x64xf32, #tpu.memory_space<vmem>>, vector<16xf32>,
      }
      %scan3A_1524 = arith.constant 48 : i32
      "tpu.region"() ({
        %run_scoped3A = tpu.sem_alloc : memref<!tpu.dma_semaphore, #tpu.memory_space<semaphore_mem>>
        %dma_start3A = arith.constant 0 : i32
        %dma_start3A_1573 = tpu.memref_slice %arg5[%add3A_1519, %dma_start3A] : memref<5376x64xf32, #tpu.memory_space<hbm>> -> memref<48x64xf32, #tpu.memory_space<hbm>>
        %dma_start3A_1574 = arith.constant 0 : i32
        %dma_start3A_1575 = tpu.memref_slice %arg5[%add3A_1519, %dma_start3A_1574] : memref<5376x64xf32, #tpu.memory_space<hbm>> -> memref<48x64xf32, #tpu.memory_space<hbm>>
        tpu.enqueue_dma source(%arg10 : memref<48x64xf32, #tpu.memory_space<vmem>>) target(%dma_start3A_1575 : memref<48x64xf32, #tpu.memory_space<hbm>>) target_semaphore(%run_scoped3A : memref<!tpu.dma_semaphore, #tpu.memory_space<semaphore_mem>>)
        %dma_wait3A = arith.constant 0 : i32
        %dma_wait3A_1576 = tpu.memref_slice %arg5[%add3A_1519, %dma_wait3A] : memref<5376x64xf32, #tpu.memory_space<hbm>> -> memref<48x64xf32, #tpu.memory_space<hbm>>
        %dma_wait3A_1577 = arith.constant 0 : i32
        %dma_wait3A_1578 = tpu.memref_slice %arg5[%add3A_1519, %dma_wait3A_1577] : memref<5376x64xf32, #tpu.memory_space<hbm>> -> memref<48x64xf32, #tpu.memory_space<hbm>>
        tpu.wait_dma2 semaphore(%run_scoped3A : memref<!tpu.dma_semaphore, #tpu.memory_space<semaphore_mem>>) src(%arg10 : memref<48x64xf32, #tpu.memory_space<vmem>>) dst(%dma_wait3A_1578 : memref<48x64xf32, #tpu.memory_space<hbm>>)
        tpu.yield
      }) : () -> ()
      %add3A_1525 = arith.constant 48 : i32
      %add3A_1526 = arith.addi %mul3A_1517, %add3A_1525 : i32
      "tpu.region"() ({
        %run_scoped3A = tpu.sem_alloc : memref<!tpu.dma_semaphore, #tpu.memory_space<semaphore_mem>>
        %dma_start3A = arith.constant 0 : i32
        %dma_start3A_1573 = tpu.memref_slice %arg2[%add3A_1526, %dma_start3A] : memref<5376x64xi32, #tpu.memory_space<hbm>> -> memref<48x64xi32, #tpu.memory_space<hbm>>
        %dma_start3A_1574 = arith.constant 0 : i32
        %dma_start3A_1575 = tpu.memref_slice %arg2[%add3A_1526, %dma_start3A_1574] : memref<5376x64xi32, #tpu.memory_space<hbm>> -> memref<48x64xi32, #tpu.memory_space<hbm>>
        tpu.enqueue_dma source(%dma_start3A_1575 : memref<48x64xi32, #tpu.memory_space<hbm>>) target(%arg7 : memref<48x64xi32, #tpu.memory_space<vmem>>) target_semaphore(%run_scoped3A : memref<!tpu.dma_semaphore, #tpu.memory_space<semaphore_mem>>)
        %dma_wait3A = arith.constant 0 : i32
        %dma_wait3A_1576 = tpu.memref_slice %arg2[%add3A_1526, %dma_wait3A] : memref<5376x64xi32, #tpu.memory_space<hbm>> -> memref<48x64xi32, #tpu.memory_space<hbm>>
        %dma_wait3A_1577 = arith.constant 0 : i32
        %dma_wait3A_1578 = tpu.memref_slice %arg2[%add3A_1526, %dma_wait3A_1577] : memref<5376x64xi32, #tpu.memory_space<hbm>> -> memref<48x64xi32, #tpu.memory_space<hbm>>
        tpu.wait_dma2 semaphore(%run_scoped3A : memref<!tpu.dma_semaphore, #tpu.memory_space<semaphore_mem>>) src(%dma_wait3A_1578 : memref<48x64xi32, #tpu.memory_space<hbm>>) dst(%arg7 : memref<48x64xi32, #tpu.memory_space<vmem>>)
        tpu.yield
      }) : () -> ()
      "tpu.region"() ({
        %run_scoped3A = tpu.sem_alloc : memref<!tpu.dma_semaphore, #tpu.memory_space<semaphore_mem>>
        %dma_start3A = arith.constant 0 : i32
        %dma_start3A_1573 = tpu.memref_slice %arg3[%add3A_1526, %dma_start3A] : memref<5376x64xi32, #tpu.memory_space<hbm>> -> memref<48x64xi32, #tpu.memory_space<hbm>>
        %dma_start3A_1574 = arith.constant 0 : i32
        %dma_start3A_1575 = tpu.memref_slice %arg3[%add3A_1526, %dma_start3A_1574] : memref<5376x64xi32, #tpu.memory_space<hbm>> -> memref<48x64xi32, #tpu.memory_space<hbm>>
        tpu.enqueue_dma source(%dma_start3A_1575 : memref<48x64xi32, #tpu.memory_space<hbm>>) target(%arg8 : memref<48x64xi32, #tpu.memory_space<vmem>>) target_semaphore(%run_scoped3A : memref<!tpu.dma_semaphore, #tpu.memory_space<semaphore_mem>>)
        %dma_wait3A = arith.constant 0 : i32
        %dma_wait3A_1576 = tpu.memref_slice %arg3[%add3A_1526, %dma_wait3A] : memref<5376x64xi32, #tpu.memory_space<hbm>> -> memref<48x64xi32, #tpu.memory_space<hbm>>
        %dma_wait3A_1577 = arith.constant 0 : i32
        %dma_wait3A_1578 = tpu.memref_slice %arg3[%add3A_1526, %dma_wait3A_1577] : memref<5376x64xi32, #tpu.memory_space<hbm>> -> memref<48x64xi32, #tpu.memory_space<hbm>>
        tpu.wait_dma2 semaphore(%run_scoped3A : memref<!tpu.dma_semaphore, #tpu.memory_space<semaphore_mem>>) src(%dma_wait3A_1578 : memref<48x64xi32, #tpu.memory_space<hbm>>) dst(%arg8 : memref<48x64xi32, #tpu.memory_space<vmem>>)
        tpu.yield
      }) : () -> ()
      "tpu.region"() ({
        %run_scoped3A = tpu.sem_alloc : memref<!tpu.dma_semaphore, #tpu.memory_space<semaphore_mem>>
        %dma_start3A = arith.constant 0 : i32
        %dma_start3A_1573 = tpu.memref_slice %arg4[%add3A_1526, %dma_start3A] : memref<5376x64xf32, #tpu.memory_space<hbm>> -> memref<48x64xf32, #tpu.memory_space<hbm>>
        %dma_start3A_1574 = arith.constant 0 : i32
        %dma_start3A_1575 = tpu.memref_slice %arg4[%add3A_1526, %dma_start3A_1574] : memref<5376x64xf32, #tpu.memory_space<hbm>> -> memref<48x64xf32, #tpu.memory_space<hbm>>
        tpu.enqueue_dma source(%dma_start3A_1575 : memref<48x64xf32, #tpu.memory_space<hbm>>) target(%arg9 : memref<48x64xf32, #tpu.memory_space<vmem>>) target_semaphore(%run_scoped3A : memref<!tpu.dma_semaphore, #tpu.memory_space<semaphore_mem>>)
        %dma_wait3A = arith.constant 0 : i32
        %dma_wait3A_1576 = tpu.memref_slice %arg4[%add3A_1526, %dma_wait3A] : memref<5376x64xf32, #tpu.memory_space<hbm>> -> memref<48x64xf32, #tpu.memory_space<hbm>>
        %dma_wait3A_1577 = arith.constant 0 : i32
        %dma_wait3A_1578 = tpu.memref_slice %arg4[%add3A_1526, %dma_wait3A_1577] : memref<5376x64xf32, #tpu.memory_space<hbm>> -> memref<48x64xf32, #tpu.memory_space<hbm>>
        tpu.wait_dma2 semaphore(%run_scoped3A : memref<!tpu.dma_semaphore, #tpu.memory_space<semaphore_mem>>) src(%dma_wait3A_1578 : memref<48x64xf32, #tpu.memory_space<hbm>>) dst(%arg9 : memref<48x64xf32, #tpu.memory_space<vmem>>)
        tpu.yield
      }) : () -> ()
      %scan3A_1527 = arith.constant 0 : i32
      %scan3A_1528 = arith.constant 0 : i32
      %scan3A_1529 = arith.constant 48 : i32
      %scan3A_1530 = arith.addi %scan3A_1528, %scan3A_1529 : i32
      %scan3A_1531 = arith.constant 1 : i32
      scf.for %scan3A_1573 = %scan3A_1528 to %scan3A_1530 step %scan3A_1531  : i32 {
        %get3A_1574 = arith.index_cast %scan3A_1573 : i32 to index
        %get3A_1575 = arith.constant 0 : index
        %get3A_1576 = tpu.vector_load %arg7[%get3A_1574, %get3A_1575] {strides = array<i32>} : memref<48x64xi32, #tpu.memory_space<vmem>>, vector<16xi32>,
        %get3A_1577 = arith.index_cast %scan3A_1573 : i32 to index
        %get3A_1578 = arith.constant 0 : index
        %get3A_1579 = tpu.vector_load %arg8[%get3A_1577, %get3A_1578] {strides = array<i32>} : memref<48x64xi32, #tpu.memory_space<vmem>>, vector<16xi32>,
        %gather3A = tpu.vector_load_idx %arg11[%get3A_1576] : memref<10240xf32, #tpu.memory_space<vmem>>[vector<16xi32>], vector<16xf32>,
        %get3A_1580 = arith.index_cast %scan3A_1573 : i32 to index
        %get3A_1581 = arith.constant 0 : index
        %get3A_1582 = tpu.vector_load %arg9[%get3A_1580, %get3A_1581] {strides = array<i32>} : memref<48x64xf32, #tpu.memory_space<vmem>>, vector<16xf32>,
        %mul3A_1583 = arith.mulf %gather3A, %get3A_1582 : vector<16xf32>
        %gather3A_1584 = tpu.vector_load_idx %arg11[%get3A_1579] : memref<10240xf32, #tpu.memory_space<vmem>>[vector<16xi32>], vector<16xf32>,
        %mul3A_1585 = arith.mulf %mul3A_1583, %gather3A_1584 : vector<16xf32>
        %swap3A_1586 = arith.index_cast %scan3A_1573 : i32 to index
        %swap3A_1587 = arith.constant 0 : index
        %swap3A_1588 = tpu.vector_load %arg10[%swap3A_1586, %swap3A_1587] {strides = array<i32>} : memref<48x64xf32, #tpu.memory_space<vmem>>, vector<16xf32>,
        tpu.vector_store %arg10[%swap3A_1586, %swap3A_1587], %mul3A_1585 {strides = array<i32>} : memref<48x64xf32, #tpu.memory_space<vmem>>, vector<16xf32>,
        %get3A_1589 = arith.index_cast %scan3A_1573 : i32 to index
        %get3A_1590 = arith.constant 16 : index
        %get3A_1591 = tpu.vector_load %arg7[%get3A_1589, %get3A_1590] {strides = array<i32>} : memref<48x64xi32, #tpu.memory_space<vmem>>, vector<16xi32>,
        %get3A_1592 = arith.index_cast %scan3A_1573 : i32 to index
        %get3A_1593 = arith.constant 16 : index
        %get3A_1594 = tpu.vector_load %arg8[%get3A_1592, %get3A_1593] {strides = array<i32>} : memref<48x64xi32, #tpu.memory_space<vmem>>, vector<16xi32>,
        %gather3A_1595 = tpu.vector_load_idx %arg11[%get3A_1591] : memref<10240xf32, #tpu.memory_space<vmem>>[vector<16xi32>], vector<16xf32>,
        %get3A_1596 = arith.index_cast %scan3A_1573 : i32 to index
        %get3A_1597 = arith.constant 16 : index
        %get3A_1598 = tpu.vector_load %arg9[%get3A_1596, %get3A_1597] {strides = array<i32>} : memref<48x64xf32, #tpu.memory_space<vmem>>, vector<16xf32>,
        %mul3A_1599 = arith.mulf %gather3A_1595, %get3A_1598 : vector<16xf32>
        %gather3A_1600 = tpu.vector_load_idx %arg11[%get3A_1594] : memref<10240xf32, #tpu.memory_space<vmem>>[vector<16xi32>], vector<16xf32>,
        %mul3A_1601 = arith.mulf %mul3A_1599, %gather3A_1600 : vector<16xf32>
        %swap3A_1602 = arith.index_cast %scan3A_1573 : i32 to index
        %swap3A_1603 = arith.constant 16 : index
        %swap3A_1604 = tpu.vector_load %arg10[%swap3A_1602, %swap3A_1603] {strides = array<i32>} : memref<48x64xf32, #tpu.memory_space<vmem>>, vector<16xf32>,
        tpu.vector_store %arg10[%swap3A_1602, %swap3A_1603], %mul3A_1601 {strides = array<i32>} : memref<48x64xf32, #tpu.memory_space<vmem>>, vector<16xf32>,
        %get3A_1605 = arith.index_cast %scan3A_1573 : i32 to index
        %get3A_1606 = arith.constant 32 : index
        %get3A_1607 = tpu.vector_load %arg7[%get3A_1605, %get3A_1606] {strides = array<i32>} : memref<48x64xi32, #tpu.memory_space<vmem>>, vector<16xi32>,
        %get3A_1608 = arith.index_cast %scan3A_1573 : i32 to index
        %get3A_1609 = arith.constant 32 : index
        %get3A_1610 = tpu.vector_load %arg8[%get3A_1608, %get3A_1609] {strides = array<i32>} : memref<48x64xi32, #tpu.memory_space<vmem>>, vector<16xi32>,
        %gather3A_1611 = tpu.vector_load_idx %arg11[%get3A_1607] : memref<10240xf32, #tpu.memory_space<vmem>>[vector<16xi32>], vector<16xf32>,
        %get3A_1612 = arith.index_cast %scan3A_1573 : i32 to index
        %get3A_1613 = arith.constant 32 : index
        %get3A_1614 = tpu.vector_load %arg9[%get3A_1612, %get3A_1613] {strides = array<i32>} : memref<48x64xf32, #tpu.memory_space<vmem>>, vector<16xf32>,
        %mul3A_1615 = arith.mulf %gather3A_1611, %get3A_1614 : vector<16xf32>
        %gather3A_1616 = tpu.vector_load_idx %arg11[%get3A_1610] : memref<10240xf32, #tpu.memory_space<vmem>>[vector<16xi32>], vector<16xf32>,
        %mul3A_1617 = arith.mulf %mul3A_1615, %gather3A_1616 : vector<16xf32>
        %swap3A_1618 = arith.index_cast %scan3A_1573 : i32 to index
        %swap3A_1619 = arith.constant 32 : index
        %swap3A_1620 = tpu.vector_load %arg10[%swap3A_1618, %swap3A_1619] {strides = array<i32>} : memref<48x64xf32, #tpu.memory_space<vmem>>, vector<16xf32>,
        tpu.vector_store %arg10[%swap3A_1618, %swap3A_1619], %mul3A_1617 {strides = array<i32>} : memref<48x64xf32, #tpu.memory_space<vmem>>, vector<16xf32>,
        %get3A_1621 = arith.index_cast %scan3A_1573 : i32 to index
        %get3A_1622 = arith.constant 48 : index
        %get3A_1623 = tpu.vector_load %arg7[%get3A_1621, %get3A_1622] {strides = array<i32>} : memref<48x64xi32, #tpu.memory_space<vmem>>, vector<16xi32>,
        %get3A_1624 = arith.index_cast %scan3A_1573 : i32 to index
        %get3A_1625 = arith.constant 48 : index
        %get3A_1626 = tpu.vector_load %arg8[%get3A_1624, %get3A_1625] {strides = array<i32>} : memref<48x64xi32, #tpu.memory_space<vmem>>, vector<16xi32>,
        %gather3A_1627 = tpu.vector_load_idx %arg11[%get3A_1623] : memref<10240xf32, #tpu.memory_space<vmem>>[vector<16xi32>], vector<16xf32>,
        %get3A_1628 = arith.index_cast %scan3A_1573 : i32 to index
        %get3A_1629 = arith.constant 48 : index
        %get3A_1630 = tpu.vector_load %arg9[%get3A_1628, %get3A_1629] {strides = array<i32>} : memref<48x64xf32, #tpu.memory_space<vmem>>, vector<16xf32>,
        %mul3A_1631 = arith.mulf %gather3A_1627, %get3A_1630 : vector<16xf32>
        %gather3A_1632 = tpu.vector_load_idx %arg11[%get3A_1626] : memref<10240xf32, #tpu.memory_space<vmem>>[vector<16xi32>], vector<16xf32>,
        %mul3A_1633 = arith.mulf %mul3A_1631, %gather3A_1632 : vector<16xf32>
        %swap3A_1634 = arith.index_cast %scan3A_1573 : i32 to index
        %swap3A_1635 = arith.constant 48 : index
        %swap3A_1636 = tpu.vector_load %arg10[%swap3A_1634, %swap3A_1635] {strides = array<i32>} : memref<48x64xf32, #tpu.memory_space<vmem>>, vector<16xf32>,
        tpu.vector_store %arg10[%swap3A_1634, %swap3A_1635], %mul3A_1633 {strides = array<i32>} : memref<48x64xf32, #tpu.memory_space<vmem>>, vector<16xf32>,
      }
      %scan3A_1532 = arith.constant 48 : i32
      "tpu.region"() ({
        %run_scoped3A = tpu.sem_alloc : memref<!tpu.dma_semaphore, #tpu.memory_space<semaphore_mem>>
        %dma_start3A = arith.constant 0 : i32
        %dma_start3A_1573 = tpu.memref_slice %arg5[%add3A_1526, %dma_start3A] : memref<5376x64xf32, #tpu.memory_space<hbm>> -> memref<48x64xf32, #tpu.memory_space<hbm>>
        %dma_start3A_1574 = arith.constant 0 : i32
        %dma_start3A_1575 = tpu.memref_slice %arg5[%add3A_1526, %dma_start3A_1574] : memref<5376x64xf32, #tpu.memory_space<hbm>> -> memref<48x64xf32, #tpu.memory_space<hbm>>
        tpu.enqueue_dma source(%arg10 : memref<48x64xf32, #tpu.memory_space<vmem>>) target(%dma_start3A_1575 : memref<48x64xf32, #tpu.memory_space<hbm>>) target_semaphore(%run_scoped3A : memref<!tpu.dma_semaphore, #tpu.memory_space<semaphore_mem>>)
        %dma_wait3A = arith.constant 0 : i32
        %dma_wait3A_1576 = tpu.memref_slice %arg5[%add3A_1526, %dma_wait3A] : memref<5376x64xf32, #tpu.memory_space<hbm>> -> memref<48x64xf32, #tpu.memory_space<hbm>>
        %dma_wait3A_1577 = arith.constant 0 : i32
        %dma_wait3A_1578 = tpu.memref_slice %arg5[%add3A_1526, %dma_wait3A_1577] : memref<5376x64xf32, #tpu.memory_space<hbm>> -> memref<48x64xf32, #tpu.memory_space<hbm>>
        tpu.wait_dma2 semaphore(%run_scoped3A : memref<!tpu.dma_semaphore, #tpu.memory_space<semaphore_mem>>) src(%arg10 : memref<48x64xf32, #tpu.memory_space<vmem>>) dst(%dma_wait3A_1578 : memref<48x64xf32, #tpu.memory_space<hbm>>)
        tpu.yield
      }) : () -> ()
      %add3A_1533 = arith.constant 96 : i32
      %add3A_1534 = arith.addi %mul3A_1517, %add3A_1533 : i32
      "tpu.region"() ({
        %run_scoped3A = tpu.sem_alloc : memref<!tpu.dma_semaphore, #tpu.memory_space<semaphore_mem>>
        %dma_start3A = arith.constant 0 : i32
        %dma_start3A_1573 = tpu.memref_slice %arg2[%add3A_1534, %dma_start3A] : memref<5376x64xi32, #tpu.memory_space<hbm>> -> memref<48x64xi32, #tpu.memory_space<hbm>>
        %dma_start3A_1574 = arith.constant 0 : i32
        %dma_start3A_1575 = tpu.memref_slice %arg2[%add3A_1534, %dma_start3A_1574] : memref<5376x64xi32, #tpu.memory_space<hbm>> -> memref<48x64xi32, #tpu.memory_space<hbm>>
        tpu.enqueue_dma source(%dma_start3A_1575 : memref<48x64xi32, #tpu.memory_space<hbm>>) target(%arg7 : memref<48x64xi32, #tpu.memory_space<vmem>>) target_semaphore(%run_scoped3A : memref<!tpu.dma_semaphore, #tpu.memory_space<semaphore_mem>>)
        %dma_wait3A = arith.constant 0 : i32
        %dma_wait3A_1576 = tpu.memref_slice %arg2[%add3A_1534, %dma_wait3A] : memref<5376x64xi32, #tpu.memory_space<hbm>> -> memref<48x64xi32, #tpu.memory_space<hbm>>
        %dma_wait3A_1577 = arith.constant 0 : i32
        %dma_wait3A_1578 = tpu.memref_slice %arg2[%add3A_1534, %dma_wait3A_1577] : memref<5376x64xi32, #tpu.memory_space<hbm>> -> memref<48x64xi32, #tpu.memory_space<hbm>>
        tpu.wait_dma2 semaphore(%run_scoped3A : memref<!tpu.dma_semaphore, #tpu.memory_space<semaphore_mem>>) src(%dma_wait3A_1578 : memref<48x64xi32, #tpu.memory_space<hbm>>) dst(%arg7 : memref<48x64xi32, #tpu.memory_space<vmem>>)
        tpu.yield
      }) : () -> ()
      "tpu.region"() ({
        %run_scoped3A = tpu.sem_alloc : memref<!tpu.dma_semaphore, #tpu.memory_space<semaphore_mem>>
        %dma_start3A = arith.constant 0 : i32
        %dma_start3A_1573 = tpu.memref_slice %arg3[%add3A_1534, %dma_start3A] : memref<5376x64xi32, #tpu.memory_space<hbm>> -> memref<48x64xi32, #tpu.memory_space<hbm>>
        %dma_start3A_1574 = arith.constant 0 : i32
        %dma_start3A_1575 = tpu.memref_slice %arg3[%add3A_1534, %dma_start3A_1574] : memref<5376x64xi32, #tpu.memory_space<hbm>> -> memref<48x64xi32, #tpu.memory_space<hbm>>
        tpu.enqueue_dma source(%dma_start3A_1575 : memref<48x64xi32, #tpu.memory_space<hbm>>) target(%arg8 : memref<48x64xi32, #tpu.memory_space<vmem>>) target_semaphore(%run_scoped3A : memref<!tpu.dma_semaphore, #tpu.memory_space<semaphore_mem>>)
        %dma_wait3A = arith.constant 0 : i32
        %dma_wait3A_1576 = tpu.memref_slice %arg3[%add3A_1534, %dma_wait3A] : memref<5376x64xi32, #tpu.memory_space<hbm>> -> memref<48x64xi32, #tpu.memory_space<hbm>>
        %dma_wait3A_1577 = arith.constant 0 : i32
        %dma_wait3A_1578 = tpu.memref_slice %arg3[%add3A_1534, %dma_wait3A_1577] : memref<5376x64xi32, #tpu.memory_space<hbm>> -> memref<48x64xi32, #tpu.memory_space<hbm>>
        tpu.wait_dma2 semaphore(%run_scoped3A : memref<!tpu.dma_semaphore, #tpu.memory_space<semaphore_mem>>) src(%dma_wait3A_1578 : memref<48x64xi32, #tpu.memory_space<hbm>>) dst(%arg8 : memref<48x64xi32, #tpu.memory_space<vmem>>)
        tpu.yield
      }) : () -> ()
      "tpu.region"() ({
        %run_scoped3A = tpu.sem_alloc : memref<!tpu.dma_semaphore, #tpu.memory_space<semaphore_mem>>
        %dma_start3A = arith.constant 0 : i32
        %dma_start3A_1573 = tpu.memref_slice %arg4[%add3A_1534, %dma_start3A] : memref<5376x64xf32, #tpu.memory_space<hbm>> -> memref<48x64xf32, #tpu.memory_space<hbm>>
        %dma_start3A_1574 = arith.constant 0 : i32
        %dma_start3A_1575 = tpu.memref_slice %arg4[%add3A_1534, %dma_start3A_1574] : memref<5376x64xf32, #tpu.memory_space<hbm>> -> memref<48x64xf32, #tpu.memory_space<hbm>>
        tpu.enqueue_dma source(%dma_start3A_1575 : memref<48x64xf32, #tpu.memory_space<hbm>>) target(%arg9 : memref<48x64xf32, #tpu.memory_space<vmem>>) target_semaphore(%run_scoped3A : memref<!tpu.dma_semaphore, #tpu.memory_space<semaphore_mem>>)
        %dma_wait3A = arith.constant 0 : i32
        %dma_wait3A_1576 = tpu.memref_slice %arg4[%add3A_1534, %dma_wait3A] : memref<5376x64xf32, #tpu.memory_space<hbm>> -> memref<48x64xf32, #tpu.memory_space<hbm>>
        %dma_wait3A_1577 = arith.constant 0 : i32
        %dma_wait3A_1578 = tpu.memref_slice %arg4[%add3A_1534, %dma_wait3A_1577] : memref<5376x64xf32, #tpu.memory_space<hbm>> -> memref<48x64xf32, #tpu.memory_space<hbm>>
        tpu.wait_dma2 semaphore(%run_scoped3A : memref<!tpu.dma_semaphore, #tpu.memory_space<semaphore_mem>>) src(%dma_wait3A_1578 : memref<48x64xf32, #tpu.memory_space<hbm>>) dst(%arg9 : memref<48x64xf32, #tpu.memory_space<vmem>>)
        tpu.yield
      }) : () -> ()
      %scan3A_1535 = arith.constant 0 : i32
      %scan3A_1536 = arith.constant 0 : i32
      %scan3A_1537 = arith.constant 48 : i32
      %scan3A_1538 = arith.addi %scan3A_1536, %scan3A_1537 : i32
      %scan3A_1539 = arith.constant 1 : i32
      scf.for %scan3A_1573 = %scan3A_1536 to %scan3A_1538 step %scan3A_1539  : i32 {
        %get3A_1574 = arith.index_cast %scan3A_1573 : i32 to index
        %get3A_1575 = arith.constant 0 : index
        %get3A_1576 = tpu.vector_load %arg7[%get3A_1574, %get3A_1575] {strides = array<i32>} : memref<48x64xi32, #tpu.memory_space<vmem>>, vector<16xi32>,
        %get3A_1577 = arith.index_cast %scan3A_1573 : i32 to index
        %get3A_1578 = arith.constant 0 : index
        %get3A_1579 = tpu.vector_load %arg8[%get3A_1577, %get3A_1578] {strides = array<i32>} : memref<48x64xi32, #tpu.memory_space<vmem>>, vector<16xi32>,
        %gather3A = tpu.vector_load_idx %arg11[%get3A_1576] : memref<10240xf32, #tpu.memory_space<vmem>>[vector<16xi32>], vector<16xf32>,
        %get3A_1580 = arith.index_cast %scan3A_1573 : i32 to index
        %get3A_1581 = arith.constant 0 : index
        %get3A_1582 = tpu.vector_load %arg9[%get3A_1580, %get3A_1581] {strides = array<i32>} : memref<48x64xf32, #tpu.memory_space<vmem>>, vector<16xf32>,
        %mul3A_1583 = arith.mulf %gather3A, %get3A_1582 : vector<16xf32>
        %gather3A_1584 = tpu.vector_load_idx %arg11[%get3A_1579] : memref<10240xf32, #tpu.memory_space<vmem>>[vector<16xi32>], vector<16xf32>,
        %mul3A_1585 = arith.mulf %mul3A_1583, %gather3A_1584 : vector<16xf32>
        %swap3A_1586 = arith.index_cast %scan3A_1573 : i32 to index
        %swap3A_1587 = arith.constant 0 : index
        %swap3A_1588 = tpu.vector_load %arg10[%swap3A_1586, %swap3A_1587] {strides = array<i32>} : memref<48x64xf32, #tpu.memory_space<vmem>>, vector<16xf32>,
        tpu.vector_store %arg10[%swap3A_1586, %swap3A_1587], %mul3A_1585 {strides = array<i32>} : memref<48x64xf32, #tpu.memory_space<vmem>>, vector<16xf32>,
        %get3A_1589 = arith.index_cast %scan3A_1573 : i32 to index
        %get3A_1590 = arith.constant 16 : index
        %get3A_1591 = tpu.vector_load %arg7[%get3A_1589, %get3A_1590] {strides = array<i32>} : memref<48x64xi32, #tpu.memory_space<vmem>>, vector<16xi32>,
        %get3A_1592 = arith.index_cast %scan3A_1573 : i32 to index
        %get3A_1593 = arith.constant 16 : index
        %get3A_1594 = tpu.vector_load %arg8[%get3A_1592, %get3A_1593] {strides = array<i32>} : memref<48x64xi32, #tpu.memory_space<vmem>>, vector<16xi32>,
        %gather3A_1595 = tpu.vector_load_idx %arg11[%get3A_1591] : memref<10240xf32, #tpu.memory_space<vmem>>[vector<16xi32>], vector<16xf32>,
        %get3A_1596 = arith.index_cast %scan3A_1573 : i32 to index
        %get3A_1597 = arith.constant 16 : index
        %get3A_1598 = tpu.vector_load %arg9[%get3A_1596, %get3A_1597] {strides = array<i32>} : memref<48x64xf32, #tpu.memory_space<vmem>>, vector<16xf32>,
        %mul3A_1599 = arith.mulf %gather3A_1595, %get3A_1598 : vector<16xf32>
        %gather3A_1600 = tpu.vector_load_idx %arg11[%get3A_1594] : memref<10240xf32, #tpu.memory_space<vmem>>[vector<16xi32>], vector<16xf32>,
        %mul3A_1601 = arith.mulf %mul3A_1599, %gather3A_1600 : vector<16xf32>
        %swap3A_1602 = arith.index_cast %scan3A_1573 : i32 to index
        %swap3A_1603 = arith.constant 16 : index
        %swap3A_1604 = tpu.vector_load %arg10[%swap3A_1602, %swap3A_1603] {strides = array<i32>} : memref<48x64xf32, #tpu.memory_space<vmem>>, vector<16xf32>,
        tpu.vector_store %arg10[%swap3A_1602, %swap3A_1603], %mul3A_1601 {strides = array<i32>} : memref<48x64xf32, #tpu.memory_space<vmem>>, vector<16xf32>,
        %get3A_1605 = arith.index_cast %scan3A_1573 : i32 to index
        %get3A_1606 = arith.constant 32 : index
        %get3A_1607 = tpu.vector_load %arg7[%get3A_1605, %get3A_1606] {strides = array<i32>} : memref<48x64xi32, #tpu.memory_space<vmem>>, vector<16xi32>,
        %get3A_1608 = arith.index_cast %scan3A_1573 : i32 to index
        %get3A_1609 = arith.constant 32 : index
        %get3A_1610 = tpu.vector_load %arg8[%get3A_1608, %get3A_1609] {strides = array<i32>} : memref<48x64xi32, #tpu.memory_space<vmem>>, vector<16xi32>,
        %gather3A_1611 = tpu.vector_load_idx %arg11[%get3A_1607] : memref<10240xf32, #tpu.memory_space<vmem>>[vector<16xi32>], vector<16xf32>,
        %get3A_1612 = arith.index_cast %scan3A_1573 : i32 to index
        %get3A_1613 = arith.constant 32 : index
        %get3A_1614 = tpu.vector_load %arg9[%get3A_1612, %get3A_1613] {strides = array<i32>} : memref<48x64xf32, #tpu.memory_space<vmem>>, vector<16xf32>,
        %mul3A_1615 = arith.mulf %gather3A_1611, %get3A_1614 : vector<16xf32>
        %gather3A_1616 = tpu.vector_load_idx %arg11[%get3A_1610] : memref<10240xf32, #tpu.memory_space<vmem>>[vector<16xi32>], vector<16xf32>,
        %mul3A_1617 = arith.mulf %mul3A_1615, %gather3A_1616 : vector<16xf32>
        %swap3A_1618 = arith.index_cast %scan3A_1573 : i32 to index
        %swap3A_1619 = arith.constant 32 : index
        %swap3A_1620 = tpu.vector_load %arg10[%swap3A_1618, %swap3A_1619] {strides = array<i32>} : memref<48x64xf32, #tpu.memory_space<vmem>>, vector<16xf32>,
        tpu.vector_store %arg10[%swap3A_1618, %swap3A_1619], %mul3A_1617 {strides = array<i32>} : memref<48x64xf32, #tpu.memory_space<vmem>>, vector<16xf32>,
        %get3A_1621 = arith.index_cast %scan3A_1573 : i32 to index
        %get3A_1622 = arith.constant 48 : index
        %get3A_1623 = tpu.vector_load %arg7[%get3A_1621, %get3A_1622] {strides = array<i32>} : memref<48x64xi32, #tpu.memory_space<vmem>>, vector<16xi32>,
        %get3A_1624 = arith.index_cast %scan3A_1573 : i32 to index
        %get3A_1625 = arith.constant 48 : index
        %get3A_1626 = tpu.vector_load %arg8[%get3A_1624, %get3A_1625] {strides = array<i32>} : memref<48x64xi32, #tpu.memory_space<vmem>>, vector<16xi32>,
        %gather3A_1627 = tpu.vector_load_idx %arg11[%get3A_1623] : memref<10240xf32, #tpu.memory_space<vmem>>[vector<16xi32>], vector<16xf32>,
        %get3A_1628 = arith.index_cast %scan3A_1573 : i32 to index
        %get3A_1629 = arith.constant 48 : index
        %get3A_1630 = tpu.vector_load %arg9[%get3A_1628, %get3A_1629] {strides = array<i32>} : memref<48x64xf32, #tpu.memory_space<vmem>>, vector<16xf32>,
        %mul3A_1631 = arith.mulf %gather3A_1627, %get3A_1630 : vector<16xf32>
        %gather3A_1632 = tpu.vector_load_idx %arg11[%get3A_1626] : memref<10240xf32, #tpu.memory_space<vmem>>[vector<16xi32>], vector<16xf32>,
        %mul3A_1633 = arith.mulf %mul3A_1631, %gather3A_1632 : vector<16xf32>
        %swap3A_1634 = arith.index_cast %scan3A_1573 : i32 to index
        %swap3A_1635 = arith.constant 48 : index
        %swap3A_1636 = tpu.vector_load %arg10[%swap3A_1634, %swap3A_1635] {strides = array<i32>} : memref<48x64xf32, #tpu.memory_space<vmem>>, vector<16xf32>,
        tpu.vector_store %arg10[%swap3A_1634, %swap3A_1635], %mul3A_1633 {strides = array<i32>} : memref<48x64xf32, #tpu.memory_space<vmem>>, vector<16xf32>,
      }
      %scan3A_1540 = arith.constant 48 : i32
      "tpu.region"() ({
        %run_scoped3A = tpu.sem_alloc : memref<!tpu.dma_semaphore, #tpu.memory_space<semaphore_mem>>
        %dma_start3A = arith.constant 0 : i32
        %dma_start3A_1573 = tpu.memref_slice %arg5[%add3A_1534, %dma_start3A] : memref<5376x64xf32, #tpu.memory_space<hbm>> -> memref<48x64xf32, #tpu.memory_space<hbm>>
        %dma_start3A_1574 = arith.constant 0 : i32
        %dma_start3A_1575 = tpu.memref_slice %arg5[%add3A_1534, %dma_start3A_1574] : memref<5376x64xf32, #tpu.memory_space<hbm>> -> memref<48x64xf32, #tpu.memory_space<hbm>>
        tpu.enqueue_dma source(%arg10 : memref<48x64xf32, #tpu.memory_space<vmem>>) target(%dma_start3A_1575 : memref<48x64xf32, #tpu.memory_space<hbm>>) target_semaphore(%run_scoped3A : memref<!tpu.dma_semaphore, #tpu.memory_space<semaphore_mem>>)
        %dma_wait3A = arith.constant 0 : i32
        %dma_wait3A_1576 = tpu.memref_slice %arg5[%add3A_1534, %dma_wait3A] : memref<5376x64xf32, #tpu.memory_space<hbm>> -> memref<48x64xf32, #tpu.memory_space<hbm>>
        %dma_wait3A_1577 = arith.constant 0 : i32
        %dma_wait3A_1578 = tpu.memref_slice %arg5[%add3A_1534, %dma_wait3A_1577] : memref<5376x64xf32, #tpu.memory_space<hbm>> -> memref<48x64xf32, #tpu.memory_space<hbm>>
        tpu.wait_dma2 semaphore(%run_scoped3A : memref<!tpu.dma_semaphore, #tpu.memory_space<semaphore_mem>>) src(%arg10 : memref<48x64xf32, #tpu.memory_space<vmem>>) dst(%dma_wait3A_1578 : memref<48x64xf32, #tpu.memory_space<hbm>>)
        tpu.yield
      }) : () -> ()
      %add3A_1541 = arith.constant 144 : i32
      %add3A_1542 = arith.addi %mul3A_1517, %add3A_1541 : i32
      "tpu.region"() ({
        %run_scoped3A = tpu.sem_alloc : memref<!tpu.dma_semaphore, #tpu.memory_space<semaphore_mem>>
        %dma_start3A = arith.constant 0 : i32
        %dma_start3A_1573 = tpu.memref_slice %arg2[%add3A_1542, %dma_start3A] : memref<5376x64xi32, #tpu.memory_space<hbm>> -> memref<48x64xi32, #tpu.memory_space<hbm>>
        %dma_start3A_1574 = arith.constant 0 : i32
        %dma_start3A_1575 = tpu.memref_slice %arg2[%add3A_1542, %dma_start3A_1574] : memref<5376x64xi32, #tpu.memory_space<hbm>> -> memref<48x64xi32, #tpu.memory_space<hbm>>
        tpu.enqueue_dma source(%dma_start3A_1575 : memref<48x64xi32, #tpu.memory_space<hbm>>) target(%arg7 : memref<48x64xi32, #tpu.memory_space<vmem>>) target_semaphore(%run_scoped3A : memref<!tpu.dma_semaphore, #tpu.memory_space<semaphore_mem>>)
        %dma_wait3A = arith.constant 0 : i32
        %dma_wait3A_1576 = tpu.memref_slice %arg2[%add3A_1542, %dma_wait3A] : memref<5376x64xi32, #tpu.memory_space<hbm>> -> memref<48x64xi32, #tpu.memory_space<hbm>>
        %dma_wait3A_1577 = arith.constant 0 : i32
        %dma_wait3A_1578 = tpu.memref_slice %arg2[%add3A_1542, %dma_wait3A_1577] : memref<5376x64xi32, #tpu.memory_space<hbm>> -> memref<48x64xi32, #tpu.memory_space<hbm>>
        tpu.wait_dma2 semaphore(%run_scoped3A : memref<!tpu.dma_semaphore, #tpu.memory_space<semaphore_mem>>) src(%dma_wait3A_1578 : memref<48x64xi32, #tpu.memory_space<hbm>>) dst(%arg7 : memref<48x64xi32, #tpu.memory_space<vmem>>)
        tpu.yield
      }) : () -> ()
      "tpu.region"() ({
        %run_scoped3A = tpu.sem_alloc : memref<!tpu.dma_semaphore, #tpu.memory_space<semaphore_mem>>
        %dma_start3A = arith.constant 0 : i32
        %dma_start3A_1573 = tpu.memref_slice %arg3[%add3A_1542, %dma_start3A] : memref<5376x64xi32, #tpu.memory_space<hbm>> -> memref<48x64xi32, #tpu.memory_space<hbm>>
        %dma_start3A_1574 = arith.constant 0 : i32
        %dma_start3A_1575 = tpu.memref_slice %arg3[%add3A_1542, %dma_start3A_1574] : memref<5376x64xi32, #tpu.memory_space<hbm>> -> memref<48x64xi32, #tpu.memory_space<hbm>>
        tpu.enqueue_dma source(%dma_start3A_1575 : memref<48x64xi32, #tpu.memory_space<hbm>>) target(%arg8 : memref<48x64xi32, #tpu.memory_space<vmem>>) target_semaphore(%run_scoped3A : memref<!tpu.dma_semaphore, #tpu.memory_space<semaphore_mem>>)
        %dma_wait3A = arith.constant 0 : i32
        %dma_wait3A_1576 = tpu.memref_slice %arg3[%add3A_1542, %dma_wait3A] : memref<5376x64xi32, #tpu.memory_space<hbm>> -> memref<48x64xi32, #tpu.memory_space<hbm>>
        %dma_wait3A_1577 = arith.constant 0 : i32
        %dma_wait3A_1578 = tpu.memref_slice %arg3[%add3A_1542, %dma_wait3A_1577] : memref<5376x64xi32, #tpu.memory_space<hbm>> -> memref<48x64xi32, #tpu.memory_space<hbm>>
        tpu.wait_dma2 semaphore(%run_scoped3A : memref<!tpu.dma_semaphore, #tpu.memory_space<semaphore_mem>>) src(%dma_wait3A_1578 : memref<48x64xi32, #tpu.memory_space<hbm>>) dst(%arg8 : memref<48x64xi32, #tpu.memory_space<vmem>>)
        tpu.yield
      }) : () -> ()
      "tpu.region"() ({
        %run_scoped3A = tpu.sem_alloc : memref<!tpu.dma_semaphore, #tpu.memory_space<semaphore_mem>>
        %dma_start3A = arith.constant 0 : i32
        %dma_start3A_1573 = tpu.memref_slice %arg4[%add3A_1542, %dma_start3A] : memref<5376x64xf32, #tpu.memory_space<hbm>> -> memref<48x64xf32, #tpu.memory_space<hbm>>
        %dma_start3A_1574 = arith.constant 0 : i32
        %dma_start3A_1575 = tpu.memref_slice %arg4[%add3A_1542, %dma_start3A_1574] : memref<5376x64xf32, #tpu.memory_space<hbm>> -> memref<48x64xf32, #tpu.memory_space<hbm>>
        tpu.enqueue_dma source(%dma_start3A_1575 : memref<48x64xf32, #tpu.memory_space<hbm>>) target(%arg9 : memref<48x64xf32, #tpu.memory_space<vmem>>) target_semaphore(%run_scoped3A : memref<!tpu.dma_semaphore, #tpu.memory_space<semaphore_mem>>)
        %dma_wait3A = arith.constant 0 : i32
        %dma_wait3A_1576 = tpu.memref_slice %arg4[%add3A_1542, %dma_wait3A] : memref<5376x64xf32, #tpu.memory_space<hbm>> -> memref<48x64xf32, #tpu.memory_space<hbm>>
        %dma_wait3A_1577 = arith.constant 0 : i32
        %dma_wait3A_1578 = tpu.memref_slice %arg4[%add3A_1542, %dma_wait3A_1577] : memref<5376x64xf32, #tpu.memory_space<hbm>> -> memref<48x64xf32, #tpu.memory_space<hbm>>
        tpu.wait_dma2 semaphore(%run_scoped3A : memref<!tpu.dma_semaphore, #tpu.memory_space<semaphore_mem>>) src(%dma_wait3A_1578 : memref<48x64xf32, #tpu.memory_space<hbm>>) dst(%arg9 : memref<48x64xf32, #tpu.memory_space<vmem>>)
        tpu.yield
      }) : () -> ()
      %scan3A_1543 = arith.constant 0 : i32
      %scan3A_1544 = arith.constant 0 : i32
      %scan3A_1545 = arith.constant 48 : i32
      %scan3A_1546 = arith.addi %scan3A_1544, %scan3A_1545 : i32
      %scan3A_1547 = arith.constant 1 : i32
      scf.for %scan3A_1573 = %scan3A_1544 to %scan3A_1546 step %scan3A_1547  : i32 {
        %get3A_1574 = arith.index_cast %scan3A_1573 : i32 to index
        %get3A_1575 = arith.constant 0 : index
        %get3A_1576 = tpu.vector_load %arg7[%get3A_1574, %get3A_1575] {strides = array<i32>} : memref<48x64xi32, #tpu.memory_space<vmem>>, vector<16xi32>,
        %get3A_1577 = arith.index_cast %scan3A_1573 : i32 to index
        %get3A_1578 = arith.constant 0 : index
        %get3A_1579 = tpu.vector_load %arg8[%get3A_1577, %get3A_1578] {strides = array<i32>} : memref<48x64xi32, #tpu.memory_space<vmem>>, vector<16xi32>,
        %gather3A = tpu.vector_load_idx %arg11[%get3A_1576] : memref<10240xf32, #tpu.memory_space<vmem>>[vector<16xi32>], vector<16xf32>,
        %get3A_1580 = arith.index_cast %scan3A_1573 : i32 to index
        %get3A_1581 = arith.constant 0 : index
        %get3A_1582 = tpu.vector_load %arg9[%get3A_1580, %get3A_1581] {strides = array<i32>} : memref<48x64xf32, #tpu.memory_space<vmem>>, vector<16xf32>,
        %mul3A_1583 = arith.mulf %gather3A, %get3A_1582 : vector<16xf32>
        %gather3A_1584 = tpu.vector_load_idx %arg11[%get3A_1579] : memref<10240xf32, #tpu.memory_space<vmem>>[vector<16xi32>], vector<16xf32>,
        %mul3A_1585 = arith.mulf %mul3A_1583, %gather3A_1584 : vector<16xf32>
        %swap3A_1586 = arith.index_cast %scan3A_1573 : i32 to index
        %swap3A_1587 = arith.constant 0 : index
        %swap3A_1588 = tpu.vector_load %arg10[%swap3A_1586, %swap3A_1587] {strides = array<i32>} : memref<48x64xf32, #tpu.memory_space<vmem>>, vector<16xf32>,
        tpu.vector_store %arg10[%swap3A_1586, %swap3A_1587], %mul3A_1585 {strides = array<i32>} : memref<48x64xf32, #tpu.memory_space<vmem>>, vector<16xf32>,
        %get3A_1589 = arith.index_cast %scan3A_1573 : i32 to index
        %get3A_1590 = arith.constant 16 : index
        %get3A_1591 = tpu.vector_load %arg7[%get3A_1589, %get3A_1590] {strides = array<i32>} : memref<48x64xi32, #tpu.memory_space<vmem>>, vector<16xi32>,
        %get3A_1592 = arith.index_cast %scan3A_1573 : i32 to index
        %get3A_1593 = arith.constant 16 : index
        %get3A_1594 = tpu.vector_load %arg8[%get3A_1592, %get3A_1593] {strides = array<i32>} : memref<48x64xi32, #tpu.memory_space<vmem>>, vector<16xi32>,
        %gather3A_1595 = tpu.vector_load_idx %arg11[%get3A_1591] : memref<10240xf32, #tpu.memory_space<vmem>>[vector<16xi32>], vector<16xf32>,
        %get3A_1596 = arith.index_cast %scan3A_1573 : i32 to index
        %get3A_1597 = arith.constant 16 : index
        %get3A_1598 = tpu.vector_load %arg9[%get3A_1596, %get3A_1597] {strides = array<i32>} : memref<48x64xf32, #tpu.memory_space<vmem>>, vector<16xf32>,
        %mul3A_1599 = arith.mulf %gather3A_1595, %get3A_1598 : vector<16xf32>
        %gather3A_1600 = tpu.vector_load_idx %arg11[%get3A_1594] : memref<10240xf32, #tpu.memory_space<vmem>>[vector<16xi32>], vector<16xf32>,
        %mul3A_1601 = arith.mulf %mul3A_1599, %gather3A_1600 : vector<16xf32>
        %swap3A_1602 = arith.index_cast %scan3A_1573 : i32 to index
        %swap3A_1603 = arith.constant 16 : index
        %swap3A_1604 = tpu.vector_load %arg10[%swap3A_1602, %swap3A_1603] {strides = array<i32>} : memref<48x64xf32, #tpu.memory_space<vmem>>, vector<16xf32>,
        tpu.vector_store %arg10[%swap3A_1602, %swap3A_1603], %mul3A_1601 {strides = array<i32>} : memref<48x64xf32, #tpu.memory_space<vmem>>, vector<16xf32>,
        %get3A_1605 = arith.index_cast %scan3A_1573 : i32 to index
        %get3A_1606 = arith.constant 32 : index
        %get3A_1607 = tpu.vector_load %arg7[%get3A_1605, %get3A_1606] {strides = array<i32>} : memref<48x64xi32, #tpu.memory_space<vmem>>, vector<16xi32>,
        %get3A_1608 = arith.index_cast %scan3A_1573 : i32 to index
        %get3A_1609 = arith.constant 32 : index
        %get3A_1610 = tpu.vector_load %arg8[%get3A_1608, %get3A_1609] {strides = array<i32>} : memref<48x64xi32, #tpu.memory_space<vmem>>, vector<16xi32>,
        %gather3A_1611 = tpu.vector_load_idx %arg11[%get3A_1607] : memref<10240xf32, #tpu.memory_space<vmem>>[vector<16xi32>], vector<16xf32>,
        %get3A_1612 = arith.index_cast %scan3A_1573 : i32 to index
        %get3A_1613 = arith.constant 32 : index
        %get3A_1614 = tpu.vector_load %arg9[%get3A_1612, %get3A_1613] {strides = array<i32>} : memref<48x64xf32, #tpu.memory_space<vmem>>, vector<16xf32>,
        %mul3A_1615 = arith.mulf %gather3A_1611, %get3A_1614 : vector<16xf32>
        %gather3A_1616 = tpu.vector_load_idx %arg11[%get3A_1610] : memref<10240xf32, #tpu.memory_space<vmem>>[vector<16xi32>], vector<16xf32>,
        %mul3A_1617 = arith.mulf %mul3A_1615, %gather3A_1616 : vector<16xf32>
        %swap3A_1618 = arith.index_cast %scan3A_1573 : i32 to index
        %swap3A_1619 = arith.constant 32 : index
        %swap3A_1620 = tpu.vector_load %arg10[%swap3A_1618, %swap3A_1619] {strides = array<i32>} : memref<48x64xf32, #tpu.memory_space<vmem>>, vector<16xf32>,
        tpu.vector_store %arg10[%swap3A_1618, %swap3A_1619], %mul3A_1617 {strides = array<i32>} : memref<48x64xf32, #tpu.memory_space<vmem>>, vector<16xf32>,
        %get3A_1621 = arith.index_cast %scan3A_1573 : i32 to index
        %get3A_1622 = arith.constant 48 : index
        %get3A_1623 = tpu.vector_load %arg7[%get3A_1621, %get3A_1622] {strides = array<i32>} : memref<48x64xi32, #tpu.memory_space<vmem>>, vector<16xi32>,
        %get3A_1624 = arith.index_cast %scan3A_1573 : i32 to index
        %get3A_1625 = arith.constant 48 : index
        %get3A_1626 = tpu.vector_load %arg8[%get3A_1624, %get3A_1625] {strides = array<i32>} : memref<48x64xi32, #tpu.memory_space<vmem>>, vector<16xi32>,
        %gather3A_1627 = tpu.vector_load_idx %arg11[%get3A_1623] : memref<10240xf32, #tpu.memory_space<vmem>>[vector<16xi32>], vector<16xf32>,
        %get3A_1628 = arith.index_cast %scan3A_1573 : i32 to index
        %get3A_1629 = arith.constant 48 : index
        %get3A_1630 = tpu.vector_load %arg9[%get3A_1628, %get3A_1629] {strides = array<i32>} : memref<48x64xf32, #tpu.memory_space<vmem>>, vector<16xf32>,
        %mul3A_1631 = arith.mulf %gather3A_1627, %get3A_1630 : vector<16xf32>
        %gather3A_1632 = tpu.vector_load_idx %arg11[%get3A_1626] : memref<10240xf32, #tpu.memory_space<vmem>>[vector<16xi32>], vector<16xf32>,
        %mul3A_1633 = arith.mulf %mul3A_1631, %gather3A_1632 : vector<16xf32>
        %swap3A_1634 = arith.index_cast %scan3A_1573 : i32 to index
        %swap3A_1635 = arith.constant 48 : index
        %swap3A_1636 = tpu.vector_load %arg10[%swap3A_1634, %swap3A_1635] {strides = array<i32>} : memref<48x64xf32, #tpu.memory_space<vmem>>, vector<16xf32>,
        tpu.vector_store %arg10[%swap3A_1634, %swap3A_1635], %mul3A_1633 {strides = array<i32>} : memref<48x64xf32, #tpu.memory_space<vmem>>, vector<16xf32>,
      }
      %scan3A_1548 = arith.constant 48 : i32
      "tpu.region"() ({
        %run_scoped3A = tpu.sem_alloc : memref<!tpu.dma_semaphore, #tpu.memory_space<semaphore_mem>>
        %dma_start3A = arith.constant 0 : i32
        %dma_start3A_1573 = tpu.memref_slice %arg5[%add3A_1542, %dma_start3A] : memref<5376x64xf32, #tpu.memory_space<hbm>> -> memref<48x64xf32, #tpu.memory_space<hbm>>
        %dma_start3A_1574 = arith.constant 0 : i32
        %dma_start3A_1575 = tpu.memref_slice %arg5[%add3A_1542, %dma_start3A_1574] : memref<5376x64xf32, #tpu.memory_space<hbm>> -> memref<48x64xf32, #tpu.memory_space<hbm>>
        tpu.enqueue_dma source(%arg10 : memref<48x64xf32, #tpu.memory_space<vmem>>) target(%dma_start3A_1575 : memref<48x64xf32, #tpu.memory_space<hbm>>) target_semaphore(%run_scoped3A : memref<!tpu.dma_semaphore, #tpu.memory_space<semaphore_mem>>)
        %dma_wait3A = arith.constant 0 : i32
        %dma_wait3A_1576 = tpu.memref_slice %arg5[%add3A_1542, %dma_wait3A] : memref<5376x64xf32, #tpu.memory_space<hbm>> -> memref<48x64xf32, #tpu.memory_space<hbm>>
        %dma_wait3A_1577 = arith.constant 0 : i32
        %dma_wait3A_1578 = tpu.memref_slice %arg5[%add3A_1542, %dma_wait3A_1577] : memref<5376x64xf32, #tpu.memory_space<hbm>> -> memref<48x64xf32, #tpu.memory_space<hbm>>
        tpu.wait_dma2 semaphore(%run_scoped3A : memref<!tpu.dma_semaphore, #tpu.memory_space<semaphore_mem>>) src(%arg10 : memref<48x64xf32, #tpu.memory_space<vmem>>) dst(%dma_wait3A_1578 : memref<48x64xf32, #tpu.memory_space<hbm>>)
        tpu.yield
      }) : () -> ()
      %add3A_1549 = arith.constant 192 : i32
      %add3A_1550 = arith.addi %mul3A_1517, %add3A_1549 : i32
      "tpu.region"() ({
        %run_scoped3A = tpu.sem_alloc : memref<!tpu.dma_semaphore, #tpu.memory_space<semaphore_mem>>
        %dma_start3A = arith.constant 0 : i32
        %dma_start3A_1573 = tpu.memref_slice %arg2[%add3A_1550, %dma_start3A] : memref<5376x64xi32, #tpu.memory_space<hbm>> -> memref<48x64xi32, #tpu.memory_space<hbm>>
        %dma_start3A_1574 = arith.constant 0 : i32
        %dma_start3A_1575 = tpu.memref_slice %arg2[%add3A_1550, %dma_start3A_1574] : memref<5376x64xi32, #tpu.memory_space<hbm>> -> memref<48x64xi32, #tpu.memory_space<hbm>>
        tpu.enqueue_dma source(%dma_start3A_1575 : memref<48x64xi32, #tpu.memory_space<hbm>>) target(%arg7 : memref<48x64xi32, #tpu.memory_space<vmem>>) target_semaphore(%run_scoped3A : memref<!tpu.dma_semaphore, #tpu.memory_space<semaphore_mem>>)
        %dma_wait3A = arith.constant 0 : i32
        %dma_wait3A_1576 = tpu.memref_slice %arg2[%add3A_1550, %dma_wait3A] : memref<5376x64xi32, #tpu.memory_space<hbm>> -> memref<48x64xi32, #tpu.memory_space<hbm>>
        %dma_wait3A_1577 = arith.constant 0 : i32
        %dma_wait3A_1578 = tpu.memref_slice %arg2[%add3A_1550, %dma_wait3A_1577] : memref<5376x64xi32, #tpu.memory_space<hbm>> -> memref<48x64xi32, #tpu.memory_space<hbm>>
        tpu.wait_dma2 semaphore(%run_scoped3A : memref<!tpu.dma_semaphore, #tpu.memory_space<semaphore_mem>>) src(%dma_wait3A_1578 : memref<48x64xi32, #tpu.memory_space<hbm>>) dst(%arg7 : memref<48x64xi32, #tpu.memory_space<vmem>>)
        tpu.yield
      }) : () -> ()
      "tpu.region"() ({
        %run_scoped3A = tpu.sem_alloc : memref<!tpu.dma_semaphore, #tpu.memory_space<semaphore_mem>>
        %dma_start3A = arith.constant 0 : i32
        %dma_start3A_1573 = tpu.memref_slice %arg3[%add3A_1550, %dma_start3A] : memref<5376x64xi32, #tpu.memory_space<hbm>> -> memref<48x64xi32, #tpu.memory_space<hbm>>
        %dma_start3A_1574 = arith.constant 0 : i32
        %dma_start3A_1575 = tpu.memref_slice %arg3[%add3A_1550, %dma_start3A_1574] : memref<5376x64xi32, #tpu.memory_space<hbm>> -> memref<48x64xi32, #tpu.memory_space<hbm>>
        tpu.enqueue_dma source(%dma_start3A_1575 : memref<48x64xi32, #tpu.memory_space<hbm>>) target(%arg8 : memref<48x64xi32, #tpu.memory_space<vmem>>) target_semaphore(%run_scoped3A : memref<!tpu.dma_semaphore, #tpu.memory_space<semaphore_mem>>)
        %dma_wait3A = arith.constant 0 : i32
        %dma_wait3A_1576 = tpu.memref_slice %arg3[%add3A_1550, %dma_wait3A] : memref<5376x64xi32, #tpu.memory_space<hbm>> -> memref<48x64xi32, #tpu.memory_space<hbm>>
        %dma_wait3A_1577 = arith.constant 0 : i32
        %dma_wait3A_1578 = tpu.memref_slice %arg3[%add3A_1550, %dma_wait3A_1577] : memref<5376x64xi32, #tpu.memory_space<hbm>> -> memref<48x64xi32, #tpu.memory_space<hbm>>
        tpu.wait_dma2 semaphore(%run_scoped3A : memref<!tpu.dma_semaphore, #tpu.memory_space<semaphore_mem>>) src(%dma_wait3A_1578 : memref<48x64xi32, #tpu.memory_space<hbm>>) dst(%arg8 : memref<48x64xi32, #tpu.memory_space<vmem>>)
        tpu.yield
      }) : () -> ()
      "tpu.region"() ({
        %run_scoped3A = tpu.sem_alloc : memref<!tpu.dma_semaphore, #tpu.memory_space<semaphore_mem>>
        %dma_start3A = arith.constant 0 : i32
        %dma_start3A_1573 = tpu.memref_slice %arg4[%add3A_1550, %dma_start3A] : memref<5376x64xf32, #tpu.memory_space<hbm>> -> memref<48x64xf32, #tpu.memory_space<hbm>>
        %dma_start3A_1574 = arith.constant 0 : i32
        %dma_start3A_1575 = tpu.memref_slice %arg4[%add3A_1550, %dma_start3A_1574] : memref<5376x64xf32, #tpu.memory_space<hbm>> -> memref<48x64xf32, #tpu.memory_space<hbm>>
        tpu.enqueue_dma source(%dma_start3A_1575 : memref<48x64xf32, #tpu.memory_space<hbm>>) target(%arg9 : memref<48x64xf32, #tpu.memory_space<vmem>>) target_semaphore(%run_scoped3A : memref<!tpu.dma_semaphore, #tpu.memory_space<semaphore_mem>>)
        %dma_wait3A = arith.constant 0 : i32
        %dma_wait3A_1576 = tpu.memref_slice %arg4[%add3A_1550, %dma_wait3A] : memref<5376x64xf32, #tpu.memory_space<hbm>> -> memref<48x64xf32, #tpu.memory_space<hbm>>
        %dma_wait3A_1577 = arith.constant 0 : i32
        %dma_wait3A_1578 = tpu.memref_slice %arg4[%add3A_1550, %dma_wait3A_1577] : memref<5376x64xf32, #tpu.memory_space<hbm>> -> memref<48x64xf32, #tpu.memory_space<hbm>>
        tpu.wait_dma2 semaphore(%run_scoped3A : memref<!tpu.dma_semaphore, #tpu.memory_space<semaphore_mem>>) src(%dma_wait3A_1578 : memref<48x64xf32, #tpu.memory_space<hbm>>) dst(%arg9 : memref<48x64xf32, #tpu.memory_space<vmem>>)
        tpu.yield
      }) : () -> ()
      %scan3A_1551 = arith.constant 0 : i32
      %scan3A_1552 = arith.constant 0 : i32
      %scan3A_1553 = arith.constant 48 : i32
      %scan3A_1554 = arith.addi %scan3A_1552, %scan3A_1553 : i32
      %scan3A_1555 = arith.constant 1 : i32
      scf.for %scan3A_1573 = %scan3A_1552 to %scan3A_1554 step %scan3A_1555  : i32 {
        %get3A_1574 = arith.index_cast %scan3A_1573 : i32 to index
        %get3A_1575 = arith.constant 0 : index
        %get3A_1576 = tpu.vector_load %arg7[%get3A_1574, %get3A_1575] {strides = array<i32>} : memref<48x64xi32, #tpu.memory_space<vmem>>, vector<16xi32>,
        %get3A_1577 = arith.index_cast %scan3A_1573 : i32 to index
        %get3A_1578 = arith.constant 0 : index
        %get3A_1579 = tpu.vector_load %arg8[%get3A_1577, %get3A_1578] {strides = array<i32>} : memref<48x64xi32, #tpu.memory_space<vmem>>, vector<16xi32>,
        %gather3A = tpu.vector_load_idx %arg11[%get3A_1576] : memref<10240xf32, #tpu.memory_space<vmem>>[vector<16xi32>], vector<16xf32>,
        %get3A_1580 = arith.index_cast %scan3A_1573 : i32 to index
        %get3A_1581 = arith.constant 0 : index
        %get3A_1582 = tpu.vector_load %arg9[%get3A_1580, %get3A_1581] {strides = array<i32>} : memref<48x64xf32, #tpu.memory_space<vmem>>, vector<16xf32>,
        %mul3A_1583 = arith.mulf %gather3A, %get3A_1582 : vector<16xf32>
        %gather3A_1584 = tpu.vector_load_idx %arg11[%get3A_1579] : memref<10240xf32, #tpu.memory_space<vmem>>[vector<16xi32>], vector<16xf32>,
        %mul3A_1585 = arith.mulf %mul3A_1583, %gather3A_1584 : vector<16xf32>
        %swap3A_1586 = arith.index_cast %scan3A_1573 : i32 to index
        %swap3A_1587 = arith.constant 0 : index
        %swap3A_1588 = tpu.vector_load %arg10[%swap3A_1586, %swap3A_1587] {strides = array<i32>} : memref<48x64xf32, #tpu.memory_space<vmem>>, vector<16xf32>,
        tpu.vector_store %arg10[%swap3A_1586, %swap3A_1587], %mul3A_1585 {strides = array<i32>} : memref<48x64xf32, #tpu.memory_space<vmem>>, vector<16xf32>,
        %get3A_1589 = arith.index_cast %scan3A_1573 : i32 to index
        %get3A_1590 = arith.constant 16 : index
        %get3A_1591 = tpu.vector_load %arg7[%get3A_1589, %get3A_1590] {strides = array<i32>} : memref<48x64xi32, #tpu.memory_space<vmem>>, vector<16xi32>,
        %get3A_1592 = arith.index_cast %scan3A_1573 : i32 to index
        %get3A_1593 = arith.constant 16 : index
        %get3A_1594 = tpu.vector_load %arg8[%get3A_1592, %get3A_1593] {strides = array<i32>} : memref<48x64xi32, #tpu.memory_space<vmem>>, vector<16xi32>,
        %gather3A_1595 = tpu.vector_load_idx %arg11[%get3A_1591] : memref<10240xf32, #tpu.memory_space<vmem>>[vector<16xi32>], vector<16xf32>,
        %get3A_1596 = arith.index_cast %scan3A_1573 : i32 to index
        %get3A_1597 = arith.constant 16 : index
        %get3A_1598 = tpu.vector_load %arg9[%get3A_1596, %get3A_1597] {strides = array<i32>} : memref<48x64xf32, #tpu.memory_space<vmem>>, vector<16xf32>,
        %mul3A_1599 = arith.mulf %gather3A_1595, %get3A_1598 : vector<16xf32>
        %gather3A_1600 = tpu.vector_load_idx %arg11[%get3A_1594] : memref<10240xf32, #tpu.memory_space<vmem>>[vector<16xi32>], vector<16xf32>,
        %mul3A_1601 = arith.mulf %mul3A_1599, %gather3A_1600 : vector<16xf32>
        %swap3A_1602 = arith.index_cast %scan3A_1573 : i32 to index
        %swap3A_1603 = arith.constant 16 : index
        %swap3A_1604 = tpu.vector_load %arg10[%swap3A_1602, %swap3A_1603] {strides = array<i32>} : memref<48x64xf32, #tpu.memory_space<vmem>>, vector<16xf32>,
        tpu.vector_store %arg10[%swap3A_1602, %swap3A_1603], %mul3A_1601 {strides = array<i32>} : memref<48x64xf32, #tpu.memory_space<vmem>>, vector<16xf32>,
        %get3A_1605 = arith.index_cast %scan3A_1573 : i32 to index
        %get3A_1606 = arith.constant 32 : index
        %get3A_1607 = tpu.vector_load %arg7[%get3A_1605, %get3A_1606] {strides = array<i32>} : memref<48x64xi32, #tpu.memory_space<vmem>>, vector<16xi32>,
        %get3A_1608 = arith.index_cast %scan3A_1573 : i32 to index
        %get3A_1609 = arith.constant 32 : index
        %get3A_1610 = tpu.vector_load %arg8[%get3A_1608, %get3A_1609] {strides = array<i32>} : memref<48x64xi32, #tpu.memory_space<vmem>>, vector<16xi32>,
        %gather3A_1611 = tpu.vector_load_idx %arg11[%get3A_1607] : memref<10240xf32, #tpu.memory_space<vmem>>[vector<16xi32>], vector<16xf32>,
        %get3A_1612 = arith.index_cast %scan3A_1573 : i32 to index
        %get3A_1613 = arith.constant 32 : index
        %get3A_1614 = tpu.vector_load %arg9[%get3A_1612, %get3A_1613] {strides = array<i32>} : memref<48x64xf32, #tpu.memory_space<vmem>>, vector<16xf32>,
        %mul3A_1615 = arith.mulf %gather3A_1611, %get3A_1614 : vector<16xf32>
        %gather3A_1616 = tpu.vector_load_idx %arg11[%get3A_1610] : memref<10240xf32, #tpu.memory_space<vmem>>[vector<16xi32>], vector<16xf32>,
        %mul3A_1617 = arith.mulf %mul3A_1615, %gather3A_1616 : vector<16xf32>
        %swap3A_1618 = arith.index_cast %scan3A_1573 : i32 to index
        %swap3A_1619 = arith.constant 32 : index
        %swap3A_1620 = tpu.vector_load %arg10[%swap3A_1618, %swap3A_1619] {strides = array<i32>} : memref<48x64xf32, #tpu.memory_space<vmem>>, vector<16xf32>,
        tpu.vector_store %arg10[%swap3A_1618, %swap3A_1619], %mul3A_1617 {strides = array<i32>} : memref<48x64xf32, #tpu.memory_space<vmem>>, vector<16xf32>,
        %get3A_1621 = arith.index_cast %scan3A_1573 : i32 to index
        %get3A_1622 = arith.constant 48 : index
        %get3A_1623 = tpu.vector_load %arg7[%get3A_1621, %get3A_1622] {strides = array<i32>} : memref<48x64xi32, #tpu.memory_space<vmem>>, vector<16xi32>,
        %get3A_1624 = arith.index_cast %scan3A_1573 : i32 to index
        %get3A_1625 = arith.constant 48 : index
        %get3A_1626 = tpu.vector_load %arg8[%get3A_1624, %get3A_1625] {strides = array<i32>} : memref<48x64xi32, #tpu.memory_space<vmem>>, vector<16xi32>,
        %gather3A_1627 = tpu.vector_load_idx %arg11[%get3A_1623] : memref<10240xf32, #tpu.memory_space<vmem>>[vector<16xi32>], vector<16xf32>,
        %get3A_1628 = arith.index_cast %scan3A_1573 : i32 to index
        %get3A_1629 = arith.constant 48 : index
        %get3A_1630 = tpu.vector_load %arg9[%get3A_1628, %get3A_1629] {strides = array<i32>} : memref<48x64xf32, #tpu.memory_space<vmem>>, vector<16xf32>,
        %mul3A_1631 = arith.mulf %gather3A_1627, %get3A_1630 : vector<16xf32>
        %gather3A_1632 = tpu.vector_load_idx %arg11[%get3A_1626] : memref<10240xf32, #tpu.memory_space<vmem>>[vector<16xi32>], vector<16xf32>,
        %mul3A_1633 = arith.mulf %mul3A_1631, %gather3A_1632 : vector<16xf32>
        %swap3A_1634 = arith.index_cast %scan3A_1573 : i32 to index
        %swap3A_1635 = arith.constant 48 : index
        %swap3A_1636 = tpu.vector_load %arg10[%swap3A_1634, %swap3A_1635] {strides = array<i32>} : memref<48x64xf32, #tpu.memory_space<vmem>>, vector<16xf32>,
        tpu.vector_store %arg10[%swap3A_1634, %swap3A_1635], %mul3A_1633 {strides = array<i32>} : memref<48x64xf32, #tpu.memory_space<vmem>>, vector<16xf32>,
      }
      %scan3A_1556 = arith.constant 48 : i32
      "tpu.region"() ({
        %run_scoped3A = tpu.sem_alloc : memref<!tpu.dma_semaphore, #tpu.memory_space<semaphore_mem>>
        %dma_start3A = arith.constant 0 : i32
        %dma_start3A_1573 = tpu.memref_slice %arg5[%add3A_1550, %dma_start3A] : memref<5376x64xf32, #tpu.memory_space<hbm>> -> memref<48x64xf32, #tpu.memory_space<hbm>>
        %dma_start3A_1574 = arith.constant 0 : i32
        %dma_start3A_1575 = tpu.memref_slice %arg5[%add3A_1550, %dma_start3A_1574] : memref<5376x64xf32, #tpu.memory_space<hbm>> -> memref<48x64xf32, #tpu.memory_space<hbm>>
        tpu.enqueue_dma source(%arg10 : memref<48x64xf32, #tpu.memory_space<vmem>>) target(%dma_start3A_1575 : memref<48x64xf32, #tpu.memory_space<hbm>>) target_semaphore(%run_scoped3A : memref<!tpu.dma_semaphore, #tpu.memory_space<semaphore_mem>>)
        %dma_wait3A = arith.constant 0 : i32
        %dma_wait3A_1576 = tpu.memref_slice %arg5[%add3A_1550, %dma_wait3A] : memref<5376x64xf32, #tpu.memory_space<hbm>> -> memref<48x64xf32, #tpu.memory_space<hbm>>
        %dma_wait3A_1577 = arith.constant 0 : i32
        %dma_wait3A_1578 = tpu.memref_slice %arg5[%add3A_1550, %dma_wait3A_1577] : memref<5376x64xf32, #tpu.memory_space<hbm>> -> memref<48x64xf32, #tpu.memory_space<hbm>>
        tpu.wait_dma2 semaphore(%run_scoped3A : memref<!tpu.dma_semaphore, #tpu.memory_space<semaphore_mem>>) src(%arg10 : memref<48x64xf32, #tpu.memory_space<vmem>>) dst(%dma_wait3A_1578 : memref<48x64xf32, #tpu.memory_space<hbm>>)
        tpu.yield
      }) : () -> ()
      %add3A_1557 = arith.constant 240 : i32
      %add3A_1558 = arith.addi %mul3A_1517, %add3A_1557 : i32
      "tpu.region"() ({
        %run_scoped3A = tpu.sem_alloc : memref<!tpu.dma_semaphore, #tpu.memory_space<semaphore_mem>>
        %dma_start3A = arith.constant 0 : i32
        %dma_start3A_1573 = tpu.memref_slice %arg2[%add3A_1558, %dma_start3A] : memref<5376x64xi32, #tpu.memory_space<hbm>> -> memref<48x64xi32, #tpu.memory_space<hbm>>
        %dma_start3A_1574 = arith.constant 0 : i32
        %dma_start3A_1575 = tpu.memref_slice %arg2[%add3A_1558, %dma_start3A_1574] : memref<5376x64xi32, #tpu.memory_space<hbm>> -> memref<48x64xi32, #tpu.memory_space<hbm>>
        tpu.enqueue_dma source(%dma_start3A_1575 : memref<48x64xi32, #tpu.memory_space<hbm>>) target(%arg7 : memref<48x64xi32, #tpu.memory_space<vmem>>) target_semaphore(%run_scoped3A : memref<!tpu.dma_semaphore, #tpu.memory_space<semaphore_mem>>)
        %dma_wait3A = arith.constant 0 : i32
        %dma_wait3A_1576 = tpu.memref_slice %arg2[%add3A_1558, %dma_wait3A] : memref<5376x64xi32, #tpu.memory_space<hbm>> -> memref<48x64xi32, #tpu.memory_space<hbm>>
        %dma_wait3A_1577 = arith.constant 0 : i32
        %dma_wait3A_1578 = tpu.memref_slice %arg2[%add3A_1558, %dma_wait3A_1577] : memref<5376x64xi32, #tpu.memory_space<hbm>> -> memref<48x64xi32, #tpu.memory_space<hbm>>
        tpu.wait_dma2 semaphore(%run_scoped3A : memref<!tpu.dma_semaphore, #tpu.memory_space<semaphore_mem>>) src(%dma_wait3A_1578 : memref<48x64xi32, #tpu.memory_space<hbm>>) dst(%arg7 : memref<48x64xi32, #tpu.memory_space<vmem>>)
        tpu.yield
      }) : () -> ()
      "tpu.region"() ({
        %run_scoped3A = tpu.sem_alloc : memref<!tpu.dma_semaphore, #tpu.memory_space<semaphore_mem>>
        %dma_start3A = arith.constant 0 : i32
        %dma_start3A_1573 = tpu.memref_slice %arg3[%add3A_1558, %dma_start3A] : memref<5376x64xi32, #tpu.memory_space<hbm>> -> memref<48x64xi32, #tpu.memory_space<hbm>>
        %dma_start3A_1574 = arith.constant 0 : i32
        %dma_start3A_1575 = tpu.memref_slice %arg3[%add3A_1558, %dma_start3A_1574] : memref<5376x64xi32, #tpu.memory_space<hbm>> -> memref<48x64xi32, #tpu.memory_space<hbm>>
        tpu.enqueue_dma source(%dma_start3A_1575 : memref<48x64xi32, #tpu.memory_space<hbm>>) target(%arg8 : memref<48x64xi32, #tpu.memory_space<vmem>>) target_semaphore(%run_scoped3A : memref<!tpu.dma_semaphore, #tpu.memory_space<semaphore_mem>>)
        %dma_wait3A = arith.constant 0 : i32
        %dma_wait3A_1576 = tpu.memref_slice %arg3[%add3A_1558, %dma_wait3A] : memref<5376x64xi32, #tpu.memory_space<hbm>> -> memref<48x64xi32, #tpu.memory_space<hbm>>
        %dma_wait3A_1577 = arith.constant 0 : i32
        %dma_wait3A_1578 = tpu.memref_slice %arg3[%add3A_1558, %dma_wait3A_1577] : memref<5376x64xi32, #tpu.memory_space<hbm>> -> memref<48x64xi32, #tpu.memory_space<hbm>>
        tpu.wait_dma2 semaphore(%run_scoped3A : memref<!tpu.dma_semaphore, #tpu.memory_space<semaphore_mem>>) src(%dma_wait3A_1578 : memref<48x64xi32, #tpu.memory_space<hbm>>) dst(%arg8 : memref<48x64xi32, #tpu.memory_space<vmem>>)
        tpu.yield
      }) : () -> ()
      "tpu.region"() ({
        %run_scoped3A = tpu.sem_alloc : memref<!tpu.dma_semaphore, #tpu.memory_space<semaphore_mem>>
        %dma_start3A = arith.constant 0 : i32
        %dma_start3A_1573 = tpu.memref_slice %arg4[%add3A_1558, %dma_start3A] : memref<5376x64xf32, #tpu.memory_space<hbm>> -> memref<48x64xf32, #tpu.memory_space<hbm>>
        %dma_start3A_1574 = arith.constant 0 : i32
        %dma_start3A_1575 = tpu.memref_slice %arg4[%add3A_1558, %dma_start3A_1574] : memref<5376x64xf32, #tpu.memory_space<hbm>> -> memref<48x64xf32, #tpu.memory_space<hbm>>
        tpu.enqueue_dma source(%dma_start3A_1575 : memref<48x64xf32, #tpu.memory_space<hbm>>) target(%arg9 : memref<48x64xf32, #tpu.memory_space<vmem>>) target_semaphore(%run_scoped3A : memref<!tpu.dma_semaphore, #tpu.memory_space<semaphore_mem>>)
        %dma_wait3A = arith.constant 0 : i32
        %dma_wait3A_1576 = tpu.memref_slice %arg4[%add3A_1558, %dma_wait3A] : memref<5376x64xf32, #tpu.memory_space<hbm>> -> memref<48x64xf32, #tpu.memory_space<hbm>>
        %dma_wait3A_1577 = arith.constant 0 : i32
        %dma_wait3A_1578 = tpu.memref_slice %arg4[%add3A_1558, %dma_wait3A_1577] : memref<5376x64xf32, #tpu.memory_space<hbm>> -> memref<48x64xf32, #tpu.memory_space<hbm>>
        tpu.wait_dma2 semaphore(%run_scoped3A : memref<!tpu.dma_semaphore, #tpu.memory_space<semaphore_mem>>) src(%dma_wait3A_1578 : memref<48x64xf32, #tpu.memory_space<hbm>>) dst(%arg9 : memref<48x64xf32, #tpu.memory_space<vmem>>)
        tpu.yield
      }) : () -> ()
      %scan3A_1559 = arith.constant 0 : i32
      %scan3A_1560 = arith.constant 0 : i32
      %scan3A_1561 = arith.constant 48 : i32
      %scan3A_1562 = arith.addi %scan3A_1560, %scan3A_1561 : i32
      %scan3A_1563 = arith.constant 1 : i32
      scf.for %scan3A_1573 = %scan3A_1560 to %scan3A_1562 step %scan3A_1563  : i32 {
        %get3A_1574 = arith.index_cast %scan3A_1573 : i32 to index
        %get3A_1575 = arith.constant 0 : index
        %get3A_1576 = tpu.vector_load %arg7[%get3A_1574, %get3A_1575] {strides = array<i32>} : memref<48x64xi32, #tpu.memory_space<vmem>>, vector<16xi32>,
        %get3A_1577 = arith.index_cast %scan3A_1573 : i32 to index
        %get3A_1578 = arith.constant 0 : index
        %get3A_1579 = tpu.vector_load %arg8[%get3A_1577, %get3A_1578] {strides = array<i32>} : memref<48x64xi32, #tpu.memory_space<vmem>>, vector<16xi32>,
        %gather3A = tpu.vector_load_idx %arg11[%get3A_1576] : memref<10240xf32, #tpu.memory_space<vmem>>[vector<16xi32>], vector<16xf32>,
        %get3A_1580 = arith.index_cast %scan3A_1573 : i32 to index
        %get3A_1581 = arith.constant 0 : index
        %get3A_1582 = tpu.vector_load %arg9[%get3A_1580, %get3A_1581] {strides = array<i32>} : memref<48x64xf32, #tpu.memory_space<vmem>>, vector<16xf32>,
        %mul3A_1583 = arith.mulf %gather3A, %get3A_1582 : vector<16xf32>
        %gather3A_1584 = tpu.vector_load_idx %arg11[%get3A_1579] : memref<10240xf32, #tpu.memory_space<vmem>>[vector<16xi32>], vector<16xf32>,
        %mul3A_1585 = arith.mulf %mul3A_1583, %gather3A_1584 : vector<16xf32>
        %swap3A_1586 = arith.index_cast %scan3A_1573 : i32 to index
        %swap3A_1587 = arith.constant 0 : index
        %swap3A_1588 = tpu.vector_load %arg10[%swap3A_1586, %swap3A_1587] {strides = array<i32>} : memref<48x64xf32, #tpu.memory_space<vmem>>, vector<16xf32>,
        tpu.vector_store %arg10[%swap3A_1586, %swap3A_1587], %mul3A_1585 {strides = array<i32>} : memref<48x64xf32, #tpu.memory_space<vmem>>, vector<16xf32>,
        %get3A_1589 = arith.index_cast %scan3A_1573 : i32 to index
        %get3A_1590 = arith.constant 16 : index
        %get3A_1591 = tpu.vector_load %arg7[%get3A_1589, %get3A_1590] {strides = array<i32>} : memref<48x64xi32, #tpu.memory_space<vmem>>, vector<16xi32>,
        %get3A_1592 = arith.index_cast %scan3A_1573 : i32 to index
        %get3A_1593 = arith.constant 16 : index
        %get3A_1594 = tpu.vector_load %arg8[%get3A_1592, %get3A_1593] {strides = array<i32>} : memref<48x64xi32, #tpu.memory_space<vmem>>, vector<16xi32>,
        %gather3A_1595 = tpu.vector_load_idx %arg11[%get3A_1591] : memref<10240xf32, #tpu.memory_space<vmem>>[vector<16xi32>], vector<16xf32>,
        %get3A_1596 = arith.index_cast %scan3A_1573 : i32 to index
        %get3A_1597 = arith.constant 16 : index
        %get3A_1598 = tpu.vector_load %arg9[%get3A_1596, %get3A_1597] {strides = array<i32>} : memref<48x64xf32, #tpu.memory_space<vmem>>, vector<16xf32>,
        %mul3A_1599 = arith.mulf %gather3A_1595, %get3A_1598 : vector<16xf32>
        %gather3A_1600 = tpu.vector_load_idx %arg11[%get3A_1594] : memref<10240xf32, #tpu.memory_space<vmem>>[vector<16xi32>], vector<16xf32>,
        %mul3A_1601 = arith.mulf %mul3A_1599, %gather3A_1600 : vector<16xf32>
        %swap3A_1602 = arith.index_cast %scan3A_1573 : i32 to index
        %swap3A_1603 = arith.constant 16 : index
        %swap3A_1604 = tpu.vector_load %arg10[%swap3A_1602, %swap3A_1603] {strides = array<i32>} : memref<48x64xf32, #tpu.memory_space<vmem>>, vector<16xf32>,
        tpu.vector_store %arg10[%swap3A_1602, %swap3A_1603], %mul3A_1601 {strides = array<i32>} : memref<48x64xf32, #tpu.memory_space<vmem>>, vector<16xf32>,
        %get3A_1605 = arith.index_cast %scan3A_1573 : i32 to index
        %get3A_1606 = arith.constant 32 : index
        %get3A_1607 = tpu.vector_load %arg7[%get3A_1605, %get3A_1606] {strides = array<i32>} : memref<48x64xi32, #tpu.memory_space<vmem>>, vector<16xi32>,
        %get3A_1608 = arith.index_cast %scan3A_1573 : i32 to index
        %get3A_1609 = arith.constant 32 : index
        %get3A_1610 = tpu.vector_load %arg8[%get3A_1608, %get3A_1609] {strides = array<i32>} : memref<48x64xi32, #tpu.memory_space<vmem>>, vector<16xi32>,
        %gather3A_1611 = tpu.vector_load_idx %arg11[%get3A_1607] : memref<10240xf32, #tpu.memory_space<vmem>>[vector<16xi32>], vector<16xf32>,
        %get3A_1612 = arith.index_cast %scan3A_1573 : i32 to index
        %get3A_1613 = arith.constant 32 : index
        %get3A_1614 = tpu.vector_load %arg9[%get3A_1612, %get3A_1613] {strides = array<i32>} : memref<48x64xf32, #tpu.memory_space<vmem>>, vector<16xf32>,
        %mul3A_1615 = arith.mulf %gather3A_1611, %get3A_1614 : vector<16xf32>
        %gather3A_1616 = tpu.vector_load_idx %arg11[%get3A_1610] : memref<10240xf32, #tpu.memory_space<vmem>>[vector<16xi32>], vector<16xf32>,
        %mul3A_1617 = arith.mulf %mul3A_1615, %gather3A_1616 : vector<16xf32>
        %swap3A_1618 = arith.index_cast %scan3A_1573 : i32 to index
        %swap3A_1619 = arith.constant 32 : index
        %swap3A_1620 = tpu.vector_load %arg10[%swap3A_1618, %swap3A_1619] {strides = array<i32>} : memref<48x64xf32, #tpu.memory_space<vmem>>, vector<16xf32>,
        tpu.vector_store %arg10[%swap3A_1618, %swap3A_1619], %mul3A_1617 {strides = array<i32>} : memref<48x64xf32, #tpu.memory_space<vmem>>, vector<16xf32>,
        %get3A_1621 = arith.index_cast %scan3A_1573 : i32 to index
        %get3A_1622 = arith.constant 48 : index
        %get3A_1623 = tpu.vector_load %arg7[%get3A_1621, %get3A_1622] {strides = array<i32>} : memref<48x64xi32, #tpu.memory_space<vmem>>, vector<16xi32>,
        %get3A_1624 = arith.index_cast %scan3A_1573 : i32 to index
        %get3A_1625 = arith.constant 48 : index
        %get3A_1626 = tpu.vector_load %arg8[%get3A_1624, %get3A_1625] {strides = array<i32>} : memref<48x64xi32, #tpu.memory_space<vmem>>, vector<16xi32>,
        %gather3A_1627 = tpu.vector_load_idx %arg11[%get3A_1623] : memref<10240xf32, #tpu.memory_space<vmem>>[vector<16xi32>], vector<16xf32>,
        %get3A_1628 = arith.index_cast %scan3A_1573 : i32 to index
        %get3A_1629 = arith.constant 48 : index
        %get3A_1630 = tpu.vector_load %arg9[%get3A_1628, %get3A_1629] {strides = array<i32>} : memref<48x64xf32, #tpu.memory_space<vmem>>, vector<16xf32>,
        %mul3A_1631 = arith.mulf %gather3A_1627, %get3A_1630 : vector<16xf32>
        %gather3A_1632 = tpu.vector_load_idx %arg11[%get3A_1626] : memref<10240xf32, #tpu.memory_space<vmem>>[vector<16xi32>], vector<16xf32>,
        %mul3A_1633 = arith.mulf %mul3A_1631, %gather3A_1632 : vector<16xf32>
        %swap3A_1634 = arith.index_cast %scan3A_1573 : i32 to index
        %swap3A_1635 = arith.constant 48 : index
        %swap3A_1636 = tpu.vector_load %arg10[%swap3A_1634, %swap3A_1635] {strides = array<i32>} : memref<48x64xf32, #tpu.memory_space<vmem>>, vector<16xf32>,
        tpu.vector_store %arg10[%swap3A_1634, %swap3A_1635], %mul3A_1633 {strides = array<i32>} : memref<48x64xf32, #tpu.memory_space<vmem>>, vector<16xf32>,
      }
      %scan3A_1564 = arith.constant 48 : i32
      "tpu.region"() ({
        %run_scoped3A = tpu.sem_alloc : memref<!tpu.dma_semaphore, #tpu.memory_space<semaphore_mem>>
        %dma_start3A = arith.constant 0 : i32
        %dma_start3A_1573 = tpu.memref_slice %arg5[%add3A_1558, %dma_start3A] : memref<5376x64xf32, #tpu.memory_space<hbm>> -> memref<48x64xf32, #tpu.memory_space<hbm>>
        %dma_start3A_1574 = arith.constant 0 : i32
        %dma_start3A_1575 = tpu.memref_slice %arg5[%add3A_1558, %dma_start3A_1574] : memref<5376x64xf32, #tpu.memory_space<hbm>> -> memref<48x64xf32, #tpu.memory_space<hbm>>
        tpu.enqueue_dma source(%arg10 : memref<48x64xf32, #tpu.memory_space<vmem>>) target(%dma_start3A_1575 : memref<48x64xf32, #tpu.memory_space<hbm>>) target_semaphore(%run_scoped3A : memref<!tpu.dma_semaphore, #tpu.memory_space<semaphore_mem>>)
        %dma_wait3A = arith.constant 0 : i32
        %dma_wait3A_1576 = tpu.memref_slice %arg5[%add3A_1558, %dma_wait3A] : memref<5376x64xf32, #tpu.memory_space<hbm>> -> memref<48x64xf32, #tpu.memory_space<hbm>>
        %dma_wait3A_1577 = arith.constant 0 : i32
        %dma_wait3A_1578 = tpu.memref_slice %arg5[%add3A_1558, %dma_wait3A_1577] : memref<5376x64xf32, #tpu.memory_space<hbm>> -> memref<48x64xf32, #tpu.memory_space<hbm>>
        tpu.wait_dma2 semaphore(%run_scoped3A : memref<!tpu.dma_semaphore, #tpu.memory_space<semaphore_mem>>) src(%arg10 : memref<48x64xf32, #tpu.memory_space<vmem>>) dst(%dma_wait3A_1578 : memref<48x64xf32, #tpu.memory_space<hbm>>)
        tpu.yield
      }) : () -> ()
      %add3A_1565 = arith.constant 288 : i32
      %add3A_1566 = arith.addi %mul3A_1517, %add3A_1565 : i32
      "tpu.region"() ({
        %run_scoped3A = tpu.sem_alloc : memref<!tpu.dma_semaphore, #tpu.memory_space<semaphore_mem>>
        %dma_start3A = arith.constant 0 : i32
        %dma_start3A_1573 = tpu.memref_slice %arg2[%add3A_1566, %dma_start3A] : memref<5376x64xi32, #tpu.memory_space<hbm>> -> memref<48x64xi32, #tpu.memory_space<hbm>>
        %dma_start3A_1574 = arith.constant 0 : i32
        %dma_start3A_1575 = tpu.memref_slice %arg2[%add3A_1566, %dma_start3A_1574] : memref<5376x64xi32, #tpu.memory_space<hbm>> -> memref<48x64xi32, #tpu.memory_space<hbm>>
        tpu.enqueue_dma source(%dma_start3A_1575 : memref<48x64xi32, #tpu.memory_space<hbm>>) target(%arg7 : memref<48x64xi32, #tpu.memory_space<vmem>>) target_semaphore(%run_scoped3A : memref<!tpu.dma_semaphore, #tpu.memory_space<semaphore_mem>>)
        %dma_wait3A = arith.constant 0 : i32
        %dma_wait3A_1576 = tpu.memref_slice %arg2[%add3A_1566, %dma_wait3A] : memref<5376x64xi32, #tpu.memory_space<hbm>> -> memref<48x64xi32, #tpu.memory_space<hbm>>
        %dma_wait3A_1577 = arith.constant 0 : i32
        %dma_wait3A_1578 = tpu.memref_slice %arg2[%add3A_1566, %dma_wait3A_1577] : memref<5376x64xi32, #tpu.memory_space<hbm>> -> memref<48x64xi32, #tpu.memory_space<hbm>>
        tpu.wait_dma2 semaphore(%run_scoped3A : memref<!tpu.dma_semaphore, #tpu.memory_space<semaphore_mem>>) src(%dma_wait3A_1578 : memref<48x64xi32, #tpu.memory_space<hbm>>) dst(%arg7 : memref<48x64xi32, #tpu.memory_space<vmem>>)
        tpu.yield
      }) : () -> ()
      "tpu.region"() ({
        %run_scoped3A = tpu.sem_alloc : memref<!tpu.dma_semaphore, #tpu.memory_space<semaphore_mem>>
        %dma_start3A = arith.constant 0 : i32
        %dma_start3A_1573 = tpu.memref_slice %arg3[%add3A_1566, %dma_start3A] : memref<5376x64xi32, #tpu.memory_space<hbm>> -> memref<48x64xi32, #tpu.memory_space<hbm>>
        %dma_start3A_1574 = arith.constant 0 : i32
        %dma_start3A_1575 = tpu.memref_slice %arg3[%add3A_1566, %dma_start3A_1574] : memref<5376x64xi32, #tpu.memory_space<hbm>> -> memref<48x64xi32, #tpu.memory_space<hbm>>
        tpu.enqueue_dma source(%dma_start3A_1575 : memref<48x64xi32, #tpu.memory_space<hbm>>) target(%arg8 : memref<48x64xi32, #tpu.memory_space<vmem>>) target_semaphore(%run_scoped3A : memref<!tpu.dma_semaphore, #tpu.memory_space<semaphore_mem>>)
        %dma_wait3A = arith.constant 0 : i32
        %dma_wait3A_1576 = tpu.memref_slice %arg3[%add3A_1566, %dma_wait3A] : memref<5376x64xi32, #tpu.memory_space<hbm>> -> memref<48x64xi32, #tpu.memory_space<hbm>>
        %dma_wait3A_1577 = arith.constant 0 : i32
        %dma_wait3A_1578 = tpu.memref_slice %arg3[%add3A_1566, %dma_wait3A_1577] : memref<5376x64xi32, #tpu.memory_space<hbm>> -> memref<48x64xi32, #tpu.memory_space<hbm>>
        tpu.wait_dma2 semaphore(%run_scoped3A : memref<!tpu.dma_semaphore, #tpu.memory_space<semaphore_mem>>) src(%dma_wait3A_1578 : memref<48x64xi32, #tpu.memory_space<hbm>>) dst(%arg8 : memref<48x64xi32, #tpu.memory_space<vmem>>)
        tpu.yield
      }) : () -> ()
      "tpu.region"() ({
        %run_scoped3A = tpu.sem_alloc : memref<!tpu.dma_semaphore, #tpu.memory_space<semaphore_mem>>
        %dma_start3A = arith.constant 0 : i32
        %dma_start3A_1573 = tpu.memref_slice %arg4[%add3A_1566, %dma_start3A] : memref<5376x64xf32, #tpu.memory_space<hbm>> -> memref<48x64xf32, #tpu.memory_space<hbm>>
        %dma_start3A_1574 = arith.constant 0 : i32
        %dma_start3A_1575 = tpu.memref_slice %arg4[%add3A_1566, %dma_start3A_1574] : memref<5376x64xf32, #tpu.memory_space<hbm>> -> memref<48x64xf32, #tpu.memory_space<hbm>>
        tpu.enqueue_dma source(%dma_start3A_1575 : memref<48x64xf32, #tpu.memory_space<hbm>>) target(%arg9 : memref<48x64xf32, #tpu.memory_space<vmem>>) target_semaphore(%run_scoped3A : memref<!tpu.dma_semaphore, #tpu.memory_space<semaphore_mem>>)
        %dma_wait3A = arith.constant 0 : i32
        %dma_wait3A_1576 = tpu.memref_slice %arg4[%add3A_1566, %dma_wait3A] : memref<5376x64xf32, #tpu.memory_space<hbm>> -> memref<48x64xf32, #tpu.memory_space<hbm>>
        %dma_wait3A_1577 = arith.constant 0 : i32
        %dma_wait3A_1578 = tpu.memref_slice %arg4[%add3A_1566, %dma_wait3A_1577] : memref<5376x64xf32, #tpu.memory_space<hbm>> -> memref<48x64xf32, #tpu.memory_space<hbm>>
        tpu.wait_dma2 semaphore(%run_scoped3A : memref<!tpu.dma_semaphore, #tpu.memory_space<semaphore_mem>>) src(%dma_wait3A_1578 : memref<48x64xf32, #tpu.memory_space<hbm>>) dst(%arg9 : memref<48x64xf32, #tpu.memory_space<vmem>>)
        tpu.yield
      }) : () -> ()
      %scan3A_1567 = arith.constant 0 : i32
      %scan3A_1568 = arith.constant 0 : i32
      %scan3A_1569 = arith.constant 48 : i32
      %scan3A_1570 = arith.addi %scan3A_1568, %scan3A_1569 : i32
      %scan3A_1571 = arith.constant 1 : i32
      scf.for %scan3A_1573 = %scan3A_1568 to %scan3A_1570 step %scan3A_1571  : i32 {
        %get3A_1574 = arith.index_cast %scan3A_1573 : i32 to index
        %get3A_1575 = arith.constant 0 : index
        %get3A_1576 = tpu.vector_load %arg7[%get3A_1574, %get3A_1575] {strides = array<i32>} : memref<48x64xi32, #tpu.memory_space<vmem>>, vector<16xi32>,
        %get3A_1577 = arith.index_cast %scan3A_1573 : i32 to index
        %get3A_1578 = arith.constant 0 : index
        %get3A_1579 = tpu.vector_load %arg8[%get3A_1577, %get3A_1578] {strides = array<i32>} : memref<48x64xi32, #tpu.memory_space<vmem>>, vector<16xi32>,
        %gather3A = tpu.vector_load_idx %arg11[%get3A_1576] : memref<10240xf32, #tpu.memory_space<vmem>>[vector<16xi32>], vector<16xf32>,
        %get3A_1580 = arith.index_cast %scan3A_1573 : i32 to index
        %get3A_1581 = arith.constant 0 : index
        %get3A_1582 = tpu.vector_load %arg9[%get3A_1580, %get3A_1581] {strides = array<i32>} : memref<48x64xf32, #tpu.memory_space<vmem>>, vector<16xf32>,
        %mul3A_1583 = arith.mulf %gather3A, %get3A_1582 : vector<16xf32>
        %gather3A_1584 = tpu.vector_load_idx %arg11[%get3A_1579] : memref<10240xf32, #tpu.memory_space<vmem>>[vector<16xi32>], vector<16xf32>,
        %mul3A_1585 = arith.mulf %mul3A_1583, %gather3A_1584 : vector<16xf32>
        %swap3A_1586 = arith.index_cast %scan3A_1573 : i32 to index
        %swap3A_1587 = arith.constant 0 : index
        %swap3A_1588 = tpu.vector_load %arg10[%swap3A_1586, %swap3A_1587] {strides = array<i32>} : memref<48x64xf32, #tpu.memory_space<vmem>>, vector<16xf32>,
        tpu.vector_store %arg10[%swap3A_1586, %swap3A_1587], %mul3A_1585 {strides = array<i32>} : memref<48x64xf32, #tpu.memory_space<vmem>>, vector<16xf32>,
        %get3A_1589 = arith.index_cast %scan3A_1573 : i32 to index
        %get3A_1590 = arith.constant 16 : index
        %get3A_1591 = tpu.vector_load %arg7[%get3A_1589, %get3A_1590] {strides = array<i32>} : memref<48x64xi32, #tpu.memory_space<vmem>>, vector<16xi32>,
        %get3A_1592 = arith.index_cast %scan3A_1573 : i32 to index
        %get3A_1593 = arith.constant 16 : index
        %get3A_1594 = tpu.vector_load %arg8[%get3A_1592, %get3A_1593] {strides = array<i32>} : memref<48x64xi32, #tpu.memory_space<vmem>>, vector<16xi32>,
        %gather3A_1595 = tpu.vector_load_idx %arg11[%get3A_1591] : memref<10240xf32, #tpu.memory_space<vmem>>[vector<16xi32>], vector<16xf32>,
        %get3A_1596 = arith.index_cast %scan3A_1573 : i32 to index
        %get3A_1597 = arith.constant 16 : index
        %get3A_1598 = tpu.vector_load %arg9[%get3A_1596, %get3A_1597] {strides = array<i32>} : memref<48x64xf32, #tpu.memory_space<vmem>>, vector<16xf32>,
        %mul3A_1599 = arith.mulf %gather3A_1595, %get3A_1598 : vector<16xf32>
        %gather3A_1600 = tpu.vector_load_idx %arg11[%get3A_1594] : memref<10240xf32, #tpu.memory_space<vmem>>[vector<16xi32>], vector<16xf32>,
        %mul3A_1601 = arith.mulf %mul3A_1599, %gather3A_1600 : vector<16xf32>
        %swap3A_1602 = arith.index_cast %scan3A_1573 : i32 to index
        %swap3A_1603 = arith.constant 16 : index
        %swap3A_1604 = tpu.vector_load %arg10[%swap3A_1602, %swap3A_1603] {strides = array<i32>} : memref<48x64xf32, #tpu.memory_space<vmem>>, vector<16xf32>,
        tpu.vector_store %arg10[%swap3A_1602, %swap3A_1603], %mul3A_1601 {strides = array<i32>} : memref<48x64xf32, #tpu.memory_space<vmem>>, vector<16xf32>,
        %get3A_1605 = arith.index_cast %scan3A_1573 : i32 to index
        %get3A_1606 = arith.constant 32 : index
        %get3A_1607 = tpu.vector_load %arg7[%get3A_1605, %get3A_1606] {strides = array<i32>} : memref<48x64xi32, #tpu.memory_space<vmem>>, vector<16xi32>,
        %get3A_1608 = arith.index_cast %scan3A_1573 : i32 to index
        %get3A_1609 = arith.constant 32 : index
        %get3A_1610 = tpu.vector_load %arg8[%get3A_1608, %get3A_1609] {strides = array<i32>} : memref<48x64xi32, #tpu.memory_space<vmem>>, vector<16xi32>,
        %gather3A_1611 = tpu.vector_load_idx %arg11[%get3A_1607] : memref<10240xf32, #tpu.memory_space<vmem>>[vector<16xi32>], vector<16xf32>,
        %get3A_1612 = arith.index_cast %scan3A_1573 : i32 to index
        %get3A_1613 = arith.constant 32 : index
        %get3A_1614 = tpu.vector_load %arg9[%get3A_1612, %get3A_1613] {strides = array<i32>} : memref<48x64xf32, #tpu.memory_space<vmem>>, vector<16xf32>,
        %mul3A_1615 = arith.mulf %gather3A_1611, %get3A_1614 : vector<16xf32>
        %gather3A_1616 = tpu.vector_load_idx %arg11[%get3A_1610] : memref<10240xf32, #tpu.memory_space<vmem>>[vector<16xi32>], vector<16xf32>,
        %mul3A_1617 = arith.mulf %mul3A_1615, %gather3A_1616 : vector<16xf32>
        %swap3A_1618 = arith.index_cast %scan3A_1573 : i32 to index
        %swap3A_1619 = arith.constant 32 : index
        %swap3A_1620 = tpu.vector_load %arg10[%swap3A_1618, %swap3A_1619] {strides = array<i32>} : memref<48x64xf32, #tpu.memory_space<vmem>>, vector<16xf32>,
        tpu.vector_store %arg10[%swap3A_1618, %swap3A_1619], %mul3A_1617 {strides = array<i32>} : memref<48x64xf32, #tpu.memory_space<vmem>>, vector<16xf32>,
        %get3A_1621 = arith.index_cast %scan3A_1573 : i32 to index
        %get3A_1622 = arith.constant 48 : index
        %get3A_1623 = tpu.vector_load %arg7[%get3A_1621, %get3A_1622] {strides = array<i32>} : memref<48x64xi32, #tpu.memory_space<vmem>>, vector<16xi32>,
        %get3A_1624 = arith.index_cast %scan3A_1573 : i32 to index
        %get3A_1625 = arith.constant 48 : index
        %get3A_1626 = tpu.vector_load %arg8[%get3A_1624, %get3A_1625] {strides = array<i32>} : memref<48x64xi32, #tpu.memory_space<vmem>>, vector<16xi32>,
        %gather3A_1627 = tpu.vector_load_idx %arg11[%get3A_1623] : memref<10240xf32, #tpu.memory_space<vmem>>[vector<16xi32>], vector<16xf32>,
        %get3A_1628 = arith.index_cast %scan3A_1573 : i32 to index
        %get3A_1629 = arith.constant 48 : index
        %get3A_1630 = tpu.vector_load %arg9[%get3A_1628, %get3A_1629] {strides = array<i32>} : memref<48x64xf32, #tpu.memory_space<vmem>>, vector<16xf32>,
        %mul3A_1631 = arith.mulf %gather3A_1627, %get3A_1630 : vector<16xf32>
        %gather3A_1632 = tpu.vector_load_idx %arg11[%get3A_1626] : memref<10240xf32, #tpu.memory_space<vmem>>[vector<16xi32>], vector<16xf32>,
        %mul3A_1633 = arith.mulf %mul3A_1631, %gather3A_1632 : vector<16xf32>
        %swap3A_1634 = arith.index_cast %scan3A_1573 : i32 to index
        %swap3A_1635 = arith.constant 48 : index
        %swap3A_1636 = tpu.vector_load %arg10[%swap3A_1634, %swap3A_1635] {strides = array<i32>} : memref<48x64xf32, #tpu.memory_space<vmem>>, vector<16xf32>,
        tpu.vector_store %arg10[%swap3A_1634, %swap3A_1635], %mul3A_1633 {strides = array<i32>} : memref<48x64xf32, #tpu.memory_space<vmem>>, vector<16xf32>,
      }
      %scan3A_1572 = arith.constant 48 : i32
      "tpu.region"() ({
        %run_scoped3A = tpu.sem_alloc : memref<!tpu.dma_semaphore, #tpu.memory_space<semaphore_mem>>
        %dma_start3A = arith.constant 0 : i32
        %dma_start3A_1573 = tpu.memref_slice %arg5[%add3A_1566, %dma_start3A] : memref<5376x64xf32, #tpu.memory_space<hbm>> -> memref<48x64xf32, #tpu.memory_space<hbm>>
        %dma_start3A_1574 = arith.constant 0 : i32
        %dma_start3A_1575 = tpu.memref_slice %arg5[%add3A_1566, %dma_start3A_1574] : memref<5376x64xf32, #tpu.memory_space<hbm>> -> memref<48x64xf32, #tpu.memory_space<hbm>>
        tpu.enqueue_dma source(%arg10 : memref<48x64xf32, #tpu.memory_space<vmem>>) target(%dma_start3A_1575 : memref<48x64xf32, #tpu.memory_space<hbm>>) target_semaphore(%run_scoped3A : memref<!tpu.dma_semaphore, #tpu.memory_space<semaphore_mem>>)
        %dma_wait3A = arith.constant 0 : i32
        %dma_wait3A_1576 = tpu.memref_slice %arg5[%add3A_1566, %dma_wait3A] : memref<5376x64xf32, #tpu.memory_space<hbm>> -> memref<48x64xf32, #tpu.memory_space<hbm>>
        %dma_wait3A_1577 = arith.constant 0 : i32
        %dma_wait3A_1578 = tpu.memref_slice %arg5[%add3A_1566, %dma_wait3A_1577] : memref<5376x64xf32, #tpu.memory_space<hbm>> -> memref<48x64xf32, #tpu.memory_space<hbm>>
        tpu.wait_dma2 semaphore(%run_scoped3A : memref<!tpu.dma_semaphore, #tpu.memory_space<semaphore_mem>>) src(%arg10 : memref<48x64xf32, #tpu.memory_space<vmem>>) dst(%dma_wait3A_1578 : memref<48x64xf32, #tpu.memory_space<hbm>>)
        tpu.yield
      }) : () -> ()
    } else {
    }
    return
  }
}

module attributes {stable_mosaic.version = 14 : i64} {
  func.func @_matmul_body(%arg0: i32, %arg1: i32, %arg2: memref<1x2000x128xf32, #tpu.memory_space<vmem>>, %arg3: memref<128x128xf32, #tpu.memory_space<vmem>>, %arg4: memref<1x2000x128xf32, #tpu.memory_space<vmem>>) attributes {dimension_semantics = [#tpu.dimension_semantics<arbitrary>, #tpu.dimension_semantics<arbitrary>], iteration_bounds = array<i64: 12, 5>, scalar_prefetch = 0 : i64, scratch_operands = 0 : i64, tpu.core_type = #tpu.core_type<tc>, window_params = [{transform_indices = @transform_0, window_bounds = array<i64: 1, 2000, 128>}, {pipeline_mode = #tpu.pipeline_mode<synchronous>, transform_indices = @transform_1, window_bounds = array<i64: 128, 128>}, {transform_indices = @transform_2, window_bounds = array<i64: 1, 2000, 128>}]} {
    %get3A = arith.constant 0 : index
    %get3A_0 = arith.constant 0 : index
    %get3A_1 = arith.constant 0 : index
    %get3A_2 = vector.load %arg2[%get3A, %get3A_0, %get3A_1] : memref<1x2000x128xf32, #tpu.memory_space<vmem>>, vector<1x2000x128xf32>
    %get3A_3 = vector.shape_cast %get3A_2 : vector<1x2000x128xf32> to vector<2000x128xf32>
    %get3A_4 = arith.constant 0 : index
    %get3A_5 = arith.constant 0 : index
    %get3A_6 = vector.load %arg3[%get3A_4, %get3A_5] : memref<128x128xf32, #tpu.memory_space<vmem>>, vector<128x128xf32>
    %dot_general3A = arith.constant dense<0.000000e+00> : vector<2000x128xf32>
    %dot_general3A_7 = tpu.matmul %get3A_3, %get3A_6, %dot_general3A {dimension_numbers = #tpu.dot_dimension_numbers<[1], [0], [0], [1], [0, 0, 1, 1], [], []>, transpose_lhs_hint = false} : vector<2000x128xf32>, vector<128x128xf32>, vector<2000x128xf32> -> vector<2000x128xf32>
    %swap3A = arith.constant 0 : index
    %swap3A_8 = arith.constant 0 : index
    %swap3A_9 = arith.constant 0 : index
    %swap3A_10 = vector.load %arg4[%swap3A, %swap3A_8, %swap3A_9] : memref<1x2000x128xf32, #tpu.memory_space<vmem>>, vector<1x2000x128xf32>
    %swap3A_11 = vector.shape_cast %swap3A_10 : vector<1x2000x128xf32> to vector<2000x128xf32>
    %swap3A_12 = vector.shape_cast %dot_general3A_7 : vector<2000x128xf32> to vector<1x2000x128xf32>
    tpu.vector_store %arg4[%swap3A, %swap3A_8, %swap3A_9], %swap3A_12 {strides = array<i32>} : memref<1x2000x128xf32, #tpu.memory_space<vmem>>, vector<1x2000x128xf32>,
    return
  }
  func.func @transform_0(%arg0: i32, %arg1: i32) -> (i32, i32, i32) {
    %c0_i32 = arith.constant 0 : i32
    %c0_i32_0 = arith.constant 0 : i32
    return %arg0, %arg1, %c0_i32 : i32, i32, i32
  }
  func.func @transform_1(%arg0: i32, %arg1: i32) -> (i32, i32) {
    %c0_i32 = arith.constant 0 : i32
    %c0_i32_0 = arith.constant 0 : i32
    %c0_i32_1 = arith.constant 0 : i32
    return %c0_i32, %c0_i32_0 : i32, i32
  }
  func.func @transform_2(%arg0: i32, %arg1: i32) -> (i32, i32, i32) {
    %c0_i32 = arith.constant 0 : i32
    %c0_i32_0 = arith.constant 0 : i32
    return %arg0, %arg1, %c0_i32 : i32, i32, i32
  }
}

</mosaic_0001>

<sc_bundles>
// kernel: kernel.5.cloned.1.call-start
scs
__scs_entry_jumppad:
0x0: {  	(pc) =	sbr.rel $0x88, $3  }
0x1: {  	(tag) =	ssettag $0x0;
	lr =	simm.s32 $0x1  }
0x2: {  	[smem:$0x3F9C] =	sst lr;
	_ =	strace $0xD0000000  }
0x3: {  	_ = 	snop  }
0x4: {  	_ = 	snop  }
0x5: {  	_ = 	snop  }
0x6: {  	_ = 	snop  }
0x7: {  	_ = 	snop  }
__scs_overlays_trampoline_lowered:
0x8: {  	[smem:$0x3FAB] =	sst s0  }
0x9: {  	[smem:$0x3FAC] =	sst s1  }
0xa: {  	[smem:$0x3FAD] =	sst s2  }
0xb: {  	[smem:$0x3FAE] =	sst s3  }
0xc: {  	[smem:$0x3FAF] =	sst s4  }
0xd: {  	[smem:$0x3FB0] =	sst s5  }
0xe: {  	[smem:$0x3FB1] =	sst s6  }
0xf: {  	[smem:$0x3FB2] =	sst s7  }
0x10: {  	[smem:$0x3FB3] =	sst s8  }
0x11: {  	[smem:$0x3FB4] =	sst s9;
	s0 =	simm.s32 @!p0 $0x0  }
0x12: {  	s1 =	sld [smem:$0x3F9A];
	s0 =	simm.s32 @p0 $0x1  }
0x13: {  	[smem:$0x3FB5] =	sst s0;
	s0 =	simm.s32 @!p1 $0x0  }
0x14: {  	s2 =	sld [smem:$0x3F99];
	s0 =	simm.s32 @p1 $0x1  }
0x15: {  	[smem:$0x3FB6] =	sst s0;
	s0 =	simm.s32 @!p2 $0x0  }
0x16: {  	s3 =	sld [smem:$0x3FDB];
	s0 =	simm.s32 @p2 $0x1  }
0x17: {  	s4 =	simm.s32 $0x1BF5;
	[smem:$0x3FB8] =	sst s0  }
0x18: {  	s0 =	sld [smem:$0x3F9B];
	_ =	swait.ge [sflag:s4], $0x0  }
0x19: {  	s7 =	sld [smem:$0x3F9C]  }
0x1a: {  	s8 =	sadd.s32 $0xFFFFE003, lr  }
0x1b: {  	s9 =	sadd.s32 $0xFFFFFEF7, lr;
	s5 =	simm.s32 $0xFFFFFFFF;
	p2 =	slt.u32 s8, $0xFFFFF086  }
0x1c: {  	p1 =	slt.u32 s9, $0xF7A;
	s5 =	simm.s32 @!p2 $0x0  }
0x1d: {  	s5 =	simm.s32 @p1 $0x1;
	p0 =	seq.s32 s7, s2  }
0x1e: {  	s7 =	smul.u32 @!p0 $0xF7A, s2;
	p2 =	seq.s32 @!p0 s5, $0x0  }
0x1f: {  	s9 =	smul.u32 $0xF7A, s1;
	s8 =	simm.s32 @!p0 $0x1BF5;
	p2 =	por !p2, p0  }
0x20: {  	[sflag:s8] =	ssyncset.s32 @!p0 $0xFFFFF086;
	s6 =	sadd.s32 @!p0 s3, s7;
	s7 =	simm.s32 @!p0 $0x108  }
0x21: {  	s3 =	sadd.s32 s3, s9;
	s6 =	sadd.s32 @!p0 $0x88, s6;
	s7 =	simm.s32 @p2 $0x1082  }
0x22: {  	[simem:s7], [sflag:s8] =	dma.local @!p0 [hbm:s6], $0xF7A  }
0x23: {  	s9 =	sor.u32 $0xD0000000, s2;
	s6 =	simm.s32 $0x108;
	_ =	swait.ge @!p0 [sflag:s8], $0x0  }
0x24: {  	s3 =	sadd.s32 $0x88, s3;
	s6 =	simm.s32 @!p1 $0x1082;
	[sflag:s4] =	ssyncset.s32 $0xFFFFF086  }
0x25: {  	[simem:s6], [sflag:s4] =	dma.local [hbm:s3], $0xF7A  }
0x26: {  	[smem:$0x3F9C] =	sst s1;
	(tag) =	ssettag s2;
	_ =	strace s9  }
0x27: {  	s1 =	sld [smem:$0x3FAC]  }
0x28: {  	s2 =	sld [smem:$0x3FAD]  }
0x29: {  	s4 =	sld [smem:$0x3FAF]  }
0x2a: {  	p0 =	seq.s32 s5, $0x0;
	s5 =	sld [smem:$0x3FB0]  }
0x2b: {  	s6 =	sld [smem:$0x3FB1]  }
0x2c: {  	s7 =	sld [smem:$0x3FB2]  }
0x2d: {  	s3 =	simm.s32 $0x108;
	s8 =	sld [smem:$0x3FB3]  }
0x2e: {  	s3 =	simm.s32 @!p0 $0x1082;
	s9 =	sld [smem:$0x3FB4]  }
0x2f: {  	lr =	sadd.s32 s0, s3;
	s0 =	sld [smem:$0x3FAB]  }
0x30: {  	s3 =	sld [smem:$0x3FAE]  }
0x31: {  	[smem:$0x3FB7] =	sst s10  }
0x32: {  	s10 =	sld [smem:$0x3FB5];
	_ =	sdelay $0x3  }
0x33: {  	p0 =	seq.s32 s10, $0x1;
	s10 =	sld [smem:$0x3FB7];
	_ =	sdelay $0x3  }
0x34: {  	[smem:$0x3FB7] =	sst s10  }
0x35: {  	s10 =	sld [smem:$0x3FB6];
	_ =	sdelay $0x3  }
0x36: {  	p1 =	seq.s32 s10, $0x1;
	s10 =	sld [smem:$0x3FB7];
	_ =	sdelay $0x3  }
0x37: {  	[smem:$0x3FB7] =	sst s10  }
0x38: {  	s10 =	sld [smem:$0x3FB8]  }
0x39: {  	_ = 	snop;
	(pc) =	sbr.ind lr, $3  }
0x3a: {  	_ = 	snop  }
0x3b: {  	_ = 	snop  }
0x3c: {  	p2 =	seq.s32 s10, $0x1;
	s10 =	sld [smem:$0x3FB7]  }
0x3d: {  	_ =	shalt  }
0x3e: {  	_ =	shalt  }
0x3f: {  	_ =	shalt  }
0x40: {  	_ =	shalt  }
0x41: {  	_ =	shalt  }
0x42: {  	_ =	shalt  }
0x43: {  	_ =	shalt  }
0x44: {  	_ =	shalt  }
0x45: {  	_ =	shalt  }
0x46: {  	_ =	shalt  }
0x47: {  	_ =	shalt  }
0x48: {  	_ =	shalt  }
0x49: {  	_ =	shalt  }
0x4a: {  	_ =	shalt  }
0x4b: {  	_ =	shalt  }
0x4c: {  	_ =	shalt  }
0x4d: {  	_ =	shalt  }
0x4e: {  	_ =	shalt  }
0x4f: {  	_ =	shalt  }
0x50: {  	_ =	shalt  }
0x51: {  	_ =	shalt  }
0x52: {  	_ =	shalt  }
0x53: {  	_ =	shalt  }
0x54: {  	_ =	shalt  }
0x55: {  	_ =	shalt  }
0x56: {  	_ =	shalt  }
0x57: {  	_ =	shalt  }
0x58: {  	_ =	shalt  }
0x59: {  	_ =	shalt  }
0x5a: {  	_ =	shalt  }
0x5b: {  	_ =	shalt  }
0x5c: {  	_ =	shalt  }
0x5d: {  	_ =	shalt  }
0x5e: {  	_ =	shalt  }
0x5f: {  	_ =	shalt  }
0x60: {  	_ =	shalt  }
0x61: {  	_ =	shalt  }
0x62: {  	_ =	shalt  }
0x63: {  	_ =	shalt  }
0x64: {  	_ =	shalt  }
0x65: {  	_ =	shalt  }
0x66: {  	_ =	shalt  }
0x67: {  	_ =	shalt  }
0x68: {  	_ =	shalt  }
0x69: {  	_ =	shalt  }
0x6a: {  	_ =	shalt  }
0x6b: {  	_ =	shalt  }
0x6c: {  	_ =	shalt  }
0x6d: {  	_ =	shalt  }
0x6e: {  	_ =	shalt  }
0x6f: {  	_ =	shalt  }
0x70: {  	_ =	shalt  }
0x71: {  	_ =	shalt  }
0x72: {  	_ =	shalt  }
0x73: {  	_ =	shalt  }
0x74: {  	_ =	shalt  }
0x75: {  	_ =	shalt  }
0x76: {  	_ =	shalt  }
0x77: {  	_ =	shalt  }
0x78: {  	_ =	shalt  }
0x79: {  	_ =	shalt  }
0x7a: {  	_ =	shalt  }
0x7b: {  	_ =	shalt  }
0x7c: {  	_ =	shalt  }
0x7d: {  	_ =	shalt  }
0x7e: {  	_ =	shalt  }
0x7f: {  	_ =	shalt  }
0x80: {  	_ =	shalt  }
0x81: {  	_ =	shalt  }
0x82: {  	_ =	shalt  }
0x83: {  	_ =	shalt  }
0x84: {  	_ =	shalt  }
0x85: {  	_ =	shalt  }
0x86: {  	_ =	shalt  }
0x87: {  	_ =	shalt  }
.Lfunc_end0:
.L_simem_size_0:
called_computation_lowered:
.L_overlay_start_0:
0x88: {  	s2 =	sld [smem:$0x3FD9]  }
0x89: {  	s3 =	sld [smem:$0x3FFE];
	_ =	sdelay $0x1  }
0x8a: {  	s1 =	srdreg.scid  }
0x8b: {  	s0 =	sand.u32 $0x1, s1  }
0x8c: {  	s16 =	sshll.u32 s0, $0xA;
	s2 =	sadd.s32 s3, s2  }
0x8d: {  	s2 =	sadd.s32 s2, s16  }
0x8e: {  	[smem:$0x3FC3] =	sst s2  }
0x8f: {  	_ = 	snop  }
0x90: {  	(tm) =	ssettm $0x1  }
0x91: {  	s17 =	sld [smem:$0x3FFB];
	_ =	sdelay $0x3  }
0x92: {  	_ =	strace s17  }
0x93: {  	s2 =	sld [smem:$0x3FFC];
	_ =	sdelay $0x3  }
0x94: {  	_ =	strace s2  }
0x95: {  	s2 =	sld [smem:$0x3FFD];
	_ =	sdelay $0x3  }
0x96: {  	_ =	strace s2  }
0x97: {  	_ =	strace $0x8FFFFFFF  }
0x98: {  	s18 =	sld [smem:$0x3FDB];
	_ =	sdelay $0x1  }
0x99: {  	s19 =	simm.s32 $_scs_section_size  }
0x9a: {  	s4 =	simm.s32 $_size__tile_overlayer_lowered;
	s5 =	simm.s32 $_tile_overlayer_lowered  }
0x9b: {  	s22 =	simm.s32 $0x1BFF;
	s21 =	sshll.u32 s5, $0x1;
	s2 =	sadd.s32 s19, s18  }
0x9c: {  	s6 =	simm.s32 $0x0;
	s20 =	sshll.u32 s4, $0x1;
	s4 =	sadd.s32 s21, s2  }
0x9d: {  	[timem:s6], [sflag:s22] =	dma.local [hbm:s4], s20  }
0x9e: {  	_ =	swait.ge [sflag:s22], s20  }
0x9f: {  	s3 =	ssub.s32 $0x0, s20;
	[sflag:s22] =	ssyncset.done $0x0  }
0xa0: {  	[sflag:s22] =	ssyncadd.s32 s3;
	_ =	sdelay $0x1  }
0xa1: {  	s23 =	simm.s32 $0x1B8B  }
0xa2: {  	_ =	swait.ge [sflag:s23], $0x1  }
0xa3: {  	[sflag:s23] =	ssyncset.done $0x0  }
0xa4: {  	s25 =	simm.s32 $0x1B8E;
	s24 =	sld [smem:$0x3FFE];
	[sflag:s23] =	ssyncadd.s32 $0xFFFFFFFF  }
0xa5: {  	s26 =	simm.s32 $execute0_lowered;
	[smem:$0x3FD2] =	sst s25  }
0xa6: {  	s4 =	sshll.u32 s26, $0x1;
	_ =	strace $0x80000046;
	[dreg:$0x1] =	wrdreg $0xFFFFFFFF  }
0xa7: {  	s28 =	simm.s32 $_size_execute0_lowered;
	s2 =	sadd.s32 s2, s4;
	[dreg:$0x0] =	wrdreg $0x0  }
0xa8: {  	s4 =	sshll.u32 s28, $0x1;
	[dreg:$0x2] =	wrdreg s2  }
0xa9: {  	[dreg:$0x3] =	wrdreg s4  }
0xaa: {  	[dreg:$0x4] =	wrdreg $0xC0  }
0xab: {  	_ =	task [dreg:s6], $0x5FFFF  }
0xac: {  	[dreg:$0x1] =	wrdreg $0xFFFFFFFF  }
0xad: {  	[dreg:$0x0] =	wrdreg $0x60  }
0xae: {  	[dreg:$0x2] =	wrdreg s24  }
0xaf: {  	[dreg:$0x3] =	wrdreg $0x0  }
0xb0: {  	[dreg:$0x4] =	wrdreg $0x9  }
0xb1: {  	_ =	task.clear_ibuf [dreg:s6], $0x5FFFF;
	_ =	strace $0x90000046  }
0xb2: {  	s29 =	simm.s32 $0x9;
	_ =	strace $0x80000048  }
0xb3: {  	_ =	swait.ge [sflag:s29], $0x1  }
0xb4: {  	[sflag:s29] =	ssyncadd.s32 $0xFFFFFFFF  }
0xb5: {  	_ =	strace $0x90000048  }
0xb6: {  	_ =	sfence  }
0xb7: {  	s30 =	sld [smem:$0x0];
	_ =	sdelay $0x2  }
0xb8: {  	s31 =	sshll.u32 s1, $0xD;
	s1 =	sshrl.u32 s1, $0x2  }
0xb9: {  	s3 =	sand.u32 $0x4000, s31;
	s1 =	sadd.s32 s1, s30  }
0xba: {  	s0 =	sor.u32 s3, s0;
	s1 =	sshll.u32 s1, $0x11  }
0xbb: {  	s0 =	sor.u32 s1, s0  }
0xbc: {  	s0 =	sadd.s32 $0x8F2B, s0  }
0xbd: {  	[sflag:s0] =	ssyncadd.remote.s32 $0x1  }
0xbe: {  	_ =	sfence.sel $0xFFFF  }
0xbf: {  	[dreg:$0x0] =	wrdreg $0xFFFFFFFF;
	(pc) =	sbr.abs _section_cstart, $3  }
0xc0: {  	[dreg:$0x1] =	wrdreg $0xFFFFFFFF  }
0xc1: {  	_ =	task.clear_ibuf [dreg:s6], $0x2FFFF;
	_ =	strace $0x9FFFFFFF  }
0xc2: {  	(tm) =	ssettm $0x7FFFFFFF  }
0xc3: {  	_ =	shalt  }
tec
execute0_lowered:
.L_overlay_start_1:
0x0: {  	(tag) =	ssettag $0x1  }
0x1: {  	s0 =	rddreg [dreg:$0x0]  }
0x2: {  	s1 =	simm.s32 $0x0;
	s22 =	srdreg.scid;
	s29 =	rddreg [dreg:$0x1]  }
0x3: {  	s24 =	stileid.u32;
	s28 =	simm.s32 $0x0;
	[smem:$0x7FF] =	sst s1  }
0x4: {  	s2 =	sadd.s32 $0x15600, s0;
	s1 =	sand.u32 $0x1, s22;
	s4 =	smul.u32 $0xA800, s24  }
0x5: {  	s13 =	sadd.s32 $0x2A600, s0;
	s15 =	sadd.s32 $0x600, s0;
	s16 =	smul.u32 $0x1500, s24  }
0x6: {  	s0 =	sadd.s32 $0x3F600, s0;
	s3 =	ssub.s32 $0x2, s1;
	p0 =	sne.s32 s1, $0x0  }
0x7: {  	s5 =	sshrl.u32 s3, $0x1;
	s11 =	sshrl.u32 s4, $0x3;
	s23 =	sadd.s32 s13, s16  }
0x8: {  	s25 =	sadd.s32 s2, s16;
	s17 =	ssub.s32 s3, s5;
	[dreg:$0x3] =	wrdreg s23  }
0x9: {  	s3 =	sadd.s32 s15, s16;
	s18 =	sadd.s32 $0x300, s11;
	s19 =	sadd.s32 $0x600, s11  }
0xa: {  	s20 =	sadd.s32 $0x900, s11;
	s21 =	sadd.s32 $0xC00, s11;
	s22 =	sadd.s32 $0xF00, s11  }
0xb: {  	s23 =	sadd.s32 $0x1200, s11;
	[dreg:$0x4] =	wrdreg s25;
	s16 =	sadd.s32 s0, s16  }
0xc: {  	s4 =	sadd.s32 s13, s18;
	s5 =	sadd.s32 s15, s18;
	s6 =	sadd.s32 s13, s19  }
0xd: {  	s7 =	sadd.s32 s15, s19;
	[dreg:$0x5] =	wrdreg s16;
	s25 =	sadd.s32 s2, s18  }
0xe: {  	s8 =	sadd.s32 s13, s20;
	s26 =	sadd.s32 s0, s18;
	[dreg:$0x6] =	wrdreg s25  }
0xf: {  	s9 =	sadd.s32 s15, s20;
	s30 =	sadd.s32 s2, s19;
	[dreg:$0x7] =	wrdreg s26  }
0x10: {  	s10 =	sadd.s32 s13, s21;
	s31 =	sadd.s32 s0, s19;
	[dreg:$0x8] =	wrdreg s30  }
0x11: {  	s11 =	sadd.s32 s15, s21;
	s18 =	sadd.s32 s2, s20;
	[dreg:$0x9] =	wrdreg s31  }
0x12: {  	s12 =	sadd.s32 s13, s22;
	s19 =	sadd.s32 s0, s20;
	[dreg:$0xa] =	wrdreg s18  }
0x13: {  	s13 =	sadd.s32 s13, s23;
	s20 =	sadd.s32 s2, s21;
	[dreg:$0xb] =	wrdreg s19  }
0x14: {  	s14 =	sadd.s32 s15, s22;
	s21 =	sadd.s32 s0, s21;
	[dreg:$0xc] =	wrdreg s20  }
0x15: {  	s15 =	sadd.s32 s15, s23;
	s1 =	smax.u32 s17, $0x1;
	[dreg:$0xd] =	wrdreg s21  }
0x16: {  	s25 =	sadd.s32 s2, s22;
	s26 =	sadd.s32 s0, s22;
	s30 =	smul.u32 $0xA00, s24  }
0x17: {  	s2 =	sadd.s32 s2, s23;
	s0 =	sadd.s32 s0, s23;
	s18 =	simm.s32 $0x8D00  }
0x18: {  	s19 =	simm.s32 $0x1;
	s20 =	simm.s32 $0x1A80;
	[dreg:$0xe] =	wrdreg s25  }
.Ltmp0:
0x19: {  	s21 =	simm.s32 $0x3280;
	[dreg:$0xf] =	wrdreg s26;
	(pc) =	sbr.rel .LBB2_1-.Ltmp0, $4  }
0x1a: {  	s22 =	simm.s32 $0x40;
	s23 =	simm.s32 $0x8A80;
	[dreg:$0x10] =	wrdreg s2  }
0x1b: {  	s24 =	simm.s32 $0x6280;
	[dreg:$0x11] =	wrdreg s0;
	s31 =	sshrl.u32 s30, $0x2  }
0x1c: {  	s25 =	simm.s32 $0x280;
	s26 =	simm.s32 $0x4A80;
	s0 =	sadd.s32 s31, s29  }
0x1d: {  	v0 =	vimm.f32 $0.0e+00;
	_ =	strace $0x80000047;
	s16 =	sadd.s32 $0x100, s0;
	s17 =	sadd.s32 $0x200, s0  }
.LBB2_32:
0x1e: {  	v4 =	vld [tilespmem:s2+$0x280];
	_ =	sdelay $0x1  }
0x1f: {  	v5 =	vld [tilespmem:s2+$0x1A80]  }
0x20: {  	v1 =	vmul.f32 v1, v3;
	_ =	sdelay $0x1  }
0x21: {  	v1 =	vmul.f32 v2, v1;
	_ =	sdelay $0x1  }
0x22: {  	v2 =	vld [tilespmem:s2+$0x3280];
	[tilespmem:s30+$0x4AB0] =	vst v1  }
0x23: {  	v1 =	vld.idx.msk [tilespmem:v4+s24+$0x0], $0xffff  }
0x24: {  	v58 =	vld [tilespmem:s2+$0x290]  }
0x25: {  	v3 =	vld.idx.msk [tilespmem:v5+s24+$0x0], $0xffff;
	_ =	sdelay $0x1  }
0x26: {  	v59 =	vld [tilespmem:s2+$0x1A90]  }
0x27: {  	v1 =	vmul.f32 v2, v1;
	_ =	sdelay $0x1  }
0x28: {  	v1 =	vmul.f32 v3, v1;
	_ =	sdelay $0x1  }
0x29: {  	v2 =	vld [tilespmem:s2+$0x3290];
	[tilespmem:s2+$0x4A80] =	vst v1  }
0x2a: {  	v1 =	vld.idx.msk [tilespmem:v58+s24+$0x0], $0xffff  }
0x2b: {  	v60 =	vld [tilespmem:s2+$0x2A0]  }
0x2c: {  	v3 =	vld.idx.msk [tilespmem:v59+s24+$0x0], $0xffff;
	_ =	sdelay $0x1  }
0x2d: {  	v61 =	vld [tilespmem:s2+$0x1AA0]  }
0x2e: {  	v1 =	vmul.f32 v2, v1;
	_ =	sdelay $0x1  }
0x2f: {  	v1 =	vmul.f32 v3, v1;
	_ =	sdelay $0x1  }
0x30: {  	v2 =	vld [tilespmem:s2+$0x32A0];
	[tilespmem:s2+$0x4A90] =	vst v1  }
0x31: {  	v1 =	vld.idx.msk [tilespmem:v60+s24+$0x0], $0xffff  }
0x32: {  	v62 =	vld [tilespmem:s2+$0x2B0]  }
0x33: {  	v3 =	vld.idx.msk [tilespmem:v61+s24+$0x0], $0xffff;
	_ =	sdelay $0x1  }
0x34: {  	v63 =	vld [tilespmem:s2+$0x1AB0]  }
0x35: {  	v1 =	vmul.f32 v2, v1;
	_ =	sdelay $0x1  }
0x36: {  	v1 =	vmul.f32 v3, v1;
	_ =	sdelay $0x1  }
0x37: {  	[tilespmem:s2+$0x4AA0] =	vst v1;
	v1 =	vld [tilespmem:s2+$0x32B0]  }
0x38: {  	v2 =	vld.idx.msk [tilespmem:v62+s24+$0x0], $0xffff;
	_ =	sdelay $0x1  }
0x39: {  	v3 =	vld.idx.msk [tilespmem:v63+s24+$0x0], $0xffff;
	_ =	sdelay $0x2  }
0x3a: {  	v1 =	vmul.f32 v1, v2;
	_ =	sdelay $0x1  }
0x3b: {  	v1 =	vmul.f32 v3, v1;
	_ =	sdelay $0x1  }
0x3c: {  	s31 =	rddreg [dreg:$0x11];
	[tilespmem:s2+$0x4AB0] =	vst v1;
	s2 =	simm.s32 $0x0  }
0x3d: {  	[hbm4b:s31+s2] =	stream.linear.scatter [tilespmem:s26], [sflag:$0x1], $0x1800, $0x38;
	[tilespmem:$0x8E00] =	vst v63  }
0x3e: {  	_ =	swait.ge [sflag:s19], $0x1800  }
0x3f: {  	[sflag:s19] =	ssyncset.done $0x0  }
0x40: {  	[sflag:s19] =	ssyncadd.s32 $0xFFFFE800  }
.LBB2_33:
0x41: {  	s28 =	sadd.s32 $0x1, s28  }
0x42: {  	p1 =	sne.s32 s28, s1  }
.Ltmp1:
0x43: {  	_ = 	snop;
	(pc) =	sbr.rel @!p1 .LBB2_34-.Ltmp1, $1  }
0x44: {  	_ =	sdelay $0x3  }
.LBB2_1:
0x45: {  	[tilespmem:$0x8D00] =	vst v0  }
0x46: {  	[tilespmem:$0x8D10] =	vst v0  }
0x47: {  	[tilespmem:$0x8D20] =	vst v0  }
0x48: {  	[tilespmem:$0x8D30] =	vst v0  }
0x49: {  	[tilespmem:$0x8D40] =	vst v0  }
0x4a: {  	[tilespmem:$0x8D50] =	vst v0  }
0x4b: {  	[tilespmem:$0x8D60] =	vst v0  }
0x4c: {  	[tilespmem:$0x8D70] =	vst v0  }
0x4d: {  	[tilespmem:$0x8D80] =	vst v0  }
0x4e: {  	[tilespmem:$0x8D90] =	vst v0  }
0x4f: {  	[tilespmem:$0x8DA0] =	vst v0  }
0x50: {  	[tilespmem:$0x8DB0] =	vst v0  }
0x51: {  	[tilespmem:$0x8DC0] =	vst v0  }
0x52: {  	[tilespmem:$0x8DD0] =	vst v0  }
0x53: {  	[tilespmem:$0x8DE0] =	vst v0  }
0x54: {  	[tilespmem:$0x8DF0] =	vst v0  }
0x55: {  	[spmem:s0] =	stream.linear.scatter [tilespmem:s18], [sflag:$0x1], $0x100, $0x38;
	[tilespmem:$0x8E00] =	vst v63  }
0x56: {  	_ =	swait.ge [sflag:s19], $0x100  }
0x57: {  	[sflag:s19] =	ssyncset.done $0x0  }
0x58: {  	[sflag:s19] =	ssyncadd.s32 $0xFFFFFF00  }
0x59: {  	[spmem:s16] =	stream.linear.scatter [tilespmem:s18], [sflag:$0x1], $0x100, $0x38;
	[tilespmem:$0x8E00] =	vst v63  }
0x5a: {  	_ =	swait.ge [sflag:s19], $0x100  }
0x5b: {  	[sflag:s19] =	ssyncset.done $0x0  }
0x5c: {  	[sflag:s19] =	ssyncadd.s32 $0xFFFFFF00  }
0x5d: {  	[spmem:s17] =	stream.linear.scatter [tilespmem:s18], [sflag:$0x1], $0x80, $0x38;
	[tilespmem:$0x8E00] =	vst v63  }
.Ltmp2:
0x5e: {  	_ =	swait.ge [sflag:s19], $0x80;
	(pc) =	sbr.rel @p0 .LBB2_17-.Ltmp2, $3  }
0x5f: {  	[sflag:s19] =	ssyncset.done $0x0  }
0x60: {  	[sflag:s19] =	ssyncadd.s32 $0xFFFFFF80  }
0x61: {  	[bflag:$0x0] =	sbarrier.arrive $0xFFFF;
	_ =	sdelay $0x1  }
0x62: {  	s2 =	simm.s32 $0x0;
	s30 =	rddreg [dreg:$0x3]  }
0x63: {  	[tilespmem:s20], [sflag:$0x1] =	stream.linear.gather [hbm4b:s30+s2], $0x1800, $0x38;
	[tilespmem:$0x8E00] =	vst v63  }
0x64: {  	_ =	swait.ge [sflag:s19], $0x1800  }
0x65: {  	[sflag:s19] =	ssyncset.done $0x0  }
0x66: {  	[sflag:s19] =	ssyncadd.s32 $0xFFFFE800  }
0x67: {  	[tilespmem:s21], [sflag:$0x1] =	stream.linear.gather [hbm4b:s3+s2], $0x1800, $0x38;
	[tilespmem:$0x8E00] =	vst v63  }
0x68: {  	_ =	swait.ge [sflag:s19], $0x1800  }
0x69: {  	[sflag:s19] =	ssyncset.done $0x0  }
0x6a: {  	s31 =	simm.s32 $0x1A80;
	s2 =	simm.s32 $0x3280;
	[sflag:s19] =	ssyncadd.s32 $0xFFFFE800  }
0x6b: {  	[spmem:s29] =	stream.indirect.scatter.add.f32 [tilespmem:s2], [sflag:$0x1], $0x1, s31, s22, $0xb8;
	[tilespmem:$0x8E00] =	vst v63  }
0x6c: {  	s2 =	simm.s32 $0x200;
	_ =	swait.ge [sflag:s19], $0x40  }
.LBB2_3:
0x6d: {  	s30 =	sshra.s32 s2, $0x2  }
0x6e: {  	[sflag:s19] =	ssyncset.done $0x0;
	p1 =	sne.s32 s2, $0x5E00;
	s31 =	sadd.s32 $0x3280, s30  }
.Ltmp3:
0x6f: {  	s30 =	sadd.s32 $0x1A80, s30;
	[sflag:s19] =	ssyncadd.s32 $0xFFFFFFC0;
	(pc) =	sbr.rel @p1 .LBB2_3-.Ltmp3, $3  }
0x70: {  	[spmem:s29] =	stream.indirect.scatter.add.f32 [tilespmem:s31], [sflag:$0x1], $0x1, s30, s22, $0xb8;
	[tilespmem:$0x8E00] =	vst v63  }
0x71: {  	s2 =	sadd.s32 $0x200, s2;
	_ =	sdelay $0x1  }
0x72: {  	_ =	swait.ge [sflag:s19], $0x40  }
0x73: {  	[sflag:s19] =	ssyncset.done $0x0  }
0x74: {  	s2 =	simm.s32 $0x0;
	[sflag:s19] =	ssyncadd.s32 $0xFFFFFFC0  }
0x75: {  	[tilespmem:s20], [sflag:$0x1] =	stream.linear.gather [hbm4b:s4+s2], $0x1800, $0x38;
	[tilespmem:$0x8E00] =	vst v63  }
0x76: {  	_ =	swait.ge [sflag:s19], $0x1800  }
0x77: {  	[sflag:s19] =	ssyncset.done $0x0  }
0x78: {  	[sflag:s19] =	ssyncadd.s32 $0xFFFFE800  }
0x79: {  	[tilespmem:s21], [sflag:$0x1] =	stream.linear.gather [hbm4b:s5+s2], $0x1800, $0x38;
	[tilespmem:$0x8E00] =	vst v63  }
0x7a: {  	_ =	swait.ge [sflag:s19], $0x1800  }
0x7b: {  	[sflag:s19] =	ssyncset.done $0x0  }
0x7c: {  	s31 =	simm.s32 $0x3280;
	s30 =	simm.s32 $0x1A80;
	[sflag:s19] =	ssyncadd.s32 $0xFFFFE800  }
0x7d: {  	[spmem:s29] =	stream.indirect.scatter.add.f32 [tilespmem:s31], [sflag:$0x1], $0x1, s30, s22, $0xb8;
	[tilespmem:$0x8E00] =	vst v63  }
0x7e: {  	s2 =	simm.s32 $0x200;
	_ =	swait.ge [sflag:s19], $0x40  }
.LBB2_5:
0x7f: {  	s30 =	sshra.s32 s2, $0x2  }
0x80: {  	[sflag:s19] =	ssyncset.done $0x0;
	p1 =	sne.s32 s2, $0x5E00;
	s31 =	sadd.s32 $0x3280, s30  }
.Ltmp4:
0x81: {  	s30 =	sadd.s32 $0x1A80, s30;
	[sflag:s19] =	ssyncadd.s32 $0xFFFFFFC0;
	(pc) =	sbr.rel @p1 .LBB2_5-.Ltmp4, $3  }
0x82: {  	[spmem:s29] =	stream.indirect.scatter.add.f32 [tilespmem:s31], [sflag:$0x1], $0x1, s30, s22, $0xb8;
	[tilespmem:$0x8E00] =	vst v63  }
0x83: {  	s2 =	sadd.s32 $0x200, s2;
	_ =	sdelay $0x1  }
0x84: {  	_ =	swait.ge [sflag:s19], $0x40  }
0x85: {  	[sflag:s19] =	ssyncset.done $0x0  }
0x86: {  	s2 =	simm.s32 $0x0;
	[sflag:s19] =	ssyncadd.s32 $0xFFFFFFC0  }
0x87: {  	[tilespmem:s20], [sflag:$0x1] =	stream.linear.gather [hbm4b:s6+s2], $0x1800, $0x38;
	[tilespmem:$0x8E00] =	vst v63  }
0x88: {  	_ =	swait.ge [sflag:s19], $0x1800  }
0x89: {  	[sflag:s19] =	ssyncset.done $0x0  }
0x8a: {  	[sflag:s19] =	ssyncadd.s32 $0xFFFFE800  }
0x8b: {  	[tilespmem:s21], [sflag:$0x1] =	stream.linear.gather [hbm4b:s7+s2], $0x1800, $0x38;
	[tilespmem:$0x8E00] =	vst v63  }
0x8c: {  	_ =	swait.ge [sflag:s19], $0x1800  }
0x8d: {  	[sflag:s19] =	ssyncset.done $0x0  }
0x8e: {  	s31 =	simm.s32 $0x3280;
	s30 =	simm.s32 $0x1A80;
	[sflag:s19] =	ssyncadd.s32 $0xFFFFE800  }
0x8f: {  	[spmem:s29] =	stream.indirect.scatter.add.f32 [tilespmem:s31], [sflag:$0x1], $0x1, s30, s22, $0xb8;
	[tilespmem:$0x8E00] =	vst v63  }
0x90: {  	s2 =	simm.s32 $0x200;
	_ =	swait.ge [sflag:s19], $0x40  }
.LBB2_7:
0x91: {  	s30 =	sshra.s32 s2, $0x2  }
0x92: {  	[sflag:s19] =	ssyncset.done $0x0;
	p1 =	sne.s32 s2, $0x5E00;
	s31 =	sadd.s32 $0x3280, s30  }
.Ltmp5:
0x93: {  	s30 =	sadd.s32 $0x1A80, s30;
	[sflag:s19] =	ssyncadd.s32 $0xFFFFFFC0;
	(pc) =	sbr.rel @p1 .LBB2_7-.Ltmp5, $3  }
0x94: {  	[spmem:s29] =	stream.indirect.scatter.add.f32 [tilespmem:s31], [sflag:$0x1], $0x1, s30, s22, $0xb8;
	[tilespmem:$0x8E00] =	vst v63  }
0x95: {  	s2 =	sadd.s32 $0x200, s2;
	_ =	sdelay $0x1  }
0x96: {  	_ =	swait.ge [sflag:s19], $0x40  }
0x97: {  	[sflag:s19] =	ssyncset.done $0x0  }
0x98: {  	s2 =	simm.s32 $0x0;
	[sflag:s19] =	ssyncadd.s32 $0xFFFFFFC0  }
0x99: {  	[tilespmem:s20], [sflag:$0x1] =	stream.linear.gather [hbm4b:s8+s2], $0x1800, $0x38;
	[tilespmem:$0x8E00] =	vst v63  }
0x9a: {  	_ =	swait.ge [sflag:s19], $0x1800  }
0x9b: {  	[sflag:s19] =	ssyncset.done $0x0  }
0x9c: {  	[sflag:s19] =	ssyncadd.s32 $0xFFFFE800  }
0x9d: {  	[tilespmem:s21], [sflag:$0x1] =	stream.linear.gather [hbm4b:s9+s2], $0x1800, $0x38;
	[tilespmem:$0x8E00] =	vst v63  }
0x9e: {  	_ =	swait.ge [sflag:s19], $0x1800  }
0x9f: {  	[sflag:s19] =	ssyncset.done $0x0  }
0xa0: {  	s31 =	simm.s32 $0x3280;
	s30 =	simm.s32 $0x1A80;
	[sflag:s19] =	ssyncadd.s32 $0xFFFFE800  }
0xa1: {  	[spmem:s29] =	stream.indirect.scatter.add.f32 [tilespmem:s31], [sflag:$0x1], $0x1, s30, s22, $0xb8;
	[tilespmem:$0x8E00] =	vst v63  }
0xa2: {  	s2 =	simm.s32 $0x200;
	_ =	swait.ge [sflag:s19], $0x40  }
.LBB2_9:
0xa3: {  	s30 =	sshra.s32 s2, $0x2  }
0xa4: {  	[sflag:s19] =	ssyncset.done $0x0;
	p1 =	sne.s32 s2, $0x5E00;
	s31 =	sadd.s32 $0x3280, s30  }
.Ltmp6:
0xa5: {  	s30 =	sadd.s32 $0x1A80, s30;
	[sflag:s19] =	ssyncadd.s32 $0xFFFFFFC0;
	(pc) =	sbr.rel @p1 .LBB2_9-.Ltmp6, $3  }
0xa6: {  	[spmem:s29] =	stream.indirect.scatter.add.f32 [tilespmem:s31], [sflag:$0x1], $0x1, s30, s22, $0xb8;
	[tilespmem:$0x8E00] =	vst v63  }
0xa7: {  	s2 =	sadd.s32 $0x200, s2;
	_ =	sdelay $0x1  }
0xa8: {  	_ =	swait.ge [sflag:s19], $0x40  }
0xa9: {  	[sflag:s19] =	ssyncset.done $0x0  }
0xaa: {  	s2 =	simm.s32 $0x0;
	[sflag:s19] =	ssyncadd.s32 $0xFFFFFFC0  }
0xab: {  	[tilespmem:s20], [sflag:$0x1] =	stream.linear.gather [hbm4b:s10+s2], $0x1800, $0x38;
	[tilespmem:$0x8E00] =	vst v63  }
0xac: {  	_ =	swait.ge [sflag:s19], $0x1800  }
0xad: {  	[sflag:s19] =	ssyncset.done $0x0  }
0xae: {  	[sflag:s19] =	ssyncadd.s32 $0xFFFFE800  }
0xaf: {  	[tilespmem:s21], [sflag:$0x1] =	stream.linear.gather [hbm4b:s11+s2], $0x1800, $0x38;
	[tilespmem:$0x8E00] =	vst v63  }
0xb0: {  	_ =	swait.ge [sflag:s19], $0x1800  }
0xb1: {  	[sflag:s19] =	ssyncset.done $0x0  }
0xb2: {  	s31 =	simm.s32 $0x3280;
	s30 =	simm.s32 $0x1A80;
	[sflag:s19] =	ssyncadd.s32 $0xFFFFE800  }
0xb3: {  	[spmem:s29] =	stream.indirect.scatter.add.f32 [tilespmem:s31], [sflag:$0x1], $0x1, s30, s22, $0xb8;
	[tilespmem:$0x8E00] =	vst v63  }
0xb4: {  	s2 =	simm.s32 $0x200;
	_ =	swait.ge [sflag:s19], $0x40  }
.LBB2_11:
0xb5: {  	s30 =	sshra.s32 s2, $0x2  }
0xb6: {  	[sflag:s19] =	ssyncset.done $0x0;
	p1 =	sne.s32 s2, $0x5E00;
	s31 =	sadd.s32 $0x3280, s30  }
.Ltmp7:
0xb7: {  	s30 =	sadd.s32 $0x1A80, s30;
	[sflag:s19] =	ssyncadd.s32 $0xFFFFFFC0;
	(pc) =	sbr.rel @p1 .LBB2_11-.Ltmp7, $3  }
0xb8: {  	[spmem:s29] =	stream.indirect.scatter.add.f32 [tilespmem:s31], [sflag:$0x1], $0x1, s30, s22, $0xb8;
	[tilespmem:$0x8E00] =	vst v63  }
0xb9: {  	s2 =	sadd.s32 $0x200, s2;
	_ =	sdelay $0x1  }
0xba: {  	_ =	swait.ge [sflag:s19], $0x40  }
0xbb: {  	[sflag:s19] =	ssyncset.done $0x0  }
0xbc: {  	s2 =	simm.s32 $0x0;
	[sflag:s19] =	ssyncadd.s32 $0xFFFFFFC0  }
0xbd: {  	[tilespmem:s20], [sflag:$0x1] =	stream.linear.gather [hbm4b:s12+s2], $0x1800, $0x38;
	[tilespmem:$0x8E00] =	vst v63  }
0xbe: {  	_ =	swait.ge [sflag:s19], $0x1800  }
0xbf: {  	[sflag:s19] =	ssyncset.done $0x0  }
0xc0: {  	[sflag:s19] =	ssyncadd.s32 $0xFFFFE800  }
0xc1: {  	[tilespmem:s21], [sflag:$0x1] =	stream.linear.gather [hbm4b:s14+s2], $0x1800, $0x38;
	[tilespmem:$0x8E00] =	vst v63  }
0xc2: {  	_ =	swait.ge [sflag:s19], $0x1800  }
0xc3: {  	[sflag:s19] =	ssyncset.done $0x0  }
0xc4: {  	s31 =	simm.s32 $0x3280;
	s30 =	simm.s32 $0x1A80;
	[sflag:s19] =	ssyncadd.s32 $0xFFFFE800  }
0xc5: {  	[spmem:s29] =	stream.indirect.scatter.add.f32 [tilespmem:s31], [sflag:$0x1], $0x1, s30, s22, $0xb8;
	[tilespmem:$0x8E00] =	vst v63  }
0xc6: {  	s2 =	simm.s32 $0x200;
	_ =	swait.ge [sflag:s19], $0x40  }
.LBB2_13:
0xc7: {  	s30 =	sshra.s32 s2, $0x2  }
0xc8: {  	[sflag:s19] =	ssyncset.done $0x0;
	p1 =	sne.s32 s2, $0x5E00;
	s31 =	sadd.s32 $0x3280, s30  }
.Ltmp8:
0xc9: {  	s30 =	sadd.s32 $0x1A80, s30;
	[sflag:s19] =	ssyncadd.s32 $0xFFFFFFC0;
	(pc) =	sbr.rel @p1 .LBB2_13-.Ltmp8, $3  }
0xca: {  	[spmem:s29] =	stream.indirect.scatter.add.f32 [tilespmem:s31], [sflag:$0x1], $0x1, s30, s22, $0xb8;
	[tilespmem:$0x8E00] =	vst v63  }
0xcb: {  	s2 =	sadd.s32 $0x200, s2;
	_ =	sdelay $0x1  }
0xcc: {  	_ =	swait.ge [sflag:s19], $0x40  }
0xcd: {  	[sflag:s19] =	ssyncset.done $0x0  }
0xce: {  	s2 =	simm.s32 $0x0;
	[sflag:s19] =	ssyncadd.s32 $0xFFFFFFC0  }
0xcf: {  	[tilespmem:s20], [sflag:$0x1] =	stream.linear.gather [hbm4b:s13+s2], $0x1800, $0x38;
	[tilespmem:$0x8E00] =	vst v63  }
0xd0: {  	_ =	swait.ge [sflag:s19], $0x1800  }
0xd1: {  	[sflag:s19] =	ssyncset.done $0x0  }
0xd2: {  	[sflag:s19] =	ssyncadd.s32 $0xFFFFE800  }
0xd3: {  	[tilespmem:s21], [sflag:$0x1] =	stream.linear.gather [hbm4b:s15+s2], $0x1800, $0x38;
	[tilespmem:$0x8E00] =	vst v63  }
0xd4: {  	_ =	swait.ge [sflag:s19], $0x1800  }
0xd5: {  	[sflag:s19] =	ssyncset.done $0x0  }
0xd6: {  	s31 =	simm.s32 $0x3280;
	s30 =	simm.s32 $0x1A80;
	[sflag:s19] =	ssyncadd.s32 $0xFFFFE800  }
0xd7: {  	[spmem:s29] =	stream.indirect.scatter.add.f32 [tilespmem:s31], [sflag:$0x1], $0x1, s30, s22, $0xb8;
	[tilespmem:$0x8E00] =	vst v63  }
0xd8: {  	s2 =	simm.s32 $0x200;
	_ =	swait.ge [sflag:s19], $0x40  }
.LBB2_15:
0xd9: {  	s30 =	sshra.s32 s2, $0x2  }
0xda: {  	[sflag:s19] =	ssyncset.done $0x0;
	p1 =	sne.s32 s2, $0x5E00;
	s31 =	sadd.s32 $0x3280, s30  }
.Ltmp9:
0xdb: {  	s30 =	sadd.s32 $0x1A80, s30;
	[sflag:s19] =	ssyncadd.s32 $0xFFFFFFC0;
	(pc) =	sbr.rel @p1 .LBB2_15-.Ltmp9, $3  }
0xdc: {  	[spmem:s29] =	stream.indirect.scatter.add.f32 [tilespmem:s31], [sflag:$0x1], $0x1, s30, s22, $0xb8;
	[tilespmem:$0x8E00] =	vst v63  }
0xdd: {  	s2 =	sadd.s32 $0x200, s2;
	_ =	sdelay $0x1  }
0xde: {  	_ =	swait.ge [sflag:s19], $0x40  }
0xdf: {  	[sflag:s19] =	ssyncset.done $0x0  }
0xe0: {  	[sflag:s19] =	ssyncadd.s32 $0xFFFFFFC0  }
.LBB2_17:
0xe1: {  	[bflag:$0x0] =	sbarrier.arrive $0xFFFF  }
0xe2: {  	[tilespmem:s23], [sflag:$0x1] =	stream.linear.gather [spmem:s0], $0x280, $0x38;
	[tilespmem:$0x8E00] =	vst v63  }
0xe3: {  	_ =	swait.ge [sflag:s19], $0x280  }
0xe4: {  	[sflag:s19] =	ssyncset.done $0x0  }
0xe5: {  	[sflag:s19] =	ssyncadd.s32 $0xFFFFFD80  }
0xe6: {  	v1 =	vld [tilespmem:$0x8A80];
	_ =	sdelay $0x4  }
0xe7: {  	v1 =	vmax.f32 v1, $9.999999960e-13  }
0xe8: {  	v2 =	vshrl.u32 v1, $0x1;
	v1 =	vmul.f32 $5.000000000e-01, v1  }
0xe9: {  	v2 =	vsub.s32 $0x5F3759DF, v2  }
0xea: {  	v3 =	vmul.f32 v2, v1  }
0xeb: {  	v4 =	vld [tilespmem:$0x8A90]  }
0xec: {  	v3 =	vmul.f32 v2, v3;
	_ =	sdelay $0x1  }
0xed: {  	v3 =	vsub.f32 $1.500000000e+00, v3  }
0xee: {  	v6 =	vld [tilespmem:$0x8AA0]  }
0xef: {  	v8 =	vld [tilespmem:$0x8AB0];
	v2 =	vmul.f32 v2, v3;
	v3 =	vmax.f32 v4, $9.999999960e-13  }
0xf0: {  	v9 =	vld [tilespmem:$0x8AC0];
	v4 =	vshrl.u32 v3, $0x1;
	v3 =	vmul.f32 $5.000000000e-01, v3  }
0xf1: {  	v4 =	vsub.s32 $0x5F3759DF, v4  }
0xf2: {  	v5 =	vmul.f32 v2, v1;
	v7 =	vmul.f32 v4, v3;
	_ =	sdelay $0x1  }
0xf3: {  	v6 =	vmax.f32 v6, $9.999999960e-13;
	v5 =	vmul.f32 v5, v2;
	v7 =	vmul.f32 v4, v7  }
0xf4: {  	v8 =	vmax.f32 v8, $9.999999960e-13;
	v9 =	vmax.f32 v9, $9.999999960e-13;
	v33 =	vshrl.u32 v6, $0x1  }
0xf5: {  	v6 =	vmul.f32 $5.000000000e-01, v6;
	v5 =	vsub.f32 $1.500000000e+00, v5;
	v7 =	vsub.f32 $1.500000000e+00, v7  }
0xf6: {  	v11 =	vshrl.u32 v8, $0x1;
	v8 =	vmul.f32 $5.000000000e-01, v8;
	v35 =	vshrl.u32 v9, $0x1  }
0xf7: {  	v37 =	vld [tilespmem:$0x8AD0];
	v2 =	vmul.f32 v5, v2;
	v5 =	vsub.s32 $0x5F3759DF, v33;
	v4 =	vmul.f32 v4, v7  }
0xf8: {  	v9 =	vmul.f32 $5.000000000e-01, v9;
	v11 =	vsub.s32 $0x5F3759DF, v11;
	v34 =	vmul.f32 v5, v6  }
0xf9: {  	v12 =	vmul.f32 v11, v8;
	v10 =	vmul.f32 v4, v3  }
0xfa: {  	v1 =	vmul.f32 v2, v1;
	v7 =	vmul.f32 v5, v34  }
0xfb: {  	v36 =	vmul.f32 v11, v12;
	v10 =	vmul.f32 v10, v4  }
0xfc: {  	v12 =	vmax.f32 v37, $9.999999960e-13;
	v1 =	vmul.f32 v1, v2;
	v7 =	vsub.f32 $1.500000000e+00, v7  }
0xfd: {  	v41 =	vld [tilespmem:$0x8AE0];
	v15 =	vshrl.u32 v12, $0x1;
	v12 =	vmul.f32 $5.000000000e-01, v12;
	v10 =	vsub.f32 $1.500000000e+00, v10  }
0xfe: {  	v1 =	vsub.f32 $1.500000000e+00, v1;
	v5 =	vmul.f32 v5, v7;
	v7 =	vsub.s32 $0x5F3759DF, v35  }
0xff: {  	v14 =	vmul.f32 v7, v9;
	v4 =	vmul.f32 v10, v4  }
0x100: {  	v1 =	vmul.f32 v1, v2;
	v13 =	vmul.f32 v5, v6  }
0x101: {  	v17 =	vld [tilespmem:$0x8AF0];
	v39 =	vmul.f32 v7, v14;
	v2 =	vmul.f32 v4, v3  }
0x102: {  	v3 =	vsub.f32 $1.500000000e+00, v36;
	v38 =	vmul.f32 v13, v5;
	v13 =	vmax.f32 v41, $9.999999960e-13  }
0x103: {  	v60 =	vld [tilespmem:$0x8B10];
	v40 =	vsub.f32 $1.500000000e+00, v39;
	v16 =	vshrl.u32 v13, $0x1;
	v13 =	vmul.f32 $5.000000000e-01, v13  }
0x104: {  	v3 =	vmul.f32 v11, v3;
	v10 =	vsub.f32 $1.500000000e+00, v38;
	v47 =	vsub.s32 $0x5F3759DF, v16  }
0x105: {  	v7 =	vmul.f32 v7, v40;
	v16 =	vmul.f32 v47, v13  }
0x106: {  	v56 =	vmax.f32 v17, $9.999999960e-13;
	v42 =	vmul.f32 v3, v8;
	v5 =	vmul.f32 v10, v5  }
0x107: {  	v43 =	vsub.s32 $0x5F3759DF, v15;
	v46 =	vmul.f32 v7, v9;
	v48 =	vmul.f32 v47, v16  }
0x108: {  	v20 =	vmax.f32 v60, $9.999999960e-13;
	v45 =	vmul.f32 v43, v12;
	v44 =	vmul.f32 v42, v3  }
0x109: {  	v6 =	vmul.f32 v5, v6;
	v15 =	vmul.f32 v46, v7;
	v51 =	vsub.f32 $1.500000000e+00, v48  }
0x10a: {  	v52 =	vld [tilespmem:$0x8B00];
	v14 =	vmul.f32 v43, v45;
	v2 =	vmul.f32 v2, v4;
	v11 =	vsub.f32 $1.500000000e+00, v44  }
0x10b: {  	v6 =	vmul.f32 v6, v5;
	v15 =	vsub.f32 $1.500000000e+00, v15;
	v55 =	vmul.f32 v47, v51  }
0x10c: {  	v2 =	vsub.f32 $1.500000000e+00, v2;
	v11 =	vmul.f32 v11, v3;
	v3 =	vsub.f32 $1.500000000e+00, v14  }
0x10d: {  	v6 =	vsub.f32 $1.500000000e+00, v6;
	v7 =	vmul.f32 v15, v7;
	v58 =	vmul.f32 v55, v13  }
0x10e: {  	v57 =	vshrl.u32 v56, $0x1;
	v8 =	vmul.f32 v11, v8;
	v10 =	vmul.f32 v43, v3  }
0x10f: {  	v15 =	vmax.f32 v52, $9.999999960e-13;
	v3 =	vmul.f32 v2, v4;
	v2 =	vmul.f32 v6, v5  }
0x110: {  	v18 =	vshrl.u32 v15, $0x1;
	v15 =	vmul.f32 $5.000000000e-01, v15;
	v16 =	vmul.f32 v58, v55  }
0x111: {  	v50 =	vmul.f32 v7, v9;
	v18 =	vsub.s32 $0x5F3759DF, v18;
	v49 =	vmul.f32 v10, v12  }
0x112: {  	v27 =	vld [tilespmem:$0x8B30];
	v8 =	vmul.f32 v8, v11;
	v62 =	vmul.f32 v18, v15;
	v61 =	vsub.f32 $1.500000000e+00, v16  }
0x113: {  	v14 =	vsub.s32 $0x5F3759DF, v57;
	v9 =	vmul.f32 $5.000000000e-01, v56;
	v54 =	vmul.f32 v49, v10  }
0x114: {  	v53 =	vsub.f32 $1.500000000e+00, v8;
	v19 =	vmul.f32 v18, v62;
	v8 =	vmul.f32 v61, v55  }
0x115: {  	v22 =	vld [tilespmem:$0x8B20];
	v4 =	vmul.f32 v50, v7;
	v59 =	vmul.f32 v14, v9;
	v6 =	vsub.f32 $1.500000000e+00, v54  }
0x116: {  	v5 =	vmul.f32 v53, v11;
	v11 =	vsub.f32 $1.500000000e+00, v19;
	v13 =	vmul.f32 v8, v13  }
0x117: {  	v32 =	vmax.f32 v27, $9.999999960e-13;
	v6 =	vmul.f32 v6, v10;
	v10 =	vmul.f32 v14, v59  }
0x118: {  	v21 =	vshrl.u32 v20, $0x1;
	v4 =	vsub.f32 $1.500000000e+00, v4;
	v11 =	vmul.f32 v18, v11  }
0x119: {  	v33 =	vld [tilespmem:$0x8B40];
	v13 =	vmul.f32 v13, v8;
	v12 =	vmul.f32 v6, v12;
	v10 =	vsub.f32 $1.500000000e+00, v10  }
0x11a: {  	v16 =	vmax.f32 v22, $9.999999960e-13;
	v4 =	vmul.f32 v4, v7;
	v26 =	vmul.f32 v11, v15  }
0x11b: {  	v25 =	vsub.f32 $1.500000000e+00, v13;
	v63 =	vmul.f32 v12, v6;
	v10 =	vmul.f32 v14, v10  }
0x11c: {  	v12 =	vmul.f32 $5.000000000e-01, v20;
	v14 =	vsub.s32 $0x5F3759DF, v21;
	v20 =	vshrl.u32 v16, $0x1  }
0x11d: {  	v13 =	vmul.f32 v26, v11;
	v16 =	vmul.f32 $5.000000000e-01, v16;
	v28 =	vsub.s32 $0x5F3759DF, v20  }
0x11e: {  	v20 =	vmax.f32 v33, $9.999999960e-13;
	v23 =	vmul.f32 v10, v9;
	v19 =	vmul.f32 v14, v12  }
0x11f: {  	v7 =	vsub.f32 $1.500000000e+00, v63;
	v29 =	vsub.f32 $1.500000000e+00, v13;
	v30 =	vmul.f32 v28, v16  }
0x120: {  	v13 =	vmul.f32 $5.000000000e-01, v32;
	v22 =	vshrl.u32 v20, $0x1;
	v20 =	vmul.f32 $5.000000000e-01, v20  }
0x121: {  	v17 =	vmul.f32 v23, v10;
	v24 =	vmul.f32 v14, v19  }
0x122: {  	v6 =	vmul.f32 v7, v6;
	v7 =	vmul.f32 v25, v8  }
0x123: {  	v37 =	vsub.s32 $0x5F3759DF, v22;
	v8 =	vmul.f32 v29, v11;
	v31 =	vmul.f32 v28, v30  }
0x124: {  	v19 =	vshrl.u32 v32, $0x1;
	v39 =	vmul.f32 v37, v20;
	v18 =	vsub.f32 $1.500000000e+00, v24  }
0x125: {  	v19 =	vsub.s32 $0x5F3759DF, v19;
	v17 =	vsub.f32 $1.500000000e+00, v17;
	v15 =	vmul.f32 v8, v15  }
0x126: {  	v21 =	vmul.f32 v19, v13;
	v14 =	vmul.f32 v14, v18  }
0x127: {  	v11 =	vsub.f32 $1.500000000e+00, v31;
	v41 =	vmul.f32 v37, v39;
	v10 =	vmul.f32 v17, v10  }
0x128: {  	v36 =	vld [tilespmem:$0x8B50];
	v34 =	vmul.f32 v19, v21;
	v18 =	vmul.f32 v14, v12  }
0x129: {  	v15 =	vmul.f32 v15, v8;
	v11 =	vmul.f32 v28, v11  }
0x12a: {  	v9 =	vmul.f32 v10, v9;
	v17 =	vsub.f32 $1.500000000e+00, v34;
	v18 =	vmul.f32 v18, v14  }
0x12b: {  	v23 =	vsub.f32 $1.500000000e+00, v41;
	v15 =	vsub.f32 $1.500000000e+00, v15;
	v35 =	vmul.f32 v11, v16  }
0x12c: {  	v9 =	vmul.f32 v9, v10;
	v17 =	vmul.f32 v19, v17;
	v18 =	vsub.f32 $1.500000000e+00, v18  }
0x12d: {  	v42 =	vmax.f32 v36, $9.999999960e-13;
	v47 =	vld [tilespmem:$0x8B70];
	v8 =	vmul.f32 v15, v8;
	v19 =	vmul.f32 v37, v23  }
0x12e: {  	v44 =	vshrl.u32 v42, $0x1;
	v40 =	vmul.f32 v17, v13;
	v14 =	vmul.f32 v18, v14  }
0x12f: {  	v22 =	vsub.s32 $0x5F3759DF, v44;
	v49 =	vmul.f32 v19, v20;
	v18 =	vmul.f32 v35, v11  }
0x130: {  	v43 =	vld [tilespmem:$0x8B60];
	v9 =	vsub.f32 $1.500000000e+00, v9;
	v15 =	vmul.f32 v40, v17;
	v12 =	vmul.f32 v14, v12  }
0x131: {  	v21 =	vmul.f32 v49, v19;
	v38 =	vsub.f32 $1.500000000e+00, v18;
	v18 =	vmul.f32 $5.000000000e-01, v42  }
0x132: {  	v45 =	vsub.f32 $1.500000000e+00, v15;
	v15 =	vmax.f32 v47, $9.999999960e-13;
	v12 =	vmul.f32 v12, v14  }
0x133: {  	v9 =	vmul.f32 v9, v10;
	v21 =	vsub.f32 $1.500000000e+00, v21;
	v51 =	vshrl.u32 v15, $0x1  }
0x134: {  	v15 =	vmul.f32 $5.000000000e-01, v15;
	v46 =	vmul.f32 v22, v18;
	v12 =	vsub.f32 $1.500000000e+00, v12  }
0x135: {  	v48 =	vmax.f32 v43, $9.999999960e-13;
	v11 =	vmul.f32 v38, v11;
	v19 =	vmul.f32 v21, v19  }
0x136: {  	v50 =	vshrl.u32 v48, $0x1;
	v10 =	vmul.f32 v12, v14;
	v14 =	vmul.f32 v22, v46  }
0x137: {  	v23 =	vsub.s32 $0x5F3759DF, v50;
	v12 =	vmul.f32 v45, v17;
	v17 =	vmul.f32 $5.000000000e-01, v48  }
0x138: {  	v16 =	vmul.f32 v11, v16;
	v20 =	vmul.f32 v19, v20;
	v14 =	vsub.f32 $1.500000000e+00, v14  }
0x139: {  	v13 =	vmul.f32 v12, v13;
	v24 =	vmul.f32 v23, v17  }
0x13a: {  	v16 =	vmul.f32 v16, v11;
	v14 =	vmul.f32 v22, v14  }
0x13b: {  	v24 =	vmul.f32 v23, v24;
	v22 =	vsub.s32 $0x5F3759DF, v51;
	v13 =	vmul.f32 v13, v12  }
0x13c: {  	v63 =	vld [tilespmem:$0x8B90];
	v26 =	vmul.f32 v22, v15;
	v25 =	vmul.f32 v14, v18  }
0x13d: {  	v55 =	vld [tilespmem:$0x8B80];
	v20 =	vmul.f32 v20, v19;
	v16 =	vsub.f32 $1.500000000e+00, v16;
	v52 =	vsub.f32 $1.500000000e+00, v24  }
0x13e: {  	v13 =	vsub.f32 $1.500000000e+00, v13;
	v54 =	vmul.f32 v22, v26;
	v53 =	vmul.f32 v25, v14  }
0x13f: {  	v60 =	vsub.f32 $1.500000000e+00, v20;
	v11 =	vmul.f32 v16, v11;
	v21 =	vmul.f32 v23, v52  }
0x140: {  	v12 =	vmul.f32 v13, v12;
	v57 =	vsub.f32 $1.500000000e+00, v54;
	v56 =	vsub.f32 $1.500000000e+00, v53  }
0x141: {  	v29 =	vmax.f32 v63, $9.999999960e-13;
	v13 =	vmul.f32 v60, v19;
	v58 =	vmul.f32 v21, v17  }
0x142: {  	v23 =	vmax.f32 v55, $9.999999960e-13;
	v59 =	vmul.f32 v22, v57;
	v14 =	vmul.f32 v56, v14  }
0x143: {  	v34 =	vld [tilespmem:$0x8BB0];
	v62 =	vshrl.u32 v23, $0x1;
	v23 =	vmul.f32 $5.000000000e-01, v23;
	v61 =	vmul.f32 v58, v21  }
0x144: {  	v24 =	vsub.s32 $0x5F3759DF, v62;
	v22 =	vmul.f32 v59, v15;
	v18 =	vmul.f32 v14, v18  }
0x145: {  	v30 =	vld [tilespmem:$0x8BA0];
	v19 =	vmul.f32 $5.000000000e-01, v29;
	v26 =	vmul.f32 v24, v23;
	v20 =	vsub.f32 $1.500000000e+00, v61  }
0x146: {  	v22 =	vmul.f32 v22, v59;
	v18 =	vmul.f32 v18, v14  }
0x147: {  	v31 =	vshrl.u32 v29, $0x1;
	v20 =	vmul.f32 v20, v21;
	v21 =	vmul.f32 v24, v26  }
0x148: {  	v26 =	vmax.f32 v34, $9.999999960e-13;
	v27 =	vsub.f32 $1.500000000e+00, v22;
	v22 =	vsub.s32 $0x5F3759DF, v31  }
0x149: {  	v18 =	vsub.f32 $1.500000000e+00, v18;
	v17 =	vmul.f32 v20, v17;
	v28 =	vsub.f32 $1.500000000e+00, v21  }
0x14a: {  	v33 =	vmul.f32 v22, v19;
	v21 =	vmax.f32 v30, $9.999999960e-13;
	v16 =	vmul.f32 v27, v59  }
0x14b: {  	v38 =	vshrl.u32 v21, $0x1;
	v21 =	vmul.f32 $5.000000000e-01, v21;
	v14 =	vmul.f32 v18, v14  }
0x14c: {  	v41 =	vshrl.u32 v26, $0x1;
	v17 =	vmul.f32 v17, v20;
	v18 =	vmul.f32 v24, v28  }
0x14d: {  	v27 =	vld [tilespmem:$0x8BC0];
	v37 =	vmul.f32 v22, v33;
	v40 =	vsub.s32 $0x5F3759DF, v38;
	v15 =	vmul.f32 v16, v15  }
0x14e: {  	v26 =	vmul.f32 $5.000000000e-01, v26;
	v25 =	vmul.f32 v40, v21;
	v17 =	vsub.f32 $1.500000000e+00, v17  }
0x14f: {  	v35 =	vmul.f32 v18, v23;
	v39 =	vsub.f32 $1.500000000e+00, v37;
	v32 =	vmul.f32 v15, v16  }
0x150: {  	v42 =	vmul.f32 v40, v25;
	v15 =	vmul.f32 v17, v20  }
0x151: {  	v17 =	vmul.f32 v35, v18;
	v20 =	vmul.f32 v22, v39;
	v22 =	vsub.s32 $0x5F3759DF, v41  }
0x152: {  	v27 =	vmax.f32 v27, $9.999999960e-13;
	v36 =	vsub.f32 $1.500000000e+00, v32;
	v28 =	vmul.f32 v22, v26  }
0x153: {  	v29 =	vshrl.u32 v27, $0x1;
	v27 =	vmul.f32 $5.000000000e-01, v27;
	v32 =	vld [tilespmem:$0x8BE0];
	v17 =	vsub.f32 $1.500000000e+00, v17  }
0x154: {  	v43 =	vmul.f32 v20, v19;
	v29 =	vsub.s32 $0x5F3759DF, v29;
	v28 =	vmul.f32 v22, v28  }
0x155: {  	v44 =	vmul.f32 v29, v27;
	v17 =	vmul.f32 v17, v18;
	v18 =	vsub.f32 $1.500000000e+00, v42  }
0x156: {  	v30 =	vld [tilespmem:$0x8BD0];
	v16 =	vmul.f32 v36, v16;
	v25 =	vmul.f32 v43, v20  }
0x157: {  	v28 =	vsub.f32 $1.500000000e+00, v28;
	v24 =	vmul.f32 v29, v44;
	v18 =	vmul.f32 v40, v18  }
0x158: {  	v23 =	vmul.f32 v17, v23;
	v25 =	vsub.f32 $1.500000000e+00, v25;
	v57 =	vmax.f32 v32, $9.999999960e-13  }
0x159: {  	v22 =	vmul.f32 v22, v28;
	v60 =	vmul.f32 $5.000000000e-01, v57  }
0x15a: {  	v24 =	vsub.f32 $1.500000000e+00, v24;
	v31 =	vmul.f32 v18, v21;
	v20 =	vmul.f32 v25, v20  }
0x15b: {  	v46 =	vmax.f32 v30, $9.999999960e-13;
	v23 =	vmul.f32 v23, v17;
	v28 =	vmul.f32 v22, v26  }
0x15c: {  	v30 =	vshrl.u32 v46, $0x1;
	v24 =	vmul.f32 v29, v24;
	v29 =	vmul.f32 $5.000000000e-01, v46  }
0x15d: {  	v30 =	vsub.s32 $0x5F3759DF, v30;
	v45 =	vmul.f32 v31, v18;
	v19 =	vmul.f32 v20, v19  }
0x15e: {  	v53 =	vld [tilespmem:$0x8BF0];
	v23 =	vsub.f32 $1.500000000e+00, v23;
	v28 =	vmul.f32 v28, v22;
	v48 =	vmul.f32 v30, v29  }
0x15f: {  	v47 =	vmul.f32 v24, v27;
	v25 =	vsub.f32 $1.500000000e+00, v45;
	v19 =	vmul.f32 v19, v20  }
0x160: {  	v17 =	vmul.f32 v23, v17;
	v28 =	vsub.f32 $1.500000000e+00, v28;
	v49 =	vmul.f32 v30, v48  }
0x161: {  	v25 =	vmul.f32 v25, v18;
	v18 =	vmul.f32 v47, v24  }
0x162: {  	v36 =	vld [tilespmem:$0x8C00];
	v19 =	vsub.f32 $1.500000000e+00, v19;
	v22 =	vmul.f32 v28, v22;
	v52 =	vsub.f32 $1.500000000e+00, v49  }
0x163: {  	v28 =	vmax.f32 v53, $9.999999960e-13;
	v21 =	vmul.f32 v25, v21;
	v50 =	vsub.f32 $1.500000000e+00, v18  }
0x164: {  	v18 =	vmul.f32 v19, v20;
	v37 =	vshrl.u32 v28, $0x1;
	v28 =	vmul.f32 $5.000000000e-01, v28  }
0x165: {  	v59 =	vshrl.u32 v57, $0x1;
	v51 =	vmul.f32 v22, v26;
	v56 =	vmul.f32 v30, v52  }
0x166: {  	v34 =	vsub.s32 $0x5F3759DF, v37;
	v21 =	vmul.f32 v21, v25;
	v24 =	vmul.f32 v50, v24  }
0x167: {  	v42 =	vmax.f32 v36, $9.999999960e-13;
	v39 =	vmul.f32 v34, v28;
	v62 =	vmul.f32 v56, v29  }
0x168: {  	v55 =	vmul.f32 v51, v22;
	v58 =	vmul.f32 v24, v27;
	v27 =	vsub.s32 $0x5F3759DF, v59  }
0x169: {  	v43 =	vld [tilespmem:$0x8C10];
	v44 =	vshrl.u32 v42, $0x1;
	v63 =	vmul.f32 v27, v60;
	v33 =	vmul.f32 v62, v56  }
0x16a: {  	v54 =	vsub.f32 $1.500000000e+00, v21;
	v41 =	vmul.f32 v34, v39;
	v26 =	vmul.f32 v58, v24  }
0x16b: {  	v61 =	vsub.f32 $1.500000000e+00, v55;
	v31 =	vmul.f32 v27, v63;
	v38 =	vsub.f32 $1.500000000e+00, v33  }
0x16c: {  	v20 =	vmul.f32 v54, v25;
	v25 =	vmul.f32 $5.000000000e-01, v42;
	v26 =	vsub.f32 $1.500000000e+00, v26  }
0x16d: {  	v36 =	vld [tilespmem:$0x8C30];
	v21 =	vmul.f32 v61, v22;
	v40 =	vsub.f32 $1.500000000e+00, v31;
	v23 =	vmul.f32 v38, v56  }
0x16e: {  	v19 =	vmul.f32 v26, v24;
	v24 =	vsub.f32 $1.500000000e+00, v41;
	v26 =	vmax.f32 v43, $9.999999960e-13  }
0x16f: {  	v22 =	vmul.f32 v27, v40;
	v29 =	vmul.f32 v23, v29;
	v27 =	vsub.s32 $0x5F3759DF, v44  }
0x170: {  	v48 =	vshrl.u32 v26, $0x1;
	v26 =	vmul.f32 $5.000000000e-01, v26;
	v46 =	vmul.f32 v27, v25  }
0x171: {  	v24 =	vmul.f32 v34, v24;
	v34 =	vsub.s32 $0x5F3759DF, v48;
	v45 =	vmul.f32 v22, v60  }
0x172: {  	v59 =	vmax.f32 v36, $9.999999960e-13;
	v29 =	vmul.f32 v29, v23;
	v35 =	vmul.f32 v34, v26  }
0x173: {  	v49 =	vld [tilespmem:$0x8C20];
	v37 =	vshrl.u32 v59, $0x1;
	v32 =	vmul.f32 v27, v46;
	v47 =	vmul.f32 v24, v28  }
0x174: {  	v31 =	vmul.f32 v45, v22;
	v50 =	vsub.f32 $1.500000000e+00, v29;
	v52 =	vmul.f32 v34, v35  }
0x175: {  	v35 =	vmul.f32 $5.000000000e-01, v59;
	v32 =	vsub.f32 $1.500000000e+00, v32;
	v33 =	vmul.f32 v47, v24  }
0x176: {  	v62 =	vsub.s32 $0x5F3759DF, v37;
	v31 =	vsub.f32 $1.500000000e+00, v31;
	v55 =	vsub.f32 $1.500000000e+00, v52  }
0x177: {  	v37 =	vmul.f32 v62, v35;
	v27 =	vmul.f32 v27, v32;
	v51 =	vsub.f32 $1.500000000e+00, v33  }
0x178: {  	v38 =	vld [tilespmem:$0x8C40];
	v32 =	vmax.f32 v49, $9.999999960e-13;
	v31 =	vmul.f32 v31, v22;
	v22 =	vmul.f32 v50, v23  }
0x179: {  	v58 =	vshrl.u32 v32, $0x1;
	v32 =	vmul.f32 $5.000000000e-01, v32;
	v53 =	vmul.f32 v27, v25  }
0x17a: {  	v54 =	vmul.f32 v51, v24;
	v24 =	vmul.f32 v34, v55;
	v33 =	vsub.s32 $0x5F3759DF, v58  }
0x17b: {  	v30 =	vmul.f32 v31, v60;
	v60 =	vmul.f32 v33, v32  }
0x17c: {  	v57 =	vmul.f32 v53, v27;
	v34 =	vmul.f32 v24, v26  }
0x17d: {  	v44 =	vmax.f32 v38, $9.999999960e-13;
	v28 =	vmul.f32 v54, v28;
	v36 =	vmul.f32 v33, v60  }
0x17e: {  	v56 =	vmul.f32 v30, v31;
	v30 =	vsub.f32 $1.500000000e+00, v57;
	v61 =	vmul.f32 v34, v24  }
0x17f: {  	v37 =	vmul.f32 v62, v37;
	v28 =	vmul.f32 v28, v54;
	v36 =	vsub.f32 $1.500000000e+00, v36  }
0x180: {  	v43 =	vld [tilespmem:$0x8C50];
	v34 =	vmul.f32 $5.000000000e-01, v44;
	v27 =	vmul.f32 v30, v27;
	v30 =	vsub.f32 $1.500000000e+00, v61  }
0x181: {  	v29 =	vsub.f32 $1.500000000e+00, v56;
	v28 =	vsub.f32 $1.500000000e+00, v28;
	v63 =	vmul.f32 v33, v36  }
0x182: {  	v42 =	vsub.f32 $1.500000000e+00, v37;
	v25 =	vmul.f32 v27, v25;
	v30 =	vmul.f32 v30, v24  }
0x183: {  	v45 =	vshrl.u32 v44, $0x1;
	v24 =	vmul.f32 v29, v31;
	v23 =	vmul.f32 v28, v54  }
0x184: {  	v36 =	vsub.s32 $0x5F3759DF, v45;
	v31 =	vmul.f32 v62, v42;
	v33 =	vmul.f32 v63, v32  }
0x185: {  	v52 =	vld [tilespmem:$0x8C60];
	v28 =	vmax.f32 v43, $9.999999960e-13;
	v25 =	vmul.f32 v25, v27;
	v26 =	vmul.f32 v30, v26  }
0x186: {  	v47 =	vmul.f32 v36, v34;
	v48 =	vshrl.u32 v28, $0x1;
	v46 =	vmul.f32 v31, v35  }
0x187: {  	v33 =	vmul.f32 v33, v63;
	v25 =	vsub.f32 $1.500000000e+00, v25;
	v26 =	vmul.f32 v26, v30  }
0x188: {  	v39 =	vmul.f32 $5.000000000e-01, v28;
	v51 =	vsub.s32 $0x5F3759DF, v48;
	v37 =	vmul.f32 v46, v31  }
0x189: {  	v33 =	vsub.f32 $1.500000000e+00, v33;
	v25 =	vmul.f32 v25, v27;
	v26 =	vsub.f32 $1.500000000e+00, v26  }
0x18a: {  	v27 =	vmul.f32 v36, v47;
	v50 =	vsub.f32 $1.500000000e+00, v37;
	v37 =	vmax.f32 v52, $9.999999960e-13  }
0x18b: {  	v56 =	vld [tilespmem:$0x8C70];
	v53 =	vmul.f32 v51, v39;
	v49 =	vmul.f32 v33, v63;
	v57 =	vshrl.u32 v37, $0x1  }
0x18c: {  	v37 =	vmul.f32 $5.000000000e-01, v37;
	v26 =	vmul.f32 v26, v30;
	v27 =	vsub.f32 $1.500000000e+00, v27  }
0x18d: {  	v29 =	vmul.f32 v50, v31;
	v30 =	vmul.f32 v51, v53;
	v58 =	vsub.s32 $0x5F3759DF, v57  }
0x18e: {  	v41 =	vld [tilespmem:$0x8C80];
	v32 =	vmul.f32 v49, v32;
	v38 =	vmul.f32 v58, v37  }
0x18f: {  	v27 =	vmul.f32 v36, v27;
	v55 =	vmul.f32 v29, v35  }
0x190: {  	v30 =	vsub.f32 $1.500000000e+00, v30;
	v35 =	vmax.f32 v56, $9.999999960e-13;
	v54 =	vmul.f32 v32, v49  }
0x191: {  	v42 =	vshrl.u32 v35, $0x1;
	v35 =	vmul.f32 $5.000000000e-01, v35;
	v36 =	vmul.f32 v27, v34  }
0x192: {  	v32 =	vmul.f32 v55, v29;
	v30 =	vmul.f32 v51, v30;
	v42 =	vsub.s32 $0x5F3759DF, v42  }
0x193: {  	v45 =	vmax.f32 v41, $9.999999960e-13;
	v43 =	vld [tilespmem:$0x8C90];
	v60 =	vmul.f32 v42, v35;
	v36 =	vmul.f32 v36, v27  }
0x194: {  	v46 =	vshrl.u32 v45, $0x1;
	v38 =	vmul.f32 v58, v38;
	v40 =	vmul.f32 v30, v39  }
0x195: {  	v32 =	vsub.f32 $1.500000000e+00, v32;
	v63 =	vmul.f32 v42, v60;
	v36 =	vsub.f32 $1.500000000e+00, v36  }
0x196: {  	v31 =	vsub.f32 $1.500000000e+00, v54;
	v59 =	vsub.f32 $1.500000000e+00, v38;
	v40 =	vmul.f32 v40, v30  }
0x197: {  	v28 =	vmul.f32 v32, v29;
	v50 =	vsub.f32 $1.500000000e+00, v63;
	v36 =	vmul.f32 v36, v27  }
0x198: {  	v47 =	vmax.f32 v43, $9.999999960e-13;
	v27 =	vmul.f32 v31, v49;
	v31 =	vmul.f32 v58, v59  }
0x199: {  	v62 =	vsub.f32 $1.500000000e+00, v40;
	v40 =	vmul.f32 $5.000000000e-01, v47;
	v32 =	vmul.f32 v42, v50  }
0x19a: {  	v48 =	vshrl.u32 v47, $0x1;
	v58 =	vld [tilespmem:$0x8CA0];
	v61 =	vmul.f32 v36, v34;
	v34 =	vmul.f32 $5.000000000e-01, v45  }
0x19b: {  	v41 =	vsub.s32 $0x5F3759DF, v48;
	v49 =	vmul.f32 v31, v37;
	v30 =	vmul.f32 v62, v30  }
0x19c: {  	v38 =	vsub.s32 $0x5F3759DF, v46;
	v51 =	vmul.f32 v41, v40;
	v54 =	vmul.f32 v32, v35  }
0x19d: {  	v44 =	vmul.f32 v38, v34;
	v43 =	vmul.f32 v49, v31  }
0x19e: {  	v33 =	vmul.f32 v41, v51;
	v29 =	vmul.f32 v61, v36  }
0x19f: {  	v39 =	vmul.f32 v30, v39;
	v55 =	vmul.f32 v54, v32;
	v45 =	vmax.f32 v58, $9.999999960e-13  }
0x1a0: {  	v46 =	vld [tilespmem:$0x8CB0];
	v44 =	vmul.f32 v38, v44;
	v52 =	vsub.f32 $1.500000000e+00, v43;
	v33 =	vsub.f32 $1.500000000e+00, v33  }
0x1a1: {  	v39 =	vmul.f32 v39, v30;
	v29 =	vsub.f32 $1.500000000e+00, v29;
	v42 =	vsub.f32 $1.500000000e+00, v55  }
0x1a2: {  	v53 =	vsub.f32 $1.500000000e+00, v44;
	v31 =	vmul.f32 v52, v31;
	v33 =	vmul.f32 v41, v33  }
0x1a3: {  	v49 =	vld [tilespmem:$0x8CC0];
	v39 =	vsub.f32 $1.500000000e+00, v39;
	v29 =	vmul.f32 v29, v36;
	v32 =	vmul.f32 v42, v32  }
0x1a4: {  	v47 =	vshrl.u32 v45, $0x1;
	v38 =	vmul.f32 v38, v53;
	v37 =	vmul.f32 v31, v37  }
0x1a5: {  	v52 =	vmax.f32 v46, $9.999999960e-13;
	v57 =	vmul.f32 v33, v40;
	v30 =	vmul.f32 v39, v30  }
0x1a6: {  	v54 =	vshrl.u32 v52, $0x1;
	v35 =	vmul.f32 v32, v35;
	v37 =	vmul.f32 v37, v31  }
0x1a7: {  	v39 =	vsub.s32 $0x5F3759DF, v47;
	v56 =	vmul.f32 v38, v34;
	v59 =	vmul.f32 v57, v33  }
0x1a8: {  	v57 =	vmax.f32 v49, $9.999999960e-13;
	v35 =	vmul.f32 v35, v32;
	v60 =	vsub.f32 $1.500000000e+00, v37  }
0x1a9: {  	v53 =	vld [tilespmem:$0x8CD0];
	v41 =	vmul.f32 v56, v38;
	v62 =	vsub.f32 $1.500000000e+00, v59;
	v37 =	vmul.f32 $5.000000000e-01, v45  }
0x1aa: {  	v59 =	vshrl.u32 v57, $0x1;
	v35 =	vsub.f32 $1.500000000e+00, v35;
	v31 =	vmul.f32 v60, v31  }
0x1ab: {  	[tilespmem:$0x8A80] =	vst v1;
	v61 =	vsub.f32 $1.500000000e+00, v41;
	v33 =	vmul.f32 v62, v33;
	v48 =	vmul.f32 v39, v37  }
0x1ac: {  	[tilespmem:$0x8AD0] =	vst v6;
	v6 =	vsub.s32 $0x5F3759DF, v59;
	v60 =	vld [tilespmem:$0x8CF0];
	v1 =	vmul.f32 v35, v32;
	v35 =	vmul.f32 $5.000000000e-01, v52  }
0x1ad: {  	[tilespmem:$0x8A90] =	vst v3;
	v32 =	vsub.s32 $0x5F3759DF, v54;
	v63 =	vmul.f32 v61, v38;
	v40 =	vmul.f32 v33, v40  }
0x1ae: {  	[tilespmem:$0x8AA0] =	vst v2;
	v51 =	vmul.f32 v39, v48;
	v61 =	vmax.f32 v53, $9.999999960e-13;
	v56 =	vmul.f32 v32, v35  }
0x1af: {  	[tilespmem:$0x8AE0] =	vst v7;
	v38 =	vshrl.u32 v61, $0x1;
	v7 =	vmul.f32 $5.000000000e-01, v61;
	v34 =	vmul.f32 v63, v34  }
0x1b0: {  	[tilespmem:$0x8AB0] =	vst v5;
	v58 =	vld [tilespmem:$0x8CE0];
	v50 =	vmul.f32 v40, v33;
	v55 =	vsub.f32 $1.500000000e+00, v51;
	v38 =	vsub.s32 $0x5F3759DF, v38  }
0x1b1: {  	[tilespmem:$0x8AC0] =	vst v4;
	v4 =	vmul.f32 v32, v56;
	v40 =	vmul.f32 v38, v7;
	v36 =	vmax.f32 v60, $9.999999960e-13  }
0x1b2: {  	[tilespmem:$0x8B00] =	vst v8;
	v34 =	vmul.f32 v34, v63;
	v2 =	vsub.f32 $1.500000000e+00, v50;
	v5 =	vmul.f32 v39, v55  }
0x1b3: {  	[tilespmem:$0x8B10] =	vst v10;
	v42 =	vshrl.u32 v36, $0x1;
	v36 =	vmul.f32 $5.000000000e-01, v36;
	v4 =	vsub.f32 $1.500000000e+00, v4  }
0x1b4: {  	[tilespmem:$0x8B30] =	vst v12;
	v10 =	vmul.f32 v38, v40;
	v12 =	vsub.s32 $0x5F3759DF, v42;
	v3 =	vsub.f32 $1.500000000e+00, v34  }
0x1b5: {  	[tilespmem:$0x8AF0] =	vst v9;
	v2 =	vmul.f32 v2, v33;
	v33 =	vmul.f32 $5.000000000e-01, v57;
	v34 =	vmax.f32 v58, $9.999999960e-13  }
0x1b6: {  	[tilespmem:$0x8B20] =	vst v11;
	v44 =	vmul.f32 v12, v36;
	v41 =	vshrl.u32 v34, $0x1;
	v34 =	vmul.f32 $5.000000000e-01, v34  }
0x1b7: {  	[tilespmem:$0x8B40] =	vst v13;
	v4 =	vmul.f32 v32, v4;
	v10 =	vsub.f32 $1.500000000e+00, v10;
	v3 =	vmul.f32 v3, v63  }
0x1b8: {  	[tilespmem:$0x8B50] =	vst v14;
	v62 =	vmul.f32 v6, v33;
	v63 =	vmul.f32 v5, v37;
	v11 =	vsub.s32 $0x5F3759DF, v41  }
0x1b9: {  	[tilespmem:$0x8B60] =	vst v15;
	v14 =	vmul.f32 v12, v44;
	v43 =	vmul.f32 v11, v34  }
0x1ba: {  	[tilespmem:$0x8B70] =	vst v16;
	v46 =	vmul.f32 v38, v10;
	v9 =	vmul.f32 v6, v62  }
0x1bb: {  	[tilespmem:$0x8B80] =	vst v17;
	v45 =	vmul.f32 v4, v35;
	v14 =	vsub.f32 $1.500000000e+00, v14;
	v13 =	vmul.f32 v11, v43  }
0x1bc: {  	[tilespmem:$0x8B90] =	vst v18;
	v8 =	vmul.f32 v63, v5;
	v50 =	vmul.f32 v46, v7;
	v9 =	vsub.f32 $1.500000000e+00, v9  }
0x1bd: {  	[tilespmem:$0x8BA0] =	vst v20;
	v48 =	vmul.f32 v45, v4;
	v12 =	vmul.f32 v12, v14;
	v47 =	vsub.f32 $1.500000000e+00, v13  }
0x1be: {  	[tilespmem:$0x8BB0] =	vst v21;
	v8 =	vsub.f32 $1.500000000e+00, v8;
	v14 =	vmul.f32 v50, v46;
	v6 =	vmul.f32 v6, v9  }
0x1bf: {  	[tilespmem:$0x8BC0] =	vst v19;
	v13 =	vsub.f32 $1.500000000e+00, v48;
	v52 =	vmul.f32 v12, v36;
	v10 =	vmul.f32 v11, v47  }
0x1c0: {  	[tilespmem:$0x8BD0] =	vst v22;
	v5 =	vmul.f32 v8, v5;
	v49 =	vmul.f32 v6, v33  }
0x1c1: {  	[tilespmem:$0x8BE0] =	vst v24;
	v14 =	vsub.f32 $1.500000000e+00, v14;
	v4 =	vmul.f32 v13, v4;
	v51 =	vmul.f32 v10, v34  }
0x1c2: {  	[tilespmem:$0x8BF0] =	vst v23;
	v16 =	vmul.f32 v52, v12;
	v11 =	vmul.f32 v49, v6  }
0x1c3: {  	[tilespmem:$0x8C00] =	vst v25;
	v9 =	vmul.f32 v14, v46;
	v15 =	vmul.f32 v51, v10  }
0x1c4: {  	[tilespmem:$0x8C10] =	vst v26;
	v55 =	vmul.f32 v5, v37;
	v54 =	vsub.f32 $1.500000000e+00, v16;
	v11 =	vsub.f32 $1.500000000e+00, v11  }
0x1c5: {  	[tilespmem:$0x8C30] =	vst v28;
	v56 =	vmul.f32 v4, v35;
	v7 =	vmul.f32 v9, v7;
	v53 =	vsub.f32 $1.500000000e+00, v15  }
0x1c6: {  	[tilespmem:$0x8C20] =	vst v27;
	v6 =	vmul.f32 v11, v6;
	v11 =	vmul.f32 v54, v12  }
0x1c7: {  	[tilespmem:$0x8C40] =	vst v29;
	v12 =	vmul.f32 v56, v4;
	v8 =	vmul.f32 v53, v10  }
0x1c8: {  	[tilespmem:$0x8C50] =	vst v30;
	v10 =	vmul.f32 v55, v5;
	v57 =	vmul.f32 v6, v33  }
0x1c9: {  	[tilespmem:$0x8C70] =	vst v1;
	v7 =	vmul.f32 v7, v9;
	v1 =	vsub.f32 $1.500000000e+00, v12;
	v59 =	vmul.f32 v11, v36  }
0x1ca: {  	[tilespmem:$0x8C60] =	vst v31;
	v10 =	vsub.f32 $1.500000000e+00, v10;
	v58 =	vmul.f32 v8, v34;
	v13 =	vmul.f32 v57, v6  }
0x1cb: {  	[tilespmem:$0x8C90] =	vst v2;
	v2 =	vsub.f32 $1.500000000e+00, v7;
	v1 =	vmul.f32 v1, v4;
	v62 =	vmul.f32 v59, v11  }
0x1cc: {  	[tilespmem:$0x8C80] =	vst v3;
	v3 =	vmul.f32 v10, v5;
	v61 =	vmul.f32 v58, v8;
	v60 =	vsub.f32 $1.500000000e+00, v13  }
0x1cd: {  	[tilespmem:$0x8CB0] =	vst v1;
	v1 =	vmul.f32 v2, v9;
	v2 =	vsub.f32 $1.500000000e+00, v62  }
0x1ce: {  	[tilespmem:$0x8CA0] =	vst v3;
	v63 =	vsub.f32 $1.500000000e+00, v61;
	v3 =	vmul.f32 v60, v6  }
0x1cf: {  	[tilespmem:$0x8CD0] =	vst v1;
	v1 =	vmul.f32 v2, v11  }
0x1d0: {  	[tilespmem:$0x8CC0] =	vst v3;
	v3 =	vmul.f32 v63, v8  }
0x1d1: {  	[tilespmem:$0x8CF0] =	vst v1  }
0x1d2: {  	[tilespmem:$0x8CE0] =	vst v3  }
0x1d3: {  	[spmem:s0] =	stream.linear.scatter [tilespmem:s23], [sflag:$0x1], $0x280, $0x38;
	[tilespmem:$0x8E00] =	vst v63  }
.Ltmp10:
0x1d4: {  	_ =	swait.ge [sflag:s19], $0x280;
	(pc) =	sbr.rel @p0 .LBB2_33-.Ltmp10, $3  }
0x1d5: {  	[sflag:s19] =	ssyncset.done $0x0  }
0x1d6: {  	[sflag:s19] =	ssyncadd.s32 $0xFFFFFD80  }
0x1d7: {  	[bflag:$0x0] =	sbarrier.arrive $0xFFFF;
	_ =	sdelay $0x1  }
0x1d8: {  	[tilespmem:s24], [sflag:$0x1] =	stream.linear.gather [spmem:s29], $0x2800, $0x38;
	[tilespmem:$0x8E00] =	vst v63  }
0x1d9: {  	_ =	swait.ge [sflag:s19], $0x2800  }
0x1da: {  	[sflag:s19] =	ssyncset.done $0x0  }
0x1db: {  	s2 =	simm.s32 $0x0;
	s30 =	rddreg [dreg:$0x4];
	[sflag:s19] =	ssyncadd.s32 $0xFFFFD800  }
0x1dc: {  	[tilespmem:s25], [sflag:$0x1] =	stream.linear.gather [hbm4b:s30+s2], $0x1800, $0x38;
	[tilespmem:$0x8E00] =	vst v63  }
0x1dd: {  	_ =	swait.ge [sflag:s19], $0x1800  }
0x1de: {  	[sflag:s19] =	ssyncset.done $0x0  }
0x1df: {  	s30 =	rddreg [dreg:$0x3];
	[sflag:s19] =	ssyncadd.s32 $0xFFFFE800  }
0x1e0: {  	[tilespmem:s20], [sflag:$0x1] =	stream.linear.gather [hbm4b:s30+s2], $0x1800, $0x38;
	[tilespmem:$0x8E00] =	vst v63  }
0x1e1: {  	_ =	swait.ge [sflag:s19], $0x1800  }
0x1e2: {  	[sflag:s19] =	ssyncset.done $0x0  }
0x1e3: {  	[sflag:s19] =	ssyncadd.s32 $0xFFFFE800  }
0x1e4: {  	[tilespmem:s21], [sflag:$0x1] =	stream.linear.gather [hbm4b:s3+s2], $0x1800, $0x38;
	[tilespmem:$0x8E00] =	vst v63  }
0x1e5: {  	_ =	swait.ge [sflag:s19], $0x1800  }
0x1e6: {  	[sflag:s19] =	ssyncset.done $0x0  }
0x1e7: {  	s30 =	simm.s32 $0x0;
	[sflag:s19] =	ssyncadd.s32 $0xFFFFE800  }
0x1e8: {  	v1 =	vld [tilespmem:s30+$0x280];
	_ =	sdelay $0x1  }
0x1e9: {  	v2 =	vld [tilespmem:s30+$0x1A80];
	_ =	sdelay $0x4  }
0x1ea: {  	v3 =	vld [tilespmem:s30+$0x3280]  }
0x1eb: {  	v1 =	vld.idx.msk [tilespmem:v1+s24+$0x0], $0xffff  }
0x1ec: {  	v4 =	vld [tilespmem:s30+$0x290]  }
0x1ed: {  	v2 =	vld.idx.msk [tilespmem:v2+s24+$0x0], $0xffff  }
0x1ee: {  	v5 =	vld [tilespmem:s30+$0x1A90];
	_ =	sdelay $0x1  }
0x1ef: {  	v1 =	vmul.f32 v3, v1;
	_ =	sdelay $0x1  }
0x1f0: {  	v1 =	vmul.f32 v2, v1;
	_ =	sdelay $0x1  }
0x1f1: {  	v2 =	vld [tilespmem:s30+$0x3290];
	[tilespmem:s30+$0x4A80] =	vst v1  }
0x1f2: {  	v1 =	vld.idx.msk [tilespmem:v4+s24+$0x0], $0xffff  }
0x1f3: {  	v3 =	vld.idx.msk [tilespmem:v5+s24+$0x0], $0xffff  }
0x1f4: {  	v4 =	vld [tilespmem:s30+$0x2A0]  }
0x1f5: {  	v5 =	vld [tilespmem:s30+$0x1AA0];
	_ =	sdelay $0x1  }
0x1f6: {  	v1 =	vmul.f32 v2, v1;
	_ =	sdelay $0x1  }
0x1f7: {  	v1 =	vmul.f32 v3, v1;
	_ =	sdelay $0x1  }
0x1f8: {  	v2 =	vld [tilespmem:s30+$0x32A0];
	[tilespmem:s30+$0x4A90] =	vst v1  }
0x1f9: {  	v1 =	vld.idx.msk [tilespmem:v4+s24+$0x0], $0xffff  }
0x1fa: {  	v3 =	vld.idx.msk [tilespmem:v5+s24+$0x0], $0xffff  }
0x1fb: {  	v4 =	vld [tilespmem:s30+$0x2B0]  }
0x1fc: {  	v5 =	vld [tilespmem:s30+$0x1AB0];
	_ =	sdelay $0x1  }
0x1fd: {  	v1 =	vmul.f32 v2, v1;
	_ =	sdelay $0x1  }
0x1fe: {  	v1 =	vmul.f32 v3, v1;
	_ =	sdelay $0x1  }
0x1ff: {  	[tilespmem:s30+$0x4AA0] =	vst v1;
	v1 =	vld [tilespmem:s30+$0x32B0]  }
0x200: {  	v3 =	vld.idx.msk [tilespmem:v4+s24+$0x0], $0xffff  }
0x201: {  	s31 =	simm.s32 $0x400;
	s2 =	simm.s32 $0x80;
	v2 =	vld.idx.msk [tilespmem:v5+s24+$0x0], $0xffff  }
.LBB2_19:
0x202: {  	p1 =	sne.s32 s31, $0x5E00;
	v4 =	vld [tilespmem:s2+$0x280]  }
0x203: {  	v5 =	vld [tilespmem:s2+$0x1A80];
	_ =	sdelay $0x1  }
0x204: {  	v1 =	vmul.f32 v1, v3;
	_ =	sdelay $0x1  }
0x205: {  	v1 =	vmul.f32 v2, v1;
	_ =	sdelay $0x1  }
0x206: {  	v2 =	vld [tilespmem:s2+$0x3280];
	[tilespmem:s30+$0x4AB0] =	vst v1;
	s30 =	smov.u32 s2  }
0x207: {  	v1 =	vld.idx.msk [tilespmem:v4+s24+$0x0], $0xffff  }
0x208: {  	v3 =	vld.idx.msk [tilespmem:v5+s24+$0x0], $0xffff;
	_ =	sdelay $0x1  }
0x209: {  	v4 =	vld [tilespmem:s30+$0x290];
	_ =	sdelay $0x1  }
0x20a: {  	v5 =	vld [tilespmem:s30+$0x1A90]  }
0x20b: {  	v1 =	vmul.f32 v2, v1;
	_ =	sdelay $0x1  }
0x20c: {  	v1 =	vmul.f32 v3, v1;
	_ =	sdelay $0x1  }
0x20d: {  	[tilespmem:s30+$0x4A80] =	vst v1  }
0x20e: {  	v1 =	vld.idx.msk [tilespmem:v4+s24+$0x0], $0xffff  }
0x20f: {  	v2 =	vld [tilespmem:s30+$0x3290]  }
0x210: {  	v3 =	vld.idx.msk [tilespmem:v5+s24+$0x0], $0xffff  }
0x211: {  	v4 =	vld [tilespmem:s30+$0x2A0];
	_ =	sdelay $0x1  }
0x212: {  	v5 =	vld [tilespmem:s30+$0x1AA0]  }
0x213: {  	v1 =	vmul.f32 v2, v1;
	_ =	sdelay $0x1  }
0x214: {  	v1 =	vmul.f32 v3, v1;
	_ =	sdelay $0x1  }
0x215: {  	[tilespmem:s30+$0x4A90] =	vst v1  }
0x216: {  	v1 =	vld.idx.msk [tilespmem:v4+s24+$0x0], $0xffff  }
0x217: {  	v2 =	vld [tilespmem:s30+$0x32A0]  }
0x218: {  	v3 =	vld.idx.msk [tilespmem:v5+s24+$0x0], $0xffff  }
0x219: {  	v4 =	vld [tilespmem:s30+$0x2B0]  }
0x21a: {  	v5 =	vld [tilespmem:s30+$0x1AB0];
	_ =	sdelay $0x1  }
0x21b: {  	v1 =	vmul.f32 v2, v1;
	_ =	sdelay $0x1  }
0x21c: {  	v1 =	vmul.f32 v3, v1  }
.Ltmp11:
0x21d: {  	(pc) =	sbr.rel @p1 .LBB2_19-.Ltmp11, $4  }
0x21e: {  	[tilespmem:s30+$0x4AA0] =	vst v1;
	v1 =	vld [tilespmem:s30+$0x32B0]  }
0x21f: {  	v3 =	vld.idx.msk [tilespmem:v4+s24+$0x0], $0xffff  }
0x220: {  	v2 =	vld.idx.msk [tilespmem:v5+s24+$0x0], $0xffff  }
0x221: {  	s2 =	sshra.s32 s31, $0x2;
	s31 =	sadd.s32 $0x200, s31  }
0x222: {  	v4 =	vld [tilespmem:s2+$0x280]  }
0x223: {  	v5 =	vld [tilespmem:s2+$0x1A80];
	_ =	sdelay $0x1  }
0x224: {  	v1 =	vmul.f32 v1, v3;
	_ =	sdelay $0x1  }
0x225: {  	v1 =	vmul.f32 v2, v1;
	_ =	sdelay $0x1  }
0x226: {  	v2 =	vld [tilespmem:s2+$0x3280];
	[tilespmem:s30+$0x4AB0] =	vst v1  }
0x227: {  	v1 =	vld.idx.msk [tilespmem:v4+s24+$0x0], $0xffff  }
0x228: {  	v3 =	vld.idx.msk [tilespmem:v5+s24+$0x0], $0xffff  }
0x229: {  	v4 =	vld [tilespmem:s2+$0x290]  }
0x22a: {  	v5 =	vld [tilespmem:s2+$0x1A90];
	_ =	sdelay $0x1  }
0x22b: {  	v1 =	vmul.f32 v2, v1;
	_ =	sdelay $0x1  }
0x22c: {  	v1 =	vmul.f32 v3, v1;
	_ =	sdelay $0x1  }
0x22d: {  	v2 =	vld [tilespmem:s2+$0x3290];
	[tilespmem:s2+$0x4A80] =	vst v1  }
0x22e: {  	v1 =	vld.idx.msk [tilespmem:v4+s24+$0x0], $0xffff  }
0x22f: {  	v3 =	vld.idx.msk [tilespmem:v5+s24+$0x0], $0xffff  }
0x230: {  	v4 =	vld [tilespmem:s2+$0x2A0]  }
0x231: {  	v5 =	vld [tilespmem:s2+$0x1AA0];
	_ =	sdelay $0x1  }
0x232: {  	v1 =	vmul.f32 v2, v1;
	_ =	sdelay $0x1  }
0x233: {  	v1 =	vmul.f32 v3, v1;
	_ =	sdelay $0x1  }
0x234: {  	v2 =	vld [tilespmem:s2+$0x32A0];
	[tilespmem:s2+$0x4A90] =	vst v1  }
0x235: {  	v1 =	vld.idx.msk [tilespmem:v4+s24+$0x0], $0xffff  }
0x236: {  	v3 =	vld.idx.msk [tilespmem:v5+s24+$0x0], $0xffff  }
0x237: {  	v4 =	vld [tilespmem:s2+$0x2B0];
	_ =	sdelay $0x1  }
0x238: {  	v5 =	vld [tilespmem:s2+$0x1AB0]  }
0x239: {  	v1 =	vmul.f32 v2, v1;
	_ =	sdelay $0x1  }
0x23a: {  	v1 =	vmul.f32 v3, v1;
	_ =	sdelay $0x1  }
0x23b: {  	[tilespmem:s2+$0x4AA0] =	vst v1;
	v1 =	vld [tilespmem:s2+$0x32B0]  }
0x23c: {  	v2 =	vld.idx.msk [tilespmem:v4+s24+$0x0], $0xffff;
	_ =	sdelay $0x1  }
0x23d: {  	v3 =	vld.idx.msk [tilespmem:v5+s24+$0x0], $0xffff;
	_ =	sdelay $0x2  }
0x23e: {  	v1 =	vmul.f32 v1, v2;
	_ =	sdelay $0x1  }
0x23f: {  	v1 =	vmul.f32 v3, v1;
	_ =	sdelay $0x1  }
0x240: {  	s30 =	rddreg [dreg:$0x5];
	[tilespmem:s2+$0x4AB0] =	vst v1;
	s2 =	simm.s32 $0x0  }
0x241: {  	[hbm4b:s30+s2] =	stream.linear.scatter [tilespmem:s26], [sflag:$0x1], $0x1800, $0x38;
	[tilespmem:$0x8E00] =	vst v63  }
0x242: {  	_ =	swait.ge [sflag:s19], $0x1800  }
0x243: {  	[sflag:s19] =	ssyncset.done $0x0  }
0x244: {  	s30 =	rddreg [dreg:$0x6];
	[sflag:s19] =	ssyncadd.s32 $0xFFFFE800  }
0x245: {  	[tilespmem:s25], [sflag:$0x1] =	stream.linear.gather [hbm4b:s30+s2], $0x1800, $0x38;
	[tilespmem:$0x8E00] =	vst v63  }
0x246: {  	_ =	swait.ge [sflag:s19], $0x1800  }
0x247: {  	[sflag:s19] =	ssyncset.done $0x0  }
0x248: {  	[sflag:s19] =	ssyncadd.s32 $0xFFFFE800  }
0x249: {  	[tilespmem:s20], [sflag:$0x1] =	stream.linear.gather [hbm4b:s4+s2], $0x1800, $0x38;
	[tilespmem:$0x8E00] =	vst v63  }
0x24a: {  	_ =	swait.ge [sflag:s19], $0x1800  }
0x24b: {  	[sflag:s19] =	ssyncset.done $0x0  }
0x24c: {  	[sflag:s19] =	ssyncadd.s32 $0xFFFFE800  }
0x24d: {  	[tilespmem:s21], [sflag:$0x1] =	stream.linear.gather [hbm4b:s5+s2], $0x1800, $0x38;
	[tilespmem:$0x8E00] =	vst v63  }
0x24e: {  	_ =	swait.ge [sflag:s19], $0x1800  }
0x24f: {  	[sflag:s19] =	ssyncset.done $0x0  }
0x250: {  	s30 =	simm.s32 $0x0;
	[sflag:s19] =	ssyncadd.s32 $0xFFFFE800  }
0x251: {  	v1 =	vld [tilespmem:s30+$0x280];
	_ =	sdelay $0x1  }
0x252: {  	v2 =	vld [tilespmem:s30+$0x1A80];
	_ =	sdelay $0x4  }
0x253: {  	v3 =	vld [tilespmem:s30+$0x3280]  }
0x254: {  	v1 =	vld.idx.msk [tilespmem:v1+s24+$0x0], $0xffff  }
0x255: {  	v4 =	vld [tilespmem:s30+$0x290]  }
0x256: {  	v2 =	vld.idx.msk [tilespmem:v2+s24+$0x0], $0xffff  }
0x257: {  	v5 =	vld [tilespmem:s30+$0x1A90];
	_ =	sdelay $0x1  }
0x258: {  	v1 =	vmul.f32 v3, v1;
	_ =	sdelay $0x1  }
0x259: {  	v1 =	vmul.f32 v2, v1;
	_ =	sdelay $0x1  }
0x25a: {  	v2 =	vld [tilespmem:s30+$0x3290];
	[tilespmem:s30+$0x4A80] =	vst v1  }
0x25b: {  	v1 =	vld.idx.msk [tilespmem:v4+s24+$0x0], $0xffff  }
0x25c: {  	v3 =	vld.idx.msk [tilespmem:v5+s24+$0x0], $0xffff  }
0x25d: {  	v4 =	vld [tilespmem:s30+$0x2A0]  }
0x25e: {  	v5 =	vld [tilespmem:s30+$0x1AA0];
	_ =	sdelay $0x1  }
0x25f: {  	v1 =	vmul.f32 v2, v1;
	_ =	sdelay $0x1  }
0x260: {  	v1 =	vmul.f32 v3, v1;
	_ =	sdelay $0x1  }
0x261: {  	v2 =	vld [tilespmem:s30+$0x32A0];
	[tilespmem:s30+$0x4A90] =	vst v1  }
0x262: {  	v1 =	vld.idx.msk [tilespmem:v4+s24+$0x0], $0xffff  }
0x263: {  	v3 =	vld.idx.msk [tilespmem:v5+s24+$0x0], $0xffff  }
0x264: {  	v4 =	vld [tilespmem:s30+$0x2B0]  }
0x265: {  	v5 =	vld [tilespmem:s30+$0x1AB0];
	_ =	sdelay $0x1  }
0x266: {  	v1 =	vmul.f32 v2, v1;
	_ =	sdelay $0x1  }
0x267: {  	v1 =	vmul.f32 v3, v1;
	_ =	sdelay $0x1  }
0x268: {  	[tilespmem:s30+$0x4AA0] =	vst v1;
	v1 =	vld [tilespmem:s30+$0x32B0]  }
0x269: {  	v3 =	vld.idx.msk [tilespmem:v4+s24+$0x0], $0xffff  }
0x26a: {  	s31 =	simm.s32 $0x400;
	s2 =	simm.s32 $0x80;
	v2 =	vld.idx.msk [tilespmem:v5+s24+$0x0], $0xffff  }
.LBB2_21:
0x26b: {  	p1 =	sne.s32 s31, $0x5E00;
	v4 =	vld [tilespmem:s2+$0x280]  }
0x26c: {  	v5 =	vld [tilespmem:s2+$0x1A80];
	_ =	sdelay $0x1  }
0x26d: {  	v1 =	vmul.f32 v1, v3;
	_ =	sdelay $0x1  }
0x26e: {  	v1 =	vmul.f32 v2, v1;
	_ =	sdelay $0x1  }
0x26f: {  	v2 =	vld [tilespmem:s2+$0x3280];
	[tilespmem:s30+$0x4AB0] =	vst v1;
	s30 =	smov.u32 s2  }
0x270: {  	v1 =	vld.idx.msk [tilespmem:v4+s24+$0x0], $0xffff  }
0x271: {  	v3 =	vld.idx.msk [tilespmem:v5+s24+$0x0], $0xffff;
	_ =	sdelay $0x1  }
0x272: {  	v4 =	vld [tilespmem:s30+$0x290];
	_ =	sdelay $0x1  }
0x273: {  	v5 =	vld [tilespmem:s30+$0x1A90]  }
0x274: {  	v1 =	vmul.f32 v2, v1;
	_ =	sdelay $0x1  }
0x275: {  	v1 =	vmul.f32 v3, v1;
	_ =	sdelay $0x1  }
0x276: {  	[tilespmem:s30+$0x4A80] =	vst v1  }
0x277: {  	v1 =	vld.idx.msk [tilespmem:v4+s24+$0x0], $0xffff  }
0x278: {  	v2 =	vld [tilespmem:s30+$0x3290]  }
0x279: {  	v3 =	vld.idx.msk [tilespmem:v5+s24+$0x0], $0xffff  }
0x27a: {  	v4 =	vld [tilespmem:s30+$0x2A0];
	_ =	sdelay $0x1  }
0x27b: {  	v5 =	vld [tilespmem:s30+$0x1AA0]  }
0x27c: {  	v1 =	vmul.f32 v2, v1;
	_ =	sdelay $0x1  }
0x27d: {  	v1 =	vmul.f32 v3, v1;
	_ =	sdelay $0x1  }
0x27e: {  	[tilespmem:s30+$0x4A90] =	vst v1  }
0x27f: {  	v1 =	vld.idx.msk [tilespmem:v4+s24+$0x0], $0xffff  }
0x280: {  	v2 =	vld [tilespmem:s30+$0x32A0]  }
0x281: {  	v3 =	vld.idx.msk [tilespmem:v5+s24+$0x0], $0xffff  }
0x282: {  	v4 =	vld [tilespmem:s30+$0x2B0]  }
0x283: {  	v5 =	vld [tilespmem:s30+$0x1AB0];
	_ =	sdelay $0x1  }
0x284: {  	v1 =	vmul.f32 v2, v1;
	_ =	sdelay $0x1  }
0x285: {  	v1 =	vmul.f32 v3, v1  }
.Ltmp12:
0x286: {  	(pc) =	sbr.rel @p1 .LBB2_21-.Ltmp12, $4  }
0x287: {  	[tilespmem:s30+$0x4AA0] =	vst v1;
	v1 =	vld [tilespmem:s30+$0x32B0]  }
0x288: {  	v3 =	vld.idx.msk [tilespmem:v4+s24+$0x0], $0xffff  }
0x289: {  	v2 =	vld.idx.msk [tilespmem:v5+s24+$0x0], $0xffff  }
0x28a: {  	s2 =	sshra.s32 s31, $0x2;
	s31 =	sadd.s32 $0x200, s31  }
0x28b: {  	v4 =	vld [tilespmem:s2+$0x280]  }
0x28c: {  	v5 =	vld [tilespmem:s2+$0x1A80];
	_ =	sdelay $0x1  }
0x28d: {  	v1 =	vmul.f32 v1, v3;
	_ =	sdelay $0x1  }
0x28e: {  	v1 =	vmul.f32 v2, v1;
	_ =	sdelay $0x1  }
0x28f: {  	v2 =	vld [tilespmem:s2+$0x3280];
	[tilespmem:s30+$0x4AB0] =	vst v1  }
0x290: {  	v1 =	vld.idx.msk [tilespmem:v4+s24+$0x0], $0xffff  }
0x291: {  	v3 =	vld.idx.msk [tilespmem:v5+s24+$0x0], $0xffff  }
0x292: {  	v4 =	vld [tilespmem:s2+$0x290]  }
0x293: {  	v5 =	vld [tilespmem:s2+$0x1A90];
	_ =	sdelay $0x1  }
0x294: {  	v1 =	vmul.f32 v2, v1;
	_ =	sdelay $0x1  }
0x295: {  	v1 =	vmul.f32 v3, v1;
	_ =	sdelay $0x1  }
0x296: {  	v2 =	vld [tilespmem:s2+$0x3290];
	[tilespmem:s2+$0x4A80] =	vst v1  }
0x297: {  	v1 =	vld.idx.msk [tilespmem:v4+s24+$0x0], $0xffff  }
0x298: {  	v3 =	vld.idx.msk [tilespmem:v5+s24+$0x0], $0xffff  }
0x299: {  	v4 =	vld [tilespmem:s2+$0x2A0]  }
0x29a: {  	v5 =	vld [tilespmem:s2+$0x1AA0];
	_ =	sdelay $0x1  }
0x29b: {  	v1 =	vmul.f32 v2, v1;
	_ =	sdelay $0x1  }
0x29c: {  	v1 =	vmul.f32 v3, v1;
	_ =	sdelay $0x1  }
0x29d: {  	v2 =	vld [tilespmem:s2+$0x32A0];
	[tilespmem:s2+$0x4A90] =	vst v1  }
0x29e: {  	v1 =	vld.idx.msk [tilespmem:v4+s24+$0x0], $0xffff  }
0x29f: {  	v3 =	vld.idx.msk [tilespmem:v5+s24+$0x0], $0xffff  }
0x2a0: {  	v4 =	vld [tilespmem:s2+$0x2B0];
	_ =	sdelay $0x1  }
0x2a1: {  	v5 =	vld [tilespmem:s2+$0x1AB0]  }
0x2a2: {  	v1 =	vmul.f32 v2, v1;
	_ =	sdelay $0x1  }
0x2a3: {  	v1 =	vmul.f32 v3, v1;
	_ =	sdelay $0x1  }
0x2a4: {  	[tilespmem:s2+$0x4AA0] =	vst v1;
	v1 =	vld [tilespmem:s2+$0x32B0]  }
0x2a5: {  	v2 =	vld.idx.msk [tilespmem:v4+s24+$0x0], $0xffff;
	_ =	sdelay $0x1  }
0x2a6: {  	v3 =	vld.idx.msk [tilespmem:v5+s24+$0x0], $0xffff;
	_ =	sdelay $0x2  }
0x2a7: {  	v1 =	vmul.f32 v1, v2;
	_ =	sdelay $0x1  }
0x2a8: {  	v1 =	vmul.f32 v3, v1;
	_ =	sdelay $0x1  }
0x2a9: {  	s30 =	rddreg [dreg:$0x7];
	[tilespmem:s2+$0x4AB0] =	vst v1;
	s2 =	simm.s32 $0x0  }
0x2aa: {  	[hbm4b:s30+s2] =	stream.linear.scatter [tilespmem:s26], [sflag:$0x1], $0x1800, $0x38;
	[tilespmem:$0x8E00] =	vst v63  }
0x2ab: {  	_ =	swait.ge [sflag:s19], $0x1800  }
0x2ac: {  	[sflag:s19] =	ssyncset.done $0x0  }
0x2ad: {  	s30 =	rddreg [dreg:$0x8];
	[sflag:s19] =	ssyncadd.s32 $0xFFFFE800  }
0x2ae: {  	[tilespmem:s25], [sflag:$0x1] =	stream.linear.gather [hbm4b:s30+s2], $0x1800, $0x38;
	[tilespmem:$0x8E00] =	vst v63  }
0x2af: {  	_ =	swait.ge [sflag:s19], $0x1800  }
0x2b0: {  	[sflag:s19] =	ssyncset.done $0x0  }
0x2b1: {  	[sflag:s19] =	ssyncadd.s32 $0xFFFFE800  }
0x2b2: {  	[tilespmem:s20], [sflag:$0x1] =	stream.linear.gather [hbm4b:s6+s2], $0x1800, $0x38;
	[tilespmem:$0x8E00] =	vst v63  }
0x2b3: {  	_ =	swait.ge [sflag:s19], $0x1800  }
0x2b4: {  	[sflag:s19] =	ssyncset.done $0x0  }
0x2b5: {  	[sflag:s19] =	ssyncadd.s32 $0xFFFFE800  }
0x2b6: {  	[tilespmem:s21], [sflag:$0x1] =	stream.linear.gather [hbm4b:s7+s2], $0x1800, $0x38;
	[tilespmem:$0x8E00] =	vst v63  }
0x2b7: {  	_ =	swait.ge [sflag:s19], $0x1800  }
0x2b8: {  	[sflag:s19] =	ssyncset.done $0x0  }
0x2b9: {  	s30 =	simm.s32 $0x0;
	[sflag:s19] =	ssyncadd.s32 $0xFFFFE800  }
0x2ba: {  	v1 =	vld [tilespmem:s30+$0x280];
	_ =	sdelay $0x1  }
0x2bb: {  	v2 =	vld [tilespmem:s30+$0x1A80];
	_ =	sdelay $0x4  }
0x2bc: {  	v3 =	vld [tilespmem:s30+$0x3280]  }
0x2bd: {  	v1 =	vld.idx.msk [tilespmem:v1+s24+$0x0], $0xffff  }
0x2be: {  	v4 =	vld [tilespmem:s30+$0x290]  }
0x2bf: {  	v2 =	vld.idx.msk [tilespmem:v2+s24+$0x0], $0xffff  }
0x2c0: {  	v5 =	vld [tilespmem:s30+$0x1A90];
	_ =	sdelay $0x1  }
0x2c1: {  	v1 =	vmul.f32 v3, v1;
	_ =	sdelay $0x1  }
0x2c2: {  	v1 =	vmul.f32 v2, v1;
	_ =	sdelay $0x1  }
0x2c3: {  	v2 =	vld [tilespmem:s30+$0x3290];
	[tilespmem:s30+$0x4A80] =	vst v1  }
0x2c4: {  	v1 =	vld.idx.msk [tilespmem:v4+s24+$0x0], $0xffff  }
0x2c5: {  	v3 =	vld.idx.msk [tilespmem:v5+s24+$0x0], $0xffff  }
0x2c6: {  	v4 =	vld [tilespmem:s30+$0x2A0]  }
0x2c7: {  	v5 =	vld [tilespmem:s30+$0x1AA0];
	_ =	sdelay $0x1  }
0x2c8: {  	v1 =	vmul.f32 v2, v1;
	_ =	sdelay $0x1  }
0x2c9: {  	v1 =	vmul.f32 v3, v1;
	_ =	sdelay $0x1  }
0x2ca: {  	v2 =	vld [tilespmem:s30+$0x32A0];
	[tilespmem:s30+$0x4A90] =	vst v1  }
0x2cb: {  	v1 =	vld.idx.msk [tilespmem:v4+s24+$0x0], $0xffff  }
0x2cc: {  	v3 =	vld.idx.msk [tilespmem:v5+s24+$0x0], $0xffff  }
0x2cd: {  	v4 =	vld [tilespmem:s30+$0x2B0]  }
0x2ce: {  	v5 =	vld [tilespmem:s30+$0x1AB0];
	_ =	sdelay $0x1  }
0x2cf: {  	v1 =	vmul.f32 v2, v1;
	_ =	sdelay $0x1  }
0x2d0: {  	v1 =	vmul.f32 v3, v1;
	_ =	sdelay $0x1  }
0x2d1: {  	[tilespmem:s30+$0x4AA0] =	vst v1;
	v1 =	vld [tilespmem:s30+$0x32B0]  }
0x2d2: {  	v3 =	vld.idx.msk [tilespmem:v4+s24+$0x0], $0xffff  }
0x2d3: {  	s31 =	simm.s32 $0x400;
	s2 =	simm.s32 $0x80;
	v2 =	vld.idx.msk [tilespmem:v5+s24+$0x0], $0xffff  }
.LBB2_23:
0x2d4: {  	p1 =	sne.s32 s31, $0x5E00;
	v4 =	vld [tilespmem:s2+$0x280]  }
0x2d5: {  	v5 =	vld [tilespmem:s2+$0x1A80];
	_ =	sdelay $0x1  }
0x2d6: {  	v1 =	vmul.f32 v1, v3;
	_ =	sdelay $0x1  }
0x2d7: {  	v1 =	vmul.f32 v2, v1;
	_ =	sdelay $0x1  }
0x2d8: {  	v2 =	vld [tilespmem:s2+$0x3280];
	[tilespmem:s30+$0x4AB0] =	vst v1;
	s30 =	smov.u32 s2  }
0x2d9: {  	v1 =	vld.idx.msk [tilespmem:v4+s24+$0x0], $0xffff  }
0x2da: {  	v3 =	vld.idx.msk [tilespmem:v5+s24+$0x0], $0xffff;
	_ =	sdelay $0x1  }
0x2db: {  	v4 =	vld [tilespmem:s30+$0x290];
	_ =	sdelay $0x1  }
0x2dc: {  	v5 =	vld [tilespmem:s30+$0x1A90]  }
0x2dd: {  	v1 =	vmul.f32 v2, v1;
	_ =	sdelay $0x1  }
0x2de: {  	v1 =	vmul.f32 v3, v1;
	_ =	sdelay $0x1  }
0x2df: {  	[tilespmem:s30+$0x4A80] =	vst v1  }
0x2e0: {  	v1 =	vld.idx.msk [tilespmem:v4+s24+$0x0], $0xffff  }
0x2e1: {  	v2 =	vld [tilespmem:s30+$0x3290]  }
0x2e2: {  	v3 =	vld.idx.msk [tilespmem:v5+s24+$0x0], $0xffff  }
0x2e3: {  	v4 =	vld [tilespmem:s30+$0x2A0];
	_ =	sdelay $0x1  }
0x2e4: {  	v5 =	vld [tilespmem:s30+$0x1AA0]  }
0x2e5: {  	v1 =	vmul.f32 v2, v1;
	_ =	sdelay $0x1  }
0x2e6: {  	v1 =	vmul.f32 v3, v1;
	_ =	sdelay $0x1  }
0x2e7: {  	[tilespmem:s30+$0x4A90] =	vst v1  }
0x2e8: {  	v1 =	vld.idx.msk [tilespmem:v4+s24+$0x0], $0xffff  }
0x2e9: {  	v2 =	vld [tilespmem:s30+$0x32A0]  }
0x2ea: {  	v3 =	vld.idx.msk [tilespmem:v5+s24+$0x0], $0xffff  }
0x2eb: {  	v4 =	vld [tilespmem:s30+$0x2B0]  }
0x2ec: {  	v5 =	vld [tilespmem:s30+$0x1AB0];
	_ =	sdelay $0x1  }
0x2ed: {  	v1 =	vmul.f32 v2, v1;
	_ =	sdelay $0x1  }
0x2ee: {  	v1 =	vmul.f32 v3, v1  }
.Ltmp13:
0x2ef: {  	(pc) =	sbr.rel @p1 .LBB2_23-.Ltmp13, $4  }
0x2f0: {  	[tilespmem:s30+$0x4AA0] =	vst v1;
	v1 =	vld [tilespmem:s30+$0x32B0]  }
0x2f1: {  	v3 =	vld.idx.msk [tilespmem:v4+s24+$0x0], $0xffff  }
0x2f2: {  	v2 =	vld.idx.msk [tilespmem:v5+s24+$0x0], $0xffff  }
0x2f3: {  	s2 =	sshra.s32 s31, $0x2;
	s31 =	sadd.s32 $0x200, s31  }
0x2f4: {  	v4 =	vld [tilespmem:s2+$0x280]  }
0x2f5: {  	v5 =	vld [tilespmem:s2+$0x1A80];
	_ =	sdelay $0x1  }
0x2f6: {  	v1 =	vmul.f32 v1, v3;
	_ =	sdelay $0x1  }
0x2f7: {  	v1 =	vmul.f32 v2, v1;
	_ =	sdelay $0x1  }
0x2f8: {  	v2 =	vld [tilespmem:s2+$0x3280];
	[tilespmem:s30+$0x4AB0] =	vst v1  }
0x2f9: {  	v1 =	vld.idx.msk [tilespmem:v4+s24+$0x0], $0xffff  }
0x2fa: {  	v3 =	vld.idx.msk [tilespmem:v5+s24+$0x0], $0xffff  }
0x2fb: {  	v4 =	vld [tilespmem:s2+$0x290]  }
0x2fc: {  	v5 =	vld [tilespmem:s2+$0x1A90];
	_ =	sdelay $0x1  }
0x2fd: {  	v1 =	vmul.f32 v2, v1;
	_ =	sdelay $0x1  }
0x2fe: {  	v1 =	vmul.f32 v3, v1;
	_ =	sdelay $0x1  }
0x2ff: {  	v2 =	vld [tilespmem:s2+$0x3290];
	[tilespmem:s2+$0x4A80] =	vst v1  }
0x300: {  	v1 =	vld.idx.msk [tilespmem:v4+s24+$0x0], $0xffff  }
0x301: {  	v3 =	vld.idx.msk [tilespmem:v5+s24+$0x0], $0xffff  }
0x302: {  	v4 =	vld [tilespmem:s2+$0x2A0]  }
0x303: {  	v5 =	vld [tilespmem:s2+$0x1AA0];
	_ =	sdelay $0x1  }
0x304: {  	v1 =	vmul.f32 v2, v1;
	_ =	sdelay $0x1  }
0x305: {  	v1 =	vmul.f32 v3, v1;
	_ =	sdelay $0x1  }
0x306: {  	v2 =	vld [tilespmem:s2+$0x32A0];
	[tilespmem:s2+$0x4A90] =	vst v1  }
0x307: {  	v1 =	vld.idx.msk [tilespmem:v4+s24+$0x0], $0xffff  }
0x308: {  	v3 =	vld.idx.msk [tilespmem:v5+s24+$0x0], $0xffff  }
0x309: {  	v4 =	vld [tilespmem:s2+$0x2B0];
	_ =	sdelay $0x1  }
0x30a: {  	v5 =	vld [tilespmem:s2+$0x1AB0]  }
0x30b: {  	v1 =	vmul.f32 v2, v1;
	_ =	sdelay $0x1  }
0x30c: {  	v1 =	vmul.f32 v3, v1;
	_ =	sdelay $0x1  }
0x30d: {  	[tilespmem:s2+$0x4AA0] =	vst v1;
	v1 =	vld [tilespmem:s2+$0x32B0]  }
0x30e: {  	v2 =	vld.idx.msk [tilespmem:v4+s24+$0x0], $0xffff;
	_ =	sdelay $0x1  }
0x30f: {  	v3 =	vld.idx.msk [tilespmem:v5+s24+$0x0], $0xffff;
	_ =	sdelay $0x2  }
0x310: {  	v1 =	vmul.f32 v1, v2;
	_ =	sdelay $0x1  }
0x311: {  	v1 =	vmul.f32 v3, v1;
	_ =	sdelay $0x1  }
0x312: {  	s30 =	rddreg [dreg:$0x9];
	[tilespmem:s2+$0x4AB0] =	vst v1;
	s2 =	simm.s32 $0x0  }
0x313: {  	[hbm4b:s30+s2] =	stream.linear.scatter [tilespmem:s26], [sflag:$0x1], $0x1800, $0x38;
	[tilespmem:$0x8E00] =	vst v63  }
0x314: {  	_ =	swait.ge [sflag:s19], $0x1800  }
0x315: {  	[sflag:s19] =	ssyncset.done $0x0  }
0x316: {  	s30 =	rddreg [dreg:$0xa];
	[sflag:s19] =	ssyncadd.s32 $0xFFFFE800  }
0x317: {  	[tilespmem:s25], [sflag:$0x1] =	stream.linear.gather [hbm4b:s30+s2], $0x1800, $0x38;
	[tilespmem:$0x8E00] =	vst v63  }
0x318: {  	_ =	swait.ge [sflag:s19], $0x1800  }
0x319: {  	[sflag:s19] =	ssyncset.done $0x0  }
0x31a: {  	[sflag:s19] =	ssyncadd.s32 $0xFFFFE800  }
0x31b: {  	[tilespmem:s20], [sflag:$0x1] =	stream.linear.gather [hbm4b:s8+s2], $0x1800, $0x38;
	[tilespmem:$0x8E00] =	vst v63  }
0x31c: {  	_ =	swait.ge [sflag:s19], $0x1800  }
0x31d: {  	[sflag:s19] =	ssyncset.done $0x0  }
0x31e: {  	[sflag:s19] =	ssyncadd.s32 $0xFFFFE800  }
0x31f: {  	[tilespmem:s21], [sflag:$0x1] =	stream.linear.gather [hbm4b:s9+s2], $0x1800, $0x38;
	[tilespmem:$0x8E00] =	vst v63  }
0x320: {  	_ =	swait.ge [sflag:s19], $0x1800  }
0x321: {  	[sflag:s19] =	ssyncset.done $0x0  }
0x322: {  	s30 =	simm.s32 $0x0;
	[sflag:s19] =	ssyncadd.s32 $0xFFFFE800  }
0x323: {  	v1 =	vld [tilespmem:s30+$0x280];
	_ =	sdelay $0x1  }
0x324: {  	v2 =	vld [tilespmem:s30+$0x1A80];
	_ =	sdelay $0x4  }
0x325: {  	v3 =	vld [tilespmem:s30+$0x3280]  }
0x326: {  	v1 =	vld.idx.msk [tilespmem:v1+s24+$0x0], $0xffff  }
0x327: {  	v4 =	vld [tilespmem:s30+$0x290]  }
0x328: {  	v2 =	vld.idx.msk [tilespmem:v2+s24+$0x0], $0xffff  }
0x329: {  	v5 =	vld [tilespmem:s30+$0x1A90];
	_ =	sdelay $0x1  }
0x32a: {  	v1 =	vmul.f32 v3, v1;
	_ =	sdelay $0x1  }
0x32b: {  	v1 =	vmul.f32 v2, v1;
	_ =	sdelay $0x1  }
0x32c: {  	v2 =	vld [tilespmem:s30+$0x3290];
	[tilespmem:s30+$0x4A80] =	vst v1  }
0x32d: {  	v1 =	vld.idx.msk [tilespmem:v4+s24+$0x0], $0xffff  }
0x32e: {  	v3 =	vld.idx.msk [tilespmem:v5+s24+$0x0], $0xffff  }
0x32f: {  	v4 =	vld [tilespmem:s30+$0x2A0]  }
0x330: {  	v5 =	vld [tilespmem:s30+$0x1AA0];
	_ =	sdelay $0x1  }
0x331: {  	v1 =	vmul.f32 v2, v1;
	_ =	sdelay $0x1  }
0x332: {  	v1 =	vmul.f32 v3, v1;
	_ =	sdelay $0x1  }
0x333: {  	v2 =	vld [tilespmem:s30+$0x32A0];
	[tilespmem:s30+$0x4A90] =	vst v1  }
0x334: {  	v1 =	vld.idx.msk [tilespmem:v4+s24+$0x0], $0xffff  }
0x335: {  	v3 =	vld.idx.msk [tilespmem:v5+s24+$0x0], $0xffff  }
0x336: {  	v4 =	vld [tilespmem:s30+$0x2B0]  }
0x337: {  	v5 =	vld [tilespmem:s30+$0x1AB0];
	_ =	sdelay $0x1  }
0x338: {  	v1 =	vmul.f32 v2, v1;
	_ =	sdelay $0x1  }
0x339: {  	v1 =	vmul.f32 v3, v1;
	_ =	sdelay $0x1  }
0x33a: {  	[tilespmem:s30+$0x4AA0] =	vst v1;
	v1 =	vld [tilespmem:s30+$0x32B0]  }
0x33b: {  	v3 =	vld.idx.msk [tilespmem:v4+s24+$0x0], $0xffff  }
0x33c: {  	s31 =	simm.s32 $0x400;
	s2 =	simm.s32 $0x80;
	v2 =	vld.idx.msk [tilespmem:v5+s24+$0x0], $0xffff  }
.LBB2_25:
0x33d: {  	p1 =	sne.s32 s31, $0x5E00;
	v4 =	vld [tilespmem:s2+$0x280]  }
0x33e: {  	v5 =	vld [tilespmem:s2+$0x1A80];
	_ =	sdelay $0x1  }
0x33f: {  	v1 =	vmul.f32 v1, v3;
	_ =	sdelay $0x1  }
0x340: {  	v1 =	vmul.f32 v2, v1;
	_ =	sdelay $0x1  }
0x341: {  	v2 =	vld [tilespmem:s2+$0x3280];
	[tilespmem:s30+$0x4AB0] =	vst v1;
	s30 =	smov.u32 s2  }
0x342: {  	v1 =	vld.idx.msk [tilespmem:v4+s24+$0x0], $0xffff  }
0x343: {  	v3 =	vld.idx.msk [tilespmem:v5+s24+$0x0], $0xffff;
	_ =	sdelay $0x1  }
0x344: {  	v4 =	vld [tilespmem:s30+$0x290];
	_ =	sdelay $0x1  }
0x345: {  	v5 =	vld [tilespmem:s30+$0x1A90]  }
0x346: {  	v1 =	vmul.f32 v2, v1;
	_ =	sdelay $0x1  }
0x347: {  	v1 =	vmul.f32 v3, v1;
	_ =	sdelay $0x1  }
0x348: {  	[tilespmem:s30+$0x4A80] =	vst v1  }
0x349: {  	v1 =	vld.idx.msk [tilespmem:v4+s24+$0x0], $0xffff  }
0x34a: {  	v2 =	vld [tilespmem:s30+$0x3290]  }
0x34b: {  	v3 =	vld.idx.msk [tilespmem:v5+s24+$0x0], $0xffff  }
0x34c: {  	v4 =	vld [tilespmem:s30+$0x2A0];
	_ =	sdelay $0x1  }
0x34d: {  	v5 =	vld [tilespmem:s30+$0x1AA0]  }
0x34e: {  	v1 =	vmul.f32 v2, v1;
	_ =	sdelay $0x1  }
0x34f: {  	v1 =	vmul.f32 v3, v1;
	_ =	sdelay $0x1  }
0x350: {  	[tilespmem:s30+$0x4A90] =	vst v1  }
0x351: {  	v1 =	vld.idx.msk [tilespmem:v4+s24+$0x0], $0xffff  }
0x352: {  	v2 =	vld [tilespmem:s30+$0x32A0]  }
0x353: {  	v3 =	vld.idx.msk [tilespmem:v5+s24+$0x0], $0xffff  }
0x354: {  	v4 =	vld [tilespmem:s30+$0x2B0]  }
0x355: {  	v5 =	vld [tilespmem:s30+$0x1AB0];
	_ =	sdelay $0x1  }
0x356: {  	v1 =	vmul.f32 v2, v1;
	_ =	sdelay $0x1  }
0x357: {  	v1 =	vmul.f32 v3, v1  }
.Ltmp14:
0x358: {  	(pc) =	sbr.rel @p1 .LBB2_25-.Ltmp14, $4  }
0x359: {  	[tilespmem:s30+$0x4AA0] =	vst v1;
	v1 =	vld [tilespmem:s30+$0x32B0]  }
0x35a: {  	v3 =	vld.idx.msk [tilespmem:v4+s24+$0x0], $0xffff  }
0x35b: {  	v2 =	vld.idx.msk [tilespmem:v5+s24+$0x0], $0xffff  }
0x35c: {  	s2 =	sshra.s32 s31, $0x2;
	s31 =	sadd.s32 $0x200, s31  }
0x35d: {  	v4 =	vld [tilespmem:s2+$0x280]  }
0x35e: {  	v5 =	vld [tilespmem:s2+$0x1A80];
	_ =	sdelay $0x1  }
0x35f: {  	v1 =	vmul.f32 v1, v3;
	_ =	sdelay $0x1  }
0x360: {  	v1 =	vmul.f32 v2, v1;
	_ =	sdelay $0x1  }
0x361: {  	v2 =	vld [tilespmem:s2+$0x3280];
	[tilespmem:s30+$0x4AB0] =	vst v1  }
0x362: {  	v1 =	vld.idx.msk [tilespmem:v4+s24+$0x0], $0xffff  }
0x363: {  	v3 =	vld.idx.msk [tilespmem:v5+s24+$0x0], $0xffff  }
0x364: {  	v4 =	vld [tilespmem:s2+$0x290]  }
0x365: {  	v5 =	vld [tilespmem:s2+$0x1A90];
	_ =	sdelay $0x1  }
0x366: {  	v1 =	vmul.f32 v2, v1;
	_ =	sdelay $0x1  }
0x367: {  	v1 =	vmul.f32 v3, v1;
	_ =	sdelay $0x1  }
0x368: {  	v2 =	vld [tilespmem:s2+$0x3290];
	[tilespmem:s2+$0x4A80] =	vst v1  }
0x369: {  	v1 =	vld.idx.msk [tilespmem:v4+s24+$0x0], $0xffff  }
0x36a: {  	v3 =	vld.idx.msk [tilespmem:v5+s24+$0x0], $0xffff  }
0x36b: {  	v4 =	vld [tilespmem:s2+$0x2A0]  }
0x36c: {  	v5 =	vld [tilespmem:s2+$0x1AA0];
	_ =	sdelay $0x1  }
0x36d: {  	v1 =	vmul.f32 v2, v1;
	_ =	sdelay $0x1  }
0x36e: {  	v1 =	vmul.f32 v3, v1;
	_ =	sdelay $0x1  }
0x36f: {  	v2 =	vld [tilespmem:s2+$0x32A0];
	[tilespmem:s2+$0x4A90] =	vst v1  }
0x370: {  	v1 =	vld.idx.msk [tilespmem:v4+s24+$0x0], $0xffff  }
0x371: {  	v3 =	vld.idx.msk [tilespmem:v5+s24+$0x0], $0xffff  }
0x372: {  	v4 =	vld [tilespmem:s2+$0x2B0];
	_ =	sdelay $0x1  }
0x373: {  	v5 =	vld [tilespmem:s2+$0x1AB0]  }
0x374: {  	v1 =	vmul.f32 v2, v1;
	_ =	sdelay $0x1  }
0x375: {  	v1 =	vmul.f32 v3, v1;
	_ =	sdelay $0x1  }
0x376: {  	[tilespmem:s2+$0x4AA0] =	vst v1;
	v1 =	vld [tilespmem:s2+$0x32B0]  }
0x377: {  	v2 =	vld.idx.msk [tilespmem:v4+s24+$0x0], $0xffff;
	_ =	sdelay $0x1  }
0x378: {  	v3 =	vld.idx.msk [tilespmem:v5+s24+$0x0], $0xffff;
	_ =	sdelay $0x2  }
0x379: {  	v1 =	vmul.f32 v1, v2;
	_ =	sdelay $0x1  }
0x37a: {  	v1 =	vmul.f32 v3, v1;
	_ =	sdelay $0x1  }
0x37b: {  	s30 =	rddreg [dreg:$0xb];
	[tilespmem:s2+$0x4AB0] =	vst v1;
	s2 =	simm.s32 $0x0  }
0x37c: {  	[hbm4b:s30+s2] =	stream.linear.scatter [tilespmem:s26], [sflag:$0x1], $0x1800, $0x38;
	[tilespmem:$0x8E00] =	vst v63  }
0x37d: {  	_ =	swait.ge [sflag:s19], $0x1800  }
0x37e: {  	[sflag:s19] =	ssyncset.done $0x0  }
0x37f: {  	s30 =	rddreg [dreg:$0xc];
	[sflag:s19] =	ssyncadd.s32 $0xFFFFE800  }
0x380: {  	[tilespmem:s25], [sflag:$0x1] =	stream.linear.gather [hbm4b:s30+s2], $0x1800, $0x38;
	[tilespmem:$0x8E00] =	vst v63  }
0x381: {  	_ =	swait.ge [sflag:s19], $0x1800  }
0x382: {  	[sflag:s19] =	ssyncset.done $0x0  }
0x383: {  	[sflag:s19] =	ssyncadd.s32 $0xFFFFE800  }
0x384: {  	[tilespmem:s20], [sflag:$0x1] =	stream.linear.gather [hbm4b:s10+s2], $0x1800, $0x38;
	[tilespmem:$0x8E00] =	vst v63  }
0x385: {  	_ =	swait.ge [sflag:s19], $0x1800  }
0x386: {  	[sflag:s19] =	ssyncset.done $0x0  }
0x387: {  	[sflag:s19] =	ssyncadd.s32 $0xFFFFE800  }
0x388: {  	[tilespmem:s21], [sflag:$0x1] =	stream.linear.gather [hbm4b:s11+s2], $0x1800, $0x38;
	[tilespmem:$0x8E00] =	vst v63  }
0x389: {  	_ =	swait.ge [sflag:s19], $0x1800  }
0x38a: {  	[sflag:s19] =	ssyncset.done $0x0  }
0x38b: {  	s30 =	simm.s32 $0x0;
	[sflag:s19] =	ssyncadd.s32 $0xFFFFE800  }
0x38c: {  	v1 =	vld [tilespmem:s30+$0x280];
	_ =	sdelay $0x1  }
0x38d: {  	v2 =	vld [tilespmem:s30+$0x1A80];
	_ =	sdelay $0x4  }
0x38e: {  	v3 =	vld [tilespmem:s30+$0x3280]  }
0x38f: {  	v1 =	vld.idx.msk [tilespmem:v1+s24+$0x0], $0xffff  }
0x390: {  	v4 =	vld [tilespmem:s30+$0x290]  }
0x391: {  	v2 =	vld.idx.msk [tilespmem:v2+s24+$0x0], $0xffff  }
0x392: {  	v5 =	vld [tilespmem:s30+$0x1A90];
	_ =	sdelay $0x1  }
0x393: {  	v1 =	vmul.f32 v3, v1;
	_ =	sdelay $0x1  }
0x394: {  	v1 =	vmul.f32 v2, v1;
	_ =	sdelay $0x1  }
0x395: {  	v2 =	vld [tilespmem:s30+$0x3290];
	[tilespmem:s30+$0x4A80] =	vst v1  }
0x396: {  	v1 =	vld.idx.msk [tilespmem:v4+s24+$0x0], $0xffff  }
0x397: {  	v3 =	vld.idx.msk [tilespmem:v5+s24+$0x0], $0xffff  }
0x398: {  	v4 =	vld [tilespmem:s30+$0x2A0]  }
0x399: {  	v5 =	vld [tilespmem:s30+$0x1AA0];
	_ =	sdelay $0x1  }
0x39a: {  	v1 =	vmul.f32 v2, v1;
	_ =	sdelay $0x1  }
0x39b: {  	v1 =	vmul.f32 v3, v1;
	_ =	sdelay $0x1  }
0x39c: {  	v2 =	vld [tilespmem:s30+$0x32A0];
	[tilespmem:s30+$0x4A90] =	vst v1  }
0x39d: {  	v1 =	vld.idx.msk [tilespmem:v4+s24+$0x0], $0xffff  }
0x39e: {  	v3 =	vld.idx.msk [tilespmem:v5+s24+$0x0], $0xffff  }
0x39f: {  	v4 =	vld [tilespmem:s30+$0x2B0]  }
0x3a0: {  	v5 =	vld [tilespmem:s30+$0x1AB0];
	_ =	sdelay $0x1  }
0x3a1: {  	v1 =	vmul.f32 v2, v1;
	_ =	sdelay $0x1  }
0x3a2: {  	v1 =	vmul.f32 v3, v1;
	_ =	sdelay $0x1  }
0x3a3: {  	[tilespmem:s30+$0x4AA0] =	vst v1;
	v1 =	vld [tilespmem:s30+$0x32B0]  }
0x3a4: {  	v3 =	vld.idx.msk [tilespmem:v4+s24+$0x0], $0xffff  }
0x3a5: {  	s31 =	simm.s32 $0x400;
	s2 =	simm.s32 $0x80;
	v2 =	vld.idx.msk [tilespmem:v5+s24+$0x0], $0xffff  }
.LBB2_27:
0x3a6: {  	p1 =	sne.s32 s31, $0x5E00;
	v4 =	vld [tilespmem:s2+$0x280]  }
0x3a7: {  	v5 =	vld [tilespmem:s2+$0x1A80];
	_ =	sdelay $0x1  }
0x3a8: {  	v1 =	vmul.f32 v1, v3;
	_ =	sdelay $0x1  }
0x3a9: {  	v1 =	vmul.f32 v2, v1;
	_ =	sdelay $0x1  }
0x3aa: {  	v2 =	vld [tilespmem:s2+$0x3280];
	[tilespmem:s30+$0x4AB0] =	vst v1;
	s30 =	smov.u32 s2  }
0x3ab: {  	v1 =	vld.idx.msk [tilespmem:v4+s24+$0x0], $0xffff  }
0x3ac: {  	v3 =	vld.idx.msk [tilespmem:v5+s24+$0x0], $0xffff;
	_ =	sdelay $0x1  }
0x3ad: {  	v4 =	vld [tilespmem:s30+$0x290];
	_ =	sdelay $0x1  }
0x3ae: {  	v5 =	vld [tilespmem:s30+$0x1A90]  }
0x3af: {  	v1 =	vmul.f32 v2, v1;
	_ =	sdelay $0x1  }
0x3b0: {  	v1 =	vmul.f32 v3, v1;
	_ =	sdelay $0x1  }
0x3b1: {  	[tilespmem:s30+$0x4A80] =	vst v1  }
0x3b2: {  	v1 =	vld.idx.msk [tilespmem:v4+s24+$0x0], $0xffff  }
0x3b3: {  	v2 =	vld [tilespmem:s30+$0x3290]  }
0x3b4: {  	v3 =	vld.idx.msk [tilespmem:v5+s24+$0x0], $0xffff  }
0x3b5: {  	v4 =	vld [tilespmem:s30+$0x2A0];
	_ =	sdelay $0x1  }
0x3b6: {  	v5 =	vld [tilespmem:s30+$0x1AA0]  }
0x3b7: {  	v1 =	vmul.f32 v2, v1;
	_ =	sdelay $0x1  }
0x3b8: {  	v1 =	vmul.f32 v3, v1;
	_ =	sdelay $0x1  }
0x3b9: {  	[tilespmem:s30+$0x4A90] =	vst v1  }
0x3ba: {  	v1 =	vld.idx.msk [tilespmem:v4+s24+$0x0], $0xffff  }
0x3bb: {  	v2 =	vld [tilespmem:s30+$0x32A0]  }
0x3bc: {  	v3 =	vld.idx.msk [tilespmem:v5+s24+$0x0], $0xffff  }
0x3bd: {  	v4 =	vld [tilespmem:s30+$0x2B0]  }
0x3be: {  	v5 =	vld [tilespmem:s30+$0x1AB0];
	_ =	sdelay $0x1  }
0x3bf: {  	v1 =	vmul.f32 v2, v1;
	_ =	sdelay $0x1  }
0x3c0: {  	v1 =	vmul.f32 v3, v1  }
.Ltmp15:
0x3c1: {  	(pc) =	sbr.rel @p1 .LBB2_27-.Ltmp15, $4  }
0x3c2: {  	[tilespmem:s30+$0x4AA0] =	vst v1;
	v1 =	vld [tilespmem:s30+$0x32B0]  }
0x3c3: {  	v3 =	vld.idx.msk [tilespmem:v4+s24+$0x0], $0xffff  }
0x3c4: {  	v2 =	vld.idx.msk [tilespmem:v5+s24+$0x0], $0xffff  }
0x3c5: {  	s2 =	sshra.s32 s31, $0x2;
	s31 =	sadd.s32 $0x200, s31  }
0x3c6: {  	v4 =	vld [tilespmem:s2+$0x280]  }
0x3c7: {  	v5 =	vld [tilespmem:s2+$0x1A80];
	_ =	sdelay $0x1  }
0x3c8: {  	v1 =	vmul.f32 v1, v3;
	_ =	sdelay $0x1  }
0x3c9: {  	v1 =	vmul.f32 v2, v1;
	_ =	sdelay $0x1  }
0x3ca: {  	v2 =	vld [tilespmem:s2+$0x3280];
	[tilespmem:s30+$0x4AB0] =	vst v1  }
0x3cb: {  	v1 =	vld.idx.msk [tilespmem:v4+s24+$0x0], $0xffff  }
0x3cc: {  	v3 =	vld.idx.msk [tilespmem:v5+s24+$0x0], $0xffff  }
0x3cd: {  	v4 =	vld [tilespmem:s2+$0x290]  }
0x3ce: {  	v5 =	vld [tilespmem:s2+$0x1A90];
	_ =	sdelay $0x1  }
0x3cf: {  	v1 =	vmul.f32 v2, v1;
	_ =	sdelay $0x1  }
0x3d0: {  	v1 =	vmul.f32 v3, v1;
	_ =	sdelay $0x1  }
0x3d1: {  	v2 =	vld [tilespmem:s2+$0x3290];
	[tilespmem:s2+$0x4A80] =	vst v1  }
0x3d2: {  	v1 =	vld.idx.msk [tilespmem:v4+s24+$0x0], $0xffff  }
0x3d3: {  	v3 =	vld.idx.msk [tilespmem:v5+s24+$0x0], $0xffff  }
0x3d4: {  	v4 =	vld [tilespmem:s2+$0x2A0]  }
0x3d5: {  	v5 =	vld [tilespmem:s2+$0x1AA0];
	_ =	sdelay $0x1  }
0x3d6: {  	v1 =	vmul.f32 v2, v1;
	_ =	sdelay $0x1  }
0x3d7: {  	v1 =	vmul.f32 v3, v1;
	_ =	sdelay $0x1  }
0x3d8: {  	v2 =	vld [tilespmem:s2+$0x32A0];
	[tilespmem:s2+$0x4A90] =	vst v1  }
0x3d9: {  	v1 =	vld.idx.msk [tilespmem:v4+s24+$0x0], $0xffff  }
0x3da: {  	v3 =	vld.idx.msk [tilespmem:v5+s24+$0x0], $0xffff  }
0x3db: {  	v4 =	vld [tilespmem:s2+$0x2B0];
	_ =	sdelay $0x1  }
0x3dc: {  	v5 =	vld [tilespmem:s2+$0x1AB0]  }
0x3dd: {  	v1 =	vmul.f32 v2, v1;
	_ =	sdelay $0x1  }
0x3de: {  	v1 =	vmul.f32 v3, v1;
	_ =	sdelay $0x1  }
0x3df: {  	[tilespmem:s2+$0x4AA0] =	vst v1;
	v1 =	vld [tilespmem:s2+$0x32B0]  }
0x3e0: {  	v2 =	vld.idx.msk [tilespmem:v4+s24+$0x0], $0xffff;
	_ =	sdelay $0x1  }
0x3e1: {  	v3 =	vld.idx.msk [tilespmem:v5+s24+$0x0], $0xffff;
	_ =	sdelay $0x2  }
0x3e2: {  	v1 =	vmul.f32 v1, v2;
	_ =	sdelay $0x1  }
0x3e3: {  	v1 =	vmul.f32 v3, v1;
	_ =	sdelay $0x1  }
0x3e4: {  	s30 =	rddreg [dreg:$0xd];
	[tilespmem:s2+$0x4AB0] =	vst v1;
	s2 =	simm.s32 $0x0  }
0x3e5: {  	[hbm4b:s30+s2] =	stream.linear.scatter [tilespmem:s26], [sflag:$0x1], $0x1800, $0x38;
	[tilespmem:$0x8E00] =	vst v63  }
0x3e6: {  	_ =	swait.ge [sflag:s19], $0x1800  }
0x3e7: {  	[sflag:s19] =	ssyncset.done $0x0  }
0x3e8: {  	s30 =	rddreg [dreg:$0xe];
	[sflag:s19] =	ssyncadd.s32 $0xFFFFE800  }
0x3e9: {  	[tilespmem:s25], [sflag:$0x1] =	stream.linear.gather [hbm4b:s30+s2], $0x1800, $0x38;
	[tilespmem:$0x8E00] =	vst v63  }
0x3ea: {  	_ =	swait.ge [sflag:s19], $0x1800  }
0x3eb: {  	[sflag:s19] =	ssyncset.done $0x0  }
0x3ec: {  	[sflag:s19] =	ssyncadd.s32 $0xFFFFE800  }
0x3ed: {  	[tilespmem:s20], [sflag:$0x1] =	stream.linear.gather [hbm4b:s12+s2], $0x1800, $0x38;
	[tilespmem:$0x8E00] =	vst v63  }
0x3ee: {  	_ =	swait.ge [sflag:s19], $0x1800  }
0x3ef: {  	[sflag:s19] =	ssyncset.done $0x0  }
0x3f0: {  	[sflag:s19] =	ssyncadd.s32 $0xFFFFE800  }
0x3f1: {  	[tilespmem:s21], [sflag:$0x1] =	stream.linear.gather [hbm4b:s14+s2], $0x1800, $0x38;
	[tilespmem:$0x8E00] =	vst v63  }
0x3f2: {  	_ =	swait.ge [sflag:s19], $0x1800  }
0x3f3: {  	[sflag:s19] =	ssyncset.done $0x0  }
0x3f4: {  	s30 =	simm.s32 $0x0;
	[sflag:s19] =	ssyncadd.s32 $0xFFFFE800  }
0x3f5: {  	v1 =	vld [tilespmem:s30+$0x280];
	_ =	sdelay $0x1  }
0x3f6: {  	v2 =	vld [tilespmem:s30+$0x1A80];
	_ =	sdelay $0x4  }
0x3f7: {  	v3 =	vld [tilespmem:s30+$0x3280]  }
0x3f8: {  	v1 =	vld.idx.msk [tilespmem:v1+s24+$0x0], $0xffff  }
0x3f9: {  	v4 =	vld [tilespmem:s30+$0x290]  }
0x3fa: {  	v2 =	vld.idx.msk [tilespmem:v2+s24+$0x0], $0xffff  }
0x3fb: {  	v5 =	vld [tilespmem:s30+$0x1A90];
	_ =	sdelay $0x1  }
0x3fc: {  	v1 =	vmul.f32 v3, v1;
	_ =	sdelay $0x1  }
0x3fd: {  	v1 =	vmul.f32 v2, v1;
	_ =	sdelay $0x1  }
0x3fe: {  	v2 =	vld [tilespmem:s30+$0x3290];
	[tilespmem:s30+$0x4A80] =	vst v1  }
0x3ff: {  	v1 =	vld.idx.msk [tilespmem:v4+s24+$0x0], $0xffff  }
0x400: {  	v3 =	vld.idx.msk [tilespmem:v5+s24+$0x0], $0xffff  }
0x401: {  	v4 =	vld [tilespmem:s30+$0x2A0]  }
0x402: {  	v5 =	vld [tilespmem:s30+$0x1AA0];
	_ =	sdelay $0x1  }
0x403: {  	v1 =	vmul.f32 v2, v1;
	_ =	sdelay $0x1  }
0x404: {  	v1 =	vmul.f32 v3, v1;
	_ =	sdelay $0x1  }
0x405: {  	v2 =	vld [tilespmem:s30+$0x32A0];
	[tilespmem:s30+$0x4A90] =	vst v1  }
0x406: {  	v1 =	vld.idx.msk [tilespmem:v4+s24+$0x0], $0xffff  }
0x407: {  	v3 =	vld.idx.msk [tilespmem:v5+s24+$0x0], $0xffff  }
0x408: {  	v4 =	vld [tilespmem:s30+$0x2B0]  }
0x409: {  	v5 =	vld [tilespmem:s30+$0x1AB0];
	_ =	sdelay $0x1  }
0x40a: {  	v1 =	vmul.f32 v2, v1;
	_ =	sdelay $0x1  }
0x40b: {  	v1 =	vmul.f32 v3, v1;
	_ =	sdelay $0x1  }
0x40c: {  	[tilespmem:s30+$0x4AA0] =	vst v1;
	v1 =	vld [tilespmem:s30+$0x32B0]  }
0x40d: {  	v3 =	vld.idx.msk [tilespmem:v4+s24+$0x0], $0xffff  }
0x40e: {  	s31 =	simm.s32 $0x400;
	s2 =	simm.s32 $0x80;
	v2 =	vld.idx.msk [tilespmem:v5+s24+$0x0], $0xffff  }
.LBB2_29:
0x40f: {  	p1 =	sne.s32 s31, $0x5E00;
	v4 =	vld [tilespmem:s2+$0x280]  }
0x410: {  	v5 =	vld [tilespmem:s2+$0x1A80];
	_ =	sdelay $0x1  }
0x411: {  	v1 =	vmul.f32 v1, v3;
	_ =	sdelay $0x1  }
0x412: {  	v1 =	vmul.f32 v2, v1;
	_ =	sdelay $0x1  }
0x413: {  	v2 =	vld [tilespmem:s2+$0x3280];
	[tilespmem:s30+$0x4AB0] =	vst v1;
	s30 =	smov.u32 s2  }
0x414: {  	v1 =	vld.idx.msk [tilespmem:v4+s24+$0x0], $0xffff  }
0x415: {  	v3 =	vld.idx.msk [tilespmem:v5+s24+$0x0], $0xffff;
	_ =	sdelay $0x1  }
0x416: {  	v4 =	vld [tilespmem:s30+$0x290];
	_ =	sdelay $0x1  }
0x417: {  	v5 =	vld [tilespmem:s30+$0x1A90]  }
0x418: {  	v1 =	vmul.f32 v2, v1;
	_ =	sdelay $0x1  }
0x419: {  	v1 =	vmul.f32 v3, v1;
	_ =	sdelay $0x1  }
0x41a: {  	[tilespmem:s30+$0x4A80] =	vst v1  }
0x41b: {  	v1 =	vld.idx.msk [tilespmem:v4+s24+$0x0], $0xffff  }
0x41c: {  	v2 =	vld [tilespmem:s30+$0x3290]  }
0x41d: {  	v3 =	vld.idx.msk [tilespmem:v5+s24+$0x0], $0xffff  }
0x41e: {  	v4 =	vld [tilespmem:s30+$0x2A0];
	_ =	sdelay $0x1  }
0x41f: {  	v5 =	vld [tilespmem:s30+$0x1AA0]  }
0x420: {  	v1 =	vmul.f32 v2, v1;
	_ =	sdelay $0x1  }
0x421: {  	v1 =	vmul.f32 v3, v1;
	_ =	sdelay $0x1  }
0x422: {  	[tilespmem:s30+$0x4A90] =	vst v1  }
0x423: {  	v1 =	vld.idx.msk [tilespmem:v4+s24+$0x0], $0xffff  }
0x424: {  	v2 =	vld [tilespmem:s30+$0x32A0]  }
0x425: {  	v3 =	vld.idx.msk [tilespmem:v5+s24+$0x0], $0xffff  }
0x426: {  	v4 =	vld [tilespmem:s30+$0x2B0]  }
0x427: {  	v5 =	vld [tilespmem:s30+$0x1AB0];
	_ =	sdelay $0x1  }
0x428: {  	v1 =	vmul.f32 v2, v1;
	_ =	sdelay $0x1  }
0x429: {  	v1 =	vmul.f32 v3, v1  }
.Ltmp16:
0x42a: {  	(pc) =	sbr.rel @p1 .LBB2_29-.Ltmp16, $4  }
0x42b: {  	[tilespmem:s30+$0x4AA0] =	vst v1;
	v1 =	vld [tilespmem:s30+$0x32B0]  }
0x42c: {  	v3 =	vld.idx.msk [tilespmem:v4+s24+$0x0], $0xffff  }
0x42d: {  	v2 =	vld.idx.msk [tilespmem:v5+s24+$0x0], $0xffff  }
0x42e: {  	s2 =	sshra.s32 s31, $0x2;
	s31 =	sadd.s32 $0x200, s31  }
0x42f: {  	v4 =	vld [tilespmem:s2+$0x280]  }
0x430: {  	v5 =	vld [tilespmem:s2+$0x1A80];
	_ =	sdelay $0x1  }
0x431: {  	v1 =	vmul.f32 v1, v3;
	_ =	sdelay $0x1  }
0x432: {  	v1 =	vmul.f32 v2, v1;
	_ =	sdelay $0x1  }
0x433: {  	v2 =	vld [tilespmem:s2+$0x3280];
	[tilespmem:s30+$0x4AB0] =	vst v1  }
0x434: {  	v1 =	vld.idx.msk [tilespmem:v4+s24+$0x0], $0xffff  }
0x435: {  	v3 =	vld.idx.msk [tilespmem:v5+s24+$0x0], $0xffff  }
0x436: {  	v4 =	vld [tilespmem:s2+$0x290]  }
0x437: {  	v5 =	vld [tilespmem:s2+$0x1A90];
	_ =	sdelay $0x1  }
0x438: {  	v1 =	vmul.f32 v2, v1;
	_ =	sdelay $0x1  }
0x439: {  	v1 =	vmul.f32 v3, v1;
	_ =	sdelay $0x1  }
0x43a: {  	v2 =	vld [tilespmem:s2+$0x3290];
	[tilespmem:s2+$0x4A80] =	vst v1  }
0x43b: {  	v1 =	vld.idx.msk [tilespmem:v4+s24+$0x0], $0xffff  }
0x43c: {  	v3 =	vld.idx.msk [tilespmem:v5+s24+$0x0], $0xffff  }
0x43d: {  	v4 =	vld [tilespmem:s2+$0x2A0]  }
0x43e: {  	v5 =	vld [tilespmem:s2+$0x1AA0];
	_ =	sdelay $0x1  }
0x43f: {  	v1 =	vmul.f32 v2, v1;
	_ =	sdelay $0x1  }
0x440: {  	v1 =	vmul.f32 v3, v1;
	_ =	sdelay $0x1  }
0x441: {  	v2 =	vld [tilespmem:s2+$0x32A0];
	[tilespmem:s2+$0x4A90] =	vst v1  }
0x442: {  	v1 =	vld.idx.msk [tilespmem:v4+s24+$0x0], $0xffff  }
0x443: {  	v3 =	vld.idx.msk [tilespmem:v5+s24+$0x0], $0xffff  }
0x444: {  	v4 =	vld [tilespmem:s2+$0x2B0];
	_ =	sdelay $0x1  }
0x445: {  	v5 =	vld [tilespmem:s2+$0x1AB0]  }
0x446: {  	v1 =	vmul.f32 v2, v1;
	_ =	sdelay $0x1  }
0x447: {  	v1 =	vmul.f32 v3, v1;
	_ =	sdelay $0x1  }
0x448: {  	[tilespmem:s2+$0x4AA0] =	vst v1;
	v1 =	vld [tilespmem:s2+$0x32B0]  }
0x449: {  	v2 =	vld.idx.msk [tilespmem:v4+s24+$0x0], $0xffff;
	_ =	sdelay $0x1  }
0x44a: {  	v3 =	vld.idx.msk [tilespmem:v5+s24+$0x0], $0xffff;
	_ =	sdelay $0x2  }
0x44b: {  	v1 =	vmul.f32 v1, v2;
	_ =	sdelay $0x1  }
0x44c: {  	v1 =	vmul.f32 v3, v1;
	_ =	sdelay $0x1  }
0x44d: {  	s30 =	rddreg [dreg:$0xf];
	[tilespmem:s2+$0x4AB0] =	vst v1;
	s2 =	simm.s32 $0x0  }
0x44e: {  	[hbm4b:s30+s2] =	stream.linear.scatter [tilespmem:s26], [sflag:$0x1], $0x1800, $0x38;
	[tilespmem:$0x8E00] =	vst v63  }
0x44f: {  	_ =	swait.ge [sflag:s19], $0x1800  }
0x450: {  	[sflag:s19] =	ssyncset.done $0x0  }
0x451: {  	s30 =	rddreg [dreg:$0x10];
	[sflag:s19] =	ssyncadd.s32 $0xFFFFE800  }
0x452: {  	[tilespmem:s25], [sflag:$0x1] =	stream.linear.gather [hbm4b:s30+s2], $0x1800, $0x38;
	[tilespmem:$0x8E00] =	vst v63  }
0x453: {  	_ =	swait.ge [sflag:s19], $0x1800  }
0x454: {  	[sflag:s19] =	ssyncset.done $0x0  }
0x455: {  	[sflag:s19] =	ssyncadd.s32 $0xFFFFE800  }
0x456: {  	[tilespmem:s20], [sflag:$0x1] =	stream.linear.gather [hbm4b:s13+s2], $0x1800, $0x38;
	[tilespmem:$0x8E00] =	vst v63  }
0x457: {  	_ =	swait.ge [sflag:s19], $0x1800  }
0x458: {  	[sflag:s19] =	ssyncset.done $0x0  }
0x459: {  	[sflag:s19] =	ssyncadd.s32 $0xFFFFE800  }
0x45a: {  	[tilespmem:s21], [sflag:$0x1] =	stream.linear.gather [hbm4b:s15+s2], $0x1800, $0x38;
	[tilespmem:$0x8E00] =	vst v63  }
0x45b: {  	_ =	swait.ge [sflag:s19], $0x1800  }
0x45c: {  	[sflag:s19] =	ssyncset.done $0x0  }
0x45d: {  	s30 =	simm.s32 $0x0;
	[sflag:s19] =	ssyncadd.s32 $0xFFFFE800  }
0x45e: {  	v1 =	vld [tilespmem:s30+$0x280];
	_ =	sdelay $0x1  }
0x45f: {  	v2 =	vld [tilespmem:s30+$0x1A80];
	_ =	sdelay $0x4  }
0x460: {  	v3 =	vld [tilespmem:s30+$0x3280]  }
0x461: {  	v1 =	vld.idx.msk [tilespmem:v1+s24+$0x0], $0xffff  }
0x462: {  	v4 =	vld [tilespmem:s30+$0x290]  }
0x463: {  	v2 =	vld.idx.msk [tilespmem:v2+s24+$0x0], $0xffff  }
0x464: {  	v5 =	vld [tilespmem:s30+$0x1A90];
	_ =	sdelay $0x1  }
0x465: {  	v1 =	vmul.f32 v3, v1;
	_ =	sdelay $0x1  }
0x466: {  	v1 =	vmul.f32 v2, v1;
	_ =	sdelay $0x1  }
0x467: {  	v2 =	vld [tilespmem:s30+$0x3290];
	[tilespmem:s30+$0x4A80] =	vst v1  }
0x468: {  	v1 =	vld.idx.msk [tilespmem:v4+s24+$0x0], $0xffff  }
0x469: {  	v3 =	vld.idx.msk [tilespmem:v5+s24+$0x0], $0xffff  }
0x46a: {  	v4 =	vld [tilespmem:s30+$0x2A0]  }
0x46b: {  	v5 =	vld [tilespmem:s30+$0x1AA0];
	_ =	sdelay $0x1  }
0x46c: {  	v1 =	vmul.f32 v2, v1;
	_ =	sdelay $0x1  }
0x46d: {  	v1 =	vmul.f32 v3, v1;
	_ =	sdelay $0x1  }
0x46e: {  	v2 =	vld [tilespmem:s30+$0x32A0];
	[tilespmem:s30+$0x4A90] =	vst v1  }
0x46f: {  	v1 =	vld.idx.msk [tilespmem:v4+s24+$0x0], $0xffff  }
0x470: {  	v3 =	vld.idx.msk [tilespmem:v5+s24+$0x0], $0xffff  }
0x471: {  	v4 =	vld [tilespmem:s30+$0x2B0]  }
0x472: {  	v5 =	vld [tilespmem:s30+$0x1AB0];
	_ =	sdelay $0x1  }
0x473: {  	v1 =	vmul.f32 v2, v1;
	_ =	sdelay $0x1  }
0x474: {  	v1 =	vmul.f32 v3, v1;
	_ =	sdelay $0x1  }
0x475: {  	[tilespmem:s30+$0x4AA0] =	vst v1;
	v1 =	vld [tilespmem:s30+$0x32B0]  }
0x476: {  	v3 =	vld.idx.msk [tilespmem:v4+s24+$0x0], $0xffff  }
0x477: {  	s31 =	simm.s32 $0x400;
	s2 =	simm.s32 $0x80;
	v2 =	vld.idx.msk [tilespmem:v5+s24+$0x0], $0xffff  }
.LBB2_31:
0x478: {  	p1 =	sne.s32 s31, $0x5E00;
	v4 =	vld [tilespmem:s2+$0x280]  }
0x479: {  	v5 =	vld [tilespmem:s2+$0x1A80];
	_ =	sdelay $0x1  }
0x47a: {  	v1 =	vmul.f32 v1, v3;
	_ =	sdelay $0x1  }
0x47b: {  	v1 =	vmul.f32 v2, v1;
	_ =	sdelay $0x1  }
0x47c: {  	v2 =	vld [tilespmem:s2+$0x3280];
	[tilespmem:s30+$0x4AB0] =	vst v1;
	s30 =	smov.u32 s2  }
0x47d: {  	v1 =	vld.idx.msk [tilespmem:v4+s24+$0x0], $0xffff  }
0x47e: {  	v3 =	vld.idx.msk [tilespmem:v5+s24+$0x0], $0xffff;
	_ =	sdelay $0x1  }
0x47f: {  	v4 =	vld [tilespmem:s30+$0x290];
	_ =	sdelay $0x1  }
0x480: {  	v5 =	vld [tilespmem:s30+$0x1A90]  }
0x481: {  	v1 =	vmul.f32 v2, v1;
	_ =	sdelay $0x1  }
0x482: {  	v1 =	vmul.f32 v3, v1;
	_ =	sdelay $0x1  }
0x483: {  	[tilespmem:s30+$0x4A80] =	vst v1  }
0x484: {  	v1 =	vld.idx.msk [tilespmem:v4+s24+$0x0], $0xffff  }
0x485: {  	v2 =	vld [tilespmem:s30+$0x3290]  }
0x486: {  	v3 =	vld.idx.msk [tilespmem:v5+s24+$0x0], $0xffff  }
0x487: {  	v4 =	vld [tilespmem:s30+$0x2A0];
	_ =	sdelay $0x1  }
0x488: {  	v5 =	vld [tilespmem:s30+$0x1AA0]  }
0x489: {  	v1 =	vmul.f32 v2, v1;
	_ =	sdelay $0x1  }
0x48a: {  	v1 =	vmul.f32 v3, v1;
	_ =	sdelay $0x1  }
0x48b: {  	[tilespmem:s30+$0x4A90] =	vst v1  }
0x48c: {  	v1 =	vld.idx.msk [tilespmem:v4+s24+$0x0], $0xffff  }
0x48d: {  	v2 =	vld [tilespmem:s30+$0x32A0]  }
0x48e: {  	v3 =	vld.idx.msk [tilespmem:v5+s24+$0x0], $0xffff  }
0x48f: {  	v4 =	vld [tilespmem:s30+$0x2B0]  }
0x490: {  	v5 =	vld [tilespmem:s30+$0x1AB0];
	_ =	sdelay $0x1  }
0x491: {  	v1 =	vmul.f32 v2, v1;
	_ =	sdelay $0x1  }
0x492: {  	v1 =	vmul.f32 v3, v1  }
.Ltmp17:
0x493: {  	(pc) =	sbr.rel @p1 .LBB2_31-.Ltmp17, $4  }
0x494: {  	[tilespmem:s30+$0x4AA0] =	vst v1;
	v1 =	vld [tilespmem:s30+$0x32B0]  }
0x495: {  	v3 =	vld.idx.msk [tilespmem:v4+s24+$0x0], $0xffff  }
0x496: {  	v2 =	vld.idx.msk [tilespmem:v5+s24+$0x0], $0xffff  }
0x497: {  	s2 =	sshra.s32 s31, $0x2;
	s31 =	sadd.s32 $0x200, s31  }
.Ltmp18:
0x498: {  	_ = 	snop;
	(pc) =	sbr.rel .LBB2_32-.Ltmp18, $1  }
0x499: {  	_ =	sdelay $0x3  }
.LBB2_34:
0x49a: {  	_ =	sfence.sel $0x180000  }
0x49b: {  	[bflag:$0x0] =	sbarrier.arrive $0xFFFF  }
0x49c: {  	_ =	strace $0x90000047  }
0x49d: {  	s0 =	stileid.u32;
	[bflag:$0x2] =	sbarrier.arrive $0xFFFF  }
0x49e: {  	p0 =	sne.s32 s0, $0x0;
	s0 =	rddreg [dreg:$0x2]  }
0x49f: {  	s0 =	sadd.s32 @!p0 $0x100000, s0  }
0x4a0: {  	[sflag:s0] =	ssyncadd.tile.s32 @!p0 $0x1;
	_ =	shalt  }
.Lfunc_end2:
_tile_overlayer_lowered:
.L_overlay_start_2:
0x4a1: {  	(tag) =	ssettag $0x2  }
0x4a2: {  	s0 =	rddreg [dreg:$0x0];
	s2 =	stileid.u32  }
0x4a3: {  	s1 =	rddreg [dreg:$0x1];
	p0 =	sne.s32 s2, $0x0  }
0x4a4: {  	s3 =	rddreg [dreg:$0x2];
	[bflag:$0x3] =	sbarrier.arrive $0xFFFF;
	s2 =	simm.s32 @!p0 $0x1C01  }
0x4a5: {  	[timem:s3], [sflag:s2] =	dma.local @!p0 [hbm:s0], s1  }
0x4a6: {  	s0 =	simm.s32 @!p0 $0x1  }
0x4a7: {  	_ =	swait.ge @!p0 [sflag:s0], s1  }
0x4a8: {  	s1 =	ssub.s32 @!p0 $0x0, s1;
	[sflag:s0] =	ssyncset.done @!p0 $0x0  }
0x4a9: {  	[sflag:s0] =	ssyncadd.s32 @!p0 s1  }
0x4aa: {  	[bflag:$0x3] =	sbarrier.arrive $0xFFFF  }
0x4ab: {  	_ =	shalt  }

// kernel: kernel.8.cloned.1.call-start
scs
__scs_entry_jumppad:
0x0: {  	(pc) =	sbr.rel $0x88, $3  }
0x1: {  	(tag) =	ssettag $0x0;
	lr =	simm.s32 $0x1  }
0x2: {  	[smem:$0x3F9C] =	sst lr;
	_ =	strace $0xD0000000  }
0x3: {  	_ = 	snop  }
0x4: {  	_ = 	snop  }
0x5: {  	_ = 	snop  }
0x6: {  	_ = 	snop  }
0x7: {  	_ = 	snop  }
__scs_overlays_trampoline_lowered:
0x8: {  	[smem:$0x3FAB] =	sst s0  }
0x9: {  	[smem:$0x3FAC] =	sst s1  }
0xa: {  	[smem:$0x3FAD] =	sst s2  }
0xb: {  	[smem:$0x3FAE] =	sst s3  }
0xc: {  	[smem:$0x3FAF] =	sst s4  }
0xd: {  	[smem:$0x3FB0] =	sst s5  }
0xe: {  	[smem:$0x3FB1] =	sst s6  }
0xf: {  	[smem:$0x3FB2] =	sst s7  }
0x10: {  	[smem:$0x3FB3] =	sst s8  }
0x11: {  	[smem:$0x3FB4] =	sst s9;
	s0 =	simm.s32 @!p0 $0x0  }
0x12: {  	s1 =	sld [smem:$0x3F9A];
	s0 =	simm.s32 @p0 $0x1  }
0x13: {  	[smem:$0x3FB5] =	sst s0;
	s0 =	simm.s32 @!p1 $0x0  }
0x14: {  	s2 =	sld [smem:$0x3F99];
	s0 =	simm.s32 @p1 $0x1  }
0x15: {  	[smem:$0x3FB6] =	sst s0;
	s0 =	simm.s32 @!p2 $0x0  }
0x16: {  	s3 =	sld [smem:$0x3FDB];
	s0 =	simm.s32 @p2 $0x1  }
0x17: {  	s4 =	simm.s32 $0x1BF5;
	[smem:$0x3FB8] =	sst s0  }
0x18: {  	s0 =	sld [smem:$0x3F9B];
	_ =	swait.ge [sflag:s4], $0x0  }
0x19: {  	s7 =	sld [smem:$0x3F9C]  }
0x1a: {  	s8 =	sadd.s32 $0xFFFFE003, lr  }
0x1b: {  	s9 =	sadd.s32 $0xFFFFFEF7, lr;
	s5 =	simm.s32 $0xFFFFFFFF;
	p2 =	slt.u32 s8, $0xFFFFF086  }
0x1c: {  	p1 =	slt.u32 s9, $0xF7A;
	s5 =	simm.s32 @!p2 $0x0  }
0x1d: {  	s5 =	simm.s32 @p1 $0x1;
	p0 =	seq.s32 s7, s2  }
0x1e: {  	s7 =	smul.u32 @!p0 $0xF7A, s2;
	p2 =	seq.s32 @!p0 s5, $0x0  }
0x1f: {  	s9 =	smul.u32 $0xF7A, s1;
	s8 =	simm.s32 @!p0 $0x1BF5;
	p2 =	por !p2, p0  }
0x20: {  	[sflag:s8] =	ssyncset.s32 @!p0 $0xFFFFF086;
	s6 =	sadd.s32 @!p0 s3, s7;
	s7 =	simm.s32 @!p0 $0x108  }
0x21: {  	s3 =	sadd.s32 s3, s9;
	s6 =	sadd.s32 @!p0 $0x88, s6;
	s7 =	simm.s32 @p2 $0x1082  }
0x22: {  	[simem:s7], [sflag:s8] =	dma.local @!p0 [hbm:s6], $0xF7A  }
0x23: {  	s9 =	sor.u32 $0xD0000000, s2;
	s6 =	simm.s32 $0x108;
	_ =	swait.ge @!p0 [sflag:s8], $0x0  }
0x24: {  	s3 =	sadd.s32 $0x88, s3;
	s6 =	simm.s32 @!p1 $0x1082;
	[sflag:s4] =	ssyncset.s32 $0xFFFFF086  }
0x25: {  	[simem:s6], [sflag:s4] =	dma.local [hbm:s3], $0xF7A  }
0x26: {  	[smem:$0x3F9C] =	sst s1;
	(tag) =	ssettag s2;
	_ =	strace s9  }
0x27: {  	s1 =	sld [smem:$0x3FAC]  }
0x28: {  	s2 =	sld [smem:$0x3FAD]  }
0x29: {  	s4 =	sld [smem:$0x3FAF]  }
0x2a: {  	p0 =	seq.s32 s5, $0x0;
	s5 =	sld [smem:$0x3FB0]  }
0x2b: {  	s6 =	sld [smem:$0x3FB1]  }
0x2c: {  	s7 =	sld [smem:$0x3FB2]  }
0x2d: {  	s3 =	simm.s32 $0x108;
	s8 =	sld [smem:$0x3FB3]  }
0x2e: {  	s3 =	simm.s32 @!p0 $0x1082;
	s9 =	sld [smem:$0x3FB4]  }
0x2f: {  	lr =	sadd.s32 s0, s3;
	s0 =	sld [smem:$0x3FAB]  }
0x30: {  	s3 =	sld [smem:$0x3FAE]  }
0x31: {  	[smem:$0x3FB7] =	sst s10  }
0x32: {  	s10 =	sld [smem:$0x3FB5];
	_ =	sdelay $0x3  }
0x33: {  	p0 =	seq.s32 s10, $0x1;
	s10 =	sld [smem:$0x3FB7];
	_ =	sdelay $0x3  }
0x34: {  	[smem:$0x3FB7] =	sst s10  }
0x35: {  	s10 =	sld [smem:$0x3FB6];
	_ =	sdelay $0x3  }
0x36: {  	p1 =	seq.s32 s10, $0x1;
	s10 =	sld [smem:$0x3FB7];
	_ =	sdelay $0x3  }
0x37: {  	[smem:$0x3FB7] =	sst s10  }
0x38: {  	s10 =	sld [smem:$0x3FB8]  }
0x39: {  	_ = 	snop;
	(pc) =	sbr.ind lr, $3  }
0x3a: {  	_ = 	snop  }
0x3b: {  	_ = 	snop  }
0x3c: {  	p2 =	seq.s32 s10, $0x1;
	s10 =	sld [smem:$0x3FB7]  }
0x3d: {  	_ =	shalt  }
0x3e: {  	_ =	shalt  }
0x3f: {  	_ =	shalt  }
0x40: {  	_ =	shalt  }
0x41: {  	_ =	shalt  }
0x42: {  	_ =	shalt  }
0x43: {  	_ =	shalt  }
0x44: {  	_ =	shalt  }
0x45: {  	_ =	shalt  }
0x46: {  	_ =	shalt  }
0x47: {  	_ =	shalt  }
0x48: {  	_ =	shalt  }
0x49: {  	_ =	shalt  }
0x4a: {  	_ =	shalt  }
0x4b: {  	_ =	shalt  }
0x4c: {  	_ =	shalt  }
0x4d: {  	_ =	shalt  }
0x4e: {  	_ =	shalt  }
0x4f: {  	_ =	shalt  }
0x50: {  	_ =	shalt  }
0x51: {  	_ =	shalt  }
0x52: {  	_ =	shalt  }
0x53: {  	_ =	shalt  }
0x54: {  	_ =	shalt  }
0x55: {  	_ =	shalt  }
0x56: {  	_ =	shalt  }
0x57: {  	_ =	shalt  }
0x58: {  	_ =	shalt  }
0x59: {  	_ =	shalt  }
0x5a: {  	_ =	shalt  }
0x5b: {  	_ =	shalt  }
0x5c: {  	_ =	shalt  }
0x5d: {  	_ =	shalt  }
0x5e: {  	_ =	shalt  }
0x5f: {  	_ =	shalt  }
0x60: {  	_ =	shalt  }
0x61: {  	_ =	shalt  }
0x62: {  	_ =	shalt  }
0x63: {  	_ =	shalt  }
0x64: {  	_ =	shalt  }
0x65: {  	_ =	shalt  }
0x66: {  	_ =	shalt  }
0x67: {  	_ =	shalt  }
0x68: {  	_ =	shalt  }
0x69: {  	_ =	shalt  }
0x6a: {  	_ =	shalt  }
0x6b: {  	_ =	shalt  }
0x6c: {  	_ =	shalt  }
0x6d: {  	_ =	shalt  }
0x6e: {  	_ =	shalt  }
0x6f: {  	_ =	shalt  }
0x70: {  	_ =	shalt  }
0x71: {  	_ =	shalt  }
0x72: {  	_ =	shalt  }
0x73: {  	_ =	shalt  }
0x74: {  	_ =	shalt  }
0x75: {  	_ =	shalt  }
0x76: {  	_ =	shalt  }
0x77: {  	_ =	shalt  }
0x78: {  	_ =	shalt  }
0x79: {  	_ =	shalt  }
0x7a: {  	_ =	shalt  }
0x7b: {  	_ =	shalt  }
0x7c: {  	_ =	shalt  }
0x7d: {  	_ =	shalt  }
0x7e: {  	_ =	shalt  }
0x7f: {  	_ =	shalt  }
0x80: {  	_ =	shalt  }
0x81: {  	_ =	shalt  }
0x82: {  	_ =	shalt  }
0x83: {  	_ =	shalt  }
0x84: {  	_ =	shalt  }
0x85: {  	_ =	shalt  }
0x86: {  	_ =	shalt  }
0x87: {  	_ =	shalt  }
.Lfunc_end0:
.L_simem_size_0:
called_computation.1_lowered:
.L_overlay_start_0:
0x88: {  	s2 =	sld [smem:$0x3FD9]  }
0x89: {  	s3 =	sld [smem:$0x3FFE];
	_ =	sdelay $0x1  }
0x8a: {  	s1 =	srdreg.scid  }
0x8b: {  	s0 =	sand.u32 $0x1, s1  }
0x8c: {  	s17 =	sshll.u32 s0, $0xA;
	s2 =	sadd.s32 s3, s2  }
0x8d: {  	s2 =	sadd.s32 s2, s17  }
0x8e: {  	[smem:$0x3FC3] =	sst s2  }
0x8f: {  	_ = 	snop  }
0x90: {  	s2 =	sld [smem:$0x3FD0];
	(tm) =	ssettm $0x1  }
0x91: {  	s18 =	sld [smem:$0x3FFB];
	_ =	sdelay $0x3  }
0x92: {  	_ =	strace s18  }
0x93: {  	s3 =	sld [smem:$0x3FFC];
	_ =	sdelay $0x3  }
0x94: {  	_ =	strace s3  }
0x95: {  	s3 =	sld [smem:$0x3FFD];
	_ =	sdelay $0x3  }
0x96: {  	_ =	strace s3  }
0x97: {  	_ =	strace $0x8FFFFFFF  }
0x98: {  	s19 =	sld [smem:$0x3FDB];
	_ =	sdelay $0x1  }
0x99: {  	s4 =	simm.s32 $_scs_section_size  }
0x9a: {  	s5 =	simm.s32 $_size__tile_overlayer_lowered;
	s6 =	simm.s32 $_tile_overlayer_lowered  }
0x9b: {  	s22 =	simm.s32 $0x1BFF;
	s21 =	sshll.u32 s6, $0x1;
	s3 =	sadd.s32 s4, s19  }
0x9c: {  	s7 =	simm.s32 $0x0;
	s20 =	sshll.u32 s5, $0x1;
	s5 =	sadd.s32 s21, s3  }
0x9d: {  	[timem:s7], [sflag:s22] =	dma.local [hbm:s5], s20  }
0x9e: {  	_ =	swait.ge [sflag:s22], s20  }
0x9f: {  	s4 =	ssub.s32 $0x0, s20;
	[sflag:s22] =	ssyncset.done $0x0  }
0xa0: {  	[sflag:s22] =	ssyncadd.s32 s4;
	_ =	sdelay $0x1  }
0xa1: {  	s23 =	simm.s32 $0x1B8B  }
0xa2: {  	_ =	swait.ge [sflag:s23], $0x1  }
0xa3: {  	[sflag:s23] =	ssyncset.done $0x0  }
0xa4: {  	s25 =	simm.s32 $0x1B8E;
	s24 =	sld [smem:$0x3FFE];
	[sflag:s23] =	ssyncadd.s32 $0xFFFFFFFF  }
0xa5: {  	s26 =	simm.s32 $execute0_lowered;
	[smem:$0x3FD2] =	sst s25  }
0xa6: {  	s5 =	sshll.u32 s26, $0x1;
	_ =	strace $0x80000049;
	[dreg:$0x1] =	wrdreg $0xFFFFFFFF  }
0xa7: {  	s28 =	simm.s32 $_size_execute0_lowered;
	s3 =	sadd.s32 s3, s5;
	[dreg:$0x0] =	wrdreg $0x0  }
0xa8: {  	s5 =	sshll.u32 s28, $0x1;
	[dreg:$0x2] =	wrdreg s3  }
0xa9: {  	[dreg:$0x3] =	wrdreg s5  }
0xaa: {  	[dreg:$0x4] =	wrdreg $0xC0  }
0xab: {  	_ =	task [dreg:s7], $0x5FFFF  }
0xac: {  	[dreg:$0x1] =	wrdreg $0xFFFFFFFF  }
0xad: {  	[dreg:$0x0] =	wrdreg $0x60  }
0xae: {  	[dreg:$0x2] =	wrdreg s2  }
0xaf: {  	[dreg:$0x3] =	wrdreg s24  }
0xb0: {  	[dreg:$0x4] =	wrdreg $0x0  }
0xb1: {  	[dreg:$0x5] =	wrdreg $0x9  }
0xb2: {  	_ =	task.clear_ibuf [dreg:s7], $0x6FFFF;
	_ =	strace $0x90000049  }
0xb3: {  	s29 =	simm.s32 $0x9;
	_ =	strace $0x8000004B  }
0xb4: {  	_ =	swait.ge [sflag:s29], $0x1  }
0xb5: {  	[sflag:s29] =	ssyncadd.s32 $0xFFFFFFFF  }
0xb6: {  	_ =	strace $0x9000004B  }
0xb7: {  	_ =	sfence  }
0xb8: {  	s30 =	sld [smem:$0x0];
	_ =	sdelay $0x2  }
0xb9: {  	s31 =	sshll.u32 s1, $0xD;
	s1 =	sshrl.u32 s1, $0x2  }
0xba: {  	s3 =	sand.u32 $0x4000, s31;
	s1 =	sadd.s32 s1, s30  }
0xbb: {  	s0 =	sor.u32 s3, s0;
	s1 =	sshll.u32 s1, $0x11  }
0xbc: {  	s0 =	sor.u32 s1, s0  }
0xbd: {  	s0 =	sadd.s32 $0x8F2B, s0  }
0xbe: {  	[sflag:s0] =	ssyncadd.remote.s32 $0x1  }
0xbf: {  	_ =	sfence.sel $0xFFFF  }
0xc0: {  	[dreg:$0x0] =	wrdreg $0xFFFFFFFF;
	(pc) =	sbr.abs _section_cstart, $3  }
0xc1: {  	[dreg:$0x1] =	wrdreg $0xFFFFFFFF  }
0xc2: {  	_ =	task.clear_ibuf [dreg:s7], $0x2FFFF;
	_ =	strace $0x9FFFFFFF  }
0xc3: {  	(tm) =	ssettm $0x7FFFFFFF  }
tec
execute0_lowered:
.L_overlay_start_1:
0x0: {  	(tag) =	ssettag $0x1  }
0x1: {  	s1 =	rddreg [dreg:$0x0]  }
0x2: {  	s0 =	rddreg [dreg:$0x1]  }
0x3: {  	s2 =	rddreg [dreg:$0x2]  }
0x4: {  	s12 =	simm.s32 $0x0;
	s11 =	stileid.u32;
	s4 =	srdreg.scid  }
0x5: {  	s16 =	simm.s32 $0x7;
	s19 =	simm.s32 $0x17000;
	s20 =	simm.s32 $0x40  }
0x6: {  	s21 =	simm.s32 $0x1E800;
	s22 =	simm.s32 $0x18800;
	s28 =	simm.s32 $0x1  }
0x7: {  	s29 =	simm.s32 $0x2;
	s30 =	simm.s32 $0x3;
	s3 =	smul.u32 $0x2800, s11  }
0x8: {  	s31 =	simm.s32 $0x4;
	[smem:$0x7FF] =	sst s12;
	s10 =	smul.u32 $0x50000, s11  }
0x9: {  	s5 =	sadd.s32 $0x15600, s0;
	s6 =	sadd.s32 $0x2A600, s0;
	s9 =	smul.u32 $0x150, s11  }
0xa: {  	s7 =	sadd.s32 $0x3F600, s0;
	s4 =	sand.u32 $0x1, s4;
	s25 =	smul.u32 $0x280, s11  }
0xb: {  	s26 =	sshll.u32 s11, $0x6;
	_ =	strace $0x8000004A;
	s8 =	ssub.s32 $0x2, s4  }
0xc: {  	s4 =	smul.u32 $0x6, s4;
	s3 =	sadd.s32 s3, s0;
	s0 =	sadd.s32 $0x7C600, s0  }
0xd: {  	s23 =	sshrl.u32 s8, $0x1;
	s24 =	sshrl.u32 s10, $0x2;
	[dreg:$0x7] =	wrdreg s25  }
0xe: {  	s25 =	simm.s32 $0x1E900;
	[dreg:$0x5] =	wrdreg s0;
	s0 =	ssub.s32 s8, s23  }
0xf: {  	[dreg:$0x6] =	wrdreg s4;
	s4 =	sadd.s32 s24, s2;
	s3 =	sadd.s32 $0x54600, s3  }
0x10: {  	s8 =	sor.u32 $0x1C07, s26;
	s23 =	simm.s32 $0x1E880;
	[dreg:$0x8] =	wrdreg s3  }
0x11: {  	s24 =	simm.s32 $0x1A800;
	s0 =	smax.u32 s0, $0x1;
	[dreg:$0x9] =	wrdreg s8  }
0x12: {  	s26 =	simm.s32 $0x1C800;
	s10 =	sshrl.u32 s4, $0x3;
	[dreg:$0xa] =	wrdreg s0  }
0x13: {  	s3 =	simm.s32 $0x6;
	s0 =	simm.s32 $0x5;
	[dreg:$0xb] =	wrdreg s10  }
.LBB2_1:
0x14: {  	[dreg:$0x4] =	wrdreg s12;
	s11 =	simm.s32 $0x0  }
.LBB2_2:
0x15: {  	s4 =	rddreg [dreg:$0x8]  }
0x16: {  	[spmem:s10], [sflag:s8] =	dma.local [hbm:s4], $0x2800  }
0x17: {  	[dreg:$0xc] =	wrdreg s11  }
0x18: {  	s4 =	rddreg [dreg:$0x6]  }
0x19: {  	_ =	swait.ge [sflag:s16], $0x2800;
	s4 =	sadd.s32 s4, s11  }
0x1a: {  	[sflag:s16] =	ssyncset.done $0x0;
	[dreg:$0xd] =	wrdreg s4;
	s4 =	smul.u32 $0x2710, s4  }
0x1b: {  	[sflag:s16] =	ssyncadd.s32 $0xFFFFD800  }
0x1c: {  	s8 =	simm.s32 $0x0;
	s10 =	simm.s32 $0x0;
	[bflag:$0x0] =	sbarrier.arrive $0xFFFF;
	v0 =	vmov s4  }
.LBB2_3:
0x1d: {  	s4 =	smul.u32 $0x30, s10;
	_ =	sdelay $0x1  }
0x1e: {  	s4 =	sadd.s32 s9, s4  }
0x1f: {  	s4 =	sshll.u32 s4, $0x4  }
0x20: {  	s12 =	simm.s32 $0x14000;
	s11 =	sadd.s32 s5, s4  }
0x21: {  	[tilespmem:s12], [sflag:$0x7] =	stream.linear.gather [hbm4b:s11+s8], $0x1800, $0x38;
	[tilespmem:$0x1E980] =	vst v63  }
0x22: {  	_ =	swait.ge [sflag:s16], $0x1800  }
0x23: {  	[sflag:s16] =	ssyncset.done $0x0  }
0x24: {  	s18 =	simm.s32 $0x15800;
	s17 =	sadd.s32 s6, s4;
	[sflag:s16] =	ssyncadd.s32 $0xFFFFE800  }
0x25: {  	[tilespmem:s18], [sflag:$0x7] =	stream.linear.gather [hbm4b:s17+s8], $0x1800, $0x38;
	[tilespmem:$0x1E980] =	vst v63  }
0x26: {  	_ =	swait.ge [sflag:s16], $0x1800  }
0x27: {  	[sflag:s16] =	ssyncset.done $0x0  }
0x28: {  	s4 =	sadd.s32 s7, s4;
	[sflag:s16] =	ssyncadd.s32 $0xFFFFE800  }
0x29: {  	[tilespmem:s19], [sflag:$0x7] =	stream.linear.gather [hbm4b:s4+s8], $0x1800, $0x38;
	[tilespmem:$0x1E980] =	vst v63  }
0x2a: {  	_ =	swait.ge [sflag:s16], $0x1800  }
0x2b: {  	[sflag:s16] =	ssyncset.done $0x0  }
0x2c: {  	[sflag:s16] =	ssyncadd.s32 $0xFFFFE800  }
0x2d: {  	v1 =	vld [tilespmem:$0x14000]  }
0x2e: {  	v2 =	vld [tilespmem:$0x14010]  }
0x2f: {  	v3 =	vld [tilespmem:$0x14020]  }
0x30: {  	v4 =	vld [tilespmem:$0x14030];
	_ =	sdelay $0x1  }
0x31: {  	v1 =	vadd.s32 v0, v1  }
0x32: {  	[tilespmem:$0x1E800] =	vst v1;
	v1 =	vadd.s32 v0, v2  }
0x33: {  	[tilespmem:$0x1E810] =	vst v1;
	v1 =	vadd.s32 v0, v3  }
0x34: {  	[tilespmem:$0x1E820] =	vst v1;
	v1 =	vadd.s32 v0, v4  }
0x35: {  	[tilespmem:$0x1E830] =	vst v1  }
0x36: {  	[tilespmem:s22], [sflag:$0x1] =	stream.indirect.gather [hbm4b:s1+s20], $0x80, s21, s20, $0xb8;
	[tilespmem:$0x1E980] =	vst v63  }
0x37: {  	v1 =	vld [tilespmem:$0x14080]  }
0x38: {  	v2 =	vld [tilespmem:$0x14090]  }
0x39: {  	v3 =	vld [tilespmem:$0x140A0]  }
0x3a: {  	v63 =	vld [tilespmem:$0x140B0];
	_ =	sdelay $0x1  }
0x3b: {  	v1 =	vadd.s32 v0, v1  }
0x3c: {  	[tilespmem:$0x1E880] =	vst v1;
	v1 =	vadd.s32 v0, v2  }
0x3d: {  	[tilespmem:$0x1E890] =	vst v1;
	v1 =	vadd.s32 v0, v3  }
0x3e: {  	[tilespmem:$0x1E8A0] =	vst v1;
	v1 =	vadd.s32 v0, v63  }
0x3f: {  	s11 =	simm.s32 $0x0;
	[tilespmem:$0x1E8B0] =	vst v1  }
0x40: {  	[tilespmem:s24], [sflag:$0x2] =	stream.indirect.gather [hbm4b:s1+s20], $0x80, s23, s20, $0xb8;
	[tilespmem:$0x1E980] =	vst v63  }
.LBB2_4:
0x41: {  	p0 =	seq.s32 s11, $0x0  }
0x42: {  	v1 =	vld @p0 [tilespmem:$0x14100]  }
0x43: {  	v2 =	vld @p0 [tilespmem:$0x14110]  }
0x44: {  	v3 =	vld @p0 [tilespmem:$0x14120]  }
0x45: {  	v4 =	vld @p0 [tilespmem:$0x14130];
	_ =	sdelay $0x1  }
0x46: {  	v1 =	vadd.s32 @p0 v0, v1  }
0x47: {  	[tilespmem:$0x1E900] =	vst @p0 v1;
	v1 =	vadd.s32 @p0 v0, v2  }
0x48: {  	s4 =	smul.u32 @!p0 $0x600, s11;
	[tilespmem:$0x1E910] =	vst @p0 v1;
	v1 =	vadd.s32 @p0 v0, v3  }
0x49: {  	[tilespmem:$0x1E920] =	vst @p0 v1;
	v1 =	vadd.s32 @p0 v0, v4  }
0x4a: {  	s4 =	sshra.s32 @!p0 s4, $0x2;
	[tilespmem:$0x1E930] =	vst @p0 v1  }
0x4b: {  	v1 =	vld @!p0 [tilespmem:s4+$0x14100];
	_ =	sdelay $0x4  }
0x4c: {  	v1 =	vadd.s32 @!p0 v0, v1  }
0x4d: {  	[tilespmem:$0x1E900] =	vst @!p0 v1  }
0x4e: {  	v1 =	vld @!p0 [tilespmem:s4+$0x14110];
	_ =	sdelay $0x4  }
0x4f: {  	v1 =	vadd.s32 @!p0 v0, v1  }
0x50: {  	[tilespmem:$0x1E910] =	vst @!p0 v1  }
0x51: {  	v1 =	vld @!p0 [tilespmem:s4+$0x14120];
	_ =	sdelay $0x4  }
0x52: {  	v1 =	vadd.s32 @!p0 v0, v1  }
0x53: {  	[tilespmem:$0x1E920] =	vst @!p0 v1  }
0x54: {  	v1 =	vld @!p0 [tilespmem:s4+$0x14130];
	_ =	sdelay $0x4  }
0x55: {  	v1 =	vadd.s32 @!p0 v0, v1  }
0x56: {  	s12 =	smul.u32 $0x3, s11;
	s4 =	simm.s32 @!p0 $0x6;
	[tilespmem:$0x1E930] =	vst @!p0 v1  }
0x57: {  	s13 =	simm.s32 $0x0;
	_ =	swait.ge @!p0 [sflag:s4], $0x2000  }
0x58: {  	s14 =	sshll.u32 s12, $0x7;
	v2 =	vmov s13;
	[sflag:s4] =	ssyncset.done @!p0 $0x0  }
0x59: {  	v2 =	vand.u32 $0x7F, v2;
	v1 =	vmov s14;
	[sflag:s4] =	ssyncadd.s32 @!p0 $0xFFFFE000  }
0x5a: {  	v2 =	vadd.s32 v1, v2;
	[tilespmem:s26], [sflag:$0x3] =	stream.indirect.gather [hbm4b:s1+s20], $0x80, s25, s20, $0xb8;
	[tilespmem:$0x1E980] =	vst v63  }
0x5b: {  	v2 =	vbroadcast v2, $0x0;
	_ =	swait.ge [sflag:s28], $0x2000  }
0x5c: {  	[sflag:s28] =	ssyncset.done $0x0  }
0x5d: {  	s13 =	simm.s32 $0x18840;
	[sflag:s28] =	ssyncadd.s32 $0xFFFFE000  }
0x5e: {  	v6 =	vld [tilespmem:s13+$0x30]  }
0x5f: {  	v9 =	vld [tilespmem:s13+$0x10]  }
0x60: {  	v7 =	vld [tilespmem:s13+$0xFFFFFFC0]  }
0x61: {  	v3 =	vld.idx.msk [tilespmem:v2+s19+$0x0], $0xffff  }
0x62: {  	v12 =	vld [tilespmem:s13+$0xFFFFFFE0]  }
0x63: {  	v2 =	vld [tilespmem:s13+$0xFFFFFFF0]  }
0x64: {  	v4 =	vld [tilespmem:s13+$0x20]  }
0x65: {  	v5 =	vld [tilespmem:s13+$0xFFFFFFD0]  }
0x66: {  	v10 =	vmul.f32 v6, v3;
	v6 =	vld [tilespmem:s13+$0x0]  }
0x67: {  	s18 =	simm.s32 $0x1;
	v8 =	vmul.f32 v7, v3  }
0x68: {  	v11 =	vmov s18;
	s14 =	simm.s32 $0x2;
	s4 =	simm.s32 $0x18840;
	v7 =	vmul.f32 v12, v3;
	v9 =	vmul.f32 v9, v3  }
.LBB2_5:
0x69: {  	p0 =	sne.s32 s14, $0x3F  }
0x6a: {  	v11 =	vand.u32 $0x7F, v11;
	v5 =	vmul.f32 v5, v3;
	v4 =	vmul.f32 v4, v3;
	[tilespmem:s13+$0x30] =	vst v10;
	s4 =	sadd.s32 $0x80, s4;
	s15 =	smov.u32 s14;
	s14 =	sadd.s32 $0x1, s14  }
0x6b: {  	v10 =	vadd.s32 v1, v11;
	[tilespmem:s13+$0xFFFFFFC0] =	vst v8;
	v8 =	vmul.f32 v2, v3;
	v3 =	vmul.f32 v6, v3  }
0x6c: {  	v6 =	vbroadcast v10, $0x0;
	[tilespmem:s13+$0x10] =	vst v9  }
0x6d: {  	[tilespmem:s13+$0xFFFFFFE0] =	vst v7  }
0x6e: {  	v2 =	vld [tilespmem:s4+$0xFFFFFFF0];
	[tilespmem:s13+$0xFFFFFFF0] =	vst v8  }
0x6f: {  	v7 =	vld [tilespmem:s4+$0x30];
	[tilespmem:s13+$0x0] =	vst v3  }
0x70: {  	v9 =	vld [tilespmem:s4+$0x10];
	[tilespmem:s13+$0x20] =	vst v4  }
0x71: {  	v8 =	vld [tilespmem:s4+$0xFFFFFFC0];
	[tilespmem:s13+$0xFFFFFFD0] =	vst v5;
	s13 =	smov.u32 s4  }
0x72: {  	v3 =	vld.idx.msk [tilespmem:v6+s19+$0x0], $0xffff  }
0x73: {  	v12 =	vld [tilespmem:s4+$0xFFFFFFE0]  }
0x74: {  	v4 =	vld [tilespmem:s4+$0x20]  }
.Ltmp0:
0x75: {  	v5 =	vld [tilespmem:s4+$0xFFFFFFD0];
	(pc) =	sbr.rel @p0 .LBB2_5-.Ltmp0, $3  }
0x76: {  	v6 =	vld [tilespmem:s4+$0x0];
	_ =	sdelay $0x1  }
0x77: {  	v8 =	vmul.f32 v8, v3;
	v10 =	vmul.f32 v7, v3  }
0x78: {  	v11 =	vmov s15;
	v9 =	vmul.f32 v9, v3;
	v7 =	vmul.f32 v12, v3  }
0x79: {  	[tilespmem:s13+$0xFFFFFFC0] =	vst v8;
	v8 =	vand.u32 $0x7F, v11  }
0x7a: {  	[tilespmem:s13+$0x30] =	vst v10;
	v1 =	vadd.s32 v1, v8  }
0x7b: {  	v2 =	vmul.f32 v2, v3;
	[tilespmem:s13+$0x10] =	vst v9;
	v1 =	vbroadcast v1, $0x0  }
0x7c: {  	s4 =	sadd.s32 $0x80, s4;
	[tilespmem:s13+$0xFFFFFFE0] =	vst v7;
	v6 =	vmul.f32 v6, v3  }
0x7d: {  	v4 =	vmul.f32 v4, v3;
	v7 =	vld [tilespmem:s4+$0xFFFFFFF0];
	[tilespmem:s13+$0xFFFFFFF0] =	vst v2  }
0x7e: {  	v3 =	vmul.f32 v5, v3;
	v2 =	vld [tilespmem:s4+$0x30];
	[tilespmem:s13+$0x0] =	vst v6  }
0x7f: {  	v5 =	vld [tilespmem:s4+$0x10];
	[tilespmem:s13+$0x20] =	vst v4  }
0x80: {  	v4 =	vld [tilespmem:s4+$0xFFFFFFC0];
	[tilespmem:s13+$0xFFFFFFD0] =	vst v3  }
0x81: {  	v1 =	vld.idx.msk [tilespmem:v1+s19+$0x0], $0xffff;
	_ =	sdelay $0x2  }
0x82: {  	v3 =	vld [tilespmem:s4+$0xFFFFFFE0];
	_ =	sdelay $0x1  }
0x83: {  	v6 =	vld [tilespmem:s4+$0x0];
	v2 =	vmul.f32 v2, v1  }
0x84: {  	v8 =	vld [tilespmem:s4+$0x20];
	v4 =	vmul.f32 v4, v1  }
0x85: {  	v9 =	vld [tilespmem:s4+$0xFFFFFFD0];
	v5 =	vmul.f32 v5, v1;
	[tilespmem:s4+$0x30] =	vst v2  }
0x86: {  	v2 =	vmul.f32 v3, v1;
	[tilespmem:s4+$0xFFFFFFC0] =	vst v4  }
0x87: {  	v3 =	vmul.f32 v7, v1;
	[tilespmem:s4+$0x10] =	vst v5  }
0x88: {  	v4 =	vmul.f32 v6, v1;
	[tilespmem:s4+$0xFFFFFFE0] =	vst v2  }
0x89: {  	s13 =	smul.u32 $0x600, s11;
	v2 =	vmul.f32 v8, v1;
	[tilespmem:s4+$0xFFFFFFF0] =	vst v3  }
0x8a: {  	v1 =	vmul.f32 v9, v1;
	[tilespmem:s4+$0x0] =	vst v4  }
0x8b: {  	p0 =	seq.s32 s11, $0xF;
	s14 =	sshra.s32 s13, $0x2;
	[tilespmem:s4+$0x20] =	vst v2  }
0x8c: {  	s13 =	sshra.s32 @!p0 s13, $0x2;
	s14 =	sadd.s32 $0x15800, s14;
	[tilespmem:s4+$0xFFFFFFD0] =	vst v1  }
0x8d: {  	[spmem:s2] =	stream.indirect.scatter.add.f32 [tilespmem:s22], [sflag:$0x4], $0x80, s14, s20, $0xb8;
	[tilespmem:$0x1E980] =	vst v63  }
0x8e: {  	v1 =	vld @!p0 [tilespmem:s13+$0x14180];
	_ =	sdelay $0x4  }
0x8f: {  	v1 =	vadd.s32 @!p0 v0, v1  }
0x90: {  	[tilespmem:$0x1E800] =	vst @!p0 v1  }
0x91: {  	v1 =	vld @!p0 [tilespmem:s13+$0x14190];
	_ =	sdelay $0x4  }
0x92: {  	v1 =	vadd.s32 @!p0 v0, v1  }
0x93: {  	[tilespmem:$0x1E810] =	vst @!p0 v1  }
0x94: {  	v1 =	vld @!p0 [tilespmem:s13+$0x141A0];
	_ =	sdelay $0x4  }
0x95: {  	v1 =	vadd.s32 @!p0 v0, v1  }
0x96: {  	[tilespmem:$0x1E820] =	vst @!p0 v1  }
0x97: {  	v1 =	vld @!p0 [tilespmem:s13+$0x141B0];
	_ =	sdelay $0x4  }
0x98: {  	v1 =	vadd.s32 @!p0 v0, v1  }
0x99: {  	s4 =	simm.s32 @!p0 $0x4;
	[tilespmem:$0x1E830] =	vst @!p0 v1  }
0x9a: {  	s15 =	sadd.s32 $0x1, s12;
	s17 =	simm.s32 $0x0;
	_ =	swait.ge @!p0 [sflag:s4], $0x2000  }
0x9b: {  	s15 =	sshll.u32 s15, $0x7;
	v2 =	vmov s17;
	s17 =	simm.s32 @!p0 $0x18800;
	[sflag:s4] =	ssyncset.done @!p0 $0x0  }
0x9c: {  	s14 =	simm.s32 @!p0 $0x1E800;
	v2 =	vand.u32 $0x7F, v2;
	v1 =	vmov s15;
	[sflag:s4] =	ssyncadd.s32 @!p0 $0xFFFFE000;
	s4 =	simm.s32 @!p0 $0x40  }
0x9d: {  	v2 =	vadd.s32 v1, v2;
	[tilespmem:s17], [sflag:$0x1] =	stream.indirect.gather @!p0 [hbm4b:s1+s4], $0x80, s14, s4, $0xb8;
	[tilespmem:$0x1E980] =	vst v63  }
0x9e: {  	v2 =	vbroadcast v2, $0x0;
	_ =	swait.ge [sflag:s29], $0x2000  }
0x9f: {  	[sflag:s29] =	ssyncset.done $0x0  }
0xa0: {  	s4 =	simm.s32 $0x1A840;
	[sflag:s29] =	ssyncadd.s32 $0xFFFFE000  }
0xa1: {  	v6 =	vld [tilespmem:s4+$0x30]  }
0xa2: {  	v9 =	vld [tilespmem:s4+$0x10]  }
0xa3: {  	v7 =	vld [tilespmem:s4+$0xFFFFFFC0]  }
0xa4: {  	v3 =	vld.idx.msk [tilespmem:v2+s19+$0x0], $0xffff  }
0xa5: {  	v12 =	vld [tilespmem:s4+$0xFFFFFFE0]  }
0xa6: {  	v2 =	vld [tilespmem:s4+$0xFFFFFFF0]  }
0xa7: {  	v4 =	vld [tilespmem:s4+$0x20]  }
0xa8: {  	v5 =	vld [tilespmem:s4+$0xFFFFFFD0]  }
0xa9: {  	v10 =	vmul.f32 v6, v3;
	v6 =	vld [tilespmem:s4+$0x0]  }
0xaa: {  	s18 =	simm.s32 $0x1;
	v8 =	vmul.f32 v7, v3  }
0xab: {  	v11 =	vmov s18;
	s17 =	simm.s32 $0x2;
	s14 =	simm.s32 $0x1A840;
	v7 =	vmul.f32 v12, v3;
	v9 =	vmul.f32 v9, v3  }
.LBB2_7:
0xac: {  	p1 =	sne.s32 s17, $0x3F  }
0xad: {  	v11 =	vand.u32 $0x7F, v11;
	v5 =	vmul.f32 v5, v3;
	v4 =	vmul.f32 v4, v3;
	[tilespmem:s4+$0x30] =	vst v10;
	s14 =	sadd.s32 $0x80, s14;
	s18 =	smov.u32 s17;
	s17 =	sadd.s32 $0x1, s17  }
0xae: {  	v10 =	vadd.s32 v1, v11;
	[tilespmem:s4+$0xFFFFFFC0] =	vst v8;
	v8 =	vmul.f32 v2, v3;
	v3 =	vmul.f32 v6, v3  }
0xaf: {  	v6 =	vbroadcast v10, $0x0;
	[tilespmem:s4+$0x10] =	vst v9  }
0xb0: {  	[tilespmem:s4+$0xFFFFFFE0] =	vst v7  }
0xb1: {  	v2 =	vld [tilespmem:s14+$0xFFFFFFF0];
	[tilespmem:s4+$0xFFFFFFF0] =	vst v8  }
0xb2: {  	v7 =	vld [tilespmem:s14+$0x30];
	[tilespmem:s4+$0x0] =	vst v3  }
0xb3: {  	v9 =	vld [tilespmem:s14+$0x10];
	[tilespmem:s4+$0x20] =	vst v4  }
0xb4: {  	v8 =	vld [tilespmem:s14+$0xFFFFFFC0];
	[tilespmem:s4+$0xFFFFFFD0] =	vst v5;
	s4 =	smov.u32 s14  }
0xb5: {  	v3 =	vld.idx.msk [tilespmem:v6+s19+$0x0], $0xffff  }
0xb6: {  	v12 =	vld [tilespmem:s14+$0xFFFFFFE0]  }
0xb7: {  	v4 =	vld [tilespmem:s14+$0x20]  }
.Ltmp1:
0xb8: {  	v5 =	vld [tilespmem:s14+$0xFFFFFFD0];
	(pc) =	sbr.rel @p1 .LBB2_7-.Ltmp1, $3  }
0xb9: {  	v6 =	vld [tilespmem:s14+$0x0];
	_ =	sdelay $0x1  }
0xba: {  	v8 =	vmul.f32 v8, v3;
	v10 =	vmul.f32 v7, v3  }
0xbb: {  	v11 =	vmov s18;
	v9 =	vmul.f32 v9, v3;
	v7 =	vmul.f32 v12, v3  }
0xbc: {  	[tilespmem:s4+$0xFFFFFFC0] =	vst v8;
	v8 =	vand.u32 $0x7F, v11  }
0xbd: {  	[tilespmem:s4+$0x30] =	vst v10;
	v1 =	vadd.s32 v1, v8  }
0xbe: {  	v2 =	vmul.f32 v2, v3;
	[tilespmem:s4+$0x10] =	vst v9;
	v1 =	vbroadcast v1, $0x0  }
0xbf: {  	s14 =	sadd.s32 $0x80, s14;
	[tilespmem:s4+$0xFFFFFFE0] =	vst v7;
	v6 =	vmul.f32 v6, v3  }
0xc0: {  	v4 =	vmul.f32 v4, v3;
	v7 =	vld [tilespmem:s14+$0xFFFFFFF0];
	[tilespmem:s4+$0xFFFFFFF0] =	vst v2  }
0xc1: {  	v3 =	vmul.f32 v5, v3;
	v2 =	vld [tilespmem:s14+$0x30];
	[tilespmem:s4+$0x0] =	vst v6  }
0xc2: {  	v5 =	vld [tilespmem:s14+$0x10];
	[tilespmem:s4+$0x20] =	vst v4  }
0xc3: {  	v4 =	vld [tilespmem:s14+$0xFFFFFFC0];
	[tilespmem:s4+$0xFFFFFFD0] =	vst v3  }
0xc4: {  	v1 =	vld.idx.msk [tilespmem:v1+s19+$0x0], $0xffff;
	_ =	sdelay $0x2  }
0xc5: {  	v3 =	vld [tilespmem:s14+$0xFFFFFFE0];
	_ =	sdelay $0x1  }
0xc6: {  	v6 =	vld [tilespmem:s14+$0x0];
	v2 =	vmul.f32 v2, v1  }
0xc7: {  	v8 =	vld [tilespmem:s14+$0x20];
	v4 =	vmul.f32 v4, v1  }
0xc8: {  	v9 =	vld [tilespmem:s14+$0xFFFFFFD0];
	v5 =	vmul.f32 v5, v1;
	[tilespmem:s14+$0x30] =	vst v2  }
0xc9: {  	v2 =	vmul.f32 v3, v1;
	[tilespmem:s14+$0xFFFFFFC0] =	vst v4  }
0xca: {  	v3 =	vmul.f32 v7, v1;
	[tilespmem:s14+$0x10] =	vst v5  }
0xcb: {  	v4 =	vmul.f32 v6, v1;
	[tilespmem:s14+$0xFFFFFFE0] =	vst v2  }
0xcc: {  	v2 =	vmul.f32 v8, v1;
	[tilespmem:s14+$0xFFFFFFF0] =	vst v3  }
0xcd: {  	v1 =	vmul.f32 v9, v1;
	[tilespmem:s14+$0x0] =	vst v4  }
0xce: {  	s15 =	sand.u32 $0x3FFFFF80, s15;
	[tilespmem:s14+$0x20] =	vst v2  }
0xcf: {  	s4 =	sadd.s32 $0x15800, s15;
	[tilespmem:s14+$0xFFFFFFD0] =	vst v1  }
0xd0: {  	[spmem:s2] =	stream.indirect.scatter.add.f32 [tilespmem:s24], [sflag:$0x5], $0x80, s4, s20, $0xb8;
	[tilespmem:$0x1E980] =	vst v63  }
0xd1: {  	v1 =	vld @!p0 [tilespmem:s13+$0x14200];
	_ =	sdelay $0x4  }
0xd2: {  	v1 =	vadd.s32 @!p0 v0, v1  }
0xd3: {  	[tilespmem:$0x1E880] =	vst @!p0 v1  }
0xd4: {  	v1 =	vld @!p0 [tilespmem:s13+$0x14210];
	_ =	sdelay $0x4  }
0xd5: {  	v1 =	vadd.s32 @!p0 v0, v1  }
0xd6: {  	[tilespmem:$0x1E890] =	vst @!p0 v1  }
0xd7: {  	v1 =	vld @!p0 [tilespmem:s13+$0x14220];
	_ =	sdelay $0x4  }
0xd8: {  	v1 =	vadd.s32 @!p0 v0, v1  }
0xd9: {  	[tilespmem:$0x1E8A0] =	vst @!p0 v1  }
0xda: {  	v1 =	vld @!p0 [tilespmem:s13+$0x14230];
	_ =	sdelay $0x4  }
0xdb: {  	v1 =	vadd.s32 @!p0 v0, v1  }
0xdc: {  	s4 =	simm.s32 @!p0 $0x5;
	[tilespmem:$0x1E8B0] =	vst @!p0 v1  }
0xdd: {  	s12 =	sadd.s32 $0x2, s12;
	s17 =	simm.s32 $0x0;
	_ =	swait.ge @!p0 [sflag:s4], $0x2000  }
0xde: {  	s12 =	sshll.u32 s12, $0x7;
	v2 =	vmov s17;
	s14 =	simm.s32 @!p0 $0x1A800;
	[sflag:s4] =	ssyncset.done @!p0 $0x0  }
0xdf: {  	v2 =	vand.u32 $0x7F, v2;
	s13 =	simm.s32 @!p0 $0x1E880;
	v1 =	vmov s12;
	[sflag:s4] =	ssyncadd.s32 @!p0 $0xFFFFE000;
	s4 =	simm.s32 @!p0 $0x40  }
0xe0: {  	v2 =	vadd.s32 v1, v2;
	[tilespmem:s14], [sflag:$0x2] =	stream.indirect.gather @!p0 [hbm4b:s1+s4], $0x80, s13, s4, $0xb8;
	[tilespmem:$0x1E980] =	vst v63  }
0xe1: {  	v2 =	vbroadcast v2, $0x0;
	_ =	swait.ge [sflag:s30], $0x2000  }
0xe2: {  	[sflag:s30] =	ssyncset.done $0x0  }
0xe3: {  	s4 =	simm.s32 $0x1C840;
	[sflag:s30] =	ssyncadd.s32 $0xFFFFE000  }
0xe4: {  	v6 =	vld [tilespmem:s4+$0x30]  }
0xe5: {  	v9 =	vld [tilespmem:s4+$0x10]  }
0xe6: {  	v7 =	vld [tilespmem:s4+$0xFFFFFFC0]  }
0xe7: {  	v3 =	vld.idx.msk [tilespmem:v2+s19+$0x0], $0xffff  }
0xe8: {  	v12 =	vld [tilespmem:s4+$0xFFFFFFE0]  }
0xe9: {  	v2 =	vld [tilespmem:s4+$0xFFFFFFF0]  }
0xea: {  	v4 =	vld [tilespmem:s4+$0x20]  }
0xeb: {  	v5 =	vld [tilespmem:s4+$0xFFFFFFD0]  }
0xec: {  	v10 =	vmul.f32 v6, v3;
	v6 =	vld [tilespmem:s4+$0x0]  }
0xed: {  	s18 =	simm.s32 $0x1;
	v8 =	vmul.f32 v7, v3  }
0xee: {  	v11 =	vmov s18;
	s14 =	simm.s32 $0x2;
	s13 =	simm.s32 $0x1C840;
	v7 =	vmul.f32 v12, v3;
	v9 =	vmul.f32 v9, v3  }
.LBB2_9:
0xef: {  	p0 =	sne.s32 s14, $0x3F  }
0xf0: {  	v11 =	vand.u32 $0x7F, v11;
	v5 =	vmul.f32 v5, v3;
	v4 =	vmul.f32 v4, v3;
	[tilespmem:s4+$0x30] =	vst v10;
	s13 =	sadd.s32 $0x80, s13;
	s15 =	smov.u32 s14;
	s14 =	sadd.s32 $0x1, s14  }
0xf1: {  	v10 =	vadd.s32 v1, v11;
	[tilespmem:s4+$0xFFFFFFC0] =	vst v8;
	v8 =	vmul.f32 v2, v3;
	v3 =	vmul.f32 v6, v3  }
0xf2: {  	v6 =	vbroadcast v10, $0x0;
	[tilespmem:s4+$0x10] =	vst v9  }
0xf3: {  	[tilespmem:s4+$0xFFFFFFE0] =	vst v7  }
0xf4: {  	v2 =	vld [tilespmem:s13+$0xFFFFFFF0];
	[tilespmem:s4+$0xFFFFFFF0] =	vst v8  }
0xf5: {  	v7 =	vld [tilespmem:s13+$0x30];
	[tilespmem:s4+$0x0] =	vst v3  }
0xf6: {  	v9 =	vld [tilespmem:s13+$0x10];
	[tilespmem:s4+$0x20] =	vst v4  }
0xf7: {  	v8 =	vld [tilespmem:s13+$0xFFFFFFC0];
	[tilespmem:s4+$0xFFFFFFD0] =	vst v5;
	s4 =	smov.u32 s13  }
0xf8: {  	v3 =	vld.idx.msk [tilespmem:v6+s19+$0x0], $0xffff  }
0xf9: {  	v12 =	vld [tilespmem:s13+$0xFFFFFFE0]  }
0xfa: {  	v4 =	vld [tilespmem:s13+$0x20]  }
.Ltmp2:
0xfb: {  	v5 =	vld [tilespmem:s13+$0xFFFFFFD0];
	(pc) =	sbr.rel @p0 .LBB2_9-.Ltmp2, $3  }
0xfc: {  	v6 =	vld [tilespmem:s13+$0x0];
	_ =	sdelay $0x1  }
0xfd: {  	v8 =	vmul.f32 v8, v3;
	v10 =	vmul.f32 v7, v3  }
0xfe: {  	v11 =	vmov s15;
	v9 =	vmul.f32 v9, v3;
	v7 =	vmul.f32 v12, v3  }
0xff: {  	[tilespmem:s4+$0x30] =	vst v10;
	v58 =	vand.u32 $0x7F, v11  }
0x100: {  	[tilespmem:s4+$0xFFFFFFC0] =	vst v8;
	v1 =	vadd.s32 v1, v58  }
0x101: {  	v2 =	vmul.f32 v2, v3;
	[tilespmem:s4+$0x10] =	vst v9;
	v1 =	vbroadcast v1, $0x0  }
0x102: {  	s13 =	sadd.s32 $0x80, s13;
	[tilespmem:s4+$0xFFFFFFE0] =	vst v7;
	v6 =	vmul.f32 v6, v3  }
0x103: {  	v4 =	vmul.f32 v4, v3;
	v3 =	vmul.f32 v5, v3;
	v7 =	vld [tilespmem:s13+$0xFFFFFFF0];
	[tilespmem:s4+$0xFFFFFFF0] =	vst v2  }
0x104: {  	v2 =	vld [tilespmem:s13+$0x30];
	[tilespmem:s4+$0x0] =	vst v6  }
0x105: {  	v60 =	vld [tilespmem:s13+$0xFFFFFFC0];
	[tilespmem:s4+$0xFFFFFFD0] =	vst v3  }
0x106: {  	v59 =	vld [tilespmem:s13+$0x10];
	[tilespmem:s4+$0x20] =	vst v4  }
0x107: {  	v1 =	vld.idx.msk [tilespmem:v1+s19+$0x0], $0xffff;
	_ =	sdelay $0x2  }
0x108: {  	v6 =	vld [tilespmem:s13+$0x0]  }
0x109: {  	v3 =	vld [tilespmem:s13+$0xFFFFFFE0]  }
0x10a: {  	v2 =	vmul.f32 v2, v1  }
0x10b: {  	v61 =	vld [tilespmem:s13+$0x20];
	v4 =	vmul.f32 v60, v1  }
0x10c: {  	v62 =	vld [tilespmem:s13+$0xFFFFFFD0];
	v5 =	vmul.f32 v59, v1;
	[tilespmem:s13+$0x30] =	vst v2  }
0x10d: {  	v63 =	vmul.f32 v6, v1;
	[tilespmem:s13+$0xFFFFFFC0] =	vst v4  }
0x10e: {  	s11 =	sadd.s32 $0x1, s11;
	v2 =	vmul.f32 v3, v1;
	[tilespmem:s13+$0x10] =	vst v5  }
0x10f: {  	p0 =	sne.s32 s11, $0x10;
	v3 =	vmul.f32 v7, v1;
	[tilespmem:s13+$0x0] =	vst v63  }
.Ltmp3:
0x110: {  	[tilespmem:s13+$0xFFFFFFE0] =	vst v2;
	v2 =	vmul.f32 v61, v1;
	(pc) =	sbr.rel @p0 .LBB2_4-.Ltmp3, $4  }
0x111: {  	[tilespmem:s13+$0xFFFFFFF0] =	vst v3;
	v1 =	vmul.f32 v62, v1  }
0x112: {  	s18 =	sand.u32 $0x3FFFFF80, s12;
	[tilespmem:s13+$0x20] =	vst v2  }
0x113: {  	s4 =	sadd.s32 $0x15800, s18;
	[tilespmem:s13+$0xFFFFFFD0] =	vst v1  }
0x114: {  	[spmem:s2] =	stream.indirect.scatter.add.f32 [tilespmem:s26], [sflag:$0x6], $0x80, s4, s20, $0xb8;
	[tilespmem:$0x1E980] =	vst v63  }
0x115: {  	_ =	swait.ge [sflag:s31], $0x2000  }
0x116: {  	[sflag:s31] =	ssyncset.done $0x0  }
0x117: {  	s10 =	sadd.s32 $0x1, s10;
	[sflag:s31] =	ssyncadd.s32 $0xFFFFE000  }
0x118: {  	p0 =	sne.s32 s10, $0x7;
	_ =	swait.ge [sflag:s0], $0x2000  }
.Ltmp4:
0x119: {  	[sflag:s0] =	ssyncset.done $0x0;
	(pc) =	sbr.rel @p0 .LBB2_3-.Ltmp4, $4  }
0x11a: {  	[sflag:s0] =	ssyncadd.s32 $0xFFFFE000  }
0x11b: {  	_ =	swait.ge [sflag:s3], $0x2000  }
0x11c: {  	[sflag:s3] =	ssyncset.done $0x0  }
0x11d: {  	[sflag:s3] =	ssyncadd.s32 $0xFFFFE000  }
0x11e: {  	s4 =	rddreg [dreg:$0xd]  }
0x11f: {  	s4 =	smul.u32 $0x2800, s4  }
0x120: {  	s8 =	rddreg [dreg:$0x7];
	[bflag:$0x0] =	sbarrier.arrive $0xFFFF  }
0x121: {  	s18 =	rddreg [dreg:$0x5];
	s4 =	sadd.s32 s8, s4  }
0x122: {  	s10 =	rddreg [dreg:$0xb];
	s4 =	sshll.u32 s4, $0x4  }
0x123: {  	s8 =	rddreg [dreg:$0x9];
	s4 =	sadd.s32 s18, s4  }
0x124: {  	[hbm:s4], [sflag:s8] =	dma.local [spmem:s10], $0x2800  }
0x125: {  	_ =	swait.ge [sflag:s16], $0x2800  }
0x126: {  	s11 =	rddreg [dreg:$0xc]  }
0x127: {  	s11 =	sadd.s32 $0x1, s11  }
0x128: {  	p0 =	sne.s32 s11, $0x6  }
.Ltmp5:
0x129: {  	_ = 	snop;
	(pc) =	sbr.rel @p0 .LBB2_2-.Ltmp5, $3  }
0x12a: {  	[sflag:s16] =	ssyncset.done $0x0  }
0x12b: {  	[sflag:s16] =	ssyncadd.s32 $0xFFFFD800  }
0x12c: {  	[bflag:$0x0] =	sbarrier.arrive $0xFFFF;
	_ =	sdelay $0x1  }
0x12d: {  	s12 =	rddreg [dreg:$0x4]  }
0x12e: {  	s4 =	rddreg [dreg:$0xa];
	s12 =	sadd.s32 $0x1, s12  }
0x12f: {  	p0 =	sne.s32 s12, s4  }
.Ltmp6:
0x130: {  	_ = 	snop;
	(pc) =	sbr.rel @p0 .LBB2_1-.Ltmp6, $1  }
0x131: {  	_ =	sdelay $0x3  }
0x132: {  	_ =	sfence.sel $0x180000  }
0x133: {  	[bflag:$0x0] =	sbarrier.arrive $0xFFFF  }
0x134: {  	_ =	strace $0x9000004A  }
0x135: {  	s0 =	stileid.u32;
	[bflag:$0x2] =	sbarrier.arrive $0xFFFF  }
0x136: {  	p0 =	sne.s32 s0, $0x0;
	s0 =	rddreg [dreg:$0x3]  }
0x137: {  	s0 =	sadd.s32 @!p0 $0x100000, s0  }
0x138: {  	[sflag:s0] =	ssyncadd.tile.s32 @!p0 $0x1;
	_ =	shalt  }
.Lfunc_end2:
_tile_overlayer_lowered:
.L_overlay_start_2:
0x139: {  	(tag) =	ssettag $0x2  }
0x13a: {  	s0 =	rddreg [dreg:$0x0];
	s2 =	stileid.u32  }
0x13b: {  	s1 =	rddreg [dreg:$0x1];
	p0 =	sne.s32 s2, $0x0  }
0x13c: {  	s3 =	rddreg [dreg:$0x2];
	[bflag:$0x3] =	sbarrier.arrive $0xFFFF;
	s2 =	simm.s32 @!p0 $0x1C07  }
0x13d: {  	[timem:s3], [sflag:s2] =	dma.local @!p0 [hbm:s0], s1  }
0x13e: {  	s0 =	simm.s32 @!p0 $0x7  }
0x13f: {  	_ =	swait.ge @!p0 [sflag:s0], s1  }
0x140: {  	s1 =	ssub.s32 @!p0 $0x0, s1;
	[sflag:s0] =	ssyncset.done @!p0 $0x0  }
0x141: {  	[sflag:s0] =	ssyncadd.s32 @!p0 s1  }
0x142: {  	[bflag:$0x3] =	sbarrier.arrive $0xFFFF  }
0x143: {  	_ =	shalt  }

</sc_bundles>
